<compile_context>
chip_gen: v7x
topology: tpu7x:2x2x1
jax: 0.10.2.dev20260603
libtpu: 0.0.44.dev20260713+nightly
codegen_flags: <defaults>
</compile_context>

<pallas_src>
import functools

import jax
import jax.numpy as jnp
from jax import lax
from jax.experimental import pallas as pl
from jax.experimental.pallas import tpu as pltpu
from jax.experimental.pallas import tpu_sc as plsc

_INFO = plsc.get_sparse_core_info()
_NC, _NS, _L = _INFO.num_cores, _INFO.num_subcores, _INFO.num_lanes
_NW = _NC * _NS


@functools.lru_cache(maxsize=None)
def _make_sc_gather_sum(batch: int, seq: int, vocab: int):
    n_rows = batch * seq
    per_w = n_rows // _NW
    n_vec = per_w // _L
    mesh = plsc.VectorSubcoreMesh(core_axis_name="c", subcore_axis_name="s")

    @functools.partial(
        pl.kernel,
        mesh=mesh,
        compiler_params=pltpu.CompilerParams(needs_layout_passes=False),
        out_type=jax.ShapeDtypeStruct((_NW, _L), jnp.float32),
        scratch_types=[
            pltpu.VMEM((batch, seq), jnp.int32),
            pltpu.VMEM((_L * 8, 128), jnp.float32),
            pltpu.VMEM((_L * 8, 128), jnp.float32),
            pltpu.VMEM((_L * 8, 128), jnp.float32),
            pltpu.VMEM((_L,), jnp.float32),
            pltpu.SemaphoreType.DMA,
            pltpu.SemaphoreType.DMA,
            pltpu.SemaphoreType.DMA,
        ],
    )
    def sc_kernel(logits_hbm, tid_hbm, out_hbm,
                  tid_v, buf_0, buf_1, buf_2, stage_v,
                  sem_0, sem_1, sem_2):
        cid = lax.axis_index("c")
        sid = lax.axis_index("s")
        wid = sid * _NC + cid
        base = wid * per_w
        b_idx = base // seq

        pltpu.sync_copy(tid_hbm, tid_v)

        nbuf = 3
        bufs = (buf_0, buf_1, buf_2)
        sems = (sem_0, sem_1, sem_2)

        def fire(g):
            s0 = base % seq + g * _L
            vec = tid_v[b_idx, pl.ds(s0, _L)]
            buf, sem = bufs[g % nbuf], sems[g % nbuf]
            handles = []
            for k in range(_L):
                j = g * _L + k
                v = lax.reshape(lax.slice(vec, (k,), (k + 1,)), ())
                c0 = pl.multiple_of(jnp.bitwise_and(v, jnp.int32(-128)), 128)
                t0 = pl.multiple_of((base + j) & jnp.int32(-8), 8)
                handles.append(pltpu.async_copy(
                    logits_hbm.at[pl.ds(t0, 8), pl.ds(c0, 128)],
                    buf.at[pl.ds(k * 8, 8)],
                    sem,
                ))
            return vec, handles

        lane = lax.iota(jnp.int32, _L)
        rows = lane * 8 + (lane & 7)
        acc = jnp.zeros((_L,), jnp.float32)
        pending = [fire(g) for g in range(min(nbuf - 1, n_vec))]
        for g in range(n_vec):
            vec, handles = pending.pop(0)
            nxt = g + nbuf - 1
            if nxt < n_vec:
                pending.append(fire(nxt))
            for h in handles:
                h.wait()
            acc = acc + plsc.load_gather(bufs[g % nbuf], [rows, vec & 127])
        stage_v[...] = acc

        pltpu.sync_copy(stage_v, out_hbm.at[wid])

    return sc_kernel


def kernel(logits, target_ids):
    batch, seq, vocab = logits.shape
    logits2d = logits.reshape((batch * seq, vocab))
    tid = target_ids.astype(jnp.int32)
    partials = _make_sc_gather_sum(batch, seq, vocab)(logits2d, tid)
    return -(jnp.sum(partials) / batch)

# --- scband reference (transcript-rebuilt; emitter-appended) ---
"""Pipeline reference for scband-cross-entropy-loss-custome-11897059410457 (READ-ONLY COPY).

The authoritative reference and input builder live on the scoring server;
editing this copy changes nothing except your own understanding.
"""

import jax, jax.numpy as jnp
import numpy as np

def setup_inputs(seed: int = 0) -> dict:
    key = jax.random.key(seed)
    k1, k2 = jax.random.split(key)
    logits = jax.random.normal(k1, (2, 2048, 32000), dtype=jnp.float32)
    target_ids = jax.random.randint(k2, (2, 2048), 0, 32000, dtype=jnp.int64 if jax.config.jax_enable_x64 else jnp.int32)
    return {"logits": logits, "target_ids": target_ids}

def reference(logits, target_ids):
    # shapes differ -> gather along last dim by target ids
    gathered = jnp.take_along_axis(logits, target_ids[..., None], axis=-1)[..., 0]
    total_sum = -(jnp.sum(gathered) / target_ids.shape[0])
    return total_sum

if __name__ == "__main__":
    import jax
    _d = setup_inputs()
    print(jax.jit(kernel)(*tuple(_d.values())))

</pallas_src>

<mosaic_0001>
#map = affine_map<(d0, d1) -> (0, 0)>
module attributes {stable_mosaic.version = 14 : i64} {
  func.func @sc_kernel(%arg0: i32, %arg1: i32, %arg2: memref<4096x32000xf32, #tpu.memory_space<hbm>>, %arg3: memref<2x2048xi32, #tpu.memory_space<hbm>>, %arg4: memref<32x16xf32, #tpu.memory_space<hbm>>, %arg5: memref<2x2048xi32, #tpu.memory_space<vmem>>, %arg6: memref<128x128xf32, #tpu.memory_space<vmem>>, %arg7: memref<128x128xf32, #tpu.memory_space<vmem>>, %arg8: memref<128x128xf32, #tpu.memory_space<vmem>>, %arg9: memref<16xf32, #tpu.memory_space<vmem>>, %arg10: memref<!tpu.dma_semaphore, #tpu.memory_space<semaphore_mem>>, %arg11: memref<!tpu.dma_semaphore, #tpu.memory_space<semaphore_mem>>, %arg12: memref<!tpu.dma_semaphore, #tpu.memory_space<semaphore_mem>>) attributes {dimension_semantics = [#tpu.dimension_semantics<core_parallel>, #tpu.dimension_semantics<subcore_parallel>], iteration_bounds = array<i64: 2, 16>, scalar_prefetch = 0 : i64, scratch_operands = 8 : i64, tpu.core_type = #tpu.core_type<sc_vector_subcore>, window_params = [{transform_indices = #map}, {transform_indices = #map}, {transform_indices = #map}]} {
    %mul3A = arith.constant 2 : i32
    %mul3A_0 = arith.muli %arg1, %mul3A : i32
    %add3A = arith.addi %mul3A_0, %arg0 : i32
    %mul3A_1 = arith.constant 128 : i32
    %mul3A_2 = arith.muli %add3A, %mul3A_1 : i32
    %jit3A = arith.constant 2048 : i32
    %div3A = arith.divsi %mul3A_2, %jit3A : i32
    %sign3A = arith.constant 0 : i32
    %sign3A_3 = arith.cmpi sgt, %mul3A_2, %sign3A : i32
    %sign3A_4 = arith.extui %sign3A_3 : i1 to i32
    %sign3A_5 = arith.constant 0 : i32
    %sign3A_6 = arith.cmpi slt, %mul3A_2, %sign3A_5 : i32
    %sign3A_7 = arith.extui %sign3A_6 : i1 to i32
    %sign3A_8 = arith.subi %sign3A_4, %sign3A_7 : i32
    %sign3A_9 = arith.constant 0 : i32
    %sign3A_10 = arith.cmpi sgt, %jit3A, %sign3A_9 : i32
    %sign3A_11 = arith.extui %sign3A_10 : i1 to i32
    %sign3A_12 = arith.constant 0 : i32
    %sign3A_13 = arith.cmpi slt, %jit3A, %sign3A_12 : i32
    %sign3A_14 = arith.extui %sign3A_13 : i1 to i32
    %sign3A_15 = arith.subi %sign3A_11, %sign3A_14 : i32
    %ne3A = arith.cmpi ne, %sign3A_8, %sign3A_15 : i32
    %rem3A = arith.remsi %mul3A_2, %jit3A : i32
    %ne3A_16 = arith.constant 0 : i32
    %ne3A_17 = arith.cmpi ne, %rem3A, %ne3A_16 : i32
    %and3A = arith.andi %ne3A, %ne3A_17 : i1
    %sub3A = arith.constant 1 : i32
    %sub3A_18 = arith.subi %div3A, %sub3A : i32
    %select_n3A = arith.select %and3A, %sub3A_18, %div3A : i32
    "tpu.region"() ({
      %run_scoped3A = tpu.sem_alloc : memref<!tpu.dma_semaphore, #tpu.memory_space<semaphore_mem>>
      tpu.enqueue_dma source(%arg3 : memref<2x2048xi32, #tpu.memory_space<hbm>>) target(%arg5 : memref<2x2048xi32, #tpu.memory_space<vmem>>) target_semaphore(%run_scoped3A : memref<!tpu.dma_semaphore, #tpu.memory_space<semaphore_mem>>)
      tpu.wait_dma2 semaphore(%run_scoped3A : memref<!tpu.dma_semaphore, #tpu.memory_space<semaphore_mem>>) src(%arg3 : memref<2x2048xi32, #tpu.memory_space<hbm>>) dst(%arg5 : memref<2x2048xi32, #tpu.memory_space<vmem>>)
      tpu.yield
    }) : () -> ()
    %iota3A = tpu.iota {dimensions = array<i32: 0>} : vector<16xi32>
    %mul3A_19 = arith.constant 8 : i32
    %mul3A_20 = vector.broadcast %mul3A_19 : i32 to vector<16xi32>
    %mul3A_21 = arith.muli %iota3A, %mul3A_20 : vector<16xi32>
    %and3A_22 = arith.constant 7 : i32
    %and3A_23 = vector.broadcast %and3A_22 : i32 to vector<16xi32>
    %and3A_24 = arith.andi %iota3A, %and3A_23 : vector<16xi32>
    %add3A_25 = arith.addi %mul3A_21, %and3A_24 : vector<16xi32>
    %broadcast_in_dim3A = arith.constant 0.000000e+00 : f32
    %broadcast_in_dim3A_26 = vector.broadcast %broadcast_in_dim3A : f32 to vector<16xf32>
    %jit3A_27 = arith.constant 2048 : i32
    %eq3A = arith.constant 0 : i32
    %eq3A_28 = arith.cmpi eq, %jit3A_27, %eq3A : i32
    %jit3A_29 = arith.constant 1 : i32
    %select_n3A_30 = arith.select %eq3A_28, %jit3A_29, %jit3A_27 : i32
    %rem3A_31 = arith.remsi %mul3A_2, %select_n3A_30 : i32
    %ne3A_32 = arith.constant 0 : i32
    %ne3A_33 = arith.cmpi ne, %rem3A_31, %ne3A_32 : i32
    %lt3A = arith.constant 0 : i32
    %lt3A_34 = arith.cmpi slt, %rem3A_31, %lt3A : i32
    %lt3A_35 = arith.constant 0 : i32
    %lt3A_36 = arith.cmpi slt, %select_n3A_30, %lt3A_35 : i32
    %ne3A_37 = arith.xori %lt3A_34, %lt3A_36 : i1
    %and3A_38 = arith.andi %ne3A_37, %ne3A_33 : i1
    %add3A_39 = arith.addi %rem3A_31, %select_n3A_30 : i32
    %select_n3A_40 = arith.select %and3A_38, %add3A_39, %rem3A_31 : i32
    %add3A_41 = arith.constant 0 : i32
    %add3A_42 = arith.addi %select_n3A_40, %add3A_41 : i32
    %get3A = arith.index_cast %select_n3A : i32 to index
    %get3A_43 = arith.index_cast %add3A_42 : i32 to index
    %get3A_44 = tpu.vector_load %arg5[%get3A, %get3A_43] {strides = array<i32>} : memref<2x2048xi32, #tpu.memory_space<vmem>>, vector<16xi32>,
    %slice3A = vector.extract_strided_slice %get3A_44 {offsets = [0], sizes = [1], strides = [1]} : vector<16xi32> to vector<1xi32>
    %reshape3A = vector.extract %slice3A[0] : i32 from vector<1xi32>
    %and3A_45 = arith.constant -128 : i32
    %and3A_46 = arith.andi %reshape3A, %and3A_45 : i32
    %multiple_of3A = tpu.assume_multiple %and3A_46, 128 : i32
    %add3A_47 = arith.constant 0 : i32
    %add3A_48 = arith.addi %mul3A_2, %add3A_47 : i32
    %and3A_49 = arith.constant -8 : i32
    %and3A_50 = arith.andi %add3A_48, %and3A_49 : i32
    %multiple_of3A_51 = tpu.assume_multiple %and3A_50, 8 : i32
    %dma_start3A = arith.constant 0 : i32
    %dma_start3A_52 = arith.constant 0 : i32
    %dma_start3A_53 = tpu.memref_slice %arg6[%dma_start3A, %dma_start3A_52] : memref<128x128xf32, #tpu.memory_space<vmem>> -> memref<8x128xf32, #tpu.memory_space<vmem>>
    %dma_start3A_54 = tpu.memref_slice %arg2[%multiple_of3A_51, %multiple_of3A] : memref<4096x32000xf32, #tpu.memory_space<hbm>> -> memref<8x128xf32, #tpu.memory_space<hbm>>
    %dma_start3A_55 = arith.constant 0 : i32
    %dma_start3A_56 = arith.constant 0 : i32
    %dma_start3A_57 = tpu.memref_slice %arg6[%dma_start3A_55, %dma_start3A_56] : memref<128x128xf32, #tpu.memory_space<vmem>> -> memref<8x128xf32, #tpu.memory_space<vmem>>
    %dma_start3A_58 = tpu.memref_slice %arg2[%multiple_of3A_51, %multiple_of3A] : memref<4096x32000xf32, #tpu.memory_space<hbm>> -> memref<8x128xf32, #tpu.memory_space<hbm>>
    tpu.enqueue_dma source(%dma_start3A_58 : memref<8x128xf32, #tpu.memory_space<hbm>>) target(%dma_start3A_57 : memref<8x128xf32, #tpu.memory_space<vmem>>) target_semaphore(%arg10 : memref<!tpu.dma_semaphore, #tpu.memory_space<semaphore_mem>>)
    %slice3A_59 = vector.extract_strided_slice %get3A_44 {offsets = [1], sizes = [1], strides = [1]} : vector<16xi32> to vector<1xi32>
    %reshape3A_60 = vector.extract %slice3A_59[0] : i32 from vector<1xi32>
    %and3A_61 = arith.constant -128 : i32
    %and3A_62 = arith.andi %reshape3A_60, %and3A_61 : i32
    %multiple_of3A_63 = tpu.assume_multiple %and3A_62, 128 : i32
    %add3A_64 = arith.constant 1 : i32
    %add3A_65 = arith.addi %mul3A_2, %add3A_64 : i32
    %and3A_66 = arith.constant -8 : i32
    %and3A_67 = arith.andi %add3A_65, %and3A_66 : i32
    %multiple_of3A_68 = tpu.assume_multiple %and3A_67, 8 : i32
    %dma_start3A_69 = arith.constant 8 : i32
    %dma_start3A_70 = arith.constant 0 : i32
    %dma_start3A_71 = tpu.memref_slice %arg6[%dma_start3A_69, %dma_start3A_70] : memref<128x128xf32, #tpu.memory_space<vmem>> -> memref<8x128xf32, #tpu.memory_space<vmem>>
    %dma_start3A_72 = tpu.memref_slice %arg2[%multiple_of3A_68, %multiple_of3A_63] : memref<4096x32000xf32, #tpu.memory_space<hbm>> -> memref<8x128xf32, #tpu.memory_space<hbm>>
    %dma_start3A_73 = arith.constant 8 : i32
    %dma_start3A_74 = arith.constant 0 : i32
    %dma_start3A_75 = tpu.memref_slice %arg6[%dma_start3A_73, %dma_start3A_74] : memref<128x128xf32, #tpu.memory_space<vmem>> -> memref<8x128xf32, #tpu.memory_space<vmem>>
    %dma_start3A_76 = tpu.memref_slice %arg2[%multiple_of3A_68, %multiple_of3A_63] : memref<4096x32000xf32, #tpu.memory_space<hbm>> -> memref<8x128xf32, #tpu.memory_space<hbm>>
    tpu.enqueue_dma source(%dma_start3A_76 : memref<8x128xf32, #tpu.memory_space<hbm>>) target(%dma_start3A_75 : memref<8x128xf32, #tpu.memory_space<vmem>>) target_semaphore(%arg10 : memref<!tpu.dma_semaphore, #tpu.memory_space<semaphore_mem>>)
    %slice3A_77 = vector.extract_strided_slice %get3A_44 {offsets = [2], sizes = [1], strides = [1]} : vector<16xi32> to vector<1xi32>
    %reshape3A_78 = vector.extract %slice3A_77[0] : i32 from vector<1xi32>
    %and3A_79 = arith.constant -128 : i32
    %and3A_80 = arith.andi %reshape3A_78, %and3A_79 : i32
    %multiple_of3A_81 = tpu.assume_multiple %and3A_80, 128 : i32
    %add3A_82 = arith.constant 2 : i32
    %add3A_83 = arith.addi %mul3A_2, %add3A_82 : i32
    %and3A_84 = arith.constant -8 : i32
    %and3A_85 = arith.andi %add3A_83, %and3A_84 : i32
    %multiple_of3A_86 = tpu.assume_multiple %and3A_85, 8 : i32
    %dma_start3A_87 = arith.constant 16 : i32
    %dma_start3A_88 = arith.constant 0 : i32
    %dma_start3A_89 = tpu.memref_slice %arg6[%dma_start3A_87, %dma_start3A_88] : memref<128x128xf32, #tpu.memory_space<vmem>> -> memref<8x128xf32, #tpu.memory_space<vmem>>
    %dma_start3A_90 = tpu.memref_slice %arg2[%multiple_of3A_86, %multiple_of3A_81] : memref<4096x32000xf32, #tpu.memory_space<hbm>> -> memref<8x128xf32, #tpu.memory_space<hbm>>
    %dma_start3A_91 = arith.constant 16 : i32
    %dma_start3A_92 = arith.constant 0 : i32
    %dma_start3A_93 = tpu.memref_slice %arg6[%dma_start3A_91, %dma_start3A_92] : memref<128x128xf32, #tpu.memory_space<vmem>> -> memref<8x128xf32, #tpu.memory_space<vmem>>
    %dma_start3A_94 = tpu.memref_slice %arg2[%multiple_of3A_86, %multiple_of3A_81] : memref<4096x32000xf32, #tpu.memory_space<hbm>> -> memref<8x128xf32, #tpu.memory_space<hbm>>
    tpu.enqueue_dma source(%dma_start3A_94 : memref<8x128xf32, #tpu.memory_space<hbm>>) target(%dma_start3A_93 : memref<8x128xf32, #tpu.memory_space<vmem>>) target_semaphore(%arg10 : memref<!tpu.dma_semaphore, #tpu.memory_space<semaphore_mem>>)
    %slice3A_95 = vector.extract_strided_slice %get3A_44 {offsets = [3], sizes = [1], strides = [1]} : vector<16xi32> to vector<1xi32>
    %reshape3A_96 = vector.extract %slice3A_95[0] : i32 from vector<1xi32>
    %and3A_97 = arith.constant -128 : i32
    %and3A_98 = arith.andi %reshape3A_96, %and3A_97 : i32
    %multiple_of3A_99 = tpu.assume_multiple %and3A_98, 128 : i32
    %add3A_100 = arith.constant 3 : i32
    %add3A_101 = arith.addi %mul3A_2, %add3A_100 : i32
    %and3A_102 = arith.constant -8 : i32
    %and3A_103 = arith.andi %add3A_101, %and3A_102 : i32
    %multiple_of3A_104 = tpu.assume_multiple %and3A_103, 8 : i32
    %dma_start3A_105 = arith.constant 24 : i32
    %dma_start3A_106 = arith.constant 0 : i32
    %dma_start3A_107 = tpu.memref_slice %arg6[%dma_start3A_105, %dma_start3A_106] : memref<128x128xf32, #tpu.memory_space<vmem>> -> memref<8x128xf32, #tpu.memory_space<vmem>>
    %dma_start3A_108 = tpu.memref_slice %arg2[%multiple_of3A_104, %multiple_of3A_99] : memref<4096x32000xf32, #tpu.memory_space<hbm>> -> memref<8x128xf32, #tpu.memory_space<hbm>>
    %dma_start3A_109 = arith.constant 24 : i32
    %dma_start3A_110 = arith.constant 0 : i32
    %dma_start3A_111 = tpu.memref_slice %arg6[%dma_start3A_109, %dma_start3A_110] : memref<128x128xf32, #tpu.memory_space<vmem>> -> memref<8x128xf32, #tpu.memory_space<vmem>>
    %dma_start3A_112 = tpu.memref_slice %arg2[%multiple_of3A_104, %multiple_of3A_99] : memref<4096x32000xf32, #tpu.memory_space<hbm>> -> memref<8x128xf32, #tpu.memory_space<hbm>>
    tpu.enqueue_dma source(%dma_start3A_112 : memref<8x128xf32, #tpu.memory_space<hbm>>) target(%dma_start3A_111 : memref<8x128xf32, #tpu.memory_space<vmem>>) target_semaphore(%arg10 : memref<!tpu.dma_semaphore, #tpu.memory_space<semaphore_mem>>)
    %slice3A_113 = vector.extract_strided_slice %get3A_44 {offsets = [4], sizes = [1], strides = [1]} : vector<16xi32> to vector<1xi32>
    %reshape3A_114 = vector.extract %slice3A_113[0] : i32 from vector<1xi32>
    %and3A_115 = arith.constant -128 : i32
    %and3A_116 = arith.andi %reshape3A_114, %and3A_115 : i32
    %multiple_of3A_117 = tpu.assume_multiple %and3A_116, 128 : i32
    %add3A_118 = arith.constant 4 : i32
    %add3A_119 = arith.addi %mul3A_2, %add3A_118 : i32
    %and3A_120 = arith.constant -8 : i32
    %and3A_121 = arith.andi %add3A_119, %and3A_120 : i32
    %multiple_of3A_122 = tpu.assume_multiple %and3A_121, 8 : i32
    %dma_start3A_123 = arith.constant 32 : i32
    %dma_start3A_124 = arith.constant 0 : i32
    %dma_start3A_125 = tpu.memref_slice %arg6[%dma_start3A_123, %dma_start3A_124] : memref<128x128xf32, #tpu.memory_space<vmem>> -> memref<8x128xf32, #tpu.memory_space<vmem>>
    %dma_start3A_126 = tpu.memref_slice %arg2[%multiple_of3A_122, %multiple_of3A_117] : memref<4096x32000xf32, #tpu.memory_space<hbm>> -> memref<8x128xf32, #tpu.memory_space<hbm>>
    %dma_start3A_127 = arith.constant 32 : i32
    %dma_start3A_128 = arith.constant 0 : i32
    %dma_start3A_129 = tpu.memref_slice %arg6[%dma_start3A_127, %dma_start3A_128] : memref<128x128xf32, #tpu.memory_space<vmem>> -> memref<8x128xf32, #tpu.memory_space<vmem>>
    %dma_start3A_130 = tpu.memref_slice %arg2[%multiple_of3A_122, %multiple_of3A_117] : memref<4096x32000xf32, #tpu.memory_space<hbm>> -> memref<8x128xf32, #tpu.memory_space<hbm>>
    tpu.enqueue_dma source(%dma_start3A_130 : memref<8x128xf32, #tpu.memory_space<hbm>>) target(%dma_start3A_129 : memref<8x128xf32, #tpu.memory_space<vmem>>) target_semaphore(%arg10 : memref<!tpu.dma_semaphore, #tpu.memory_space<semaphore_mem>>)
    %slice3A_131 = vector.extract_strided_slice %get3A_44 {offsets = [5], sizes = [1], strides = [1]} : vector<16xi32> to vector<1xi32>
    %reshape3A_132 = vector.extract %slice3A_131[0] : i32 from vector<1xi32>
    %and3A_133 = arith.constant -128 : i32
    %and3A_134 = arith.andi %reshape3A_132, %and3A_133 : i32
    %multiple_of3A_135 = tpu.assume_multiple %and3A_134, 128 : i32
    %add3A_136 = arith.constant 5 : i32
    %add3A_137 = arith.addi %mul3A_2, %add3A_136 : i32
    %and3A_138 = arith.constant -8 : i32
    %and3A_139 = arith.andi %add3A_137, %and3A_138 : i32
    %multiple_of3A_140 = tpu.assume_multiple %and3A_139, 8 : i32
    %dma_start3A_141 = arith.constant 40 : i32
    %dma_start3A_142 = arith.constant 0 : i32
    %dma_start3A_143 = tpu.memref_slice %arg6[%dma_start3A_141, %dma_start3A_142] : memref<128x128xf32, #tpu.memory_space<vmem>> -> memref<8x128xf32, #tpu.memory_space<vmem>>
    %dma_start3A_144 = tpu.memref_slice %arg2[%multiple_of3A_140, %multiple_of3A_135] : memref<4096x32000xf32, #tpu.memory_space<hbm>> -> memref<8x128xf32, #tpu.memory_space<hbm>>
    %dma_start3A_145 = arith.constant 40 : i32
    %dma_start3A_146 = arith.constant 0 : i32
    %dma_start3A_147 = tpu.memref_slice %arg6[%dma_start3A_145, %dma_start3A_146] : memref<128x128xf32, #tpu.memory_space<vmem>> -> memref<8x128xf32, #tpu.memory_space<vmem>>
    %dma_start3A_148 = tpu.memref_slice %arg2[%multiple_of3A_140, %multiple_of3A_135] : memref<4096x32000xf32, #tpu.memory_space<hbm>> -> memref<8x128xf32, #tpu.memory_space<hbm>>
    tpu.enqueue_dma source(%dma_start3A_148 : memref<8x128xf32, #tpu.memory_space<hbm>>) target(%dma_start3A_147 : memref<8x128xf32, #tpu.memory_space<vmem>>) target_semaphore(%arg10 : memref<!tpu.dma_semaphore, #tpu.memory_space<semaphore_mem>>)
    %slice3A_149 = vector.extract_strided_slice %get3A_44 {offsets = [6], sizes = [1], strides = [1]} : vector<16xi32> to vector<1xi32>
    %reshape3A_150 = vector.extract %slice3A_149[0] : i32 from vector<1xi32>
    %and3A_151 = arith.constant -128 : i32
    %and3A_152 = arith.andi %reshape3A_150, %and3A_151 : i32
    %multiple_of3A_153 = tpu.assume_multiple %and3A_152, 128 : i32
    %add3A_154 = arith.constant 6 : i32
    %add3A_155 = arith.addi %mul3A_2, %add3A_154 : i32
    %and3A_156 = arith.constant -8 : i32
    %and3A_157 = arith.andi %add3A_155, %and3A_156 : i32
    %multiple_of3A_158 = tpu.assume_multiple %and3A_157, 8 : i32
    %dma_start3A_159 = arith.constant 48 : i32
    %dma_start3A_160 = arith.constant 0 : i32
    %dma_start3A_161 = tpu.memref_slice %arg6[%dma_start3A_159, %dma_start3A_160] : memref<128x128xf32, #tpu.memory_space<vmem>> -> memref<8x128xf32, #tpu.memory_space<vmem>>
    %dma_start3A_162 = tpu.memref_slice %arg2[%multiple_of3A_158, %multiple_of3A_153] : memref<4096x32000xf32, #tpu.memory_space<hbm>> -> memref<8x128xf32, #tpu.memory_space<hbm>>
    %dma_start3A_163 = arith.constant 48 : i32
    %dma_start3A_164 = arith.constant 0 : i32
    %dma_start3A_165 = tpu.memref_slice %arg6[%dma_start3A_163, %dma_start3A_164] : memref<128x128xf32, #tpu.memory_space<vmem>> -> memref<8x128xf32, #tpu.memory_space<vmem>>
    %dma_start3A_166 = tpu.memref_slice %arg2[%multiple_of3A_158, %multiple_of3A_153] : memref<4096x32000xf32, #tpu.memory_space<hbm>> -> memref<8x128xf32, #tpu.memory_space<hbm>>
    tpu.enqueue_dma source(%dma_start3A_166 : memref<8x128xf32, #tpu.memory_space<hbm>>) target(%dma_start3A_165 : memref<8x128xf32, #tpu.memory_space<vmem>>) target_semaphore(%arg10 : memref<!tpu.dma_semaphore, #tpu.memory_space<semaphore_mem>>)
    %slice3A_167 = vector.extract_strided_slice %get3A_44 {offsets = [7], sizes = [1], strides = [1]} : vector<16xi32> to vector<1xi32>
    %reshape3A_168 = vector.extract %slice3A_167[0] : i32 from vector<1xi32>
    %and3A_169 = arith.constant -128 : i32
    %and3A_170 = arith.andi %reshape3A_168, %and3A_169 : i32
    %multiple_of3A_171 = tpu.assume_multiple %and3A_170, 128 : i32
    %add3A_172 = arith.constant 7 : i32
    %add3A_173 = arith.addi %mul3A_2, %add3A_172 : i32
    %and3A_174 = arith.constant -8 : i32
    %and3A_175 = arith.andi %add3A_173, %and3A_174 : i32
    %multiple_of3A_176 = tpu.assume_multiple %and3A_175, 8 : i32
    %dma_start3A_177 = arith.constant 56 : i32
    %dma_start3A_178 = arith.constant 0 : i32
    %dma_start3A_179 = tpu.memref_slice %arg6[%dma_start3A_177, %dma_start3A_178] : memref<128x128xf32, #tpu.memory_space<vmem>> -> memref<8x128xf32, #tpu.memory_space<vmem>>
    %dma_start3A_180 = tpu.memref_slice %arg2[%multiple_of3A_176, %multiple_of3A_171] : memref<4096x32000xf32, #tpu.memory_space<hbm>> -> memref<8x128xf32, #tpu.memory_space<hbm>>
    %dma_start3A_181 = arith.constant 56 : i32
    %dma_start3A_182 = arith.constant 0 : i32
    %dma_start3A_183 = tpu.memref_slice %arg6[%dma_start3A_181, %dma_start3A_182] : memref<128x128xf32, #tpu.memory_space<vmem>> -> memref<8x128xf32, #tpu.memory_space<vmem>>
    %dma_start3A_184 = tpu.memref_slice %arg2[%multiple_of3A_176, %multiple_of3A_171] : memref<4096x32000xf32, #tpu.memory_space<hbm>> -> memref<8x128xf32, #tpu.memory_space<hbm>>
    tpu.enqueue_dma source(%dma_start3A_184 : memref<8x128xf32, #tpu.memory_space<hbm>>) target(%dma_start3A_183 : memref<8x128xf32, #tpu.memory_space<vmem>>) target_semaphore(%arg10 : memref<!tpu.dma_semaphore, #tpu.memory_space<semaphore_mem>>)
    %slice3A_185 = vector.extract_strided_slice %get3A_44 {offsets = [8], sizes = [1], strides = [1]} : vector<16xi32> to vector<1xi32>
    %reshape3A_186 = vector.extract %slice3A_185[0] : i32 from vector<1xi32>
    %and3A_187 = arith.constant -128 : i32
    %and3A_188 = arith.andi %reshape3A_186, %and3A_187 : i32
    %multiple_of3A_189 = tpu.assume_multiple %and3A_188, 128 : i32
    %add3A_190 = arith.constant 8 : i32
    %add3A_191 = arith.addi %mul3A_2, %add3A_190 : i32
    %and3A_192 = arith.constant -8 : i32
    %and3A_193 = arith.andi %add3A_191, %and3A_192 : i32
    %multiple_of3A_194 = tpu.assume_multiple %and3A_193, 8 : i32
    %dma_start3A_195 = arith.constant 64 : i32
    %dma_start3A_196 = arith.constant 0 : i32
    %dma_start3A_197 = tpu.memref_slice %arg6[%dma_start3A_195, %dma_start3A_196] : memref<128x128xf32, #tpu.memory_space<vmem>> -> memref<8x128xf32, #tpu.memory_space<vmem>>
    %dma_start3A_198 = tpu.memref_slice %arg2[%multiple_of3A_194, %multiple_of3A_189] : memref<4096x32000xf32, #tpu.memory_space<hbm>> -> memref<8x128xf32, #tpu.memory_space<hbm>>
    %dma_start3A_199 = arith.constant 64 : i32
    %dma_start3A_200 = arith.constant 0 : i32
    %dma_start3A_201 = tpu.memref_slice %arg6[%dma_start3A_199, %dma_start3A_200] : memref<128x128xf32, #tpu.memory_space<vmem>> -> memref<8x128xf32, #tpu.memory_space<vmem>>
    %dma_start3A_202 = tpu.memref_slice %arg2[%multiple_of3A_194, %multiple_of3A_189] : memref<4096x32000xf32, #tpu.memory_space<hbm>> -> memref<8x128xf32, #tpu.memory_space<hbm>>
    tpu.enqueue_dma source(%dma_start3A_202 : memref<8x128xf32, #tpu.memory_space<hbm>>) target(%dma_start3A_201 : memref<8x128xf32, #tpu.memory_space<vmem>>) target_semaphore(%arg10 : memref<!tpu.dma_semaphore, #tpu.memory_space<semaphore_mem>>)
    %slice3A_203 = vector.extract_strided_slice %get3A_44 {offsets = [9], sizes = [1], strides = [1]} : vector<16xi32> to vector<1xi32>
    %reshape3A_204 = vector.extract %slice3A_203[0] : i32 from vector<1xi32>
    %and3A_205 = arith.constant -128 : i32
    %and3A_206 = arith.andi %reshape3A_204, %and3A_205 : i32
    %multiple_of3A_207 = tpu.assume_multiple %and3A_206, 128 : i32
    %add3A_208 = arith.constant 9 : i32
    %add3A_209 = arith.addi %mul3A_2, %add3A_208 : i32
    %and3A_210 = arith.constant -8 : i32
    %and3A_211 = arith.andi %add3A_209, %and3A_210 : i32
    %multiple_of3A_212 = tpu.assume_multiple %and3A_211, 8 : i32
    %dma_start3A_213 = arith.constant 72 : i32
    %dma_start3A_214 = arith.constant 0 : i32
    %dma_start3A_215 = tpu.memref_slice %arg6[%dma_start3A_213, %dma_start3A_214] : memref<128x128xf32, #tpu.memory_space<vmem>> -> memref<8x128xf32, #tpu.memory_space<vmem>>
    %dma_start3A_216 = tpu.memref_slice %arg2[%multiple_of3A_212, %multiple_of3A_207] : memref<4096x32000xf32, #tpu.memory_space<hbm>> -> memref<8x128xf32, #tpu.memory_space<hbm>>
    %dma_start3A_217 = arith.constant 72 : i32
    %dma_start3A_218 = arith.constant 0 : i32
    %dma_start3A_219 = tpu.memref_slice %arg6[%dma_start3A_217, %dma_start3A_218] : memref<128x128xf32, #tpu.memory_space<vmem>> -> memref<8x128xf32, #tpu.memory_space<vmem>>
    %dma_start3A_220 = tpu.memref_slice %arg2[%multiple_of3A_212, %multiple_of3A_207] : memref<4096x32000xf32, #tpu.memory_space<hbm>> -> memref<8x128xf32, #tpu.memory_space<hbm>>
    tpu.enqueue_dma source(%dma_start3A_220 : memref<8x128xf32, #tpu.memory_space<hbm>>) target(%dma_start3A_219 : memref<8x128xf32, #tpu.memory_space<vmem>>) target_semaphore(%arg10 : memref<!tpu.dma_semaphore, #tpu.memory_space<semaphore_mem>>)
    %slice3A_221 = vector.extract_strided_slice %get3A_44 {offsets = [10], sizes = [1], strides = [1]} : vector<16xi32> to vector<1xi32>
    %reshape3A_222 = vector.extract %slice3A_221[0] : i32 from vector<1xi32>
    %and3A_223 = arith.constant -128 : i32
    %and3A_224 = arith.andi %reshape3A_222, %and3A_223 : i32
    %multiple_of3A_225 = tpu.assume_multiple %and3A_224, 128 : i32
    %add3A_226 = arith.constant 10 : i32
    %add3A_227 = arith.addi %mul3A_2, %add3A_226 : i32
    %and3A_228 = arith.constant -8 : i32
    %and3A_229 = arith.andi %add3A_227, %and3A_228 : i32
    %multiple_of3A_230 = tpu.assume_multiple %and3A_229, 8 : i32
    %dma_start3A_231 = arith.constant 80 : i32
    %dma_start3A_232 = arith.constant 0 : i32
    %dma_start3A_233 = tpu.memref_slice %arg6[%dma_start3A_231, %dma_start3A_232] : memref<128x128xf32, #tpu.memory_space<vmem>> -> memref<8x128xf32, #tpu.memory_space<vmem>>
    %dma_start3A_234 = tpu.memref_slice %arg2[%multiple_of3A_230, %multiple_of3A_225] : memref<4096x32000xf32, #tpu.memory_space<hbm>> -> memref<8x128xf32, #tpu.memory_space<hbm>>
    %dma_start3A_235 = arith.constant 80 : i32
    %dma_start3A_236 = arith.constant 0 : i32
    %dma_start3A_237 = tpu.memref_slice %arg6[%dma_start3A_235, %dma_start3A_236] : memref<128x128xf32, #tpu.memory_space<vmem>> -> memref<8x128xf32, #tpu.memory_space<vmem>>
    %dma_start3A_238 = tpu.memref_slice %arg2[%multiple_of3A_230, %multiple_of3A_225] : memref<4096x32000xf32, #tpu.memory_space<hbm>> -> memref<8x128xf32, #tpu.memory_space<hbm>>
    tpu.enqueue_dma source(%dma_start3A_238 : memref<8x128xf32, #tpu.memory_space<hbm>>) target(%dma_start3A_237 : memref<8x128xf32, #tpu.memory_space<vmem>>) target_semaphore(%arg10 : memref<!tpu.dma_semaphore, #tpu.memory_space<semaphore_mem>>)
    %slice3A_239 = vector.extract_strided_slice %get3A_44 {offsets = [11], sizes = [1], strides = [1]} : vector<16xi32> to vector<1xi32>
    %reshape3A_240 = vector.extract %slice3A_239[0] : i32 from vector<1xi32>
    %and3A_241 = arith.constant -128 : i32
    %and3A_242 = arith.andi %reshape3A_240, %and3A_241 : i32
    %multiple_of3A_243 = tpu.assume_multiple %and3A_242, 128 : i32
    %add3A_244 = arith.constant 11 : i32
    %add3A_245 = arith.addi %mul3A_2, %add3A_244 : i32
    %and3A_246 = arith.constant -8 : i32
    %and3A_247 = arith.andi %add3A_245, %and3A_246 : i32
    %multiple_of3A_248 = tpu.assume_multiple %and3A_247, 8 : i32
    %dma_start3A_249 = arith.constant 88 : i32
    %dma_start3A_250 = arith.constant 0 : i32
    %dma_start3A_251 = tpu.memref_slice %arg6[%dma_start3A_249, %dma_start3A_250] : memref<128x128xf32, #tpu.memory_space<vmem>> -> memref<8x128xf32, #tpu.memory_space<vmem>>
    %dma_start3A_252 = tpu.memref_slice %arg2[%multiple_of3A_248, %multiple_of3A_243] : memref<4096x32000xf32, #tpu.memory_space<hbm>> -> memref<8x128xf32, #tpu.memory_space<hbm>>
    %dma_start3A_253 = arith.constant 88 : i32
    %dma_start3A_254 = arith.constant 0 : i32
    %dma_start3A_255 = tpu.memref_slice %arg6[%dma_start3A_253, %dma_start3A_254] : memref<128x128xf32, #tpu.memory_space<vmem>> -> memref<8x128xf32, #tpu.memory_space<vmem>>
    %dma_start3A_256 = tpu.memref_slice %arg2[%multiple_of3A_248, %multiple_of3A_243] : memref<4096x32000xf32, #tpu.memory_space<hbm>> -> memref<8x128xf32, #tpu.memory_space<hbm>>
    tpu.enqueue_dma source(%dma_start3A_256 : memref<8x128xf32, #tpu.memory_space<hbm>>) target(%dma_start3A_255 : memref<8x128xf32, #tpu.memory_space<vmem>>) target_semaphore(%arg10 : memref<!tpu.dma_semaphore, #tpu.memory_space<semaphore_mem>>)
    %slice3A_257 = vector.extract_strided_slice %get3A_44 {offsets = [12], sizes = [1], strides = [1]} : vector<16xi32> to vector<1xi32>
    %reshape3A_258 = vector.extract %slice3A_257[0] : i32 from vector<1xi32>
    %and3A_259 = arith.constant -128 : i32
    %and3A_260 = arith.andi %reshape3A_258, %and3A_259 : i32
    %multiple_of3A_261 = tpu.assume_multiple %and3A_260, 128 : i32
    %add3A_262 = arith.constant 12 : i32
    %add3A_263 = arith.addi %mul3A_2, %add3A_262 : i32
    %and3A_264 = arith.constant -8 : i32
    %and3A_265 = arith.andi %add3A_263, %and3A_264 : i32
    %multiple_of3A_266 = tpu.assume_multiple %and3A_265, 8 : i32
    %dma_start3A_267 = arith.constant 96 : i32
    %dma_start3A_268 = arith.constant 0 : i32
    %dma_start3A_269 = tpu.memref_slice %arg6[%dma_start3A_267, %dma_start3A_268] : memref<128x128xf32, #tpu.memory_space<vmem>> -> memref<8x128xf32, #tpu.memory_space<vmem>>
    %dma_start3A_270 = tpu.memref_slice %arg2[%multiple_of3A_266, %multiple_of3A_261] : memref<4096x32000xf32, #tpu.memory_space<hbm>> -> memref<8x128xf32, #tpu.memory_space<hbm>>
    %dma_start3A_271 = arith.constant 96 : i32
    %dma_start3A_272 = arith.constant 0 : i32
    %dma_start3A_273 = tpu.memref_slice %arg6[%dma_start3A_271, %dma_start3A_272] : memref<128x128xf32, #tpu.memory_space<vmem>> -> memref<8x128xf32, #tpu.memory_space<vmem>>
    %dma_start3A_274 = tpu.memref_slice %arg2[%multiple_of3A_266, %multiple_of3A_261] : memref<4096x32000xf32, #tpu.memory_space<hbm>> -> memref<8x128xf32, #tpu.memory_space<hbm>>
    tpu.enqueue_dma source(%dma_start3A_274 : memref<8x128xf32, #tpu.memory_space<hbm>>) target(%dma_start3A_273 : memref<8x128xf32, #tpu.memory_space<vmem>>) target_semaphore(%arg10 : memref<!tpu.dma_semaphore, #tpu.memory_space<semaphore_mem>>)
    %slice3A_275 = vector.extract_strided_slice %get3A_44 {offsets = [13], sizes = [1], strides = [1]} : vector<16xi32> to vector<1xi32>
    %reshape3A_276 = vector.extract %slice3A_275[0] : i32 from vector<1xi32>
    %and3A_277 = arith.constant -128 : i32
    %and3A_278 = arith.andi %reshape3A_276, %and3A_277 : i32
    %multiple_of3A_279 = tpu.assume_multiple %and3A_278, 128 : i32
    %add3A_280 = arith.constant 13 : i32
    %add3A_281 = arith.addi %mul3A_2, %add3A_280 : i32
    %and3A_282 = arith.constant -8 : i32
    %and3A_283 = arith.andi %add3A_281, %and3A_282 : i32
    %multiple_of3A_284 = tpu.assume_multiple %and3A_283, 8 : i32
    %dma_start3A_285 = arith.constant 104 : i32
    %dma_start3A_286 = arith.constant 0 : i32
    %dma_start3A_287 = tpu.memref_slice %arg6[%dma_start3A_285, %dma_start3A_286] : memref<128x128xf32, #tpu.memory_space<vmem>> -> memref<8x128xf32, #tpu.memory_space<vmem>>
    %dma_start3A_288 = tpu.memref_slice %arg2[%multiple_of3A_284, %multiple_of3A_279] : memref<4096x32000xf32, #tpu.memory_space<hbm>> -> memref<8x128xf32, #tpu.memory_space<hbm>>
    %dma_start3A_289 = arith.constant 104 : i32
    %dma_start3A_290 = arith.constant 0 : i32
    %dma_start3A_291 = tpu.memref_slice %arg6[%dma_start3A_289, %dma_start3A_290] : memref<128x128xf32, #tpu.memory_space<vmem>> -> memref<8x128xf32, #tpu.memory_space<vmem>>
    %dma_start3A_292 = tpu.memref_slice %arg2[%multiple_of3A_284, %multiple_of3A_279] : memref<4096x32000xf32, #tpu.memory_space<hbm>> -> memref<8x128xf32, #tpu.memory_space<hbm>>
    tpu.enqueue_dma source(%dma_start3A_292 : memref<8x128xf32, #tpu.memory_space<hbm>>) target(%dma_start3A_291 : memref<8x128xf32, #tpu.memory_space<vmem>>) target_semaphore(%arg10 : memref<!tpu.dma_semaphore, #tpu.memory_space<semaphore_mem>>)
    %slice3A_293 = vector.extract_strided_slice %get3A_44 {offsets = [14], sizes = [1], strides = [1]} : vector<16xi32> to vector<1xi32>
    %reshape3A_294 = vector.extract %slice3A_293[0] : i32 from vector<1xi32>
    %and3A_295 = arith.constant -128 : i32
    %and3A_296 = arith.andi %reshape3A_294, %and3A_295 : i32
    %multiple_of3A_297 = tpu.assume_multiple %and3A_296, 128 : i32
    %add3A_298 = arith.constant 14 : i32
    %add3A_299 = arith.addi %mul3A_2, %add3A_298 : i32
    %and3A_300 = arith.constant -8 : i32
    %and3A_301 = arith.andi %add3A_299, %and3A_300 : i32
    %multiple_of3A_302 = tpu.assume_multiple %and3A_301, 8 : i32
    %dma_start3A_303 = arith.constant 112 : i32
    %dma_start3A_304 = arith.constant 0 : i32
    %dma_start3A_305 = tpu.memref_slice %arg6[%dma_start3A_303, %dma_start3A_304] : memref<128x128xf32, #tpu.memory_space<vmem>> -> memref<8x128xf32, #tpu.memory_space<vmem>>
    %dma_start3A_306 = tpu.memref_slice %arg2[%multiple_of3A_302, %multiple_of3A_297] : memref<4096x32000xf32, #tpu.memory_space<hbm>> -> memref<8x128xf32, #tpu.memory_space<hbm>>
    %dma_start3A_307 = arith.constant 112 : i32
    %dma_start3A_308 = arith.constant 0 : i32
    %dma_start3A_309 = tpu.memref_slice %arg6[%dma_start3A_307, %dma_start3A_308] : memref<128x128xf32, #tpu.memory_space<vmem>> -> memref<8x128xf32, #tpu.memory_space<vmem>>
    %dma_start3A_310 = tpu.memref_slice %arg2[%multiple_of3A_302, %multiple_of3A_297] : memref<4096x32000xf32, #tpu.memory_space<hbm>> -> memref<8x128xf32, #tpu.memory_space<hbm>>
    tpu.enqueue_dma source(%dma_start3A_310 : memref<8x128xf32, #tpu.memory_space<hbm>>) target(%dma_start3A_309 : memref<8x128xf32, #tpu.memory_space<vmem>>) target_semaphore(%arg10 : memref<!tpu.dma_semaphore, #tpu.memory_space<semaphore_mem>>)
    %slice3A_311 = vector.extract_strided_slice %get3A_44 {offsets = [15], sizes = [1], strides = [1]} : vector<16xi32> to vector<1xi32>
    %reshape3A_312 = vector.extract %slice3A_311[0] : i32 from vector<1xi32>
    %and3A_313 = arith.constant -128 : i32
    %and3A_314 = arith.andi %reshape3A_312, %and3A_313 : i32
    %multiple_of3A_315 = tpu.assume_multiple %and3A_314, 128 : i32
    %add3A_316 = arith.constant 15 : i32
    %add3A_317 = arith.addi %mul3A_2, %add3A_316 : i32
    %and3A_318 = arith.constant -8 : i32
    %and3A_319 = arith.andi %add3A_317, %and3A_318 : i32
    %multiple_of3A_320 = tpu.assume_multiple %and3A_319, 8 : i32
    %dma_start3A_321 = arith.constant 120 : i32
    %dma_start3A_322 = arith.constant 0 : i32
    %dma_start3A_323 = tpu.memref_slice %arg6[%dma_start3A_321, %dma_start3A_322] : memref<128x128xf32, #tpu.memory_space<vmem>> -> memref<8x128xf32, #tpu.memory_space<vmem>>
    %dma_start3A_324 = tpu.memref_slice %arg2[%multiple_of3A_320, %multiple_of3A_315] : memref<4096x32000xf32, #tpu.memory_space<hbm>> -> memref<8x128xf32, #tpu.memory_space<hbm>>
    %dma_start3A_325 = arith.constant 120 : i32
    %dma_start3A_326 = arith.constant 0 : i32
    %dma_start3A_327 = tpu.memref_slice %arg6[%dma_start3A_325, %dma_start3A_326] : memref<128x128xf32, #tpu.memory_space<vmem>> -> memref<8x128xf32, #tpu.memory_space<vmem>>
    %dma_start3A_328 = tpu.memref_slice %arg2[%multiple_of3A_320, %multiple_of3A_315] : memref<4096x32000xf32, #tpu.memory_space<hbm>> -> memref<8x128xf32, #tpu.memory_space<hbm>>
    tpu.enqueue_dma source(%dma_start3A_328 : memref<8x128xf32, #tpu.memory_space<hbm>>) target(%dma_start3A_327 : memref<8x128xf32, #tpu.memory_space<vmem>>) target_semaphore(%arg10 : memref<!tpu.dma_semaphore, #tpu.memory_space<semaphore_mem>>)
    %jit3A_329 = arith.constant 2048 : i32
    %eq3A_330 = arith.constant 0 : i32
    %eq3A_331 = arith.cmpi eq, %jit3A_329, %eq3A_330 : i32
    %jit3A_332 = arith.constant 1 : i32
    %select_n3A_333 = arith.select %eq3A_331, %jit3A_332, %jit3A_329 : i32
    %rem3A_334 = arith.remsi %mul3A_2, %select_n3A_333 : i32
    %ne3A_335 = arith.constant 0 : i32
    %ne3A_336 = arith.cmpi ne, %rem3A_334, %ne3A_335 : i32
    %lt3A_337 = arith.constant 0 : i32
    %lt3A_338 = arith.cmpi slt, %rem3A_334, %lt3A_337 : i32
    %lt3A_339 = arith.constant 0 : i32
    %lt3A_340 = arith.cmpi slt, %select_n3A_333, %lt3A_339 : i32
    %ne3A_341 = arith.xori %lt3A_338, %lt3A_340 : i1
    %and3A_342 = arith.andi %ne3A_341, %ne3A_336 : i1
    %add3A_343 = arith.addi %rem3A_334, %select_n3A_333 : i32
    %select_n3A_344 = arith.select %and3A_342, %add3A_343, %rem3A_334 : i32
    %add3A_345 = arith.constant 16 : i32
    %add3A_346 = arith.addi %select_n3A_344, %add3A_345 : i32
    %get3A_347 = arith.index_cast %select_n3A : i32 to index
    %get3A_348 = arith.index_cast %add3A_346 : i32 to index
    %get3A_349 = tpu.vector_load %arg5[%get3A_347, %get3A_348] {strides = array<i32>} : memref<2x2048xi32, #tpu.memory_space<vmem>>, vector<16xi32>,
    %slice3A_350 = vector.extract_strided_slice %get3A_349 {offsets = [0], sizes = [1], strides = [1]} : vector<16xi32> to vector<1xi32>
    %reshape3A_351 = vector.extract %slice3A_350[0] : i32 from vector<1xi32>
    %and3A_352 = arith.constant -128 : i32
    %and3A_353 = arith.andi %reshape3A_351, %and3A_352 : i32
    %multiple_of3A_354 = tpu.assume_multiple %and3A_353, 128 : i32
    %add3A_355 = arith.constant 16 : i32
    %add3A_356 = arith.addi %mul3A_2, %add3A_355 : i32
    %and3A_357 = arith.constant -8 : i32
    %and3A_358 = arith.andi %add3A_356, %and3A_357 : i32
    %multiple_of3A_359 = tpu.assume_multiple %and3A_358, 8 : i32
    %dma_start3A_360 = arith.constant 0 : i32
    %dma_start3A_361 = arith.constant 0 : i32
    %dma_start3A_362 = tpu.memref_slice %arg7[%dma_start3A_360, %dma_start3A_361] : memref<128x128xf32, #tpu.memory_space<vmem>> -> memref<8x128xf32, #tpu.memory_space<vmem>>
    %dma_start3A_363 = tpu.memref_slice %arg2[%multiple_of3A_359, %multiple_of3A_354] : memref<4096x32000xf32, #tpu.memory_space<hbm>> -> memref<8x128xf32, #tpu.memory_space<hbm>>
    %dma_start3A_364 = arith.constant 0 : i32
    %dma_start3A_365 = arith.constant 0 : i32
    %dma_start3A_366 = tpu.memref_slice %arg7[%dma_start3A_364, %dma_start3A_365] : memref<128x128xf32, #tpu.memory_space<vmem>> -> memref<8x128xf32, #tpu.memory_space<vmem>>
    %dma_start3A_367 = tpu.memref_slice %arg2[%multiple_of3A_359, %multiple_of3A_354] : memref<4096x32000xf32, #tpu.memory_space<hbm>> -> memref<8x128xf32, #tpu.memory_space<hbm>>
    tpu.enqueue_dma source(%dma_start3A_367 : memref<8x128xf32, #tpu.memory_space<hbm>>) target(%dma_start3A_366 : memref<8x128xf32, #tpu.memory_space<vmem>>) target_semaphore(%arg11 : memref<!tpu.dma_semaphore, #tpu.memory_space<semaphore_mem>>)
    %slice3A_368 = vector.extract_strided_slice %get3A_349 {offsets = [1], sizes = [1], strides = [1]} : vector<16xi32> to vector<1xi32>
    %reshape3A_369 = vector.extract %slice3A_368[0] : i32 from vector<1xi32>
    %and3A_370 = arith.constant -128 : i32
    %and3A_371 = arith.andi %reshape3A_369, %and3A_370 : i32
    %multiple_of3A_372 = tpu.assume_multiple %and3A_371, 128 : i32
    %add3A_373 = arith.constant 17 : i32
    %add3A_374 = arith.addi %mul3A_2, %add3A_373 : i32
    %and3A_375 = arith.constant -8 : i32
    %and3A_376 = arith.andi %add3A_374, %and3A_375 : i32
    %multiple_of3A_377 = tpu.assume_multiple %and3A_376, 8 : i32
    %dma_start3A_378 = arith.constant 8 : i32
    %dma_start3A_379 = arith.constant 0 : i32
    %dma_start3A_380 = tpu.memref_slice %arg7[%dma_start3A_378, %dma_start3A_379] : memref<128x128xf32, #tpu.memory_space<vmem>> -> memref<8x128xf32, #tpu.memory_space<vmem>>
    %dma_start3A_381 = tpu.memref_slice %arg2[%multiple_of3A_377, %multiple_of3A_372] : memref<4096x32000xf32, #tpu.memory_space<hbm>> -> memref<8x128xf32, #tpu.memory_space<hbm>>
    %dma_start3A_382 = arith.constant 8 : i32
    %dma_start3A_383 = arith.constant 0 : i32
    %dma_start3A_384 = tpu.memref_slice %arg7[%dma_start3A_382, %dma_start3A_383] : memref<128x128xf32, #tpu.memory_space<vmem>> -> memref<8x128xf32, #tpu.memory_space<vmem>>
    %dma_start3A_385 = tpu.memref_slice %arg2[%multiple_of3A_377, %multiple_of3A_372] : memref<4096x32000xf32, #tpu.memory_space<hbm>> -> memref<8x128xf32, #tpu.memory_space<hbm>>
    tpu.enqueue_dma source(%dma_start3A_385 : memref<8x128xf32, #tpu.memory_space<hbm>>) target(%dma_start3A_384 : memref<8x128xf32, #tpu.memory_space<vmem>>) target_semaphore(%arg11 : memref<!tpu.dma_semaphore, #tpu.memory_space<semaphore_mem>>)
    %slice3A_386 = vector.extract_strided_slice %get3A_349 {offsets = [2], sizes = [1], strides = [1]} : vector<16xi32> to vector<1xi32>
    %reshape3A_387 = vector.extract %slice3A_386[0] : i32 from vector<1xi32>
    %and3A_388 = arith.constant -128 : i32
    %and3A_389 = arith.andi %reshape3A_387, %and3A_388 : i32
    %multiple_of3A_390 = tpu.assume_multiple %and3A_389, 128 : i32
    %add3A_391 = arith.constant 18 : i32
    %add3A_392 = arith.addi %mul3A_2, %add3A_391 : i32
    %and3A_393 = arith.constant -8 : i32
    %and3A_394 = arith.andi %add3A_392, %and3A_393 : i32
    %multiple_of3A_395 = tpu.assume_multiple %and3A_394, 8 : i32
    %dma_start3A_396 = arith.constant 16 : i32
    %dma_start3A_397 = arith.constant 0 : i32
    %dma_start3A_398 = tpu.memref_slice %arg7[%dma_start3A_396, %dma_start3A_397] : memref<128x128xf32, #tpu.memory_space<vmem>> -> memref<8x128xf32, #tpu.memory_space<vmem>>
    %dma_start3A_399 = tpu.memref_slice %arg2[%multiple_of3A_395, %multiple_of3A_390] : memref<4096x32000xf32, #tpu.memory_space<hbm>> -> memref<8x128xf32, #tpu.memory_space<hbm>>
    %dma_start3A_400 = arith.constant 16 : i32
    %dma_start3A_401 = arith.constant 0 : i32
    %dma_start3A_402 = tpu.memref_slice %arg7[%dma_start3A_400, %dma_start3A_401] : memref<128x128xf32, #tpu.memory_space<vmem>> -> memref<8x128xf32, #tpu.memory_space<vmem>>
    %dma_start3A_403 = tpu.memref_slice %arg2[%multiple_of3A_395, %multiple_of3A_390] : memref<4096x32000xf32, #tpu.memory_space<hbm>> -> memref<8x128xf32, #tpu.memory_space<hbm>>
    tpu.enqueue_dma source(%dma_start3A_403 : memref<8x128xf32, #tpu.memory_space<hbm>>) target(%dma_start3A_402 : memref<8x128xf32, #tpu.memory_space<vmem>>) target_semaphore(%arg11 : memref<!tpu.dma_semaphore, #tpu.memory_space<semaphore_mem>>)
    %slice3A_404 = vector.extract_strided_slice %get3A_349 {offsets = [3], sizes = [1], strides = [1]} : vector<16xi32> to vector<1xi32>
    %reshape3A_405 = vector.extract %slice3A_404[0] : i32 from vector<1xi32>
    %and3A_406 = arith.constant -128 : i32
    %and3A_407 = arith.andi %reshape3A_405, %and3A_406 : i32
    %multiple_of3A_408 = tpu.assume_multiple %and3A_407, 128 : i32
    %add3A_409 = arith.constant 19 : i32
    %add3A_410 = arith.addi %mul3A_2, %add3A_409 : i32
    %and3A_411 = arith.constant -8 : i32
    %and3A_412 = arith.andi %add3A_410, %and3A_411 : i32
    %multiple_of3A_413 = tpu.assume_multiple %and3A_412, 8 : i32
    %dma_start3A_414 = arith.constant 24 : i32
    %dma_start3A_415 = arith.constant 0 : i32
    %dma_start3A_416 = tpu.memref_slice %arg7[%dma_start3A_414, %dma_start3A_415] : memref<128x128xf32, #tpu.memory_space<vmem>> -> memref<8x128xf32, #tpu.memory_space<vmem>>
    %dma_start3A_417 = tpu.memref_slice %arg2[%multiple_of3A_413, %multiple_of3A_408] : memref<4096x32000xf32, #tpu.memory_space<hbm>> -> memref<8x128xf32, #tpu.memory_space<hbm>>
    %dma_start3A_418 = arith.constant 24 : i32
    %dma_start3A_419 = arith.constant 0 : i32
    %dma_start3A_420 = tpu.memref_slice %arg7[%dma_start3A_418, %dma_start3A_419] : memref<128x128xf32, #tpu.memory_space<vmem>> -> memref<8x128xf32, #tpu.memory_space<vmem>>
    %dma_start3A_421 = tpu.memref_slice %arg2[%multiple_of3A_413, %multiple_of3A_408] : memref<4096x32000xf32, #tpu.memory_space<hbm>> -> memref<8x128xf32, #tpu.memory_space<hbm>>
    tpu.enqueue_dma source(%dma_start3A_421 : memref<8x128xf32, #tpu.memory_space<hbm>>) target(%dma_start3A_420 : memref<8x128xf32, #tpu.memory_space<vmem>>) target_semaphore(%arg11 : memref<!tpu.dma_semaphore, #tpu.memory_space<semaphore_mem>>)
    %slice3A_422 = vector.extract_strided_slice %get3A_349 {offsets = [4], sizes = [1], strides = [1]} : vector<16xi32> to vector<1xi32>
    %reshape3A_423 = vector.extract %slice3A_422[0] : i32 from vector<1xi32>
    %and3A_424 = arith.constant -128 : i32
    %and3A_425 = arith.andi %reshape3A_423, %and3A_424 : i32
    %multiple_of3A_426 = tpu.assume_multiple %and3A_425, 128 : i32
    %add3A_427 = arith.constant 20 : i32
    %add3A_428 = arith.addi %mul3A_2, %add3A_427 : i32
    %and3A_429 = arith.constant -8 : i32
    %and3A_430 = arith.andi %add3A_428, %and3A_429 : i32
    %multiple_of3A_431 = tpu.assume_multiple %and3A_430, 8 : i32
    %dma_start3A_432 = arith.constant 32 : i32
    %dma_start3A_433 = arith.constant 0 : i32
    %dma_start3A_434 = tpu.memref_slice %arg7[%dma_start3A_432, %dma_start3A_433] : memref<128x128xf32, #tpu.memory_space<vmem>> -> memref<8x128xf32, #tpu.memory_space<vmem>>
    %dma_start3A_435 = tpu.memref_slice %arg2[%multiple_of3A_431, %multiple_of3A_426] : memref<4096x32000xf32, #tpu.memory_space<hbm>> -> memref<8x128xf32, #tpu.memory_space<hbm>>
    %dma_start3A_436 = arith.constant 32 : i32
    %dma_start3A_437 = arith.constant 0 : i32
    %dma_start3A_438 = tpu.memref_slice %arg7[%dma_start3A_436, %dma_start3A_437] : memref<128x128xf32, #tpu.memory_space<vmem>> -> memref<8x128xf32, #tpu.memory_space<vmem>>
    %dma_start3A_439 = tpu.memref_slice %arg2[%multiple_of3A_431, %multiple_of3A_426] : memref<4096x32000xf32, #tpu.memory_space<hbm>> -> memref<8x128xf32, #tpu.memory_space<hbm>>
    tpu.enqueue_dma source(%dma_start3A_439 : memref<8x128xf32, #tpu.memory_space<hbm>>) target(%dma_start3A_438 : memref<8x128xf32, #tpu.memory_space<vmem>>) target_semaphore(%arg11 : memref<!tpu.dma_semaphore, #tpu.memory_space<semaphore_mem>>)
    %slice3A_440 = vector.extract_strided_slice %get3A_349 {offsets = [5], sizes = [1], strides = [1]} : vector<16xi32> to vector<1xi32>
    %reshape3A_441 = vector.extract %slice3A_440[0] : i32 from vector<1xi32>
    %and3A_442 = arith.constant -128 : i32
    %and3A_443 = arith.andi %reshape3A_441, %and3A_442 : i32
    %multiple_of3A_444 = tpu.assume_multiple %and3A_443, 128 : i32
    %add3A_445 = arith.constant 21 : i32
    %add3A_446 = arith.addi %mul3A_2, %add3A_445 : i32
    %and3A_447 = arith.constant -8 : i32
    %and3A_448 = arith.andi %add3A_446, %and3A_447 : i32
    %multiple_of3A_449 = tpu.assume_multiple %and3A_448, 8 : i32
    %dma_start3A_450 = arith.constant 40 : i32
    %dma_start3A_451 = arith.constant 0 : i32
    %dma_start3A_452 = tpu.memref_slice %arg7[%dma_start3A_450, %dma_start3A_451] : memref<128x128xf32, #tpu.memory_space<vmem>> -> memref<8x128xf32, #tpu.memory_space<vmem>>
    %dma_start3A_453 = tpu.memref_slice %arg2[%multiple_of3A_449, %multiple_of3A_444] : memref<4096x32000xf32, #tpu.memory_space<hbm>> -> memref<8x128xf32, #tpu.memory_space<hbm>>
    %dma_start3A_454 = arith.constant 40 : i32
    %dma_start3A_455 = arith.constant 0 : i32
    %dma_start3A_456 = tpu.memref_slice %arg7[%dma_start3A_454, %dma_start3A_455] : memref<128x128xf32, #tpu.memory_space<vmem>> -> memref<8x128xf32, #tpu.memory_space<vmem>>
    %dma_start3A_457 = tpu.memref_slice %arg2[%multiple_of3A_449, %multiple_of3A_444] : memref<4096x32000xf32, #tpu.memory_space<hbm>> -> memref<8x128xf32, #tpu.memory_space<hbm>>
    tpu.enqueue_dma source(%dma_start3A_457 : memref<8x128xf32, #tpu.memory_space<hbm>>) target(%dma_start3A_456 : memref<8x128xf32, #tpu.memory_space<vmem>>) target_semaphore(%arg11 : memref<!tpu.dma_semaphore, #tpu.memory_space<semaphore_mem>>)
    %slice3A_458 = vector.extract_strided_slice %get3A_349 {offsets = [6], sizes = [1], strides = [1]} : vector<16xi32> to vector<1xi32>
    %reshape3A_459 = vector.extract %slice3A_458[0] : i32 from vector<1xi32>
    %and3A_460 = arith.constant -128 : i32
    %and3A_461 = arith.andi %reshape3A_459, %and3A_460 : i32
    %multiple_of3A_462 = tpu.assume_multiple %and3A_461, 128 : i32
    %add3A_463 = arith.constant 22 : i32
    %add3A_464 = arith.addi %mul3A_2, %add3A_463 : i32
    %and3A_465 = arith.constant -8 : i32
    %and3A_466 = arith.andi %add3A_464, %and3A_465 : i32
    %multiple_of3A_467 = tpu.assume_multiple %and3A_466, 8 : i32
    %dma_start3A_468 = arith.constant 48 : i32
    %dma_start3A_469 = arith.constant 0 : i32
    %dma_start3A_470 = tpu.memref_slice %arg7[%dma_start3A_468, %dma_start3A_469] : memref<128x128xf32, #tpu.memory_space<vmem>> -> memref<8x128xf32, #tpu.memory_space<vmem>>
    %dma_start3A_471 = tpu.memref_slice %arg2[%multiple_of3A_467, %multiple_of3A_462] : memref<4096x32000xf32, #tpu.memory_space<hbm>> -> memref<8x128xf32, #tpu.memory_space<hbm>>
    %dma_start3A_472 = arith.constant 48 : i32
    %dma_start3A_473 = arith.constant 0 : i32
    %dma_start3A_474 = tpu.memref_slice %arg7[%dma_start3A_472, %dma_start3A_473] : memref<128x128xf32, #tpu.memory_space<vmem>> -> memref<8x128xf32, #tpu.memory_space<vmem>>
    %dma_start3A_475 = tpu.memref_slice %arg2[%multiple_of3A_467, %multiple_of3A_462] : memref<4096x32000xf32, #tpu.memory_space<hbm>> -> memref<8x128xf32, #tpu.memory_space<hbm>>
    tpu.enqueue_dma source(%dma_start3A_475 : memref<8x128xf32, #tpu.memory_space<hbm>>) target(%dma_start3A_474 : memref<8x128xf32, #tpu.memory_space<vmem>>) target_semaphore(%arg11 : memref<!tpu.dma_semaphore, #tpu.memory_space<semaphore_mem>>)
    %slice3A_476 = vector.extract_strided_slice %get3A_349 {offsets = [7], sizes = [1], strides = [1]} : vector<16xi32> to vector<1xi32>
    %reshape3A_477 = vector.extract %slice3A_476[0] : i32 from vector<1xi32>
    %and3A_478 = arith.constant -128 : i32
    %and3A_479 = arith.andi %reshape3A_477, %and3A_478 : i32
    %multiple_of3A_480 = tpu.assume_multiple %and3A_479, 128 : i32
    %add3A_481 = arith.constant 23 : i32
    %add3A_482 = arith.addi %mul3A_2, %add3A_481 : i32
    %and3A_483 = arith.constant -8 : i32
    %and3A_484 = arith.andi %add3A_482, %and3A_483 : i32
    %multiple_of3A_485 = tpu.assume_multiple %and3A_484, 8 : i32
    %dma_start3A_486 = arith.constant 56 : i32
    %dma_start3A_487 = arith.constant 0 : i32
    %dma_start3A_488 = tpu.memref_slice %arg7[%dma_start3A_486, %dma_start3A_487] : memref<128x128xf32, #tpu.memory_space<vmem>> -> memref<8x128xf32, #tpu.memory_space<vmem>>
    %dma_start3A_489 = tpu.memref_slice %arg2[%multiple_of3A_485, %multiple_of3A_480] : memref<4096x32000xf32, #tpu.memory_space<hbm>> -> memref<8x128xf32, #tpu.memory_space<hbm>>
    %dma_start3A_490 = arith.constant 56 : i32
    %dma_start3A_491 = arith.constant 0 : i32
    %dma_start3A_492 = tpu.memref_slice %arg7[%dma_start3A_490, %dma_start3A_491] : memref<128x128xf32, #tpu.memory_space<vmem>> -> memref<8x128xf32, #tpu.memory_space<vmem>>
    %dma_start3A_493 = tpu.memref_slice %arg2[%multiple_of3A_485, %multiple_of3A_480] : memref<4096x32000xf32, #tpu.memory_space<hbm>> -> memref<8x128xf32, #tpu.memory_space<hbm>>
    tpu.enqueue_dma source(%dma_start3A_493 : memref<8x128xf32, #tpu.memory_space<hbm>>) target(%dma_start3A_492 : memref<8x128xf32, #tpu.memory_space<vmem>>) target_semaphore(%arg11 : memref<!tpu.dma_semaphore, #tpu.memory_space<semaphore_mem>>)
    %slice3A_494 = vector.extract_strided_slice %get3A_349 {offsets = [8], sizes = [1], strides = [1]} : vector<16xi32> to vector<1xi32>
    %reshape3A_495 = vector.extract %slice3A_494[0] : i32 from vector<1xi32>
    %and3A_496 = arith.constant -128 : i32
    %and3A_497 = arith.andi %reshape3A_495, %and3A_496 : i32
    %multiple_of3A_498 = tpu.assume_multiple %and3A_497, 128 : i32
    %add3A_499 = arith.constant 24 : i32
    %add3A_500 = arith.addi %mul3A_2, %add3A_499 : i32
    %and3A_501 = arith.constant -8 : i32
    %and3A_502 = arith.andi %add3A_500, %and3A_501 : i32
    %multiple_of3A_503 = tpu.assume_multiple %and3A_502, 8 : i32
    %dma_start3A_504 = arith.constant 64 : i32
    %dma_start3A_505 = arith.constant 0 : i32
    %dma_start3A_506 = tpu.memref_slice %arg7[%dma_start3A_504, %dma_start3A_505] : memref<128x128xf32, #tpu.memory_space<vmem>> -> memref<8x128xf32, #tpu.memory_space<vmem>>
    %dma_start3A_507 = tpu.memref_slice %arg2[%multiple_of3A_503, %multiple_of3A_498] : memref<4096x32000xf32, #tpu.memory_space<hbm>> -> memref<8x128xf32, #tpu.memory_space<hbm>>
    %dma_start3A_508 = arith.constant 64 : i32
    %dma_start3A_509 = arith.constant 0 : i32
    %dma_start3A_510 = tpu.memref_slice %arg7[%dma_start3A_508, %dma_start3A_509] : memref<128x128xf32, #tpu.memory_space<vmem>> -> memref<8x128xf32, #tpu.memory_space<vmem>>
    %dma_start3A_511 = tpu.memref_slice %arg2[%multiple_of3A_503, %multiple_of3A_498] : memref<4096x32000xf32, #tpu.memory_space<hbm>> -> memref<8x128xf32, #tpu.memory_space<hbm>>
    tpu.enqueue_dma source(%dma_start3A_511 : memref<8x128xf32, #tpu.memory_space<hbm>>) target(%dma_start3A_510 : memref<8x128xf32, #tpu.memory_space<vmem>>) target_semaphore(%arg11 : memref<!tpu.dma_semaphore, #tpu.memory_space<semaphore_mem>>)
    %slice3A_512 = vector.extract_strided_slice %get3A_349 {offsets = [9], sizes = [1], strides = [1]} : vector<16xi32> to vector<1xi32>
    %reshape3A_513 = vector.extract %slice3A_512[0] : i32 from vector<1xi32>
    %and3A_514 = arith.constant -128 : i32
    %and3A_515 = arith.andi %reshape3A_513, %and3A_514 : i32
    %multiple_of3A_516 = tpu.assume_multiple %and3A_515, 128 : i32
    %add3A_517 = arith.constant 25 : i32
    %add3A_518 = arith.addi %mul3A_2, %add3A_517 : i32
    %and3A_519 = arith.constant -8 : i32
    %and3A_520 = arith.andi %add3A_518, %and3A_519 : i32
    %multiple_of3A_521 = tpu.assume_multiple %and3A_520, 8 : i32
    %dma_start3A_522 = arith.constant 72 : i32
    %dma_start3A_523 = arith.constant 0 : i32
    %dma_start3A_524 = tpu.memref_slice %arg7[%dma_start3A_522, %dma_start3A_523] : memref<128x128xf32, #tpu.memory_space<vmem>> -> memref<8x128xf32, #tpu.memory_space<vmem>>
    %dma_start3A_525 = tpu.memref_slice %arg2[%multiple_of3A_521, %multiple_of3A_516] : memref<4096x32000xf32, #tpu.memory_space<hbm>> -> memref<8x128xf32, #tpu.memory_space<hbm>>
    %dma_start3A_526 = arith.constant 72 : i32
    %dma_start3A_527 = arith.constant 0 : i32
    %dma_start3A_528 = tpu.memref_slice %arg7[%dma_start3A_526, %dma_start3A_527] : memref<128x128xf32, #tpu.memory_space<vmem>> -> memref<8x128xf32, #tpu.memory_space<vmem>>
    %dma_start3A_529 = tpu.memref_slice %arg2[%multiple_of3A_521, %multiple_of3A_516] : memref<4096x32000xf32, #tpu.memory_space<hbm>> -> memref<8x128xf32, #tpu.memory_space<hbm>>
    tpu.enqueue_dma source(%dma_start3A_529 : memref<8x128xf32, #tpu.memory_space<hbm>>) target(%dma_start3A_528 : memref<8x128xf32, #tpu.memory_space<vmem>>) target_semaphore(%arg11 : memref<!tpu.dma_semaphore, #tpu.memory_space<semaphore_mem>>)
    %slice3A_530 = vector.extract_strided_slice %get3A_349 {offsets = [10], sizes = [1], strides = [1]} : vector<16xi32> to vector<1xi32>
    %reshape3A_531 = vector.extract %slice3A_530[0] : i32 from vector<1xi32>
    %and3A_532 = arith.constant -128 : i32
    %and3A_533 = arith.andi %reshape3A_531, %and3A_532 : i32
    %multiple_of3A_534 = tpu.assume_multiple %and3A_533, 128 : i32
    %add3A_535 = arith.constant 26 : i32
    %add3A_536 = arith.addi %mul3A_2, %add3A_535 : i32
    %and3A_537 = arith.constant -8 : i32
    %and3A_538 = arith.andi %add3A_536, %and3A_537 : i32
    %multiple_of3A_539 = tpu.assume_multiple %and3A_538, 8 : i32
    %dma_start3A_540 = arith.constant 80 : i32
    %dma_start3A_541 = arith.constant 0 : i32
    %dma_start3A_542 = tpu.memref_slice %arg7[%dma_start3A_540, %dma_start3A_541] : memref<128x128xf32, #tpu.memory_space<vmem>> -> memref<8x128xf32, #tpu.memory_space<vmem>>
    %dma_start3A_543 = tpu.memref_slice %arg2[%multiple_of3A_539, %multiple_of3A_534] : memref<4096x32000xf32, #tpu.memory_space<hbm>> -> memref<8x128xf32, #tpu.memory_space<hbm>>
    %dma_start3A_544 = arith.constant 80 : i32
    %dma_start3A_545 = arith.constant 0 : i32
    %dma_start3A_546 = tpu.memref_slice %arg7[%dma_start3A_544, %dma_start3A_545] : memref<128x128xf32, #tpu.memory_space<vmem>> -> memref<8x128xf32, #tpu.memory_space<vmem>>
    %dma_start3A_547 = tpu.memref_slice %arg2[%multiple_of3A_539, %multiple_of3A_534] : memref<4096x32000xf32, #tpu.memory_space<hbm>> -> memref<8x128xf32, #tpu.memory_space<hbm>>
    tpu.enqueue_dma source(%dma_start3A_547 : memref<8x128xf32, #tpu.memory_space<hbm>>) target(%dma_start3A_546 : memref<8x128xf32, #tpu.memory_space<vmem>>) target_semaphore(%arg11 : memref<!tpu.dma_semaphore, #tpu.memory_space<semaphore_mem>>)
    %slice3A_548 = vector.extract_strided_slice %get3A_349 {offsets = [11], sizes = [1], strides = [1]} : vector<16xi32> to vector<1xi32>
    %reshape3A_549 = vector.extract %slice3A_548[0] : i32 from vector<1xi32>
    %and3A_550 = arith.constant -128 : i32
    %and3A_551 = arith.andi %reshape3A_549, %and3A_550 : i32
    %multiple_of3A_552 = tpu.assume_multiple %and3A_551, 128 : i32
    %add3A_553 = arith.constant 27 : i32
    %add3A_554 = arith.addi %mul3A_2, %add3A_553 : i32
    %and3A_555 = arith.constant -8 : i32
    %and3A_556 = arith.andi %add3A_554, %and3A_555 : i32
    %multiple_of3A_557 = tpu.assume_multiple %and3A_556, 8 : i32
    %dma_start3A_558 = arith.constant 88 : i32
    %dma_start3A_559 = arith.constant 0 : i32
    %dma_start3A_560 = tpu.memref_slice %arg7[%dma_start3A_558, %dma_start3A_559] : memref<128x128xf32, #tpu.memory_space<vmem>> -> memref<8x128xf32, #tpu.memory_space<vmem>>
    %dma_start3A_561 = tpu.memref_slice %arg2[%multiple_of3A_557, %multiple_of3A_552] : memref<4096x32000xf32, #tpu.memory_space<hbm>> -> memref<8x128xf32, #tpu.memory_space<hbm>>
    %dma_start3A_562 = arith.constant 88 : i32
    %dma_start3A_563 = arith.constant 0 : i32
    %dma_start3A_564 = tpu.memref_slice %arg7[%dma_start3A_562, %dma_start3A_563] : memref<128x128xf32, #tpu.memory_space<vmem>> -> memref<8x128xf32, #tpu.memory_space<vmem>>
    %dma_start3A_565 = tpu.memref_slice %arg2[%multiple_of3A_557, %multiple_of3A_552] : memref<4096x32000xf32, #tpu.memory_space<hbm>> -> memref<8x128xf32, #tpu.memory_space<hbm>>
    tpu.enqueue_dma source(%dma_start3A_565 : memref<8x128xf32, #tpu.memory_space<hbm>>) target(%dma_start3A_564 : memref<8x128xf32, #tpu.memory_space<vmem>>) target_semaphore(%arg11 : memref<!tpu.dma_semaphore, #tpu.memory_space<semaphore_mem>>)
    %slice3A_566 = vector.extract_strided_slice %get3A_349 {offsets = [12], sizes = [1], strides = [1]} : vector<16xi32> to vector<1xi32>
    %reshape3A_567 = vector.extract %slice3A_566[0] : i32 from vector<1xi32>
    %and3A_568 = arith.constant -128 : i32
    %and3A_569 = arith.andi %reshape3A_567, %and3A_568 : i32
    %multiple_of3A_570 = tpu.assume_multiple %and3A_569, 128 : i32
    %add3A_571 = arith.constant 28 : i32
    %add3A_572 = arith.addi %mul3A_2, %add3A_571 : i32
    %and3A_573 = arith.constant -8 : i32
    %and3A_574 = arith.andi %add3A_572, %and3A_573 : i32
    %multiple_of3A_575 = tpu.assume_multiple %and3A_574, 8 : i32
    %dma_start3A_576 = arith.constant 96 : i32
    %dma_start3A_577 = arith.constant 0 : i32
    %dma_start3A_578 = tpu.memref_slice %arg7[%dma_start3A_576, %dma_start3A_577] : memref<128x128xf32, #tpu.memory_space<vmem>> -> memref<8x128xf32, #tpu.memory_space<vmem>>
    %dma_start3A_579 = tpu.memref_slice %arg2[%multiple_of3A_575, %multiple_of3A_570] : memref<4096x32000xf32, #tpu.memory_space<hbm>> -> memref<8x128xf32, #tpu.memory_space<hbm>>
    %dma_start3A_580 = arith.constant 96 : i32
    %dma_start3A_581 = arith.constant 0 : i32
    %dma_start3A_582 = tpu.memref_slice %arg7[%dma_start3A_580, %dma_start3A_581] : memref<128x128xf32, #tpu.memory_space<vmem>> -> memref<8x128xf32, #tpu.memory_space<vmem>>
    %dma_start3A_583 = tpu.memref_slice %arg2[%multiple_of3A_575, %multiple_of3A_570] : memref<4096x32000xf32, #tpu.memory_space<hbm>> -> memref<8x128xf32, #tpu.memory_space<hbm>>
    tpu.enqueue_dma source(%dma_start3A_583 : memref<8x128xf32, #tpu.memory_space<hbm>>) target(%dma_start3A_582 : memref<8x128xf32, #tpu.memory_space<vmem>>) target_semaphore(%arg11 : memref<!tpu.dma_semaphore, #tpu.memory_space<semaphore_mem>>)
    %slice3A_584 = vector.extract_strided_slice %get3A_349 {offsets = [13], sizes = [1], strides = [1]} : vector<16xi32> to vector<1xi32>
    %reshape3A_585 = vector.extract %slice3A_584[0] : i32 from vector<1xi32>
    %and3A_586 = arith.constant -128 : i32
    %and3A_587 = arith.andi %reshape3A_585, %and3A_586 : i32
    %multiple_of3A_588 = tpu.assume_multiple %and3A_587, 128 : i32
    %add3A_589 = arith.constant 29 : i32
    %add3A_590 = arith.addi %mul3A_2, %add3A_589 : i32
    %and3A_591 = arith.constant -8 : i32
    %and3A_592 = arith.andi %add3A_590, %and3A_591 : i32
    %multiple_of3A_593 = tpu.assume_multiple %and3A_592, 8 : i32
    %dma_start3A_594 = arith.constant 104 : i32
    %dma_start3A_595 = arith.constant 0 : i32
    %dma_start3A_596 = tpu.memref_slice %arg7[%dma_start3A_594, %dma_start3A_595] : memref<128x128xf32, #tpu.memory_space<vmem>> -> memref<8x128xf32, #tpu.memory_space<vmem>>
    %dma_start3A_597 = tpu.memref_slice %arg2[%multiple_of3A_593, %multiple_of3A_588] : memref<4096x32000xf32, #tpu.memory_space<hbm>> -> memref<8x128xf32, #tpu.memory_space<hbm>>
    %dma_start3A_598 = arith.constant 104 : i32
    %dma_start3A_599 = arith.constant 0 : i32
    %dma_start3A_600 = tpu.memref_slice %arg7[%dma_start3A_598, %dma_start3A_599] : memref<128x128xf32, #tpu.memory_space<vmem>> -> memref<8x128xf32, #tpu.memory_space<vmem>>
    %dma_start3A_601 = tpu.memref_slice %arg2[%multiple_of3A_593, %multiple_of3A_588] : memref<4096x32000xf32, #tpu.memory_space<hbm>> -> memref<8x128xf32, #tpu.memory_space<hbm>>
    tpu.enqueue_dma source(%dma_start3A_601 : memref<8x128xf32, #tpu.memory_space<hbm>>) target(%dma_start3A_600 : memref<8x128xf32, #tpu.memory_space<vmem>>) target_semaphore(%arg11 : memref<!tpu.dma_semaphore, #tpu.memory_space<semaphore_mem>>)
    %slice3A_602 = vector.extract_strided_slice %get3A_349 {offsets = [14], sizes = [1], strides = [1]} : vector<16xi32> to vector<1xi32>
    %reshape3A_603 = vector.extract %slice3A_602[0] : i32 from vector<1xi32>
    %and3A_604 = arith.constant -128 : i32
    %and3A_605 = arith.andi %reshape3A_603, %and3A_604 : i32
    %multiple_of3A_606 = tpu.assume_multiple %and3A_605, 128 : i32
    %add3A_607 = arith.constant 30 : i32
    %add3A_608 = arith.addi %mul3A_2, %add3A_607 : i32
    %and3A_609 = arith.constant -8 : i32
    %and3A_610 = arith.andi %add3A_608, %and3A_609 : i32
    %multiple_of3A_611 = tpu.assume_multiple %and3A_610, 8 : i32
    %dma_start3A_612 = arith.constant 112 : i32
    %dma_start3A_613 = arith.constant 0 : i32
    %dma_start3A_614 = tpu.memref_slice %arg7[%dma_start3A_612, %dma_start3A_613] : memref<128x128xf32, #tpu.memory_space<vmem>> -> memref<8x128xf32, #tpu.memory_space<vmem>>
    %dma_start3A_615 = tpu.memref_slice %arg2[%multiple_of3A_611, %multiple_of3A_606] : memref<4096x32000xf32, #tpu.memory_space<hbm>> -> memref<8x128xf32, #tpu.memory_space<hbm>>
    %dma_start3A_616 = arith.constant 112 : i32
    %dma_start3A_617 = arith.constant 0 : i32
    %dma_start3A_618 = tpu.memref_slice %arg7[%dma_start3A_616, %dma_start3A_617] : memref<128x128xf32, #tpu.memory_space<vmem>> -> memref<8x128xf32, #tpu.memory_space<vmem>>
    %dma_start3A_619 = tpu.memref_slice %arg2[%multiple_of3A_611, %multiple_of3A_606] : memref<4096x32000xf32, #tpu.memory_space<hbm>> -> memref<8x128xf32, #tpu.memory_space<hbm>>
    tpu.enqueue_dma source(%dma_start3A_619 : memref<8x128xf32, #tpu.memory_space<hbm>>) target(%dma_start3A_618 : memref<8x128xf32, #tpu.memory_space<vmem>>) target_semaphore(%arg11 : memref<!tpu.dma_semaphore, #tpu.memory_space<semaphore_mem>>)
    %slice3A_620 = vector.extract_strided_slice %get3A_349 {offsets = [15], sizes = [1], strides = [1]} : vector<16xi32> to vector<1xi32>
    %reshape3A_621 = vector.extract %slice3A_620[0] : i32 from vector<1xi32>
    %and3A_622 = arith.constant -128 : i32
    %and3A_623 = arith.andi %reshape3A_621, %and3A_622 : i32
    %multiple_of3A_624 = tpu.assume_multiple %and3A_623, 128 : i32
    %add3A_625 = arith.constant 31 : i32
    %add3A_626 = arith.addi %mul3A_2, %add3A_625 : i32
    %and3A_627 = arith.constant -8 : i32
    %and3A_628 = arith.andi %add3A_626, %and3A_627 : i32
    %multiple_of3A_629 = tpu.assume_multiple %and3A_628, 8 : i32
    %dma_start3A_630 = arith.constant 120 : i32
    %dma_start3A_631 = arith.constant 0 : i32
    %dma_start3A_632 = tpu.memref_slice %arg7[%dma_start3A_630, %dma_start3A_631] : memref<128x128xf32, #tpu.memory_space<vmem>> -> memref<8x128xf32, #tpu.memory_space<vmem>>
    %dma_start3A_633 = tpu.memref_slice %arg2[%multiple_of3A_629, %multiple_of3A_624] : memref<4096x32000xf32, #tpu.memory_space<hbm>> -> memref<8x128xf32, #tpu.memory_space<hbm>>
    %dma_start3A_634 = arith.constant 120 : i32
    %dma_start3A_635 = arith.constant 0 : i32
    %dma_start3A_636 = tpu.memref_slice %arg7[%dma_start3A_634, %dma_start3A_635] : memref<128x128xf32, #tpu.memory_space<vmem>> -> memref<8x128xf32, #tpu.memory_space<vmem>>
    %dma_start3A_637 = tpu.memref_slice %arg2[%multiple_of3A_629, %multiple_of3A_624] : memref<4096x32000xf32, #tpu.memory_space<hbm>> -> memref<8x128xf32, #tpu.memory_space<hbm>>
    tpu.enqueue_dma source(%dma_start3A_637 : memref<8x128xf32, #tpu.memory_space<hbm>>) target(%dma_start3A_636 : memref<8x128xf32, #tpu.memory_space<vmem>>) target_semaphore(%arg11 : memref<!tpu.dma_semaphore, #tpu.memory_space<semaphore_mem>>)
    %jit3A_638 = arith.constant 2048 : i32
    %eq3A_639 = arith.constant 0 : i32
    %eq3A_640 = arith.cmpi eq, %jit3A_638, %eq3A_639 : i32
    %jit3A_641 = arith.constant 1 : i32
    %select_n3A_642 = arith.select %eq3A_640, %jit3A_641, %jit3A_638 : i32
    %rem3A_643 = arith.remsi %mul3A_2, %select_n3A_642 : i32
    %ne3A_644 = arith.constant 0 : i32
    %ne3A_645 = arith.cmpi ne, %rem3A_643, %ne3A_644 : i32
    %lt3A_646 = arith.constant 0 : i32
    %lt3A_647 = arith.cmpi slt, %rem3A_643, %lt3A_646 : i32
    %lt3A_648 = arith.constant 0 : i32
    %lt3A_649 = arith.cmpi slt, %select_n3A_642, %lt3A_648 : i32
    %ne3A_650 = arith.xori %lt3A_647, %lt3A_649 : i1
    %and3A_651 = arith.andi %ne3A_650, %ne3A_645 : i1
    %add3A_652 = arith.addi %rem3A_643, %select_n3A_642 : i32
    %select_n3A_653 = arith.select %and3A_651, %add3A_652, %rem3A_643 : i32
    %add3A_654 = arith.constant 32 : i32
    %add3A_655 = arith.addi %select_n3A_653, %add3A_654 : i32
    %get3A_656 = arith.index_cast %select_n3A : i32 to index
    %get3A_657 = arith.index_cast %add3A_655 : i32 to index
    %get3A_658 = tpu.vector_load %arg5[%get3A_656, %get3A_657] {strides = array<i32>} : memref<2x2048xi32, #tpu.memory_space<vmem>>, vector<16xi32>,
    %slice3A_659 = vector.extract_strided_slice %get3A_658 {offsets = [0], sizes = [1], strides = [1]} : vector<16xi32> to vector<1xi32>
    %reshape3A_660 = vector.extract %slice3A_659[0] : i32 from vector<1xi32>
    %and3A_661 = arith.constant -128 : i32
    %and3A_662 = arith.andi %reshape3A_660, %and3A_661 : i32
    %multiple_of3A_663 = tpu.assume_multiple %and3A_662, 128 : i32
    %add3A_664 = arith.constant 32 : i32
    %add3A_665 = arith.addi %mul3A_2, %add3A_664 : i32
    %and3A_666 = arith.constant -8 : i32
    %and3A_667 = arith.andi %add3A_665, %and3A_666 : i32
    %multiple_of3A_668 = tpu.assume_multiple %and3A_667, 8 : i32
    %dma_start3A_669 = arith.constant 0 : i32
    %dma_start3A_670 = arith.constant 0 : i32
    %dma_start3A_671 = tpu.memref_slice %arg8[%dma_start3A_669, %dma_start3A_670] : memref<128x128xf32, #tpu.memory_space<vmem>> -> memref<8x128xf32, #tpu.memory_space<vmem>>
    %dma_start3A_672 = tpu.memref_slice %arg2[%multiple_of3A_668, %multiple_of3A_663] : memref<4096x32000xf32, #tpu.memory_space<hbm>> -> memref<8x128xf32, #tpu.memory_space<hbm>>
    %dma_start3A_673 = arith.constant 0 : i32
    %dma_start3A_674 = arith.constant 0 : i32
    %dma_start3A_675 = tpu.memref_slice %arg8[%dma_start3A_673, %dma_start3A_674] : memref<128x128xf32, #tpu.memory_space<vmem>> -> memref<8x128xf32, #tpu.memory_space<vmem>>
    %dma_start3A_676 = tpu.memref_slice %arg2[%multiple_of3A_668, %multiple_of3A_663] : memref<4096x32000xf32, #tpu.memory_space<hbm>> -> memref<8x128xf32, #tpu.memory_space<hbm>>
    tpu.enqueue_dma source(%dma_start3A_676 : memref<8x128xf32, #tpu.memory_space<hbm>>) target(%dma_start3A_675 : memref<8x128xf32, #tpu.memory_space<vmem>>) target_semaphore(%arg12 : memref<!tpu.dma_semaphore, #tpu.memory_space<semaphore_mem>>)
    %slice3A_677 = vector.extract_strided_slice %get3A_658 {offsets = [1], sizes = [1], strides = [1]} : vector<16xi32> to vector<1xi32>
    %reshape3A_678 = vector.extract %slice3A_677[0] : i32 from vector<1xi32>
    %and3A_679 = arith.constant -128 : i32
    %and3A_680 = arith.andi %reshape3A_678, %and3A_679 : i32
    %multiple_of3A_681 = tpu.assume_multiple %and3A_680, 128 : i32
    %add3A_682 = arith.constant 33 : i32
    %add3A_683 = arith.addi %mul3A_2, %add3A_682 : i32
    %and3A_684 = arith.constant -8 : i32
    %and3A_685 = arith.andi %add3A_683, %and3A_684 : i32
    %multiple_of3A_686 = tpu.assume_multiple %and3A_685, 8 : i32
    %dma_start3A_687 = arith.constant 8 : i32
    %dma_start3A_688 = arith.constant 0 : i32
    %dma_start3A_689 = tpu.memref_slice %arg8[%dma_start3A_687, %dma_start3A_688] : memref<128x128xf32, #tpu.memory_space<vmem>> -> memref<8x128xf32, #tpu.memory_space<vmem>>
    %dma_start3A_690 = tpu.memref_slice %arg2[%multiple_of3A_686, %multiple_of3A_681] : memref<4096x32000xf32, #tpu.memory_space<hbm>> -> memref<8x128xf32, #tpu.memory_space<hbm>>
    %dma_start3A_691 = arith.constant 8 : i32
    %dma_start3A_692 = arith.constant 0 : i32
    %dma_start3A_693 = tpu.memref_slice %arg8[%dma_start3A_691, %dma_start3A_692] : memref<128x128xf32, #tpu.memory_space<vmem>> -> memref<8x128xf32, #tpu.memory_space<vmem>>
    %dma_start3A_694 = tpu.memref_slice %arg2[%multiple_of3A_686, %multiple_of3A_681] : memref<4096x32000xf32, #tpu.memory_space<hbm>> -> memref<8x128xf32, #tpu.memory_space<hbm>>
    tpu.enqueue_dma source(%dma_start3A_694 : memref<8x128xf32, #tpu.memory_space<hbm>>) target(%dma_start3A_693 : memref<8x128xf32, #tpu.memory_space<vmem>>) target_semaphore(%arg12 : memref<!tpu.dma_semaphore, #tpu.memory_space<semaphore_mem>>)
    %slice3A_695 = vector.extract_strided_slice %get3A_658 {offsets = [2], sizes = [1], strides = [1]} : vector<16xi32> to vector<1xi32>
    %reshape3A_696 = vector.extract %slice3A_695[0] : i32 from vector<1xi32>
    %and3A_697 = arith.constant -128 : i32
    %and3A_698 = arith.andi %reshape3A_696, %and3A_697 : i32
    %multiple_of3A_699 = tpu.assume_multiple %and3A_698, 128 : i32
    %add3A_700 = arith.constant 34 : i32
    %add3A_701 = arith.addi %mul3A_2, %add3A_700 : i32
    %and3A_702 = arith.constant -8 : i32
    %and3A_703 = arith.andi %add3A_701, %and3A_702 : i32
    %multiple_of3A_704 = tpu.assume_multiple %and3A_703, 8 : i32
    %dma_start3A_705 = arith.constant 16 : i32
    %dma_start3A_706 = arith.constant 0 : i32
    %dma_start3A_707 = tpu.memref_slice %arg8[%dma_start3A_705, %dma_start3A_706] : memref<128x128xf32, #tpu.memory_space<vmem>> -> memref<8x128xf32, #tpu.memory_space<vmem>>
    %dma_start3A_708 = tpu.memref_slice %arg2[%multiple_of3A_704, %multiple_of3A_699] : memref<4096x32000xf32, #tpu.memory_space<hbm>> -> memref<8x128xf32, #tpu.memory_space<hbm>>
    %dma_start3A_709 = arith.constant 16 : i32
    %dma_start3A_710 = arith.constant 0 : i32
    %dma_start3A_711 = tpu.memref_slice %arg8[%dma_start3A_709, %dma_start3A_710] : memref<128x128xf32, #tpu.memory_space<vmem>> -> memref<8x128xf32, #tpu.memory_space<vmem>>
    %dma_start3A_712 = tpu.memref_slice %arg2[%multiple_of3A_704, %multiple_of3A_699] : memref<4096x32000xf32, #tpu.memory_space<hbm>> -> memref<8x128xf32, #tpu.memory_space<hbm>>
    tpu.enqueue_dma source(%dma_start3A_712 : memref<8x128xf32, #tpu.memory_space<hbm>>) target(%dma_start3A_711 : memref<8x128xf32, #tpu.memory_space<vmem>>) target_semaphore(%arg12 : memref<!tpu.dma_semaphore, #tpu.memory_space<semaphore_mem>>)
    %slice3A_713 = vector.extract_strided_slice %get3A_658 {offsets = [3], sizes = [1], strides = [1]} : vector<16xi32> to vector<1xi32>
    %reshape3A_714 = vector.extract %slice3A_713[0] : i32 from vector<1xi32>
    %and3A_715 = arith.constant -128 : i32
    %and3A_716 = arith.andi %reshape3A_714, %and3A_715 : i32
    %multiple_of3A_717 = tpu.assume_multiple %and3A_716, 128 : i32
    %add3A_718 = arith.constant 35 : i32
    %add3A_719 = arith.addi %mul3A_2, %add3A_718 : i32
    %and3A_720 = arith.constant -8 : i32
    %and3A_721 = arith.andi %add3A_719, %and3A_720 : i32
    %multiple_of3A_722 = tpu.assume_multiple %and3A_721, 8 : i32
    %dma_start3A_723 = arith.constant 24 : i32
    %dma_start3A_724 = arith.constant 0 : i32
    %dma_start3A_725 = tpu.memref_slice %arg8[%dma_start3A_723, %dma_start3A_724] : memref<128x128xf32, #tpu.memory_space<vmem>> -> memref<8x128xf32, #tpu.memory_space<vmem>>
    %dma_start3A_726 = tpu.memref_slice %arg2[%multiple_of3A_722, %multiple_of3A_717] : memref<4096x32000xf32, #tpu.memory_space<hbm>> -> memref<8x128xf32, #tpu.memory_space<hbm>>
    %dma_start3A_727 = arith.constant 24 : i32
    %dma_start3A_728 = arith.constant 0 : i32
    %dma_start3A_729 = tpu.memref_slice %arg8[%dma_start3A_727, %dma_start3A_728] : memref<128x128xf32, #tpu.memory_space<vmem>> -> memref<8x128xf32, #tpu.memory_space<vmem>>
    %dma_start3A_730 = tpu.memref_slice %arg2[%multiple_of3A_722, %multiple_of3A_717] : memref<4096x32000xf32, #tpu.memory_space<hbm>> -> memref<8x128xf32, #tpu.memory_space<hbm>>
    tpu.enqueue_dma source(%dma_start3A_730 : memref<8x128xf32, #tpu.memory_space<hbm>>) target(%dma_start3A_729 : memref<8x128xf32, #tpu.memory_space<vmem>>) target_semaphore(%arg12 : memref<!tpu.dma_semaphore, #tpu.memory_space<semaphore_mem>>)
    %slice3A_731 = vector.extract_strided_slice %get3A_658 {offsets = [4], sizes = [1], strides = [1]} : vector<16xi32> to vector<1xi32>
    %reshape3A_732 = vector.extract %slice3A_731[0] : i32 from vector<1xi32>
    %and3A_733 = arith.constant -128 : i32
    %and3A_734 = arith.andi %reshape3A_732, %and3A_733 : i32
    %multiple_of3A_735 = tpu.assume_multiple %and3A_734, 128 : i32
    %add3A_736 = arith.constant 36 : i32
    %add3A_737 = arith.addi %mul3A_2, %add3A_736 : i32
    %and3A_738 = arith.constant -8 : i32
    %and3A_739 = arith.andi %add3A_737, %and3A_738 : i32
    %multiple_of3A_740 = tpu.assume_multiple %and3A_739, 8 : i32
    %dma_start3A_741 = arith.constant 32 : i32
    %dma_start3A_742 = arith.constant 0 : i32
    %dma_start3A_743 = tpu.memref_slice %arg8[%dma_start3A_741, %dma_start3A_742] : memref<128x128xf32, #tpu.memory_space<vmem>> -> memref<8x128xf32, #tpu.memory_space<vmem>>
    %dma_start3A_744 = tpu.memref_slice %arg2[%multiple_of3A_740, %multiple_of3A_735] : memref<4096x32000xf32, #tpu.memory_space<hbm>> -> memref<8x128xf32, #tpu.memory_space<hbm>>
    %dma_start3A_745 = arith.constant 32 : i32
    %dma_start3A_746 = arith.constant 0 : i32
    %dma_start3A_747 = tpu.memref_slice %arg8[%dma_start3A_745, %dma_start3A_746] : memref<128x128xf32, #tpu.memory_space<vmem>> -> memref<8x128xf32, #tpu.memory_space<vmem>>
    %dma_start3A_748 = tpu.memref_slice %arg2[%multiple_of3A_740, %multiple_of3A_735] : memref<4096x32000xf32, #tpu.memory_space<hbm>> -> memref<8x128xf32, #tpu.memory_space<hbm>>
    tpu.enqueue_dma source(%dma_start3A_748 : memref<8x128xf32, #tpu.memory_space<hbm>>) target(%dma_start3A_747 : memref<8x128xf32, #tpu.memory_space<vmem>>) target_semaphore(%arg12 : memref<!tpu.dma_semaphore, #tpu.memory_space<semaphore_mem>>)
    %slice3A_749 = vector.extract_strided_slice %get3A_658 {offsets = [5], sizes = [1], strides = [1]} : vector<16xi32> to vector<1xi32>
    %reshape3A_750 = vector.extract %slice3A_749[0] : i32 from vector<1xi32>
    %and3A_751 = arith.constant -128 : i32
    %and3A_752 = arith.andi %reshape3A_750, %and3A_751 : i32
    %multiple_of3A_753 = tpu.assume_multiple %and3A_752, 128 : i32
    %add3A_754 = arith.constant 37 : i32
    %add3A_755 = arith.addi %mul3A_2, %add3A_754 : i32
    %and3A_756 = arith.constant -8 : i32
    %and3A_757 = arith.andi %add3A_755, %and3A_756 : i32
    %multiple_of3A_758 = tpu.assume_multiple %and3A_757, 8 : i32
    %dma_start3A_759 = arith.constant 40 : i32
    %dma_start3A_760 = arith.constant 0 : i32
    %dma_start3A_761 = tpu.memref_slice %arg8[%dma_start3A_759, %dma_start3A_760] : memref<128x128xf32, #tpu.memory_space<vmem>> -> memref<8x128xf32, #tpu.memory_space<vmem>>
    %dma_start3A_762 = tpu.memref_slice %arg2[%multiple_of3A_758, %multiple_of3A_753] : memref<4096x32000xf32, #tpu.memory_space<hbm>> -> memref<8x128xf32, #tpu.memory_space<hbm>>
    %dma_start3A_763 = arith.constant 40 : i32
    %dma_start3A_764 = arith.constant 0 : i32
    %dma_start3A_765 = tpu.memref_slice %arg8[%dma_start3A_763, %dma_start3A_764] : memref<128x128xf32, #tpu.memory_space<vmem>> -> memref<8x128xf32, #tpu.memory_space<vmem>>
    %dma_start3A_766 = tpu.memref_slice %arg2[%multiple_of3A_758, %multiple_of3A_753] : memref<4096x32000xf32, #tpu.memory_space<hbm>> -> memref<8x128xf32, #tpu.memory_space<hbm>>
    tpu.enqueue_dma source(%dma_start3A_766 : memref<8x128xf32, #tpu.memory_space<hbm>>) target(%dma_start3A_765 : memref<8x128xf32, #tpu.memory_space<vmem>>) target_semaphore(%arg12 : memref<!tpu.dma_semaphore, #tpu.memory_space<semaphore_mem>>)
    %slice3A_767 = vector.extract_strided_slice %get3A_658 {offsets = [6], sizes = [1], strides = [1]} : vector<16xi32> to vector<1xi32>
    %reshape3A_768 = vector.extract %slice3A_767[0] : i32 from vector<1xi32>
    %and3A_769 = arith.constant -128 : i32
    %and3A_770 = arith.andi %reshape3A_768, %and3A_769 : i32
    %multiple_of3A_771 = tpu.assume_multiple %and3A_770, 128 : i32
    %add3A_772 = arith.constant 38 : i32
    %add3A_773 = arith.addi %mul3A_2, %add3A_772 : i32
    %and3A_774 = arith.constant -8 : i32
    %and3A_775 = arith.andi %add3A_773, %and3A_774 : i32
    %multiple_of3A_776 = tpu.assume_multiple %and3A_775, 8 : i32
    %dma_start3A_777 = arith.constant 48 : i32
    %dma_start3A_778 = arith.constant 0 : i32
    %dma_start3A_779 = tpu.memref_slice %arg8[%dma_start3A_777, %dma_start3A_778] : memref<128x128xf32, #tpu.memory_space<vmem>> -> memref<8x128xf32, #tpu.memory_space<vmem>>
    %dma_start3A_780 = tpu.memref_slice %arg2[%multiple_of3A_776, %multiple_of3A_771] : memref<4096x32000xf32, #tpu.memory_space<hbm>> -> memref<8x128xf32, #tpu.memory_space<hbm>>
    %dma_start3A_781 = arith.constant 48 : i32
    %dma_start3A_782 = arith.constant 0 : i32
    %dma_start3A_783 = tpu.memref_slice %arg8[%dma_start3A_781, %dma_start3A_782] : memref<128x128xf32, #tpu.memory_space<vmem>> -> memref<8x128xf32, #tpu.memory_space<vmem>>
    %dma_start3A_784 = tpu.memref_slice %arg2[%multiple_of3A_776, %multiple_of3A_771] : memref<4096x32000xf32, #tpu.memory_space<hbm>> -> memref<8x128xf32, #tpu.memory_space<hbm>>
    tpu.enqueue_dma source(%dma_start3A_784 : memref<8x128xf32, #tpu.memory_space<hbm>>) target(%dma_start3A_783 : memref<8x128xf32, #tpu.memory_space<vmem>>) target_semaphore(%arg12 : memref<!tpu.dma_semaphore, #tpu.memory_space<semaphore_mem>>)
    %slice3A_785 = vector.extract_strided_slice %get3A_658 {offsets = [7], sizes = [1], strides = [1]} : vector<16xi32> to vector<1xi32>
    %reshape3A_786 = vector.extract %slice3A_785[0] : i32 from vector<1xi32>
    %and3A_787 = arith.constant -128 : i32
    %and3A_788 = arith.andi %reshape3A_786, %and3A_787 : i32
    %multiple_of3A_789 = tpu.assume_multiple %and3A_788, 128 : i32
    %add3A_790 = arith.constant 39 : i32
    %add3A_791 = arith.addi %mul3A_2, %add3A_790 : i32
    %and3A_792 = arith.constant -8 : i32
    %and3A_793 = arith.andi %add3A_791, %and3A_792 : i32
    %multiple_of3A_794 = tpu.assume_multiple %and3A_793, 8 : i32
    %dma_start3A_795 = arith.constant 56 : i32
    %dma_start3A_796 = arith.constant 0 : i32
    %dma_start3A_797 = tpu.memref_slice %arg8[%dma_start3A_795, %dma_start3A_796] : memref<128x128xf32, #tpu.memory_space<vmem>> -> memref<8x128xf32, #tpu.memory_space<vmem>>
    %dma_start3A_798 = tpu.memref_slice %arg2[%multiple_of3A_794, %multiple_of3A_789] : memref<4096x32000xf32, #tpu.memory_space<hbm>> -> memref<8x128xf32, #tpu.memory_space<hbm>>
    %dma_start3A_799 = arith.constant 56 : i32
    %dma_start3A_800 = arith.constant 0 : i32
    %dma_start3A_801 = tpu.memref_slice %arg8[%dma_start3A_799, %dma_start3A_800] : memref<128x128xf32, #tpu.memory_space<vmem>> -> memref<8x128xf32, #tpu.memory_space<vmem>>
    %dma_start3A_802 = tpu.memref_slice %arg2[%multiple_of3A_794, %multiple_of3A_789] : memref<4096x32000xf32, #tpu.memory_space<hbm>> -> memref<8x128xf32, #tpu.memory_space<hbm>>
    tpu.enqueue_dma source(%dma_start3A_802 : memref<8x128xf32, #tpu.memory_space<hbm>>) target(%dma_start3A_801 : memref<8x128xf32, #tpu.memory_space<vmem>>) target_semaphore(%arg12 : memref<!tpu.dma_semaphore, #tpu.memory_space<semaphore_mem>>)
    %slice3A_803 = vector.extract_strided_slice %get3A_658 {offsets = [8], sizes = [1], strides = [1]} : vector<16xi32> to vector<1xi32>
    %reshape3A_804 = vector.extract %slice3A_803[0] : i32 from vector<1xi32>
    %and3A_805 = arith.constant -128 : i32
    %and3A_806 = arith.andi %reshape3A_804, %and3A_805 : i32
    %multiple_of3A_807 = tpu.assume_multiple %and3A_806, 128 : i32
    %add3A_808 = arith.constant 40 : i32
    %add3A_809 = arith.addi %mul3A_2, %add3A_808 : i32
    %and3A_810 = arith.constant -8 : i32
    %and3A_811 = arith.andi %add3A_809, %and3A_810 : i32
    %multiple_of3A_812 = tpu.assume_multiple %and3A_811, 8 : i32
    %dma_start3A_813 = arith.constant 64 : i32
    %dma_start3A_814 = arith.constant 0 : i32
    %dma_start3A_815 = tpu.memref_slice %arg8[%dma_start3A_813, %dma_start3A_814] : memref<128x128xf32, #tpu.memory_space<vmem>> -> memref<8x128xf32, #tpu.memory_space<vmem>>
    %dma_start3A_816 = tpu.memref_slice %arg2[%multiple_of3A_812, %multiple_of3A_807] : memref<4096x32000xf32, #tpu.memory_space<hbm>> -> memref<8x128xf32, #tpu.memory_space<hbm>>
    %dma_start3A_817 = arith.constant 64 : i32
    %dma_start3A_818 = arith.constant 0 : i32
    %dma_start3A_819 = tpu.memref_slice %arg8[%dma_start3A_817, %dma_start3A_818] : memref<128x128xf32, #tpu.memory_space<vmem>> -> memref<8x128xf32, #tpu.memory_space<vmem>>
    %dma_start3A_820 = tpu.memref_slice %arg2[%multiple_of3A_812, %multiple_of3A_807] : memref<4096x32000xf32, #tpu.memory_space<hbm>> -> memref<8x128xf32, #tpu.memory_space<hbm>>
    tpu.enqueue_dma source(%dma_start3A_820 : memref<8x128xf32, #tpu.memory_space<hbm>>) target(%dma_start3A_819 : memref<8x128xf32, #tpu.memory_space<vmem>>) target_semaphore(%arg12 : memref<!tpu.dma_semaphore, #tpu.memory_space<semaphore_mem>>)
    %slice3A_821 = vector.extract_strided_slice %get3A_658 {offsets = [9], sizes = [1], strides = [1]} : vector<16xi32> to vector<1xi32>
    %reshape3A_822 = vector.extract %slice3A_821[0] : i32 from vector<1xi32>
    %and3A_823 = arith.constant -128 : i32
    %and3A_824 = arith.andi %reshape3A_822, %and3A_823 : i32
    %multiple_of3A_825 = tpu.assume_multiple %and3A_824, 128 : i32
    %add3A_826 = arith.constant 41 : i32
    %add3A_827 = arith.addi %mul3A_2, %add3A_826 : i32
    %and3A_828 = arith.constant -8 : i32
    %and3A_829 = arith.andi %add3A_827, %and3A_828 : i32
    %multiple_of3A_830 = tpu.assume_multiple %and3A_829, 8 : i32
    %dma_start3A_831 = arith.constant 72 : i32
    %dma_start3A_832 = arith.constant 0 : i32
    %dma_start3A_833 = tpu.memref_slice %arg8[%dma_start3A_831, %dma_start3A_832] : memref<128x128xf32, #tpu.memory_space<vmem>> -> memref<8x128xf32, #tpu.memory_space<vmem>>
    %dma_start3A_834 = tpu.memref_slice %arg2[%multiple_of3A_830, %multiple_of3A_825] : memref<4096x32000xf32, #tpu.memory_space<hbm>> -> memref<8x128xf32, #tpu.memory_space<hbm>>
    %dma_start3A_835 = arith.constant 72 : i32
    %dma_start3A_836 = arith.constant 0 : i32
    %dma_start3A_837 = tpu.memref_slice %arg8[%dma_start3A_835, %dma_start3A_836] : memref<128x128xf32, #tpu.memory_space<vmem>> -> memref<8x128xf32, #tpu.memory_space<vmem>>
    %dma_start3A_838 = tpu.memref_slice %arg2[%multiple_of3A_830, %multiple_of3A_825] : memref<4096x32000xf32, #tpu.memory_space<hbm>> -> memref<8x128xf32, #tpu.memory_space<hbm>>
    tpu.enqueue_dma source(%dma_start3A_838 : memref<8x128xf32, #tpu.memory_space<hbm>>) target(%dma_start3A_837 : memref<8x128xf32, #tpu.memory_space<vmem>>) target_semaphore(%arg12 : memref<!tpu.dma_semaphore, #tpu.memory_space<semaphore_mem>>)
    %slice3A_839 = vector.extract_strided_slice %get3A_658 {offsets = [10], sizes = [1], strides = [1]} : vector<16xi32> to vector<1xi32>
    %reshape3A_840 = vector.extract %slice3A_839[0] : i32 from vector<1xi32>
    %and3A_841 = arith.constant -128 : i32
    %and3A_842 = arith.andi %reshape3A_840, %and3A_841 : i32
    %multiple_of3A_843 = tpu.assume_multiple %and3A_842, 128 : i32
    %add3A_844 = arith.constant 42 : i32
    %add3A_845 = arith.addi %mul3A_2, %add3A_844 : i32
    %and3A_846 = arith.constant -8 : i32
    %and3A_847 = arith.andi %add3A_845, %and3A_846 : i32
    %multiple_of3A_848 = tpu.assume_multiple %and3A_847, 8 : i32
    %dma_start3A_849 = arith.constant 80 : i32
    %dma_start3A_850 = arith.constant 0 : i32
    %dma_start3A_851 = tpu.memref_slice %arg8[%dma_start3A_849, %dma_start3A_850] : memref<128x128xf32, #tpu.memory_space<vmem>> -> memref<8x128xf32, #tpu.memory_space<vmem>>
    %dma_start3A_852 = tpu.memref_slice %arg2[%multiple_of3A_848, %multiple_of3A_843] : memref<4096x32000xf32, #tpu.memory_space<hbm>> -> memref<8x128xf32, #tpu.memory_space<hbm>>
    %dma_start3A_853 = arith.constant 80 : i32
    %dma_start3A_854 = arith.constant 0 : i32
    %dma_start3A_855 = tpu.memref_slice %arg8[%dma_start3A_853, %dma_start3A_854] : memref<128x128xf32, #tpu.memory_space<vmem>> -> memref<8x128xf32, #tpu.memory_space<vmem>>
    %dma_start3A_856 = tpu.memref_slice %arg2[%multiple_of3A_848, %multiple_of3A_843] : memref<4096x32000xf32, #tpu.memory_space<hbm>> -> memref<8x128xf32, #tpu.memory_space<hbm>>
    tpu.enqueue_dma source(%dma_start3A_856 : memref<8x128xf32, #tpu.memory_space<hbm>>) target(%dma_start3A_855 : memref<8x128xf32, #tpu.memory_space<vmem>>) target_semaphore(%arg12 : memref<!tpu.dma_semaphore, #tpu.memory_space<semaphore_mem>>)
    %slice3A_857 = vector.extract_strided_slice %get3A_658 {offsets = [11], sizes = [1], strides = [1]} : vector<16xi32> to vector<1xi32>
    %reshape3A_858 = vector.extract %slice3A_857[0] : i32 from vector<1xi32>
    %and3A_859 = arith.constant -128 : i32
    %and3A_860 = arith.andi %reshape3A_858, %and3A_859 : i32
    %multiple_of3A_861 = tpu.assume_multiple %and3A_860, 128 : i32
    %add3A_862 = arith.constant 43 : i32
    %add3A_863 = arith.addi %mul3A_2, %add3A_862 : i32
    %and3A_864 = arith.constant -8 : i32
    %and3A_865 = arith.andi %add3A_863, %and3A_864 : i32
    %multiple_of3A_866 = tpu.assume_multiple %and3A_865, 8 : i32
    %dma_start3A_867 = arith.constant 88 : i32
    %dma_start3A_868 = arith.constant 0 : i32
    %dma_start3A_869 = tpu.memref_slice %arg8[%dma_start3A_867, %dma_start3A_868] : memref<128x128xf32, #tpu.memory_space<vmem>> -> memref<8x128xf32, #tpu.memory_space<vmem>>
    %dma_start3A_870 = tpu.memref_slice %arg2[%multiple_of3A_866, %multiple_of3A_861] : memref<4096x32000xf32, #tpu.memory_space<hbm>> -> memref<8x128xf32, #tpu.memory_space<hbm>>
    %dma_start3A_871 = arith.constant 88 : i32
    %dma_start3A_872 = arith.constant 0 : i32
    %dma_start3A_873 = tpu.memref_slice %arg8[%dma_start3A_871, %dma_start3A_872] : memref<128x128xf32, #tpu.memory_space<vmem>> -> memref<8x128xf32, #tpu.memory_space<vmem>>
    %dma_start3A_874 = tpu.memref_slice %arg2[%multiple_of3A_866, %multiple_of3A_861] : memref<4096x32000xf32, #tpu.memory_space<hbm>> -> memref<8x128xf32, #tpu.memory_space<hbm>>
    tpu.enqueue_dma source(%dma_start3A_874 : memref<8x128xf32, #tpu.memory_space<hbm>>) target(%dma_start3A_873 : memref<8x128xf32, #tpu.memory_space<vmem>>) target_semaphore(%arg12 : memref<!tpu.dma_semaphore, #tpu.memory_space<semaphore_mem>>)
    %slice3A_875 = vector.extract_strided_slice %get3A_658 {offsets = [12], sizes = [1], strides = [1]} : vector<16xi32> to vector<1xi32>
    %reshape3A_876 = vector.extract %slice3A_875[0] : i32 from vector<1xi32>
    %and3A_877 = arith.constant -128 : i32
    %and3A_878 = arith.andi %reshape3A_876, %and3A_877 : i32
    %multiple_of3A_879 = tpu.assume_multiple %and3A_878, 128 : i32
    %add3A_880 = arith.constant 44 : i32
    %add3A_881 = arith.addi %mul3A_2, %add3A_880 : i32
    %and3A_882 = arith.constant -8 : i32
    %and3A_883 = arith.andi %add3A_881, %and3A_882 : i32
    %multiple_of3A_884 = tpu.assume_multiple %and3A_883, 8 : i32
    %dma_start3A_885 = arith.constant 96 : i32
    %dma_start3A_886 = arith.constant 0 : i32
    %dma_start3A_887 = tpu.memref_slice %arg8[%dma_start3A_885, %dma_start3A_886] : memref<128x128xf32, #tpu.memory_space<vmem>> -> memref<8x128xf32, #tpu.memory_space<vmem>>
    %dma_start3A_888 = tpu.memref_slice %arg2[%multiple_of3A_884, %multiple_of3A_879] : memref<4096x32000xf32, #tpu.memory_space<hbm>> -> memref<8x128xf32, #tpu.memory_space<hbm>>
    %dma_start3A_889 = arith.constant 96 : i32
    %dma_start3A_890 = arith.constant 0 : i32
    %dma_start3A_891 = tpu.memref_slice %arg8[%dma_start3A_889, %dma_start3A_890] : memref<128x128xf32, #tpu.memory_space<vmem>> -> memref<8x128xf32, #tpu.memory_space<vmem>>
    %dma_start3A_892 = tpu.memref_slice %arg2[%multiple_of3A_884, %multiple_of3A_879] : memref<4096x32000xf32, #tpu.memory_space<hbm>> -> memref<8x128xf32, #tpu.memory_space<hbm>>
    tpu.enqueue_dma source(%dma_start3A_892 : memref<8x128xf32, #tpu.memory_space<hbm>>) target(%dma_start3A_891 : memref<8x128xf32, #tpu.memory_space<vmem>>) target_semaphore(%arg12 : memref<!tpu.dma_semaphore, #tpu.memory_space<semaphore_mem>>)
    %slice3A_893 = vector.extract_strided_slice %get3A_658 {offsets = [13], sizes = [1], strides = [1]} : vector<16xi32> to vector<1xi32>
    %reshape3A_894 = vector.extract %slice3A_893[0] : i32 from vector<1xi32>
    %and3A_895 = arith.constant -128 : i32
    %and3A_896 = arith.andi %reshape3A_894, %and3A_895 : i32
    %multiple_of3A_897 = tpu.assume_multiple %and3A_896, 128 : i32
    %add3A_898 = arith.constant 45 : i32
    %add3A_899 = arith.addi %mul3A_2, %add3A_898 : i32
    %and3A_900 = arith.constant -8 : i32
    %and3A_901 = arith.andi %add3A_899, %and3A_900 : i32
    %multiple_of3A_902 = tpu.assume_multiple %and3A_901, 8 : i32
    %dma_start3A_903 = arith.constant 104 : i32
    %dma_start3A_904 = arith.constant 0 : i32
    %dma_start3A_905 = tpu.memref_slice %arg8[%dma_start3A_903, %dma_start3A_904] : memref<128x128xf32, #tpu.memory_space<vmem>> -> memref<8x128xf32, #tpu.memory_space<vmem>>
    %dma_start3A_906 = tpu.memref_slice %arg2[%multiple_of3A_902, %multiple_of3A_897] : memref<4096x32000xf32, #tpu.memory_space<hbm>> -> memref<8x128xf32, #tpu.memory_space<hbm>>
    %dma_start3A_907 = arith.constant 104 : i32
    %dma_start3A_908 = arith.constant 0 : i32
    %dma_start3A_909 = tpu.memref_slice %arg8[%dma_start3A_907, %dma_start3A_908] : memref<128x128xf32, #tpu.memory_space<vmem>> -> memref<8x128xf32, #tpu.memory_space<vmem>>
    %dma_start3A_910 = tpu.memref_slice %arg2[%multiple_of3A_902, %multiple_of3A_897] : memref<4096x32000xf32, #tpu.memory_space<hbm>> -> memref<8x128xf32, #tpu.memory_space<hbm>>
    tpu.enqueue_dma source(%dma_start3A_910 : memref<8x128xf32, #tpu.memory_space<hbm>>) target(%dma_start3A_909 : memref<8x128xf32, #tpu.memory_space<vmem>>) target_semaphore(%arg12 : memref<!tpu.dma_semaphore, #tpu.memory_space<semaphore_mem>>)
    %slice3A_911 = vector.extract_strided_slice %get3A_658 {offsets = [14], sizes = [1], strides = [1]} : vector<16xi32> to vector<1xi32>
    %reshape3A_912 = vector.extract %slice3A_911[0] : i32 from vector<1xi32>
    %and3A_913 = arith.constant -128 : i32
    %and3A_914 = arith.andi %reshape3A_912, %and3A_913 : i32
    %multiple_of3A_915 = tpu.assume_multiple %and3A_914, 128 : i32
    %add3A_916 = arith.constant 46 : i32
    %add3A_917 = arith.addi %mul3A_2, %add3A_916 : i32
    %and3A_918 = arith.constant -8 : i32
    %and3A_919 = arith.andi %add3A_917, %and3A_918 : i32
    %multiple_of3A_920 = tpu.assume_multiple %and3A_919, 8 : i32
    %dma_start3A_921 = arith.constant 112 : i32
    %dma_start3A_922 = arith.constant 0 : i32
    %dma_start3A_923 = tpu.memref_slice %arg8[%dma_start3A_921, %dma_start3A_922] : memref<128x128xf32, #tpu.memory_space<vmem>> -> memref<8x128xf32, #tpu.memory_space<vmem>>
    %dma_start3A_924 = tpu.memref_slice %arg2[%multiple_of3A_920, %multiple_of3A_915] : memref<4096x32000xf32, #tpu.memory_space<hbm>> -> memref<8x128xf32, #tpu.memory_space<hbm>>
    %dma_start3A_925 = arith.constant 112 : i32
    %dma_start3A_926 = arith.constant 0 : i32
    %dma_start3A_927 = tpu.memref_slice %arg8[%dma_start3A_925, %dma_start3A_926] : memref<128x128xf32, #tpu.memory_space<vmem>> -> memref<8x128xf32, #tpu.memory_space<vmem>>
    %dma_start3A_928 = tpu.memref_slice %arg2[%multiple_of3A_920, %multiple_of3A_915] : memref<4096x32000xf32, #tpu.memory_space<hbm>> -> memref<8x128xf32, #tpu.memory_space<hbm>>
    tpu.enqueue_dma source(%dma_start3A_928 : memref<8x128xf32, #tpu.memory_space<hbm>>) target(%dma_start3A_927 : memref<8x128xf32, #tpu.memory_space<vmem>>) target_semaphore(%arg12 : memref<!tpu.dma_semaphore, #tpu.memory_space<semaphore_mem>>)
    %slice3A_929 = vector.extract_strided_slice %get3A_658 {offsets = [15], sizes = [1], strides = [1]} : vector<16xi32> to vector<1xi32>
    %reshape3A_930 = vector.extract %slice3A_929[0] : i32 from vector<1xi32>
    %and3A_931 = arith.constant -128 : i32
    %and3A_932 = arith.andi %reshape3A_930, %and3A_931 : i32
    %multiple_of3A_933 = tpu.assume_multiple %and3A_932, 128 : i32
    %add3A_934 = arith.constant 47 : i32
    %add3A_935 = arith.addi %mul3A_2, %add3A_934 : i32
    %and3A_936 = arith.constant -8 : i32
    %and3A_937 = arith.andi %add3A_935, %and3A_936 : i32
    %multiple_of3A_938 = tpu.assume_multiple %and3A_937, 8 : i32
    %dma_start3A_939 = arith.constant 120 : i32
    %dma_start3A_940 = arith.constant 0 : i32
    %dma_start3A_941 = tpu.memref_slice %arg8[%dma_start3A_939, %dma_start3A_940] : memref<128x128xf32, #tpu.memory_space<vmem>> -> memref<8x128xf32, #tpu.memory_space<vmem>>
    %dma_start3A_942 = tpu.memref_slice %arg2[%multiple_of3A_938, %multiple_of3A_933] : memref<4096x32000xf32, #tpu.memory_space<hbm>> -> memref<8x128xf32, #tpu.memory_space<hbm>>
    %dma_start3A_943 = arith.constant 120 : i32
    %dma_start3A_944 = arith.constant 0 : i32
    %dma_start3A_945 = tpu.memref_slice %arg8[%dma_start3A_943, %dma_start3A_944] : memref<128x128xf32, #tpu.memory_space<vmem>> -> memref<8x128xf32, #tpu.memory_space<vmem>>
    %dma_start3A_946 = tpu.memref_slice %arg2[%multiple_of3A_938, %multiple_of3A_933] : memref<4096x32000xf32, #tpu.memory_space<hbm>> -> memref<8x128xf32, #tpu.memory_space<hbm>>
    tpu.enqueue_dma source(%dma_start3A_946 : memref<8x128xf32, #tpu.memory_space<hbm>>) target(%dma_start3A_945 : memref<8x128xf32, #tpu.memory_space<vmem>>) target_semaphore(%arg12 : memref<!tpu.dma_semaphore, #tpu.memory_space<semaphore_mem>>)
    %dma_wait3A = arith.constant 0 : i32
    %dma_wait3A_947 = arith.constant 0 : i32
    %dma_wait3A_948 = tpu.memref_slice %arg6[%dma_wait3A, %dma_wait3A_947] : memref<128x128xf32, #tpu.memory_space<vmem>> -> memref<8x128xf32, #tpu.memory_space<vmem>>
    %dma_wait3A_949 = tpu.memref_slice %arg2[%multiple_of3A_51, %multiple_of3A] : memref<4096x32000xf32, #tpu.memory_space<hbm>> -> memref<8x128xf32, #tpu.memory_space<hbm>>
    %dma_wait3A_950 = arith.constant 0 : i32
    %dma_wait3A_951 = arith.constant 0 : i32
    %dma_wait3A_952 = tpu.memref_slice %arg6[%dma_wait3A_950, %dma_wait3A_951] : memref<128x128xf32, #tpu.memory_space<vmem>> -> memref<8x128xf32, #tpu.memory_space<vmem>>
    %dma_wait3A_953 = tpu.memref_slice %arg2[%multiple_of3A_51, %multiple_of3A] : memref<4096x32000xf32, #tpu.memory_space<hbm>> -> memref<8x128xf32, #tpu.memory_space<hbm>>
    tpu.wait_dma2 semaphore(%arg10 : memref<!tpu.dma_semaphore, #tpu.memory_space<semaphore_mem>>) src(%dma_wait3A_953 : memref<8x128xf32, #tpu.memory_space<hbm>>) dst(%dma_wait3A_952 : memref<8x128xf32, #tpu.memory_space<vmem>>)
    %dma_wait3A_954 = arith.constant 8 : i32
    %dma_wait3A_955 = arith.constant 0 : i32
    %dma_wait3A_956 = tpu.memref_slice %arg6[%dma_wait3A_954, %dma_wait3A_955] : memref<128x128xf32, #tpu.memory_space<vmem>> -> memref<8x128xf32, #tpu.memory_space<vmem>>
    %dma_wait3A_957 = tpu.memref_slice %arg2[%multiple_of3A_68, %multiple_of3A_63] : memref<4096x32000xf32, #tpu.memory_space<hbm>> -> memref<8x128xf32, #tpu.memory_space<hbm>>
    %dma_wait3A_958 = arith.constant 8 : i32
    %dma_wait3A_959 = arith.constant 0 : i32
    %dma_wait3A_960 = tpu.memref_slice %arg6[%dma_wait3A_958, %dma_wait3A_959] : memref<128x128xf32, #tpu.memory_space<vmem>> -> memref<8x128xf32, #tpu.memory_space<vmem>>
    %dma_wait3A_961 = tpu.memref_slice %arg2[%multiple_of3A_68, %multiple_of3A_63] : memref<4096x32000xf32, #tpu.memory_space<hbm>> -> memref<8x128xf32, #tpu.memory_space<hbm>>
    tpu.wait_dma2 semaphore(%arg10 : memref<!tpu.dma_semaphore, #tpu.memory_space<semaphore_mem>>) src(%dma_wait3A_961 : memref<8x128xf32, #tpu.memory_space<hbm>>) dst(%dma_wait3A_960 : memref<8x128xf32, #tpu.memory_space<vmem>>)
    %dma_wait3A_962 = arith.constant 16 : i32
    %dma_wait3A_963 = arith.constant 0 : i32
    %dma_wait3A_964 = tpu.memref_slice %arg6[%dma_wait3A_962, %dma_wait3A_963] : memref<128x128xf32, #tpu.memory_space<vmem>> -> memref<8x128xf32, #tpu.memory_space<vmem>>
    %dma_wait3A_965 = tpu.memref_slice %arg2[%multiple_of3A_86, %multiple_of3A_81] : memref<4096x32000xf32, #tpu.memory_space<hbm>> -> memref<8x128xf32, #tpu.memory_space<hbm>>
    %dma_wait3A_966 = arith.constant 16 : i32
    %dma_wait3A_967 = arith.constant 0 : i32
    %dma_wait3A_968 = tpu.memref_slice %arg6[%dma_wait3A_966, %dma_wait3A_967] : memref<128x128xf32, #tpu.memory_space<vmem>> -> memref<8x128xf32, #tpu.memory_space<vmem>>
    %dma_wait3A_969 = tpu.memref_slice %arg2[%multiple_of3A_86, %multiple_of3A_81] : memref<4096x32000xf32, #tpu.memory_space<hbm>> -> memref<8x128xf32, #tpu.memory_space<hbm>>
    tpu.wait_dma2 semaphore(%arg10 : memref<!tpu.dma_semaphore, #tpu.memory_space<semaphore_mem>>) src(%dma_wait3A_969 : memref<8x128xf32, #tpu.memory_space<hbm>>) dst(%dma_wait3A_968 : memref<8x128xf32, #tpu.memory_space<vmem>>)
    %dma_wait3A_970 = arith.constant 24 : i32
    %dma_wait3A_971 = arith.constant 0 : i32
    %dma_wait3A_972 = tpu.memref_slice %arg6[%dma_wait3A_970, %dma_wait3A_971] : memref<128x128xf32, #tpu.memory_space<vmem>> -> memref<8x128xf32, #tpu.memory_space<vmem>>
    %dma_wait3A_973 = tpu.memref_slice %arg2[%multiple_of3A_104, %multiple_of3A_99] : memref<4096x32000xf32, #tpu.memory_space<hbm>> -> memref<8x128xf32, #tpu.memory_space<hbm>>
    %dma_wait3A_974 = arith.constant 24 : i32
    %dma_wait3A_975 = arith.constant 0 : i32
    %dma_wait3A_976 = tpu.memref_slice %arg6[%dma_wait3A_974, %dma_wait3A_975] : memref<128x128xf32, #tpu.memory_space<vmem>> -> memref<8x128xf32, #tpu.memory_space<vmem>>
    %dma_wait3A_977 = tpu.memref_slice %arg2[%multiple_of3A_104, %multiple_of3A_99] : memref<4096x32000xf32, #tpu.memory_space<hbm>> -> memref<8x128xf32, #tpu.memory_space<hbm>>
    tpu.wait_dma2 semaphore(%arg10 : memref<!tpu.dma_semaphore, #tpu.memory_space<semaphore_mem>>) src(%dma_wait3A_977 : memref<8x128xf32, #tpu.memory_space<hbm>>) dst(%dma_wait3A_976 : memref<8x128xf32, #tpu.memory_space<vmem>>)
    %dma_wait3A_978 = arith.constant 32 : i32
    %dma_wait3A_979 = arith.constant 0 : i32
    %dma_wait3A_980 = tpu.memref_slice %arg6[%dma_wait3A_978, %dma_wait3A_979] : memref<128x128xf32, #tpu.memory_space<vmem>> -> memref<8x128xf32, #tpu.memory_space<vmem>>
    %dma_wait3A_981 = tpu.memref_slice %arg2[%multiple_of3A_122, %multiple_of3A_117] : memref<4096x32000xf32, #tpu.memory_space<hbm>> -> memref<8x128xf32, #tpu.memory_space<hbm>>
    %dma_wait3A_982 = arith.constant 32 : i32
    %dma_wait3A_983 = arith.constant 0 : i32
    %dma_wait3A_984 = tpu.memref_slice %arg6[%dma_wait3A_982, %dma_wait3A_983] : memref<128x128xf32, #tpu.memory_space<vmem>> -> memref<8x128xf32, #tpu.memory_space<vmem>>
    %dma_wait3A_985 = tpu.memref_slice %arg2[%multiple_of3A_122, %multiple_of3A_117] : memref<4096x32000xf32, #tpu.memory_space<hbm>> -> memref<8x128xf32, #tpu.memory_space<hbm>>
    tpu.wait_dma2 semaphore(%arg10 : memref<!tpu.dma_semaphore, #tpu.memory_space<semaphore_mem>>) src(%dma_wait3A_985 : memref<8x128xf32, #tpu.memory_space<hbm>>) dst(%dma_wait3A_984 : memref<8x128xf32, #tpu.memory_space<vmem>>)
    %dma_wait3A_986 = arith.constant 40 : i32
    %dma_wait3A_987 = arith.constant 0 : i32
    %dma_wait3A_988 = tpu.memref_slice %arg6[%dma_wait3A_986, %dma_wait3A_987] : memref<128x128xf32, #tpu.memory_space<vmem>> -> memref<8x128xf32, #tpu.memory_space<vmem>>
    %dma_wait3A_989 = tpu.memref_slice %arg2[%multiple_of3A_140, %multiple_of3A_135] : memref<4096x32000xf32, #tpu.memory_space<hbm>> -> memref<8x128xf32, #tpu.memory_space<hbm>>
    %dma_wait3A_990 = arith.constant 40 : i32
    %dma_wait3A_991 = arith.constant 0 : i32
    %dma_wait3A_992 = tpu.memref_slice %arg6[%dma_wait3A_990, %dma_wait3A_991] : memref<128x128xf32, #tpu.memory_space<vmem>> -> memref<8x128xf32, #tpu.memory_space<vmem>>
    %dma_wait3A_993 = tpu.memref_slice %arg2[%multiple_of3A_140, %multiple_of3A_135] : memref<4096x32000xf32, #tpu.memory_space<hbm>> -> memref<8x128xf32, #tpu.memory_space<hbm>>
    tpu.wait_dma2 semaphore(%arg10 : memref<!tpu.dma_semaphore, #tpu.memory_space<semaphore_mem>>) src(%dma_wait3A_993 : memref<8x128xf32, #tpu.memory_space<hbm>>) dst(%dma_wait3A_992 : memref<8x128xf32, #tpu.memory_space<vmem>>)
    %dma_wait3A_994 = arith.constant 48 : i32
    %dma_wait3A_995 = arith.constant 0 : i32
    %dma_wait3A_996 = tpu.memref_slice %arg6[%dma_wait3A_994, %dma_wait3A_995] : memref<128x128xf32, #tpu.memory_space<vmem>> -> memref<8x128xf32, #tpu.memory_space<vmem>>
    %dma_wait3A_997 = tpu.memref_slice %arg2[%multiple_of3A_158, %multiple_of3A_153] : memref<4096x32000xf32, #tpu.memory_space<hbm>> -> memref<8x128xf32, #tpu.memory_space<hbm>>
    %dma_wait3A_998 = arith.constant 48 : i32
    %dma_wait3A_999 = arith.constant 0 : i32
    %dma_wait3A_1000 = tpu.memref_slice %arg6[%dma_wait3A_998, %dma_wait3A_999] : memref<128x128xf32, #tpu.memory_space<vmem>> -> memref<8x128xf32, #tpu.memory_space<vmem>>
    %dma_wait3A_1001 = tpu.memref_slice %arg2[%multiple_of3A_158, %multiple_of3A_153] : memref<4096x32000xf32, #tpu.memory_space<hbm>> -> memref<8x128xf32, #tpu.memory_space<hbm>>
    tpu.wait_dma2 semaphore(%arg10 : memref<!tpu.dma_semaphore, #tpu.memory_space<semaphore_mem>>) src(%dma_wait3A_1001 : memref<8x128xf32, #tpu.memory_space<hbm>>) dst(%dma_wait3A_1000 : memref<8x128xf32, #tpu.memory_space<vmem>>)
    %dma_wait3A_1002 = arith.constant 56 : i32
    %dma_wait3A_1003 = arith.constant 0 : i32
    %dma_wait3A_1004 = tpu.memref_slice %arg6[%dma_wait3A_1002, %dma_wait3A_1003] : memref<128x128xf32, #tpu.memory_space<vmem>> -> memref<8x128xf32, #tpu.memory_space<vmem>>
    %dma_wait3A_1005 = tpu.memref_slice %arg2[%multiple_of3A_176, %multiple_of3A_171] : memref<4096x32000xf32, #tpu.memory_space<hbm>> -> memref<8x128xf32, #tpu.memory_space<hbm>>
    %dma_wait3A_1006 = arith.constant 56 : i32
    %dma_wait3A_1007 = arith.constant 0 : i32
    %dma_wait3A_1008 = tpu.memref_slice %arg6[%dma_wait3A_1006, %dma_wait3A_1007] : memref<128x128xf32, #tpu.memory_space<vmem>> -> memref<8x128xf32, #tpu.memory_space<vmem>>
    %dma_wait3A_1009 = tpu.memref_slice %arg2[%multiple_of3A_176, %multiple_of3A_171] : memref<4096x32000xf32, #tpu.memory_space<hbm>> -> memref<8x128xf32, #tpu.memory_space<hbm>>
    tpu.wait_dma2 semaphore(%arg10 : memref<!tpu.dma_semaphore, #tpu.memory_space<semaphore_mem>>) src(%dma_wait3A_1009 : memref<8x128xf32, #tpu.memory_space<hbm>>) dst(%dma_wait3A_1008 : memref<8x128xf32, #tpu.memory_space<vmem>>)
    %dma_wait3A_1010 = arith.constant 64 : i32
    %dma_wait3A_1011 = arith.constant 0 : i32
    %dma_wait3A_1012 = tpu.memref_slice %arg6[%dma_wait3A_1010, %dma_wait3A_1011] : memref<128x128xf32, #tpu.memory_space<vmem>> -> memref<8x128xf32, #tpu.memory_space<vmem>>
    %dma_wait3A_1013 = tpu.memref_slice %arg2[%multiple_of3A_194, %multiple_of3A_189] : memref<4096x32000xf32, #tpu.memory_space<hbm>> -> memref<8x128xf32, #tpu.memory_space<hbm>>
    %dma_wait3A_1014 = arith.constant 64 : i32
    %dma_wait3A_1015 = arith.constant 0 : i32
    %dma_wait3A_1016 = tpu.memref_slice %arg6[%dma_wait3A_1014, %dma_wait3A_1015] : memref<128x128xf32, #tpu.memory_space<vmem>> -> memref<8x128xf32, #tpu.memory_space<vmem>>
    %dma_wait3A_1017 = tpu.memref_slice %arg2[%multiple_of3A_194, %multiple_of3A_189] : memref<4096x32000xf32, #tpu.memory_space<hbm>> -> memref<8x128xf32, #tpu.memory_space<hbm>>
    tpu.wait_dma2 semaphore(%arg10 : memref<!tpu.dma_semaphore, #tpu.memory_space<semaphore_mem>>) src(%dma_wait3A_1017 : memref<8x128xf32, #tpu.memory_space<hbm>>) dst(%dma_wait3A_1016 : memref<8x128xf32, #tpu.memory_space<vmem>>)
    %dma_wait3A_1018 = arith.constant 72 : i32
    %dma_wait3A_1019 = arith.constant 0 : i32
    %dma_wait3A_1020 = tpu.memref_slice %arg6[%dma_wait3A_1018, %dma_wait3A_1019] : memref<128x128xf32, #tpu.memory_space<vmem>> -> memref<8x128xf32, #tpu.memory_space<vmem>>
    %dma_wait3A_1021 = tpu.memref_slice %arg2[%multiple_of3A_212, %multiple_of3A_207] : memref<4096x32000xf32, #tpu.memory_space<hbm>> -> memref<8x128xf32, #tpu.memory_space<hbm>>
    %dma_wait3A_1022 = arith.constant 72 : i32
    %dma_wait3A_1023 = arith.constant 0 : i32
    %dma_wait3A_1024 = tpu.memref_slice %arg6[%dma_wait3A_1022, %dma_wait3A_1023] : memref<128x128xf32, #tpu.memory_space<vmem>> -> memref<8x128xf32, #tpu.memory_space<vmem>>
    %dma_wait3A_1025 = tpu.memref_slice %arg2[%multiple_of3A_212, %multiple_of3A_207] : memref<4096x32000xf32, #tpu.memory_space<hbm>> -> memref<8x128xf32, #tpu.memory_space<hbm>>
    tpu.wait_dma2 semaphore(%arg10 : memref<!tpu.dma_semaphore, #tpu.memory_space<semaphore_mem>>) src(%dma_wait3A_1025 : memref<8x128xf32, #tpu.memory_space<hbm>>) dst(%dma_wait3A_1024 : memref<8x128xf32, #tpu.memory_space<vmem>>)
    %dma_wait3A_1026 = arith.constant 80 : i32
    %dma_wait3A_1027 = arith.constant 0 : i32
    %dma_wait3A_1028 = tpu.memref_slice %arg6[%dma_wait3A_1026, %dma_wait3A_1027] : memref<128x128xf32, #tpu.memory_space<vmem>> -> memref<8x128xf32, #tpu.memory_space<vmem>>
    %dma_wait3A_1029 = tpu.memref_slice %arg2[%multiple_of3A_230, %multiple_of3A_225] : memref<4096x32000xf32, #tpu.memory_space<hbm>> -> memref<8x128xf32, #tpu.memory_space<hbm>>
    %dma_wait3A_1030 = arith.constant 80 : i32
    %dma_wait3A_1031 = arith.constant 0 : i32
    %dma_wait3A_1032 = tpu.memref_slice %arg6[%dma_wait3A_1030, %dma_wait3A_1031] : memref<128x128xf32, #tpu.memory_space<vmem>> -> memref<8x128xf32, #tpu.memory_space<vmem>>
    %dma_wait3A_1033 = tpu.memref_slice %arg2[%multiple_of3A_230, %multiple_of3A_225] : memref<4096x32000xf32, #tpu.memory_space<hbm>> -> memref<8x128xf32, #tpu.memory_space<hbm>>
    tpu.wait_dma2 semaphore(%arg10 : memref<!tpu.dma_semaphore, #tpu.memory_space<semaphore_mem>>) src(%dma_wait3A_1033 : memref<8x128xf32, #tpu.memory_space<hbm>>) dst(%dma_wait3A_1032 : memref<8x128xf32, #tpu.memory_space<vmem>>)
    %dma_wait3A_1034 = arith.constant 88 : i32
    %dma_wait3A_1035 = arith.constant 0 : i32
    %dma_wait3A_1036 = tpu.memref_slice %arg6[%dma_wait3A_1034, %dma_wait3A_1035] : memref<128x128xf32, #tpu.memory_space<vmem>> -> memref<8x128xf32, #tpu.memory_space<vmem>>
    %dma_wait3A_1037 = tpu.memref_slice %arg2[%multiple_of3A_248, %multiple_of3A_243] : memref<4096x32000xf32, #tpu.memory_space<hbm>> -> memref<8x128xf32, #tpu.memory_space<hbm>>
    %dma_wait3A_1038 = arith.constant 88 : i32
    %dma_wait3A_1039 = arith.constant 0 : i32
    %dma_wait3A_1040 = tpu.memref_slice %arg6[%dma_wait3A_1038, %dma_wait3A_1039] : memref<128x128xf32, #tpu.memory_space<vmem>> -> memref<8x128xf32, #tpu.memory_space<vmem>>
    %dma_wait3A_1041 = tpu.memref_slice %arg2[%multiple_of3A_248, %multiple_of3A_243] : memref<4096x32000xf32, #tpu.memory_space<hbm>> -> memref<8x128xf32, #tpu.memory_space<hbm>>
    tpu.wait_dma2 semaphore(%arg10 : memref<!tpu.dma_semaphore, #tpu.memory_space<semaphore_mem>>) src(%dma_wait3A_1041 : memref<8x128xf32, #tpu.memory_space<hbm>>) dst(%dma_wait3A_1040 : memref<8x128xf32, #tpu.memory_space<vmem>>)
    %dma_wait3A_1042 = arith.constant 96 : i32
    %dma_wait3A_1043 = arith.constant 0 : i32
    %dma_wait3A_1044 = tpu.memref_slice %arg6[%dma_wait3A_1042, %dma_wait3A_1043] : memref<128x128xf32, #tpu.memory_space<vmem>> -> memref<8x128xf32, #tpu.memory_space<vmem>>
    %dma_wait3A_1045 = tpu.memref_slice %arg2[%multiple_of3A_266, %multiple_of3A_261] : memref<4096x32000xf32, #tpu.memory_space<hbm>> -> memref<8x128xf32, #tpu.memory_space<hbm>>
    %dma_wait3A_1046 = arith.constant 96 : i32
    %dma_wait3A_1047 = arith.constant 0 : i32
    %dma_wait3A_1048 = tpu.memref_slice %arg6[%dma_wait3A_1046, %dma_wait3A_1047] : memref<128x128xf32, #tpu.memory_space<vmem>> -> memref<8x128xf32, #tpu.memory_space<vmem>>
    %dma_wait3A_1049 = tpu.memref_slice %arg2[%multiple_of3A_266, %multiple_of3A_261] : memref<4096x32000xf32, #tpu.memory_space<hbm>> -> memref<8x128xf32, #tpu.memory_space<hbm>>
    tpu.wait_dma2 semaphore(%arg10 : memref<!tpu.dma_semaphore, #tpu.memory_space<semaphore_mem>>) src(%dma_wait3A_1049 : memref<8x128xf32, #tpu.memory_space<hbm>>) dst(%dma_wait3A_1048 : memref<8x128xf32, #tpu.memory_space<vmem>>)
    %dma_wait3A_1050 = arith.constant 104 : i32
    %dma_wait3A_1051 = arith.constant 0 : i32
    %dma_wait3A_1052 = tpu.memref_slice %arg6[%dma_wait3A_1050, %dma_wait3A_1051] : memref<128x128xf32, #tpu.memory_space<vmem>> -> memref<8x128xf32, #tpu.memory_space<vmem>>
    %dma_wait3A_1053 = tpu.memref_slice %arg2[%multiple_of3A_284, %multiple_of3A_279] : memref<4096x32000xf32, #tpu.memory_space<hbm>> -> memref<8x128xf32, #tpu.memory_space<hbm>>
    %dma_wait3A_1054 = arith.constant 104 : i32
    %dma_wait3A_1055 = arith.constant 0 : i32
    %dma_wait3A_1056 = tpu.memref_slice %arg6[%dma_wait3A_1054, %dma_wait3A_1055] : memref<128x128xf32, #tpu.memory_space<vmem>> -> memref<8x128xf32, #tpu.memory_space<vmem>>
    %dma_wait3A_1057 = tpu.memref_slice %arg2[%multiple_of3A_284, %multiple_of3A_279] : memref<4096x32000xf32, #tpu.memory_space<hbm>> -> memref<8x128xf32, #tpu.memory_space<hbm>>
    tpu.wait_dma2 semaphore(%arg10 : memref<!tpu.dma_semaphore, #tpu.memory_space<semaphore_mem>>) src(%dma_wait3A_1057 : memref<8x128xf32, #tpu.memory_space<hbm>>) dst(%dma_wait3A_1056 : memref<8x128xf32, #tpu.memory_space<vmem>>)
    %dma_wait3A_1058 = arith.constant 112 : i32
    %dma_wait3A_1059 = arith.constant 0 : i32
    %dma_wait3A_1060 = tpu.memref_slice %arg6[%dma_wait3A_1058, %dma_wait3A_1059] : memref<128x128xf32, #tpu.memory_space<vmem>> -> memref<8x128xf32, #tpu.memory_space<vmem>>
    %dma_wait3A_1061 = tpu.memref_slice %arg2[%multiple_of3A_302, %multiple_of3A_297] : memref<4096x32000xf32, #tpu.memory_space<hbm>> -> memref<8x128xf32, #tpu.memory_space<hbm>>
    %dma_wait3A_1062 = arith.constant 112 : i32
    %dma_wait3A_1063 = arith.constant 0 : i32
    %dma_wait3A_1064 = tpu.memref_slice %arg6[%dma_wait3A_1062, %dma_wait3A_1063] : memref<128x128xf32, #tpu.memory_space<vmem>> -> memref<8x128xf32, #tpu.memory_space<vmem>>
    %dma_wait3A_1065 = tpu.memref_slice %arg2[%multiple_of3A_302, %multiple_of3A_297] : memref<4096x32000xf32, #tpu.memory_space<hbm>> -> memref<8x128xf32, #tpu.memory_space<hbm>>
    tpu.wait_dma2 semaphore(%arg10 : memref<!tpu.dma_semaphore, #tpu.memory_space<semaphore_mem>>) src(%dma_wait3A_1065 : memref<8x128xf32, #tpu.memory_space<hbm>>) dst(%dma_wait3A_1064 : memref<8x128xf32, #tpu.memory_space<vmem>>)
    %dma_wait3A_1066 = arith.constant 120 : i32
    %dma_wait3A_1067 = arith.constant 0 : i32
    %dma_wait3A_1068 = tpu.memref_slice %arg6[%dma_wait3A_1066, %dma_wait3A_1067] : memref<128x128xf32, #tpu.memory_space<vmem>> -> memref<8x128xf32, #tpu.memory_space<vmem>>
    %dma_wait3A_1069 = tpu.memref_slice %arg2[%multiple_of3A_320, %multiple_of3A_315] : memref<4096x32000xf32, #tpu.memory_space<hbm>> -> memref<8x128xf32, #tpu.memory_space<hbm>>
    %dma_wait3A_1070 = arith.constant 120 : i32
    %dma_wait3A_1071 = arith.constant 0 : i32
    %dma_wait3A_1072 = tpu.memref_slice %arg6[%dma_wait3A_1070, %dma_wait3A_1071] : memref<128x128xf32, #tpu.memory_space<vmem>> -> memref<8x128xf32, #tpu.memory_space<vmem>>
    %dma_wait3A_1073 = tpu.memref_slice %arg2[%multiple_of3A_320, %multiple_of3A_315] : memref<4096x32000xf32, #tpu.memory_space<hbm>> -> memref<8x128xf32, #tpu.memory_space<hbm>>
    tpu.wait_dma2 semaphore(%arg10 : memref<!tpu.dma_semaphore, #tpu.memory_space<semaphore_mem>>) src(%dma_wait3A_1073 : memref<8x128xf32, #tpu.memory_space<hbm>>) dst(%dma_wait3A_1072 : memref<8x128xf32, #tpu.memory_space<vmem>>)
    %and3A_1074 = arith.constant 127 : i32
    %and3A_1075 = vector.broadcast %and3A_1074 : i32 to vector<16xi32>
    %and3A_1076 = arith.andi %get3A_44, %and3A_1075 : vector<16xi32>
    %gather3A = tpu.vector_load_idx %arg6[%add3A_25, %and3A_1076] : memref<128x128xf32, #tpu.memory_space<vmem>>[vector<16xi32>, vector<16xi32>], vector<16xf32>,
    %add3A_1077 = arith.addf %broadcast_in_dim3A_26, %gather3A : vector<16xf32>
    %jit3A_1078 = arith.constant 2048 : i32
    %eq3A_1079 = arith.constant 0 : i32
    %eq3A_1080 = arith.cmpi eq, %jit3A_1078, %eq3A_1079 : i32
    %jit3A_1081 = arith.constant 1 : i32
    %select_n3A_1082 = arith.select %eq3A_1080, %jit3A_1081, %jit3A_1078 : i32
    %rem3A_1083 = arith.remsi %mul3A_2, %select_n3A_1082 : i32
    %ne3A_1084 = arith.constant 0 : i32
    %ne3A_1085 = arith.cmpi ne, %rem3A_1083, %ne3A_1084 : i32
    %lt3A_1086 = arith.constant 0 : i32
    %lt3A_1087 = arith.cmpi slt, %rem3A_1083, %lt3A_1086 : i32
    %lt3A_1088 = arith.constant 0 : i32
    %lt3A_1089 = arith.cmpi slt, %select_n3A_1082, %lt3A_1088 : i32
    %ne3A_1090 = arith.xori %lt3A_1087, %lt3A_1089 : i1
    %and3A_1091 = arith.andi %ne3A_1090, %ne3A_1085 : i1
    %add3A_1092 = arith.addi %rem3A_1083, %select_n3A_1082 : i32
    %select_n3A_1093 = arith.select %and3A_1091, %add3A_1092, %rem3A_1083 : i32
    %add3A_1094 = arith.constant 48 : i32
    %add3A_1095 = arith.addi %select_n3A_1093, %add3A_1094 : i32
    %get3A_1096 = arith.index_cast %select_n3A : i32 to index
    %get3A_1097 = arith.index_cast %add3A_1095 : i32 to index
    %get3A_1098 = tpu.vector_load %arg5[%get3A_1096, %get3A_1097] {strides = array<i32>} : memref<2x2048xi32, #tpu.memory_space<vmem>>, vector<16xi32>,
    %slice3A_1099 = vector.extract_strided_slice %get3A_1098 {offsets = [0], sizes = [1], strides = [1]} : vector<16xi32> to vector<1xi32>
    %reshape3A_1100 = vector.extract %slice3A_1099[0] : i32 from vector<1xi32>
    %and3A_1101 = arith.constant -128 : i32
    %and3A_1102 = arith.andi %reshape3A_1100, %and3A_1101 : i32
    %multiple_of3A_1103 = tpu.assume_multiple %and3A_1102, 128 : i32
    %add3A_1104 = arith.constant 48 : i32
    %add3A_1105 = arith.addi %mul3A_2, %add3A_1104 : i32
    %and3A_1106 = arith.constant -8 : i32
    %and3A_1107 = arith.andi %add3A_1105, %and3A_1106 : i32
    %multiple_of3A_1108 = tpu.assume_multiple %and3A_1107, 8 : i32
    %dma_start3A_1109 = arith.constant 0 : i32
    %dma_start3A_1110 = arith.constant 0 : i32
    %dma_start3A_1111 = tpu.memref_slice %arg6[%dma_start3A_1109, %dma_start3A_1110] : memref<128x128xf32, #tpu.memory_space<vmem>> -> memref<8x128xf32, #tpu.memory_space<vmem>>
    %dma_start3A_1112 = tpu.memref_slice %arg2[%multiple_of3A_1108, %multiple_of3A_1103] : memref<4096x32000xf32, #tpu.memory_space<hbm>> -> memref<8x128xf32, #tpu.memory_space<hbm>>
    %dma_start3A_1113 = arith.constant 0 : i32
    %dma_start3A_1114 = arith.constant 0 : i32
    %dma_start3A_1115 = tpu.memref_slice %arg6[%dma_start3A_1113, %dma_start3A_1114] : memref<128x128xf32, #tpu.memory_space<vmem>> -> memref<8x128xf32, #tpu.memory_space<vmem>>
    %dma_start3A_1116 = tpu.memref_slice %arg2[%multiple_of3A_1108, %multiple_of3A_1103] : memref<4096x32000xf32, #tpu.memory_space<hbm>> -> memref<8x128xf32, #tpu.memory_space<hbm>>
    tpu.enqueue_dma source(%dma_start3A_1116 : memref<8x128xf32, #tpu.memory_space<hbm>>) target(%dma_start3A_1115 : memref<8x128xf32, #tpu.memory_space<vmem>>) target_semaphore(%arg10 : memref<!tpu.dma_semaphore, #tpu.memory_space<semaphore_mem>>)
    %slice3A_1117 = vector.extract_strided_slice %get3A_1098 {offsets = [1], sizes = [1], strides = [1]} : vector<16xi32> to vector<1xi32>
    %reshape3A_1118 = vector.extract %slice3A_1117[0] : i32 from vector<1xi32>
    %and3A_1119 = arith.constant -128 : i32
    %and3A_1120 = arith.andi %reshape3A_1118, %and3A_1119 : i32
    %multiple_of3A_1121 = tpu.assume_multiple %and3A_1120, 128 : i32
    %add3A_1122 = arith.constant 49 : i32
    %add3A_1123 = arith.addi %mul3A_2, %add3A_1122 : i32
    %and3A_1124 = arith.constant -8 : i32
    %and3A_1125 = arith.andi %add3A_1123, %and3A_1124 : i32
    %multiple_of3A_1126 = tpu.assume_multiple %and3A_1125, 8 : i32
    %dma_start3A_1127 = arith.constant 8 : i32
    %dma_start3A_1128 = arith.constant 0 : i32
    %dma_start3A_1129 = tpu.memref_slice %arg6[%dma_start3A_1127, %dma_start3A_1128] : memref<128x128xf32, #tpu.memory_space<vmem>> -> memref<8x128xf32, #tpu.memory_space<vmem>>
    %dma_start3A_1130 = tpu.memref_slice %arg2[%multiple_of3A_1126, %multiple_of3A_1121] : memref<4096x32000xf32, #tpu.memory_space<hbm>> -> memref<8x128xf32, #tpu.memory_space<hbm>>
    %dma_start3A_1131 = arith.constant 8 : i32
    %dma_start3A_1132 = arith.constant 0 : i32
    %dma_start3A_1133 = tpu.memref_slice %arg6[%dma_start3A_1131, %dma_start3A_1132] : memref<128x128xf32, #tpu.memory_space<vmem>> -> memref<8x128xf32, #tpu.memory_space<vmem>>
    %dma_start3A_1134 = tpu.memref_slice %arg2[%multiple_of3A_1126, %multiple_of3A_1121] : memref<4096x32000xf32, #tpu.memory_space<hbm>> -> memref<8x128xf32, #tpu.memory_space<hbm>>
    tpu.enqueue_dma source(%dma_start3A_1134 : memref<8x128xf32, #tpu.memory_space<hbm>>) target(%dma_start3A_1133 : memref<8x128xf32, #tpu.memory_space<vmem>>) target_semaphore(%arg10 : memref<!tpu.dma_semaphore, #tpu.memory_space<semaphore_mem>>)
    %slice3A_1135 = vector.extract_strided_slice %get3A_1098 {offsets = [2], sizes = [1], strides = [1]} : vector<16xi32> to vector<1xi32>
    %reshape3A_1136 = vector.extract %slice3A_1135[0] : i32 from vector<1xi32>
    %and3A_1137 = arith.constant -128 : i32
    %and3A_1138 = arith.andi %reshape3A_1136, %and3A_1137 : i32
    %multiple_of3A_1139 = tpu.assume_multiple %and3A_1138, 128 : i32
    %add3A_1140 = arith.constant 50 : i32
    %add3A_1141 = arith.addi %mul3A_2, %add3A_1140 : i32
    %and3A_1142 = arith.constant -8 : i32
    %and3A_1143 = arith.andi %add3A_1141, %and3A_1142 : i32
    %multiple_of3A_1144 = tpu.assume_multiple %and3A_1143, 8 : i32
    %dma_start3A_1145 = arith.constant 16 : i32
    %dma_start3A_1146 = arith.constant 0 : i32
    %dma_start3A_1147 = tpu.memref_slice %arg6[%dma_start3A_1145, %dma_start3A_1146] : memref<128x128xf32, #tpu.memory_space<vmem>> -> memref<8x128xf32, #tpu.memory_space<vmem>>
    %dma_start3A_1148 = tpu.memref_slice %arg2[%multiple_of3A_1144, %multiple_of3A_1139] : memref<4096x32000xf32, #tpu.memory_space<hbm>> -> memref<8x128xf32, #tpu.memory_space<hbm>>
    %dma_start3A_1149 = arith.constant 16 : i32
    %dma_start3A_1150 = arith.constant 0 : i32
    %dma_start3A_1151 = tpu.memref_slice %arg6[%dma_start3A_1149, %dma_start3A_1150] : memref<128x128xf32, #tpu.memory_space<vmem>> -> memref<8x128xf32, #tpu.memory_space<vmem>>
    %dma_start3A_1152 = tpu.memref_slice %arg2[%multiple_of3A_1144, %multiple_of3A_1139] : memref<4096x32000xf32, #tpu.memory_space<hbm>> -> memref<8x128xf32, #tpu.memory_space<hbm>>
    tpu.enqueue_dma source(%dma_start3A_1152 : memref<8x128xf32, #tpu.memory_space<hbm>>) target(%dma_start3A_1151 : memref<8x128xf32, #tpu.memory_space<vmem>>) target_semaphore(%arg10 : memref<!tpu.dma_semaphore, #tpu.memory_space<semaphore_mem>>)
    %slice3A_1153 = vector.extract_strided_slice %get3A_1098 {offsets = [3], sizes = [1], strides = [1]} : vector<16xi32> to vector<1xi32>
    %reshape3A_1154 = vector.extract %slice3A_1153[0] : i32 from vector<1xi32>
    %and3A_1155 = arith.constant -128 : i32
    %and3A_1156 = arith.andi %reshape3A_1154, %and3A_1155 : i32
    %multiple_of3A_1157 = tpu.assume_multiple %and3A_1156, 128 : i32
    %add3A_1158 = arith.constant 51 : i32
    %add3A_1159 = arith.addi %mul3A_2, %add3A_1158 : i32
    %and3A_1160 = arith.constant -8 : i32
    %and3A_1161 = arith.andi %add3A_1159, %and3A_1160 : i32
    %multiple_of3A_1162 = tpu.assume_multiple %and3A_1161, 8 : i32
    %dma_start3A_1163 = arith.constant 24 : i32
    %dma_start3A_1164 = arith.constant 0 : i32
    %dma_start3A_1165 = tpu.memref_slice %arg6[%dma_start3A_1163, %dma_start3A_1164] : memref<128x128xf32, #tpu.memory_space<vmem>> -> memref<8x128xf32, #tpu.memory_space<vmem>>
    %dma_start3A_1166 = tpu.memref_slice %arg2[%multiple_of3A_1162, %multiple_of3A_1157] : memref<4096x32000xf32, #tpu.memory_space<hbm>> -> memref<8x128xf32, #tpu.memory_space<hbm>>
    %dma_start3A_1167 = arith.constant 24 : i32
    %dma_start3A_1168 = arith.constant 0 : i32
    %dma_start3A_1169 = tpu.memref_slice %arg6[%dma_start3A_1167, %dma_start3A_1168] : memref<128x128xf32, #tpu.memory_space<vmem>> -> memref<8x128xf32, #tpu.memory_space<vmem>>
    %dma_start3A_1170 = tpu.memref_slice %arg2[%multiple_of3A_1162, %multiple_of3A_1157] : memref<4096x32000xf32, #tpu.memory_space<hbm>> -> memref<8x128xf32, #tpu.memory_space<hbm>>
    tpu.enqueue_dma source(%dma_start3A_1170 : memref<8x128xf32, #tpu.memory_space<hbm>>) target(%dma_start3A_1169 : memref<8x128xf32, #tpu.memory_space<vmem>>) target_semaphore(%arg10 : memref<!tpu.dma_semaphore, #tpu.memory_space<semaphore_mem>>)
    %slice3A_1171 = vector.extract_strided_slice %get3A_1098 {offsets = [4], sizes = [1], strides = [1]} : vector<16xi32> to vector<1xi32>
    %reshape3A_1172 = vector.extract %slice3A_1171[0] : i32 from vector<1xi32>
    %and3A_1173 = arith.constant -128 : i32
    %and3A_1174 = arith.andi %reshape3A_1172, %and3A_1173 : i32
    %multiple_of3A_1175 = tpu.assume_multiple %and3A_1174, 128 : i32
    %add3A_1176 = arith.constant 52 : i32
    %add3A_1177 = arith.addi %mul3A_2, %add3A_1176 : i32
    %and3A_1178 = arith.constant -8 : i32
    %and3A_1179 = arith.andi %add3A_1177, %and3A_1178 : i32
    %multiple_of3A_1180 = tpu.assume_multiple %and3A_1179, 8 : i32
    %dma_start3A_1181 = arith.constant 32 : i32
    %dma_start3A_1182 = arith.constant 0 : i32
    %dma_start3A_1183 = tpu.memref_slice %arg6[%dma_start3A_1181, %dma_start3A_1182] : memref<128x128xf32, #tpu.memory_space<vmem>> -> memref<8x128xf32, #tpu.memory_space<vmem>>
    %dma_start3A_1184 = tpu.memref_slice %arg2[%multiple_of3A_1180, %multiple_of3A_1175] : memref<4096x32000xf32, #tpu.memory_space<hbm>> -> memref<8x128xf32, #tpu.memory_space<hbm>>
    %dma_start3A_1185 = arith.constant 32 : i32
    %dma_start3A_1186 = arith.constant 0 : i32
    %dma_start3A_1187 = tpu.memref_slice %arg6[%dma_start3A_1185, %dma_start3A_1186] : memref<128x128xf32, #tpu.memory_space<vmem>> -> memref<8x128xf32, #tpu.memory_space<vmem>>
    %dma_start3A_1188 = tpu.memref_slice %arg2[%multiple_of3A_1180, %multiple_of3A_1175] : memref<4096x32000xf32, #tpu.memory_space<hbm>> -> memref<8x128xf32, #tpu.memory_space<hbm>>
    tpu.enqueue_dma source(%dma_start3A_1188 : memref<8x128xf32, #tpu.memory_space<hbm>>) target(%dma_start3A_1187 : memref<8x128xf32, #tpu.memory_space<vmem>>) target_semaphore(%arg10 : memref<!tpu.dma_semaphore, #tpu.memory_space<semaphore_mem>>)
    %slice3A_1189 = vector.extract_strided_slice %get3A_1098 {offsets = [5], sizes = [1], strides = [1]} : vector<16xi32> to vector<1xi32>
    %reshape3A_1190 = vector.extract %slice3A_1189[0] : i32 from vector<1xi32>
    %and3A_1191 = arith.constant -128 : i32
    %and3A_1192 = arith.andi %reshape3A_1190, %and3A_1191 : i32
    %multiple_of3A_1193 = tpu.assume_multiple %and3A_1192, 128 : i32
    %add3A_1194 = arith.constant 53 : i32
    %add3A_1195 = arith.addi %mul3A_2, %add3A_1194 : i32
    %and3A_1196 = arith.constant -8 : i32
    %and3A_1197 = arith.andi %add3A_1195, %and3A_1196 : i32
    %multiple_of3A_1198 = tpu.assume_multiple %and3A_1197, 8 : i32
    %dma_start3A_1199 = arith.constant 40 : i32
    %dma_start3A_1200 = arith.constant 0 : i32
    %dma_start3A_1201 = tpu.memref_slice %arg6[%dma_start3A_1199, %dma_start3A_1200] : memref<128x128xf32, #tpu.memory_space<vmem>> -> memref<8x128xf32, #tpu.memory_space<vmem>>
    %dma_start3A_1202 = tpu.memref_slice %arg2[%multiple_of3A_1198, %multiple_of3A_1193] : memref<4096x32000xf32, #tpu.memory_space<hbm>> -> memref<8x128xf32, #tpu.memory_space<hbm>>
    %dma_start3A_1203 = arith.constant 40 : i32
    %dma_start3A_1204 = arith.constant 0 : i32
    %dma_start3A_1205 = tpu.memref_slice %arg6[%dma_start3A_1203, %dma_start3A_1204] : memref<128x128xf32, #tpu.memory_space<vmem>> -> memref<8x128xf32, #tpu.memory_space<vmem>>
    %dma_start3A_1206 = tpu.memref_slice %arg2[%multiple_of3A_1198, %multiple_of3A_1193] : memref<4096x32000xf32, #tpu.memory_space<hbm>> -> memref<8x128xf32, #tpu.memory_space<hbm>>
    tpu.enqueue_dma source(%dma_start3A_1206 : memref<8x128xf32, #tpu.memory_space<hbm>>) target(%dma_start3A_1205 : memref<8x128xf32, #tpu.memory_space<vmem>>) target_semaphore(%arg10 : memref<!tpu.dma_semaphore, #tpu.memory_space<semaphore_mem>>)
    %slice3A_1207 = vector.extract_strided_slice %get3A_1098 {offsets = [6], sizes = [1], strides = [1]} : vector<16xi32> to vector<1xi32>
    %reshape3A_1208 = vector.extract %slice3A_1207[0] : i32 from vector<1xi32>
    %and3A_1209 = arith.constant -128 : i32
    %and3A_1210 = arith.andi %reshape3A_1208, %and3A_1209 : i32
    %multiple_of3A_1211 = tpu.assume_multiple %and3A_1210, 128 : i32
    %add3A_1212 = arith.constant 54 : i32
    %add3A_1213 = arith.addi %mul3A_2, %add3A_1212 : i32
    %and3A_1214 = arith.constant -8 : i32
    %and3A_1215 = arith.andi %add3A_1213, %and3A_1214 : i32
    %multiple_of3A_1216 = tpu.assume_multiple %and3A_1215, 8 : i32
    %dma_start3A_1217 = arith.constant 48 : i32
    %dma_start3A_1218 = arith.constant 0 : i32
    %dma_start3A_1219 = tpu.memref_slice %arg6[%dma_start3A_1217, %dma_start3A_1218] : memref<128x128xf32, #tpu.memory_space<vmem>> -> memref<8x128xf32, #tpu.memory_space<vmem>>
    %dma_start3A_1220 = tpu.memref_slice %arg2[%multiple_of3A_1216, %multiple_of3A_1211] : memref<4096x32000xf32, #tpu.memory_space<hbm>> -> memref<8x128xf32, #tpu.memory_space<hbm>>
    %dma_start3A_1221 = arith.constant 48 : i32
    %dma_start3A_1222 = arith.constant 0 : i32
    %dma_start3A_1223 = tpu.memref_slice %arg6[%dma_start3A_1221, %dma_start3A_1222] : memref<128x128xf32, #tpu.memory_space<vmem>> -> memref<8x128xf32, #tpu.memory_space<vmem>>
    %dma_start3A_1224 = tpu.memref_slice %arg2[%multiple_of3A_1216, %multiple_of3A_1211] : memref<4096x32000xf32, #tpu.memory_space<hbm>> -> memref<8x128xf32, #tpu.memory_space<hbm>>
    tpu.enqueue_dma source(%dma_start3A_1224 : memref<8x128xf32, #tpu.memory_space<hbm>>) target(%dma_start3A_1223 : memref<8x128xf32, #tpu.memory_space<vmem>>) target_semaphore(%arg10 : memref<!tpu.dma_semaphore, #tpu.memory_space<semaphore_mem>>)
    %slice3A_1225 = vector.extract_strided_slice %get3A_1098 {offsets = [7], sizes = [1], strides = [1]} : vector<16xi32> to vector<1xi32>
    %reshape3A_1226 = vector.extract %slice3A_1225[0] : i32 from vector<1xi32>
    %and3A_1227 = arith.constant -128 : i32
    %and3A_1228 = arith.andi %reshape3A_1226, %and3A_1227 : i32
    %multiple_of3A_1229 = tpu.assume_multiple %and3A_1228, 128 : i32
    %add3A_1230 = arith.constant 55 : i32
    %add3A_1231 = arith.addi %mul3A_2, %add3A_1230 : i32
    %and3A_1232 = arith.constant -8 : i32
    %and3A_1233 = arith.andi %add3A_1231, %and3A_1232 : i32
    %multiple_of3A_1234 = tpu.assume_multiple %and3A_1233, 8 : i32
    %dma_start3A_1235 = arith.constant 56 : i32
    %dma_start3A_1236 = arith.constant 0 : i32
    %dma_start3A_1237 = tpu.memref_slice %arg6[%dma_start3A_1235, %dma_start3A_1236] : memref<128x128xf32, #tpu.memory_space<vmem>> -> memref<8x128xf32, #tpu.memory_space<vmem>>
    %dma_start3A_1238 = tpu.memref_slice %arg2[%multiple_of3A_1234, %multiple_of3A_1229] : memref<4096x32000xf32, #tpu.memory_space<hbm>> -> memref<8x128xf32, #tpu.memory_space<hbm>>
    %dma_start3A_1239 = arith.constant 56 : i32
    %dma_start3A_1240 = arith.constant 0 : i32
    %dma_start3A_1241 = tpu.memref_slice %arg6[%dma_start3A_1239, %dma_start3A_1240] : memref<128x128xf32, #tpu.memory_space<vmem>> -> memref<8x128xf32, #tpu.memory_space<vmem>>
    %dma_start3A_1242 = tpu.memref_slice %arg2[%multiple_of3A_1234, %multiple_of3A_1229] : memref<4096x32000xf32, #tpu.memory_space<hbm>> -> memref<8x128xf32, #tpu.memory_space<hbm>>
    tpu.enqueue_dma source(%dma_start3A_1242 : memref<8x128xf32, #tpu.memory_space<hbm>>) target(%dma_start3A_1241 : memref<8x128xf32, #tpu.memory_space<vmem>>) target_semaphore(%arg10 : memref<!tpu.dma_semaphore, #tpu.memory_space<semaphore_mem>>)
    %slice3A_1243 = vector.extract_strided_slice %get3A_1098 {offsets = [8], sizes = [1], strides = [1]} : vector<16xi32> to vector<1xi32>
    %reshape3A_1244 = vector.extract %slice3A_1243[0] : i32 from vector<1xi32>
    %and3A_1245 = arith.constant -128 : i32
    %and3A_1246 = arith.andi %reshape3A_1244, %and3A_1245 : i32
    %multiple_of3A_1247 = tpu.assume_multiple %and3A_1246, 128 : i32
    %add3A_1248 = arith.constant 56 : i32
    %add3A_1249 = arith.addi %mul3A_2, %add3A_1248 : i32
    %and3A_1250 = arith.constant -8 : i32
    %and3A_1251 = arith.andi %add3A_1249, %and3A_1250 : i32
    %multiple_of3A_1252 = tpu.assume_multiple %and3A_1251, 8 : i32
    %dma_start3A_1253 = arith.constant 64 : i32
    %dma_start3A_1254 = arith.constant 0 : i32
    %dma_start3A_1255 = tpu.memref_slice %arg6[%dma_start3A_1253, %dma_start3A_1254] : memref<128x128xf32, #tpu.memory_space<vmem>> -> memref<8x128xf32, #tpu.memory_space<vmem>>
    %dma_start3A_1256 = tpu.memref_slice %arg2[%multiple_of3A_1252, %multiple_of3A_1247] : memref<4096x32000xf32, #tpu.memory_space<hbm>> -> memref<8x128xf32, #tpu.memory_space<hbm>>
    %dma_start3A_1257 = arith.constant 64 : i32
    %dma_start3A_1258 = arith.constant 0 : i32
    %dma_start3A_1259 = tpu.memref_slice %arg6[%dma_start3A_1257, %dma_start3A_1258] : memref<128x128xf32, #tpu.memory_space<vmem>> -> memref<8x128xf32, #tpu.memory_space<vmem>>
    %dma_start3A_1260 = tpu.memref_slice %arg2[%multiple_of3A_1252, %multiple_of3A_1247] : memref<4096x32000xf32, #tpu.memory_space<hbm>> -> memref<8x128xf32, #tpu.memory_space<hbm>>
    tpu.enqueue_dma source(%dma_start3A_1260 : memref<8x128xf32, #tpu.memory_space<hbm>>) target(%dma_start3A_1259 : memref<8x128xf32, #tpu.memory_space<vmem>>) target_semaphore(%arg10 : memref<!tpu.dma_semaphore, #tpu.memory_space<semaphore_mem>>)
    %slice3A_1261 = vector.extract_strided_slice %get3A_1098 {offsets = [9], sizes = [1], strides = [1]} : vector<16xi32> to vector<1xi32>
    %reshape3A_1262 = vector.extract %slice3A_1261[0] : i32 from vector<1xi32>
    %and3A_1263 = arith.constant -128 : i32
    %and3A_1264 = arith.andi %reshape3A_1262, %and3A_1263 : i32
    %multiple_of3A_1265 = tpu.assume_multiple %and3A_1264, 128 : i32
    %add3A_1266 = arith.constant 57 : i32
    %add3A_1267 = arith.addi %mul3A_2, %add3A_1266 : i32
    %and3A_1268 = arith.constant -8 : i32
    %and3A_1269 = arith.andi %add3A_1267, %and3A_1268 : i32
    %multiple_of3A_1270 = tpu.assume_multiple %and3A_1269, 8 : i32
    %dma_start3A_1271 = arith.constant 72 : i32
    %dma_start3A_1272 = arith.constant 0 : i32
    %dma_start3A_1273 = tpu.memref_slice %arg6[%dma_start3A_1271, %dma_start3A_1272] : memref<128x128xf32, #tpu.memory_space<vmem>> -> memref<8x128xf32, #tpu.memory_space<vmem>>
    %dma_start3A_1274 = tpu.memref_slice %arg2[%multiple_of3A_1270, %multiple_of3A_1265] : memref<4096x32000xf32, #tpu.memory_space<hbm>> -> memref<8x128xf32, #tpu.memory_space<hbm>>
    %dma_start3A_1275 = arith.constant 72 : i32
    %dma_start3A_1276 = arith.constant 0 : i32
    %dma_start3A_1277 = tpu.memref_slice %arg6[%dma_start3A_1275, %dma_start3A_1276] : memref<128x128xf32, #tpu.memory_space<vmem>> -> memref<8x128xf32, #tpu.memory_space<vmem>>
    %dma_start3A_1278 = tpu.memref_slice %arg2[%multiple_of3A_1270, %multiple_of3A_1265] : memref<4096x32000xf32, #tpu.memory_space<hbm>> -> memref<8x128xf32, #tpu.memory_space<hbm>>
    tpu.enqueue_dma source(%dma_start3A_1278 : memref<8x128xf32, #tpu.memory_space<hbm>>) target(%dma_start3A_1277 : memref<8x128xf32, #tpu.memory_space<vmem>>) target_semaphore(%arg10 : memref<!tpu.dma_semaphore, #tpu.memory_space<semaphore_mem>>)
    %slice3A_1279 = vector.extract_strided_slice %get3A_1098 {offsets = [10], sizes = [1], strides = [1]} : vector<16xi32> to vector<1xi32>
    %reshape3A_1280 = vector.extract %slice3A_1279[0] : i32 from vector<1xi32>
    %and3A_1281 = arith.constant -128 : i32
    %and3A_1282 = arith.andi %reshape3A_1280, %and3A_1281 : i32
    %multiple_of3A_1283 = tpu.assume_multiple %and3A_1282, 128 : i32
    %add3A_1284 = arith.constant 58 : i32
    %add3A_1285 = arith.addi %mul3A_2, %add3A_1284 : i32
    %and3A_1286 = arith.constant -8 : i32
    %and3A_1287 = arith.andi %add3A_1285, %and3A_1286 : i32
    %multiple_of3A_1288 = tpu.assume_multiple %and3A_1287, 8 : i32
    %dma_start3A_1289 = arith.constant 80 : i32
    %dma_start3A_1290 = arith.constant 0 : i32
    %dma_start3A_1291 = tpu.memref_slice %arg6[%dma_start3A_1289, %dma_start3A_1290] : memref<128x128xf32, #tpu.memory_space<vmem>> -> memref<8x128xf32, #tpu.memory_space<vmem>>
    %dma_start3A_1292 = tpu.memref_slice %arg2[%multiple_of3A_1288, %multiple_of3A_1283] : memref<4096x32000xf32, #tpu.memory_space<hbm>> -> memref<8x128xf32, #tpu.memory_space<hbm>>
    %dma_start3A_1293 = arith.constant 80 : i32
    %dma_start3A_1294 = arith.constant 0 : i32
    %dma_start3A_1295 = tpu.memref_slice %arg6[%dma_start3A_1293, %dma_start3A_1294] : memref<128x128xf32, #tpu.memory_space<vmem>> -> memref<8x128xf32, #tpu.memory_space<vmem>>
    %dma_start3A_1296 = tpu.memref_slice %arg2[%multiple_of3A_1288, %multiple_of3A_1283] : memref<4096x32000xf32, #tpu.memory_space<hbm>> -> memref<8x128xf32, #tpu.memory_space<hbm>>
    tpu.enqueue_dma source(%dma_start3A_1296 : memref<8x128xf32, #tpu.memory_space<hbm>>) target(%dma_start3A_1295 : memref<8x128xf32, #tpu.memory_space<vmem>>) target_semaphore(%arg10 : memref<!tpu.dma_semaphore, #tpu.memory_space<semaphore_mem>>)
    %slice3A_1297 = vector.extract_strided_slice %get3A_1098 {offsets = [11], sizes = [1], strides = [1]} : vector<16xi32> to vector<1xi32>
    %reshape3A_1298 = vector.extract %slice3A_1297[0] : i32 from vector<1xi32>
    %and3A_1299 = arith.constant -128 : i32
    %and3A_1300 = arith.andi %reshape3A_1298, %and3A_1299 : i32
    %multiple_of3A_1301 = tpu.assume_multiple %and3A_1300, 128 : i32
    %add3A_1302 = arith.constant 59 : i32
    %add3A_1303 = arith.addi %mul3A_2, %add3A_1302 : i32
    %and3A_1304 = arith.constant -8 : i32
    %and3A_1305 = arith.andi %add3A_1303, %and3A_1304 : i32
    %multiple_of3A_1306 = tpu.assume_multiple %and3A_1305, 8 : i32
    %dma_start3A_1307 = arith.constant 88 : i32
    %dma_start3A_1308 = arith.constant 0 : i32
    %dma_start3A_1309 = tpu.memref_slice %arg6[%dma_start3A_1307, %dma_start3A_1308] : memref<128x128xf32, #tpu.memory_space<vmem>> -> memref<8x128xf32, #tpu.memory_space<vmem>>
    %dma_start3A_1310 = tpu.memref_slice %arg2[%multiple_of3A_1306, %multiple_of3A_1301] : memref<4096x32000xf32, #tpu.memory_space<hbm>> -> memref<8x128xf32, #tpu.memory_space<hbm>>
    %dma_start3A_1311 = arith.constant 88 : i32
    %dma_start3A_1312 = arith.constant 0 : i32
    %dma_start3A_1313 = tpu.memref_slice %arg6[%dma_start3A_1311, %dma_start3A_1312] : memref<128x128xf32, #tpu.memory_space<vmem>> -> memref<8x128xf32, #tpu.memory_space<vmem>>
    %dma_start3A_1314 = tpu.memref_slice %arg2[%multiple_of3A_1306, %multiple_of3A_1301] : memref<4096x32000xf32, #tpu.memory_space<hbm>> -> memref<8x128xf32, #tpu.memory_space<hbm>>
    tpu.enqueue_dma source(%dma_start3A_1314 : memref<8x128xf32, #tpu.memory_space<hbm>>) target(%dma_start3A_1313 : memref<8x128xf32, #tpu.memory_space<vmem>>) target_semaphore(%arg10 : memref<!tpu.dma_semaphore, #tpu.memory_space<semaphore_mem>>)
    %slice3A_1315 = vector.extract_strided_slice %get3A_1098 {offsets = [12], sizes = [1], strides = [1]} : vector<16xi32> to vector<1xi32>
    %reshape3A_1316 = vector.extract %slice3A_1315[0] : i32 from vector<1xi32>
    %and3A_1317 = arith.constant -128 : i32
    %and3A_1318 = arith.andi %reshape3A_1316, %and3A_1317 : i32
    %multiple_of3A_1319 = tpu.assume_multiple %and3A_1318, 128 : i32
    %add3A_1320 = arith.constant 60 : i32
    %add3A_1321 = arith.addi %mul3A_2, %add3A_1320 : i32
    %and3A_1322 = arith.constant -8 : i32
    %and3A_1323 = arith.andi %add3A_1321, %and3A_1322 : i32
    %multiple_of3A_1324 = tpu.assume_multiple %and3A_1323, 8 : i32
    %dma_start3A_1325 = arith.constant 96 : i32
    %dma_start3A_1326 = arith.constant 0 : i32
    %dma_start3A_1327 = tpu.memref_slice %arg6[%dma_start3A_1325, %dma_start3A_1326] : memref<128x128xf32, #tpu.memory_space<vmem>> -> memref<8x128xf32, #tpu.memory_space<vmem>>
    %dma_start3A_1328 = tpu.memref_slice %arg2[%multiple_of3A_1324, %multiple_of3A_1319] : memref<4096x32000xf32, #tpu.memory_space<hbm>> -> memref<8x128xf32, #tpu.memory_space<hbm>>
    %dma_start3A_1329 = arith.constant 96 : i32
    %dma_start3A_1330 = arith.constant 0 : i32
    %dma_start3A_1331 = tpu.memref_slice %arg6[%dma_start3A_1329, %dma_start3A_1330] : memref<128x128xf32, #tpu.memory_space<vmem>> -> memref<8x128xf32, #tpu.memory_space<vmem>>
    %dma_start3A_1332 = tpu.memref_slice %arg2[%multiple_of3A_1324, %multiple_of3A_1319] : memref<4096x32000xf32, #tpu.memory_space<hbm>> -> memref<8x128xf32, #tpu.memory_space<hbm>>
    tpu.enqueue_dma source(%dma_start3A_1332 : memref<8x128xf32, #tpu.memory_space<hbm>>) target(%dma_start3A_1331 : memref<8x128xf32, #tpu.memory_space<vmem>>) target_semaphore(%arg10 : memref<!tpu.dma_semaphore, #tpu.memory_space<semaphore_mem>>)
    %slice3A_1333 = vector.extract_strided_slice %get3A_1098 {offsets = [13], sizes = [1], strides = [1]} : vector<16xi32> to vector<1xi32>
    %reshape3A_1334 = vector.extract %slice3A_1333[0] : i32 from vector<1xi32>
    %and3A_1335 = arith.constant -128 : i32
    %and3A_1336 = arith.andi %reshape3A_1334, %and3A_1335 : i32
    %multiple_of3A_1337 = tpu.assume_multiple %and3A_1336, 128 : i32
    %add3A_1338 = arith.constant 61 : i32
    %add3A_1339 = arith.addi %mul3A_2, %add3A_1338 : i32
    %and3A_1340 = arith.constant -8 : i32
    %and3A_1341 = arith.andi %add3A_1339, %and3A_1340 : i32
    %multiple_of3A_1342 = tpu.assume_multiple %and3A_1341, 8 : i32
    %dma_start3A_1343 = arith.constant 104 : i32
    %dma_start3A_1344 = arith.constant 0 : i32
    %dma_start3A_1345 = tpu.memref_slice %arg6[%dma_start3A_1343, %dma_start3A_1344] : memref<128x128xf32, #tpu.memory_space<vmem>> -> memref<8x128xf32, #tpu.memory_space<vmem>>
    %dma_start3A_1346 = tpu.memref_slice %arg2[%multiple_of3A_1342, %multiple_of3A_1337] : memref<4096x32000xf32, #tpu.memory_space<hbm>> -> memref<8x128xf32, #tpu.memory_space<hbm>>
    %dma_start3A_1347 = arith.constant 104 : i32
    %dma_start3A_1348 = arith.constant 0 : i32
    %dma_start3A_1349 = tpu.memref_slice %arg6[%dma_start3A_1347, %dma_start3A_1348] : memref<128x128xf32, #tpu.memory_space<vmem>> -> memref<8x128xf32, #tpu.memory_space<vmem>>
    %dma_start3A_1350 = tpu.memref_slice %arg2[%multiple_of3A_1342, %multiple_of3A_1337] : memref<4096x32000xf32, #tpu.memory_space<hbm>> -> memref<8x128xf32, #tpu.memory_space<hbm>>
    tpu.enqueue_dma source(%dma_start3A_1350 : memref<8x128xf32, #tpu.memory_space<hbm>>) target(%dma_start3A_1349 : memref<8x128xf32, #tpu.memory_space<vmem>>) target_semaphore(%arg10 : memref<!tpu.dma_semaphore, #tpu.memory_space<semaphore_mem>>)
    %slice3A_1351 = vector.extract_strided_slice %get3A_1098 {offsets = [14], sizes = [1], strides = [1]} : vector<16xi32> to vector<1xi32>
    %reshape3A_1352 = vector.extract %slice3A_1351[0] : i32 from vector<1xi32>
    %and3A_1353 = arith.constant -128 : i32
    %and3A_1354 = arith.andi %reshape3A_1352, %and3A_1353 : i32
    %multiple_of3A_1355 = tpu.assume_multiple %and3A_1354, 128 : i32
    %add3A_1356 = arith.constant 62 : i32
    %add3A_1357 = arith.addi %mul3A_2, %add3A_1356 : i32
    %and3A_1358 = arith.constant -8 : i32
    %and3A_1359 = arith.andi %add3A_1357, %and3A_1358 : i32
    %multiple_of3A_1360 = tpu.assume_multiple %and3A_1359, 8 : i32
    %dma_start3A_1361 = arith.constant 112 : i32
    %dma_start3A_1362 = arith.constant 0 : i32
    %dma_start3A_1363 = tpu.memref_slice %arg6[%dma_start3A_1361, %dma_start3A_1362] : memref<128x128xf32, #tpu.memory_space<vmem>> -> memref<8x128xf32, #tpu.memory_space<vmem>>
    %dma_start3A_1364 = tpu.memref_slice %arg2[%multiple_of3A_1360, %multiple_of3A_1355] : memref<4096x32000xf32, #tpu.memory_space<hbm>> -> memref<8x128xf32, #tpu.memory_space<hbm>>
    %dma_start3A_1365 = arith.constant 112 : i32
    %dma_start3A_1366 = arith.constant 0 : i32
    %dma_start3A_1367 = tpu.memref_slice %arg6[%dma_start3A_1365, %dma_start3A_1366] : memref<128x128xf32, #tpu.memory_space<vmem>> -> memref<8x128xf32, #tpu.memory_space<vmem>>
    %dma_start3A_1368 = tpu.memref_slice %arg2[%multiple_of3A_1360, %multiple_of3A_1355] : memref<4096x32000xf32, #tpu.memory_space<hbm>> -> memref<8x128xf32, #tpu.memory_space<hbm>>
    tpu.enqueue_dma source(%dma_start3A_1368 : memref<8x128xf32, #tpu.memory_space<hbm>>) target(%dma_start3A_1367 : memref<8x128xf32, #tpu.memory_space<vmem>>) target_semaphore(%arg10 : memref<!tpu.dma_semaphore, #tpu.memory_space<semaphore_mem>>)
    %slice3A_1369 = vector.extract_strided_slice %get3A_1098 {offsets = [15], sizes = [1], strides = [1]} : vector<16xi32> to vector<1xi32>
    %reshape3A_1370 = vector.extract %slice3A_1369[0] : i32 from vector<1xi32>
    %and3A_1371 = arith.constant -128 : i32
    %and3A_1372 = arith.andi %reshape3A_1370, %and3A_1371 : i32
    %multiple_of3A_1373 = tpu.assume_multiple %and3A_1372, 128 : i32
    %add3A_1374 = arith.constant 63 : i32
    %add3A_1375 = arith.addi %mul3A_2, %add3A_1374 : i32
    %and3A_1376 = arith.constant -8 : i32
    %and3A_1377 = arith.andi %add3A_1375, %and3A_1376 : i32
    %multiple_of3A_1378 = tpu.assume_multiple %and3A_1377, 8 : i32
    %dma_start3A_1379 = arith.constant 120 : i32
    %dma_start3A_1380 = arith.constant 0 : i32
    %dma_start3A_1381 = tpu.memref_slice %arg6[%dma_start3A_1379, %dma_start3A_1380] : memref<128x128xf32, #tpu.memory_space<vmem>> -> memref<8x128xf32, #tpu.memory_space<vmem>>
    %dma_start3A_1382 = tpu.memref_slice %arg2[%multiple_of3A_1378, %multiple_of3A_1373] : memref<4096x32000xf32, #tpu.memory_space<hbm>> -> memref<8x128xf32, #tpu.memory_space<hbm>>
    %dma_start3A_1383 = arith.constant 120 : i32
    %dma_start3A_1384 = arith.constant 0 : i32
    %dma_start3A_1385 = tpu.memref_slice %arg6[%dma_start3A_1383, %dma_start3A_1384] : memref<128x128xf32, #tpu.memory_space<vmem>> -> memref<8x128xf32, #tpu.memory_space<vmem>>
    %dma_start3A_1386 = tpu.memref_slice %arg2[%multiple_of3A_1378, %multiple_of3A_1373] : memref<4096x32000xf32, #tpu.memory_space<hbm>> -> memref<8x128xf32, #tpu.memory_space<hbm>>
    tpu.enqueue_dma source(%dma_start3A_1386 : memref<8x128xf32, #tpu.memory_space<hbm>>) target(%dma_start3A_1385 : memref<8x128xf32, #tpu.memory_space<vmem>>) target_semaphore(%arg10 : memref<!tpu.dma_semaphore, #tpu.memory_space<semaphore_mem>>)
    %dma_wait3A_1387 = arith.constant 0 : i32
    %dma_wait3A_1388 = arith.constant 0 : i32
    %dma_wait3A_1389 = tpu.memref_slice %arg7[%dma_wait3A_1387, %dma_wait3A_1388] : memref<128x128xf32, #tpu.memory_space<vmem>> -> memref<8x128xf32, #tpu.memory_space<vmem>>
    %dma_wait3A_1390 = tpu.memref_slice %arg2[%multiple_of3A_359, %multiple_of3A_354] : memref<4096x32000xf32, #tpu.memory_space<hbm>> -> memref<8x128xf32, #tpu.memory_space<hbm>>
    %dma_wait3A_1391 = arith.constant 0 : i32
    %dma_wait3A_1392 = arith.constant 0 : i32
    %dma_wait3A_1393 = tpu.memref_slice %arg7[%dma_wait3A_1391, %dma_wait3A_1392] : memref<128x128xf32, #tpu.memory_space<vmem>> -> memref<8x128xf32, #tpu.memory_space<vmem>>
    %dma_wait3A_1394 = tpu.memref_slice %arg2[%multiple_of3A_359, %multiple_of3A_354] : memref<4096x32000xf32, #tpu.memory_space<hbm>> -> memref<8x128xf32, #tpu.memory_space<hbm>>
    tpu.wait_dma2 semaphore(%arg11 : memref<!tpu.dma_semaphore, #tpu.memory_space<semaphore_mem>>) src(%dma_wait3A_1394 : memref<8x128xf32, #tpu.memory_space<hbm>>) dst(%dma_wait3A_1393 : memref<8x128xf32, #tpu.memory_space<vmem>>)
    %dma_wait3A_1395 = arith.constant 8 : i32
    %dma_wait3A_1396 = arith.constant 0 : i32
    %dma_wait3A_1397 = tpu.memref_slice %arg7[%dma_wait3A_1395, %dma_wait3A_1396] : memref<128x128xf32, #tpu.memory_space<vmem>> -> memref<8x128xf32, #tpu.memory_space<vmem>>
    %dma_wait3A_1398 = tpu.memref_slice %arg2[%multiple_of3A_377, %multiple_of3A_372] : memref<4096x32000xf32, #tpu.memory_space<hbm>> -> memref<8x128xf32, #tpu.memory_space<hbm>>
    %dma_wait3A_1399 = arith.constant 8 : i32
    %dma_wait3A_1400 = arith.constant 0 : i32
    %dma_wait3A_1401 = tpu.memref_slice %arg7[%dma_wait3A_1399, %dma_wait3A_1400] : memref<128x128xf32, #tpu.memory_space<vmem>> -> memref<8x128xf32, #tpu.memory_space<vmem>>
    %dma_wait3A_1402 = tpu.memref_slice %arg2[%multiple_of3A_377, %multiple_of3A_372] : memref<4096x32000xf32, #tpu.memory_space<hbm>> -> memref<8x128xf32, #tpu.memory_space<hbm>>
    tpu.wait_dma2 semaphore(%arg11 : memref<!tpu.dma_semaphore, #tpu.memory_space<semaphore_mem>>) src(%dma_wait3A_1402 : memref<8x128xf32, #tpu.memory_space<hbm>>) dst(%dma_wait3A_1401 : memref<8x128xf32, #tpu.memory_space<vmem>>)
    %dma_wait3A_1403 = arith.constant 16 : i32
    %dma_wait3A_1404 = arith.constant 0 : i32
    %dma_wait3A_1405 = tpu.memref_slice %arg7[%dma_wait3A_1403, %dma_wait3A_1404] : memref<128x128xf32, #tpu.memory_space<vmem>> -> memref<8x128xf32, #tpu.memory_space<vmem>>
    %dma_wait3A_1406 = tpu.memref_slice %arg2[%multiple_of3A_395, %multiple_of3A_390] : memref<4096x32000xf32, #tpu.memory_space<hbm>> -> memref<8x128xf32, #tpu.memory_space<hbm>>
    %dma_wait3A_1407 = arith.constant 16 : i32
    %dma_wait3A_1408 = arith.constant 0 : i32
    %dma_wait3A_1409 = tpu.memref_slice %arg7[%dma_wait3A_1407, %dma_wait3A_1408] : memref<128x128xf32, #tpu.memory_space<vmem>> -> memref<8x128xf32, #tpu.memory_space<vmem>>
    %dma_wait3A_1410 = tpu.memref_slice %arg2[%multiple_of3A_395, %multiple_of3A_390] : memref<4096x32000xf32, #tpu.memory_space<hbm>> -> memref<8x128xf32, #tpu.memory_space<hbm>>
    tpu.wait_dma2 semaphore(%arg11 : memref<!tpu.dma_semaphore, #tpu.memory_space<semaphore_mem>>) src(%dma_wait3A_1410 : memref<8x128xf32, #tpu.memory_space<hbm>>) dst(%dma_wait3A_1409 : memref<8x128xf32, #tpu.memory_space<vmem>>)
    %dma_wait3A_1411 = arith.constant 24 : i32
    %dma_wait3A_1412 = arith.constant 0 : i32
    %dma_wait3A_1413 = tpu.memref_slice %arg7[%dma_wait3A_1411, %dma_wait3A_1412] : memref<128x128xf32, #tpu.memory_space<vmem>> -> memref<8x128xf32, #tpu.memory_space<vmem>>
    %dma_wait3A_1414 = tpu.memref_slice %arg2[%multiple_of3A_413, %multiple_of3A_408] : memref<4096x32000xf32, #tpu.memory_space<hbm>> -> memref<8x128xf32, #tpu.memory_space<hbm>>
    %dma_wait3A_1415 = arith.constant 24 : i32
    %dma_wait3A_1416 = arith.constant 0 : i32
    %dma_wait3A_1417 = tpu.memref_slice %arg7[%dma_wait3A_1415, %dma_wait3A_1416] : memref<128x128xf32, #tpu.memory_space<vmem>> -> memref<8x128xf32, #tpu.memory_space<vmem>>
    %dma_wait3A_1418 = tpu.memref_slice %arg2[%multiple_of3A_413, %multiple_of3A_408] : memref<4096x32000xf32, #tpu.memory_space<hbm>> -> memref<8x128xf32, #tpu.memory_space<hbm>>
    tpu.wait_dma2 semaphore(%arg11 : memref<!tpu.dma_semaphore, #tpu.memory_space<semaphore_mem>>) src(%dma_wait3A_1418 : memref<8x128xf32, #tpu.memory_space<hbm>>) dst(%dma_wait3A_1417 : memref<8x128xf32, #tpu.memory_space<vmem>>)
    %dma_wait3A_1419 = arith.constant 32 : i32
    %dma_wait3A_1420 = arith.constant 0 : i32
    %dma_wait3A_1421 = tpu.memref_slice %arg7[%dma_wait3A_1419, %dma_wait3A_1420] : memref<128x128xf32, #tpu.memory_space<vmem>> -> memref<8x128xf32, #tpu.memory_space<vmem>>
    %dma_wait3A_1422 = tpu.memref_slice %arg2[%multiple_of3A_431, %multiple_of3A_426] : memref<4096x32000xf32, #tpu.memory_space<hbm>> -> memref<8x128xf32, #tpu.memory_space<hbm>>
    %dma_wait3A_1423 = arith.constant 32 : i32
    %dma_wait3A_1424 = arith.constant 0 : i32
    %dma_wait3A_1425 = tpu.memref_slice %arg7[%dma_wait3A_1423, %dma_wait3A_1424] : memref<128x128xf32, #tpu.memory_space<vmem>> -> memref<8x128xf32, #tpu.memory_space<vmem>>
    %dma_wait3A_1426 = tpu.memref_slice %arg2[%multiple_of3A_431, %multiple_of3A_426] : memref<4096x32000xf32, #tpu.memory_space<hbm>> -> memref<8x128xf32, #tpu.memory_space<hbm>>
    tpu.wait_dma2 semaphore(%arg11 : memref<!tpu.dma_semaphore, #tpu.memory_space<semaphore_mem>>) src(%dma_wait3A_1426 : memref<8x128xf32, #tpu.memory_space<hbm>>) dst(%dma_wait3A_1425 : memref<8x128xf32, #tpu.memory_space<vmem>>)
    %dma_wait3A_1427 = arith.constant 40 : i32
    %dma_wait3A_1428 = arith.constant 0 : i32
    %dma_wait3A_1429 = tpu.memref_slice %arg7[%dma_wait3A_1427, %dma_wait3A_1428] : memref<128x128xf32, #tpu.memory_space<vmem>> -> memref<8x128xf32, #tpu.memory_space<vmem>>
    %dma_wait3A_1430 = tpu.memref_slice %arg2[%multiple_of3A_449, %multiple_of3A_444] : memref<4096x32000xf32, #tpu.memory_space<hbm>> -> memref<8x128xf32, #tpu.memory_space<hbm>>
    %dma_wait3A_1431 = arith.constant 40 : i32
    %dma_wait3A_1432 = arith.constant 0 : i32
    %dma_wait3A_1433 = tpu.memref_slice %arg7[%dma_wait3A_1431, %dma_wait3A_1432] : memref<128x128xf32, #tpu.memory_space<vmem>> -> memref<8x128xf32, #tpu.memory_space<vmem>>
    %dma_wait3A_1434 = tpu.memref_slice %arg2[%multiple_of3A_449, %multiple_of3A_444] : memref<4096x32000xf32, #tpu.memory_space<hbm>> -> memref<8x128xf32, #tpu.memory_space<hbm>>
    tpu.wait_dma2 semaphore(%arg11 : memref<!tpu.dma_semaphore, #tpu.memory_space<semaphore_mem>>) src(%dma_wait3A_1434 : memref<8x128xf32, #tpu.memory_space<hbm>>) dst(%dma_wait3A_1433 : memref<8x128xf32, #tpu.memory_space<vmem>>)
    %dma_wait3A_1435 = arith.constant 48 : i32
    %dma_wait3A_1436 = arith.constant 0 : i32
    %dma_wait3A_1437 = tpu.memref_slice %arg7[%dma_wait3A_1435, %dma_wait3A_1436] : memref<128x128xf32, #tpu.memory_space<vmem>> -> memref<8x128xf32, #tpu.memory_space<vmem>>
    %dma_wait3A_1438 = tpu.memref_slice %arg2[%multiple_of3A_467, %multiple_of3A_462] : memref<4096x32000xf32, #tpu.memory_space<hbm>> -> memref<8x128xf32, #tpu.memory_space<hbm>>
    %dma_wait3A_1439 = arith.constant 48 : i32
    %dma_wait3A_1440 = arith.constant 0 : i32
    %dma_wait3A_1441 = tpu.memref_slice %arg7[%dma_wait3A_1439, %dma_wait3A_1440] : memref<128x128xf32, #tpu.memory_space<vmem>> -> memref<8x128xf32, #tpu.memory_space<vmem>>
    %dma_wait3A_1442 = tpu.memref_slice %arg2[%multiple_of3A_467, %multiple_of3A_462] : memref<4096x32000xf32, #tpu.memory_space<hbm>> -> memref<8x128xf32, #tpu.memory_space<hbm>>
    tpu.wait_dma2 semaphore(%arg11 : memref<!tpu.dma_semaphore, #tpu.memory_space<semaphore_mem>>) src(%dma_wait3A_1442 : memref<8x128xf32, #tpu.memory_space<hbm>>) dst(%dma_wait3A_1441 : memref<8x128xf32, #tpu.memory_space<vmem>>)
    %dma_wait3A_1443 = arith.constant 56 : i32
    %dma_wait3A_1444 = arith.constant 0 : i32
    %dma_wait3A_1445 = tpu.memref_slice %arg7[%dma_wait3A_1443, %dma_wait3A_1444] : memref<128x128xf32, #tpu.memory_space<vmem>> -> memref<8x128xf32, #tpu.memory_space<vmem>>
    %dma_wait3A_1446 = tpu.memref_slice %arg2[%multiple_of3A_485, %multiple_of3A_480] : memref<4096x32000xf32, #tpu.memory_space<hbm>> -> memref<8x128xf32, #tpu.memory_space<hbm>>
    %dma_wait3A_1447 = arith.constant 56 : i32
    %dma_wait3A_1448 = arith.constant 0 : i32
    %dma_wait3A_1449 = tpu.memref_slice %arg7[%dma_wait3A_1447, %dma_wait3A_1448] : memref<128x128xf32, #tpu.memory_space<vmem>> -> memref<8x128xf32, #tpu.memory_space<vmem>>
    %dma_wait3A_1450 = tpu.memref_slice %arg2[%multiple_of3A_485, %multiple_of3A_480] : memref<4096x32000xf32, #tpu.memory_space<hbm>> -> memref<8x128xf32, #tpu.memory_space<hbm>>
    tpu.wait_dma2 semaphore(%arg11 : memref<!tpu.dma_semaphore, #tpu.memory_space<semaphore_mem>>) src(%dma_wait3A_1450 : memref<8x128xf32, #tpu.memory_space<hbm>>) dst(%dma_wait3A_1449 : memref<8x128xf32, #tpu.memory_space<vmem>>)
    %dma_wait3A_1451 = arith.constant 64 : i32
    %dma_wait3A_1452 = arith.constant 0 : i32
    %dma_wait3A_1453 = tpu.memref_slice %arg7[%dma_wait3A_1451, %dma_wait3A_1452] : memref<128x128xf32, #tpu.memory_space<vmem>> -> memref<8x128xf32, #tpu.memory_space<vmem>>
    %dma_wait3A_1454 = tpu.memref_slice %arg2[%multiple_of3A_503, %multiple_of3A_498] : memref<4096x32000xf32, #tpu.memory_space<hbm>> -> memref<8x128xf32, #tpu.memory_space<hbm>>
    %dma_wait3A_1455 = arith.constant 64 : i32
    %dma_wait3A_1456 = arith.constant 0 : i32
    %dma_wait3A_1457 = tpu.memref_slice %arg7[%dma_wait3A_1455, %dma_wait3A_1456] : memref<128x128xf32, #tpu.memory_space<vmem>> -> memref<8x128xf32, #tpu.memory_space<vmem>>
    %dma_wait3A_1458 = tpu.memref_slice %arg2[%multiple_of3A_503, %multiple_of3A_498] : memref<4096x32000xf32, #tpu.memory_space<hbm>> -> memref<8x128xf32, #tpu.memory_space<hbm>>
    tpu.wait_dma2 semaphore(%arg11 : memref<!tpu.dma_semaphore, #tpu.memory_space<semaphore_mem>>) src(%dma_wait3A_1458 : memref<8x128xf32, #tpu.memory_space<hbm>>) dst(%dma_wait3A_1457 : memref<8x128xf32, #tpu.memory_space<vmem>>)
    %dma_wait3A_1459 = arith.constant 72 : i32
    %dma_wait3A_1460 = arith.constant 0 : i32
    %dma_wait3A_1461 = tpu.memref_slice %arg7[%dma_wait3A_1459, %dma_wait3A_1460] : memref<128x128xf32, #tpu.memory_space<vmem>> -> memref<8x128xf32, #tpu.memory_space<vmem>>
    %dma_wait3A_1462 = tpu.memref_slice %arg2[%multiple_of3A_521, %multiple_of3A_516] : memref<4096x32000xf32, #tpu.memory_space<hbm>> -> memref<8x128xf32, #tpu.memory_space<hbm>>
    %dma_wait3A_1463 = arith.constant 72 : i32
    %dma_wait3A_1464 = arith.constant 0 : i32
    %dma_wait3A_1465 = tpu.memref_slice %arg7[%dma_wait3A_1463, %dma_wait3A_1464] : memref<128x128xf32, #tpu.memory_space<vmem>> -> memref<8x128xf32, #tpu.memory_space<vmem>>
    %dma_wait3A_1466 = tpu.memref_slice %arg2[%multiple_of3A_521, %multiple_of3A_516] : memref<4096x32000xf32, #tpu.memory_space<hbm>> -> memref<8x128xf32, #tpu.memory_space<hbm>>
    tpu.wait_dma2 semaphore(%arg11 : memref<!tpu.dma_semaphore, #tpu.memory_space<semaphore_mem>>) src(%dma_wait3A_1466 : memref<8x128xf32, #tpu.memory_space<hbm>>) dst(%dma_wait3A_1465 : memref<8x128xf32, #tpu.memory_space<vmem>>)
    %dma_wait3A_1467 = arith.constant 80 : i32
    %dma_wait3A_1468 = arith.constant 0 : i32
    %dma_wait3A_1469 = tpu.memref_slice %arg7[%dma_wait3A_1467, %dma_wait3A_1468] : memref<128x128xf32, #tpu.memory_space<vmem>> -> memref<8x128xf32, #tpu.memory_space<vmem>>
    %dma_wait3A_1470 = tpu.memref_slice %arg2[%multiple_of3A_539, %multiple_of3A_534] : memref<4096x32000xf32, #tpu.memory_space<hbm>> -> memref<8x128xf32, #tpu.memory_space<hbm>>
    %dma_wait3A_1471 = arith.constant 80 : i32
    %dma_wait3A_1472 = arith.constant 0 : i32
    %dma_wait3A_1473 = tpu.memref_slice %arg7[%dma_wait3A_1471, %dma_wait3A_1472] : memref<128x128xf32, #tpu.memory_space<vmem>> -> memref<8x128xf32, #tpu.memory_space<vmem>>
    %dma_wait3A_1474 = tpu.memref_slice %arg2[%multiple_of3A_539, %multiple_of3A_534] : memref<4096x32000xf32, #tpu.memory_space<hbm>> -> memref<8x128xf32, #tpu.memory_space<hbm>>
    tpu.wait_dma2 semaphore(%arg11 : memref<!tpu.dma_semaphore, #tpu.memory_space<semaphore_mem>>) src(%dma_wait3A_1474 : memref<8x128xf32, #tpu.memory_space<hbm>>) dst(%dma_wait3A_1473 : memref<8x128xf32, #tpu.memory_space<vmem>>)
    %dma_wait3A_1475 = arith.constant 88 : i32
    %dma_wait3A_1476 = arith.constant 0 : i32
    %dma_wait3A_1477 = tpu.memref_slice %arg7[%dma_wait3A_1475, %dma_wait3A_1476] : memref<128x128xf32, #tpu.memory_space<vmem>> -> memref<8x128xf32, #tpu.memory_space<vmem>>
    %dma_wait3A_1478 = tpu.memref_slice %arg2[%multiple_of3A_557, %multiple_of3A_552] : memref<4096x32000xf32, #tpu.memory_space<hbm>> -> memref<8x128xf32, #tpu.memory_space<hbm>>
    %dma_wait3A_1479 = arith.constant 88 : i32
    %dma_wait3A_1480 = arith.constant 0 : i32
    %dma_wait3A_1481 = tpu.memref_slice %arg7[%dma_wait3A_1479, %dma_wait3A_1480] : memref<128x128xf32, #tpu.memory_space<vmem>> -> memref<8x128xf32, #tpu.memory_space<vmem>>
    %dma_wait3A_1482 = tpu.memref_slice %arg2[%multiple_of3A_557, %multiple_of3A_552] : memref<4096x32000xf32, #tpu.memory_space<hbm>> -> memref<8x128xf32, #tpu.memory_space<hbm>>
    tpu.wait_dma2 semaphore(%arg11 : memref<!tpu.dma_semaphore, #tpu.memory_space<semaphore_mem>>) src(%dma_wait3A_1482 : memref<8x128xf32, #tpu.memory_space<hbm>>) dst(%dma_wait3A_1481 : memref<8x128xf32, #tpu.memory_space<vmem>>)
    %dma_wait3A_1483 = arith.constant 96 : i32
    %dma_wait3A_1484 = arith.constant 0 : i32
    %dma_wait3A_1485 = tpu.memref_slice %arg7[%dma_wait3A_1483, %dma_wait3A_1484] : memref<128x128xf32, #tpu.memory_space<vmem>> -> memref<8x128xf32, #tpu.memory_space<vmem>>
    %dma_wait3A_1486 = tpu.memref_slice %arg2[%multiple_of3A_575, %multiple_of3A_570] : memref<4096x32000xf32, #tpu.memory_space<hbm>> -> memref<8x128xf32, #tpu.memory_space<hbm>>
    %dma_wait3A_1487 = arith.constant 96 : i32
    %dma_wait3A_1488 = arith.constant 0 : i32
    %dma_wait3A_1489 = tpu.memref_slice %arg7[%dma_wait3A_1487, %dma_wait3A_1488] : memref<128x128xf32, #tpu.memory_space<vmem>> -> memref<8x128xf32, #tpu.memory_space<vmem>>
    %dma_wait3A_1490 = tpu.memref_slice %arg2[%multiple_of3A_575, %multiple_of3A_570] : memref<4096x32000xf32, #tpu.memory_space<hbm>> -> memref<8x128xf32, #tpu.memory_space<hbm>>
    tpu.wait_dma2 semaphore(%arg11 : memref<!tpu.dma_semaphore, #tpu.memory_space<semaphore_mem>>) src(%dma_wait3A_1490 : memref<8x128xf32, #tpu.memory_space<hbm>>) dst(%dma_wait3A_1489 : memref<8x128xf32, #tpu.memory_space<vmem>>)
    %dma_wait3A_1491 = arith.constant 104 : i32
    %dma_wait3A_1492 = arith.constant 0 : i32
    %dma_wait3A_1493 = tpu.memref_slice %arg7[%dma_wait3A_1491, %dma_wait3A_1492] : memref<128x128xf32, #tpu.memory_space<vmem>> -> memref<8x128xf32, #tpu.memory_space<vmem>>
    %dma_wait3A_1494 = tpu.memref_slice %arg2[%multiple_of3A_593, %multiple_of3A_588] : memref<4096x32000xf32, #tpu.memory_space<hbm>> -> memref<8x128xf32, #tpu.memory_space<hbm>>
    %dma_wait3A_1495 = arith.constant 104 : i32
    %dma_wait3A_1496 = arith.constant 0 : i32
    %dma_wait3A_1497 = tpu.memref_slice %arg7[%dma_wait3A_1495, %dma_wait3A_1496] : memref<128x128xf32, #tpu.memory_space<vmem>> -> memref<8x128xf32, #tpu.memory_space<vmem>>
    %dma_wait3A_1498 = tpu.memref_slice %arg2[%multiple_of3A_593, %multiple_of3A_588] : memref<4096x32000xf32, #tpu.memory_space<hbm>> -> memref<8x128xf32, #tpu.memory_space<hbm>>
    tpu.wait_dma2 semaphore(%arg11 : memref<!tpu.dma_semaphore, #tpu.memory_space<semaphore_mem>>) src(%dma_wait3A_1498 : memref<8x128xf32, #tpu.memory_space<hbm>>) dst(%dma_wait3A_1497 : memref<8x128xf32, #tpu.memory_space<vmem>>)
    %dma_wait3A_1499 = arith.constant 112 : i32
    %dma_wait3A_1500 = arith.constant 0 : i32
    %dma_wait3A_1501 = tpu.memref_slice %arg7[%dma_wait3A_1499, %dma_wait3A_1500] : memref<128x128xf32, #tpu.memory_space<vmem>> -> memref<8x128xf32, #tpu.memory_space<vmem>>
    %dma_wait3A_1502 = tpu.memref_slice %arg2[%multiple_of3A_611, %multiple_of3A_606] : memref<4096x32000xf32, #tpu.memory_space<hbm>> -> memref<8x128xf32, #tpu.memory_space<hbm>>
    %dma_wait3A_1503 = arith.constant 112 : i32
    %dma_wait3A_1504 = arith.constant 0 : i32
    %dma_wait3A_1505 = tpu.memref_slice %arg7[%dma_wait3A_1503, %dma_wait3A_1504] : memref<128x128xf32, #tpu.memory_space<vmem>> -> memref<8x128xf32, #tpu.memory_space<vmem>>
    %dma_wait3A_1506 = tpu.memref_slice %arg2[%multiple_of3A_611, %multiple_of3A_606] : memref<4096x32000xf32, #tpu.memory_space<hbm>> -> memref<8x128xf32, #tpu.memory_space<hbm>>
    tpu.wait_dma2 semaphore(%arg11 : memref<!tpu.dma_semaphore, #tpu.memory_space<semaphore_mem>>) src(%dma_wait3A_1506 : memref<8x128xf32, #tpu.memory_space<hbm>>) dst(%dma_wait3A_1505 : memref<8x128xf32, #tpu.memory_space<vmem>>)
    %dma_wait3A_1507 = arith.constant 120 : i32
    %dma_wait3A_1508 = arith.constant 0 : i32
    %dma_wait3A_1509 = tpu.memref_slice %arg7[%dma_wait3A_1507, %dma_wait3A_1508] : memref<128x128xf32, #tpu.memory_space<vmem>> -> memref<8x128xf32, #tpu.memory_space<vmem>>
    %dma_wait3A_1510 = tpu.memref_slice %arg2[%multiple_of3A_629, %multiple_of3A_624] : memref<4096x32000xf32, #tpu.memory_space<hbm>> -> memref<8x128xf32, #tpu.memory_space<hbm>>
    %dma_wait3A_1511 = arith.constant 120 : i32
    %dma_wait3A_1512 = arith.constant 0 : i32
    %dma_wait3A_1513 = tpu.memref_slice %arg7[%dma_wait3A_1511, %dma_wait3A_1512] : memref<128x128xf32, #tpu.memory_space<vmem>> -> memref<8x128xf32, #tpu.memory_space<vmem>>
    %dma_wait3A_1514 = tpu.memref_slice %arg2[%multiple_of3A_629, %multiple_of3A_624] : memref<4096x32000xf32, #tpu.memory_space<hbm>> -> memref<8x128xf32, #tpu.memory_space<hbm>>
    tpu.wait_dma2 semaphore(%arg11 : memref<!tpu.dma_semaphore, #tpu.memory_space<semaphore_mem>>) src(%dma_wait3A_1514 : memref<8x128xf32, #tpu.memory_space<hbm>>) dst(%dma_wait3A_1513 : memref<8x128xf32, #tpu.memory_space<vmem>>)
    %and3A_1515 = arith.constant 127 : i32
    %and3A_1516 = vector.broadcast %and3A_1515 : i32 to vector<16xi32>
    %and3A_1517 = arith.andi %get3A_349, %and3A_1516 : vector<16xi32>
    %gather3A_1518 = tpu.vector_load_idx %arg7[%add3A_25, %and3A_1517] : memref<128x128xf32, #tpu.memory_space<vmem>>[vector<16xi32>, vector<16xi32>], vector<16xf32>,
    %add3A_1519 = arith.addf %add3A_1077, %gather3A_1518 : vector<16xf32>
    %jit3A_1520 = arith.constant 2048 : i32
    %eq3A_1521 = arith.constant 0 : i32
    %eq3A_1522 = arith.cmpi eq, %jit3A_1520, %eq3A_1521 : i32
    %jit3A_1523 = arith.constant 1 : i32
    %select_n3A_1524 = arith.select %eq3A_1522, %jit3A_1523, %jit3A_1520 : i32
    %rem3A_1525 = arith.remsi %mul3A_2, %select_n3A_1524 : i32
    %ne3A_1526 = arith.constant 0 : i32
    %ne3A_1527 = arith.cmpi ne, %rem3A_1525, %ne3A_1526 : i32
    %lt3A_1528 = arith.constant 0 : i32
    %lt3A_1529 = arith.cmpi slt, %rem3A_1525, %lt3A_1528 : i32
    %lt3A_1530 = arith.constant 0 : i32
    %lt3A_1531 = arith.cmpi slt, %select_n3A_1524, %lt3A_1530 : i32
    %ne3A_1532 = arith.xori %lt3A_1529, %lt3A_1531 : i1
    %and3A_1533 = arith.andi %ne3A_1532, %ne3A_1527 : i1
    %add3A_1534 = arith.addi %rem3A_1525, %select_n3A_1524 : i32
    %select_n3A_1535 = arith.select %and3A_1533, %add3A_1534, %rem3A_1525 : i32
    %add3A_1536 = arith.constant 64 : i32
    %add3A_1537 = arith.addi %select_n3A_1535, %add3A_1536 : i32
    %get3A_1538 = arith.index_cast %select_n3A : i32 to index
    %get3A_1539 = arith.index_cast %add3A_1537 : i32 to index
    %get3A_1540 = tpu.vector_load %arg5[%get3A_1538, %get3A_1539] {strides = array<i32>} : memref<2x2048xi32, #tpu.memory_space<vmem>>, vector<16xi32>,
    %slice3A_1541 = vector.extract_strided_slice %get3A_1540 {offsets = [0], sizes = [1], strides = [1]} : vector<16xi32> to vector<1xi32>
    %reshape3A_1542 = vector.extract %slice3A_1541[0] : i32 from vector<1xi32>
    %and3A_1543 = arith.constant -128 : i32
    %and3A_1544 = arith.andi %reshape3A_1542, %and3A_1543 : i32
    %multiple_of3A_1545 = tpu.assume_multiple %and3A_1544, 128 : i32
    %add3A_1546 = arith.constant 64 : i32
    %add3A_1547 = arith.addi %mul3A_2, %add3A_1546 : i32
    %and3A_1548 = arith.constant -8 : i32
    %and3A_1549 = arith.andi %add3A_1547, %and3A_1548 : i32
    %multiple_of3A_1550 = tpu.assume_multiple %and3A_1549, 8 : i32
    %dma_start3A_1551 = arith.constant 0 : i32
    %dma_start3A_1552 = arith.constant 0 : i32
    %dma_start3A_1553 = tpu.memref_slice %arg7[%dma_start3A_1551, %dma_start3A_1552] : memref<128x128xf32, #tpu.memory_space<vmem>> -> memref<8x128xf32, #tpu.memory_space<vmem>>
    %dma_start3A_1554 = tpu.memref_slice %arg2[%multiple_of3A_1550, %multiple_of3A_1545] : memref<4096x32000xf32, #tpu.memory_space<hbm>> -> memref<8x128xf32, #tpu.memory_space<hbm>>
    %dma_start3A_1555 = arith.constant 0 : i32
    %dma_start3A_1556 = arith.constant 0 : i32
    %dma_start3A_1557 = tpu.memref_slice %arg7[%dma_start3A_1555, %dma_start3A_1556] : memref<128x128xf32, #tpu.memory_space<vmem>> -> memref<8x128xf32, #tpu.memory_space<vmem>>
    %dma_start3A_1558 = tpu.memref_slice %arg2[%multiple_of3A_1550, %multiple_of3A_1545] : memref<4096x32000xf32, #tpu.memory_space<hbm>> -> memref<8x128xf32, #tpu.memory_space<hbm>>
    tpu.enqueue_dma source(%dma_start3A_1558 : memref<8x128xf32, #tpu.memory_space<hbm>>) target(%dma_start3A_1557 : memref<8x128xf32, #tpu.memory_space<vmem>>) target_semaphore(%arg11 : memref<!tpu.dma_semaphore, #tpu.memory_space<semaphore_mem>>)
    %slice3A_1559 = vector.extract_strided_slice %get3A_1540 {offsets = [1], sizes = [1], strides = [1]} : vector<16xi32> to vector<1xi32>
    %reshape3A_1560 = vector.extract %slice3A_1559[0] : i32 from vector<1xi32>
    %and3A_1561 = arith.constant -128 : i32
    %and3A_1562 = arith.andi %reshape3A_1560, %and3A_1561 : i32
    %multiple_of3A_1563 = tpu.assume_multiple %and3A_1562, 128 : i32
    %add3A_1564 = arith.constant 65 : i32
    %add3A_1565 = arith.addi %mul3A_2, %add3A_1564 : i32
    %and3A_1566 = arith.constant -8 : i32
    %and3A_1567 = arith.andi %add3A_1565, %and3A_1566 : i32
    %multiple_of3A_1568 = tpu.assume_multiple %and3A_1567, 8 : i32
    %dma_start3A_1569 = arith.constant 8 : i32
    %dma_start3A_1570 = arith.constant 0 : i32
    %dma_start3A_1571 = tpu.memref_slice %arg7[%dma_start3A_1569, %dma_start3A_1570] : memref<128x128xf32, #tpu.memory_space<vmem>> -> memref<8x128xf32, #tpu.memory_space<vmem>>
    %dma_start3A_1572 = tpu.memref_slice %arg2[%multiple_of3A_1568, %multiple_of3A_1563] : memref<4096x32000xf32, #tpu.memory_space<hbm>> -> memref<8x128xf32, #tpu.memory_space<hbm>>
    %dma_start3A_1573 = arith.constant 8 : i32
    %dma_start3A_1574 = arith.constant 0 : i32
    %dma_start3A_1575 = tpu.memref_slice %arg7[%dma_start3A_1573, %dma_start3A_1574] : memref<128x128xf32, #tpu.memory_space<vmem>> -> memref<8x128xf32, #tpu.memory_space<vmem>>
    %dma_start3A_1576 = tpu.memref_slice %arg2[%multiple_of3A_1568, %multiple_of3A_1563] : memref<4096x32000xf32, #tpu.memory_space<hbm>> -> memref<8x128xf32, #tpu.memory_space<hbm>>
    tpu.enqueue_dma source(%dma_start3A_1576 : memref<8x128xf32, #tpu.memory_space<hbm>>) target(%dma_start3A_1575 : memref<8x128xf32, #tpu.memory_space<vmem>>) target_semaphore(%arg11 : memref<!tpu.dma_semaphore, #tpu.memory_space<semaphore_mem>>)
    %slice3A_1577 = vector.extract_strided_slice %get3A_1540 {offsets = [2], sizes = [1], strides = [1]} : vector<16xi32> to vector<1xi32>
    %reshape3A_1578 = vector.extract %slice3A_1577[0] : i32 from vector<1xi32>
    %and3A_1579 = arith.constant -128 : i32
    %and3A_1580 = arith.andi %reshape3A_1578, %and3A_1579 : i32
    %multiple_of3A_1581 = tpu.assume_multiple %and3A_1580, 128 : i32
    %add3A_1582 = arith.constant 66 : i32
    %add3A_1583 = arith.addi %mul3A_2, %add3A_1582 : i32
    %and3A_1584 = arith.constant -8 : i32
    %and3A_1585 = arith.andi %add3A_1583, %and3A_1584 : i32
    %multiple_of3A_1586 = tpu.assume_multiple %and3A_1585, 8 : i32
    %dma_start3A_1587 = arith.constant 16 : i32
    %dma_start3A_1588 = arith.constant 0 : i32
    %dma_start3A_1589 = tpu.memref_slice %arg7[%dma_start3A_1587, %dma_start3A_1588] : memref<128x128xf32, #tpu.memory_space<vmem>> -> memref<8x128xf32, #tpu.memory_space<vmem>>
    %dma_start3A_1590 = tpu.memref_slice %arg2[%multiple_of3A_1586, %multiple_of3A_1581] : memref<4096x32000xf32, #tpu.memory_space<hbm>> -> memref<8x128xf32, #tpu.memory_space<hbm>>
    %dma_start3A_1591 = arith.constant 16 : i32
    %dma_start3A_1592 = arith.constant 0 : i32
    %dma_start3A_1593 = tpu.memref_slice %arg7[%dma_start3A_1591, %dma_start3A_1592] : memref<128x128xf32, #tpu.memory_space<vmem>> -> memref<8x128xf32, #tpu.memory_space<vmem>>
    %dma_start3A_1594 = tpu.memref_slice %arg2[%multiple_of3A_1586, %multiple_of3A_1581] : memref<4096x32000xf32, #tpu.memory_space<hbm>> -> memref<8x128xf32, #tpu.memory_space<hbm>>
    tpu.enqueue_dma source(%dma_start3A_1594 : memref<8x128xf32, #tpu.memory_space<hbm>>) target(%dma_start3A_1593 : memref<8x128xf32, #tpu.memory_space<vmem>>) target_semaphore(%arg11 : memref<!tpu.dma_semaphore, #tpu.memory_space<semaphore_mem>>)
    %slice3A_1595 = vector.extract_strided_slice %get3A_1540 {offsets = [3], sizes = [1], strides = [1]} : vector<16xi32> to vector<1xi32>
    %reshape3A_1596 = vector.extract %slice3A_1595[0] : i32 from vector<1xi32>
    %and3A_1597 = arith.constant -128 : i32
    %and3A_1598 = arith.andi %reshape3A_1596, %and3A_1597 : i32
    %multiple_of3A_1599 = tpu.assume_multiple %and3A_1598, 128 : i32
    %add3A_1600 = arith.constant 67 : i32
    %add3A_1601 = arith.addi %mul3A_2, %add3A_1600 : i32
    %and3A_1602 = arith.constant -8 : i32
    %and3A_1603 = arith.andi %add3A_1601, %and3A_1602 : i32
    %multiple_of3A_1604 = tpu.assume_multiple %and3A_1603, 8 : i32
    %dma_start3A_1605 = arith.constant 24 : i32
    %dma_start3A_1606 = arith.constant 0 : i32
    %dma_start3A_1607 = tpu.memref_slice %arg7[%dma_start3A_1605, %dma_start3A_1606] : memref<128x128xf32, #tpu.memory_space<vmem>> -> memref<8x128xf32, #tpu.memory_space<vmem>>
    %dma_start3A_1608 = tpu.memref_slice %arg2[%multiple_of3A_1604, %multiple_of3A_1599] : memref<4096x32000xf32, #tpu.memory_space<hbm>> -> memref<8x128xf32, #tpu.memory_space<hbm>>
    %dma_start3A_1609 = arith.constant 24 : i32
    %dma_start3A_1610 = arith.constant 0 : i32
    %dma_start3A_1611 = tpu.memref_slice %arg7[%dma_start3A_1609, %dma_start3A_1610] : memref<128x128xf32, #tpu.memory_space<vmem>> -> memref<8x128xf32, #tpu.memory_space<vmem>>
    %dma_start3A_1612 = tpu.memref_slice %arg2[%multiple_of3A_1604, %multiple_of3A_1599] : memref<4096x32000xf32, #tpu.memory_space<hbm>> -> memref<8x128xf32, #tpu.memory_space<hbm>>
    tpu.enqueue_dma source(%dma_start3A_1612 : memref<8x128xf32, #tpu.memory_space<hbm>>) target(%dma_start3A_1611 : memref<8x128xf32, #tpu.memory_space<vmem>>) target_semaphore(%arg11 : memref<!tpu.dma_semaphore, #tpu.memory_space<semaphore_mem>>)
    %slice3A_1613 = vector.extract_strided_slice %get3A_1540 {offsets = [4], sizes = [1], strides = [1]} : vector<16xi32> to vector<1xi32>
    %reshape3A_1614 = vector.extract %slice3A_1613[0] : i32 from vector<1xi32>
    %and3A_1615 = arith.constant -128 : i32
    %and3A_1616 = arith.andi %reshape3A_1614, %and3A_1615 : i32
    %multiple_of3A_1617 = tpu.assume_multiple %and3A_1616, 128 : i32
    %add3A_1618 = arith.constant 68 : i32
    %add3A_1619 = arith.addi %mul3A_2, %add3A_1618 : i32
    %and3A_1620 = arith.constant -8 : i32
    %and3A_1621 = arith.andi %add3A_1619, %and3A_1620 : i32
    %multiple_of3A_1622 = tpu.assume_multiple %and3A_1621, 8 : i32
    %dma_start3A_1623 = arith.constant 32 : i32
    %dma_start3A_1624 = arith.constant 0 : i32
    %dma_start3A_1625 = tpu.memref_slice %arg7[%dma_start3A_1623, %dma_start3A_1624] : memref<128x128xf32, #tpu.memory_space<vmem>> -> memref<8x128xf32, #tpu.memory_space<vmem>>
    %dma_start3A_1626 = tpu.memref_slice %arg2[%multiple_of3A_1622, %multiple_of3A_1617] : memref<4096x32000xf32, #tpu.memory_space<hbm>> -> memref<8x128xf32, #tpu.memory_space<hbm>>
    %dma_start3A_1627 = arith.constant 32 : i32
    %dma_start3A_1628 = arith.constant 0 : i32
    %dma_start3A_1629 = tpu.memref_slice %arg7[%dma_start3A_1627, %dma_start3A_1628] : memref<128x128xf32, #tpu.memory_space<vmem>> -> memref<8x128xf32, #tpu.memory_space<vmem>>
    %dma_start3A_1630 = tpu.memref_slice %arg2[%multiple_of3A_1622, %multiple_of3A_1617] : memref<4096x32000xf32, #tpu.memory_space<hbm>> -> memref<8x128xf32, #tpu.memory_space<hbm>>
    tpu.enqueue_dma source(%dma_start3A_1630 : memref<8x128xf32, #tpu.memory_space<hbm>>) target(%dma_start3A_1629 : memref<8x128xf32, #tpu.memory_space<vmem>>) target_semaphore(%arg11 : memref<!tpu.dma_semaphore, #tpu.memory_space<semaphore_mem>>)
    %slice3A_1631 = vector.extract_strided_slice %get3A_1540 {offsets = [5], sizes = [1], strides = [1]} : vector<16xi32> to vector<1xi32>
    %reshape3A_1632 = vector.extract %slice3A_1631[0] : i32 from vector<1xi32>
    %and3A_1633 = arith.constant -128 : i32
    %and3A_1634 = arith.andi %reshape3A_1632, %and3A_1633 : i32
    %multiple_of3A_1635 = tpu.assume_multiple %and3A_1634, 128 : i32
    %add3A_1636 = arith.constant 69 : i32
    %add3A_1637 = arith.addi %mul3A_2, %add3A_1636 : i32
    %and3A_1638 = arith.constant -8 : i32
    %and3A_1639 = arith.andi %add3A_1637, %and3A_1638 : i32
    %multiple_of3A_1640 = tpu.assume_multiple %and3A_1639, 8 : i32
    %dma_start3A_1641 = arith.constant 40 : i32
    %dma_start3A_1642 = arith.constant 0 : i32
    %dma_start3A_1643 = tpu.memref_slice %arg7[%dma_start3A_1641, %dma_start3A_1642] : memref<128x128xf32, #tpu.memory_space<vmem>> -> memref<8x128xf32, #tpu.memory_space<vmem>>
    %dma_start3A_1644 = tpu.memref_slice %arg2[%multiple_of3A_1640, %multiple_of3A_1635] : memref<4096x32000xf32, #tpu.memory_space<hbm>> -> memref<8x128xf32, #tpu.memory_space<hbm>>
    %dma_start3A_1645 = arith.constant 40 : i32
    %dma_start3A_1646 = arith.constant 0 : i32
    %dma_start3A_1647 = tpu.memref_slice %arg7[%dma_start3A_1645, %dma_start3A_1646] : memref<128x128xf32, #tpu.memory_space<vmem>> -> memref<8x128xf32, #tpu.memory_space<vmem>>
    %dma_start3A_1648 = tpu.memref_slice %arg2[%multiple_of3A_1640, %multiple_of3A_1635] : memref<4096x32000xf32, #tpu.memory_space<hbm>> -> memref<8x128xf32, #tpu.memory_space<hbm>>
    tpu.enqueue_dma source(%dma_start3A_1648 : memref<8x128xf32, #tpu.memory_space<hbm>>) target(%dma_start3A_1647 : memref<8x128xf32, #tpu.memory_space<vmem>>) target_semaphore(%arg11 : memref<!tpu.dma_semaphore, #tpu.memory_space<semaphore_mem>>)
    %slice3A_1649 = vector.extract_strided_slice %get3A_1540 {offsets = [6], sizes = [1], strides = [1]} : vector<16xi32> to vector<1xi32>
    %reshape3A_1650 = vector.extract %slice3A_1649[0] : i32 from vector<1xi32>
    %and3A_1651 = arith.constant -128 : i32
    %and3A_1652 = arith.andi %reshape3A_1650, %and3A_1651 : i32
    %multiple_of3A_1653 = tpu.assume_multiple %and3A_1652, 128 : i32
    %add3A_1654 = arith.constant 70 : i32
    %add3A_1655 = arith.addi %mul3A_2, %add3A_1654 : i32
    %and3A_1656 = arith.constant -8 : i32
    %and3A_1657 = arith.andi %add3A_1655, %and3A_1656 : i32
    %multiple_of3A_1658 = tpu.assume_multiple %and3A_1657, 8 : i32
    %dma_start3A_1659 = arith.constant 48 : i32
    %dma_start3A_1660 = arith.constant 0 : i32
    %dma_start3A_1661 = tpu.memref_slice %arg7[%dma_start3A_1659, %dma_start3A_1660] : memref<128x128xf32, #tpu.memory_space<vmem>> -> memref<8x128xf32, #tpu.memory_space<vmem>>
    %dma_start3A_1662 = tpu.memref_slice %arg2[%multiple_of3A_1658, %multiple_of3A_1653] : memref<4096x32000xf32, #tpu.memory_space<hbm>> -> memref<8x128xf32, #tpu.memory_space<hbm>>
    %dma_start3A_1663 = arith.constant 48 : i32
    %dma_start3A_1664 = arith.constant 0 : i32
    %dma_start3A_1665 = tpu.memref_slice %arg7[%dma_start3A_1663, %dma_start3A_1664] : memref<128x128xf32, #tpu.memory_space<vmem>> -> memref<8x128xf32, #tpu.memory_space<vmem>>
    %dma_start3A_1666 = tpu.memref_slice %arg2[%multiple_of3A_1658, %multiple_of3A_1653] : memref<4096x32000xf32, #tpu.memory_space<hbm>> -> memref<8x128xf32, #tpu.memory_space<hbm>>
    tpu.enqueue_dma source(%dma_start3A_1666 : memref<8x128xf32, #tpu.memory_space<hbm>>) target(%dma_start3A_1665 : memref<8x128xf32, #tpu.memory_space<vmem>>) target_semaphore(%arg11 : memref<!tpu.dma_semaphore, #tpu.memory_space<semaphore_mem>>)
    %slice3A_1667 = vector.extract_strided_slice %get3A_1540 {offsets = [7], sizes = [1], strides = [1]} : vector<16xi32> to vector<1xi32>
    %reshape3A_1668 = vector.extract %slice3A_1667[0] : i32 from vector<1xi32>
    %and3A_1669 = arith.constant -128 : i32
    %and3A_1670 = arith.andi %reshape3A_1668, %and3A_1669 : i32
    %multiple_of3A_1671 = tpu.assume_multiple %and3A_1670, 128 : i32
    %add3A_1672 = arith.constant 71 : i32
    %add3A_1673 = arith.addi %mul3A_2, %add3A_1672 : i32
    %and3A_1674 = arith.constant -8 : i32
    %and3A_1675 = arith.andi %add3A_1673, %and3A_1674 : i32
    %multiple_of3A_1676 = tpu.assume_multiple %and3A_1675, 8 : i32
    %dma_start3A_1677 = arith.constant 56 : i32
    %dma_start3A_1678 = arith.constant 0 : i32
    %dma_start3A_1679 = tpu.memref_slice %arg7[%dma_start3A_1677, %dma_start3A_1678] : memref<128x128xf32, #tpu.memory_space<vmem>> -> memref<8x128xf32, #tpu.memory_space<vmem>>
    %dma_start3A_1680 = tpu.memref_slice %arg2[%multiple_of3A_1676, %multiple_of3A_1671] : memref<4096x32000xf32, #tpu.memory_space<hbm>> -> memref<8x128xf32, #tpu.memory_space<hbm>>
    %dma_start3A_1681 = arith.constant 56 : i32
    %dma_start3A_1682 = arith.constant 0 : i32
    %dma_start3A_1683 = tpu.memref_slice %arg7[%dma_start3A_1681, %dma_start3A_1682] : memref<128x128xf32, #tpu.memory_space<vmem>> -> memref<8x128xf32, #tpu.memory_space<vmem>>
    %dma_start3A_1684 = tpu.memref_slice %arg2[%multiple_of3A_1676, %multiple_of3A_1671] : memref<4096x32000xf32, #tpu.memory_space<hbm>> -> memref<8x128xf32, #tpu.memory_space<hbm>>
    tpu.enqueue_dma source(%dma_start3A_1684 : memref<8x128xf32, #tpu.memory_space<hbm>>) target(%dma_start3A_1683 : memref<8x128xf32, #tpu.memory_space<vmem>>) target_semaphore(%arg11 : memref<!tpu.dma_semaphore, #tpu.memory_space<semaphore_mem>>)
    %slice3A_1685 = vector.extract_strided_slice %get3A_1540 {offsets = [8], sizes = [1], strides = [1]} : vector<16xi32> to vector<1xi32>
    %reshape3A_1686 = vector.extract %slice3A_1685[0] : i32 from vector<1xi32>
    %and3A_1687 = arith.constant -128 : i32
    %and3A_1688 = arith.andi %reshape3A_1686, %and3A_1687 : i32
    %multiple_of3A_1689 = tpu.assume_multiple %and3A_1688, 128 : i32
    %add3A_1690 = arith.constant 72 : i32
    %add3A_1691 = arith.addi %mul3A_2, %add3A_1690 : i32
    %and3A_1692 = arith.constant -8 : i32
    %and3A_1693 = arith.andi %add3A_1691, %and3A_1692 : i32
    %multiple_of3A_1694 = tpu.assume_multiple %and3A_1693, 8 : i32
    %dma_start3A_1695 = arith.constant 64 : i32
    %dma_start3A_1696 = arith.constant 0 : i32
    %dma_start3A_1697 = tpu.memref_slice %arg7[%dma_start3A_1695, %dma_start3A_1696] : memref<128x128xf32, #tpu.memory_space<vmem>> -> memref<8x128xf32, #tpu.memory_space<vmem>>
    %dma_start3A_1698 = tpu.memref_slice %arg2[%multiple_of3A_1694, %multiple_of3A_1689] : memref<4096x32000xf32, #tpu.memory_space<hbm>> -> memref<8x128xf32, #tpu.memory_space<hbm>>
    %dma_start3A_1699 = arith.constant 64 : i32
    %dma_start3A_1700 = arith.constant 0 : i32
    %dma_start3A_1701 = tpu.memref_slice %arg7[%dma_start3A_1699, %dma_start3A_1700] : memref<128x128xf32, #tpu.memory_space<vmem>> -> memref<8x128xf32, #tpu.memory_space<vmem>>
    %dma_start3A_1702 = tpu.memref_slice %arg2[%multiple_of3A_1694, %multiple_of3A_1689] : memref<4096x32000xf32, #tpu.memory_space<hbm>> -> memref<8x128xf32, #tpu.memory_space<hbm>>
    tpu.enqueue_dma source(%dma_start3A_1702 : memref<8x128xf32, #tpu.memory_space<hbm>>) target(%dma_start3A_1701 : memref<8x128xf32, #tpu.memory_space<vmem>>) target_semaphore(%arg11 : memref<!tpu.dma_semaphore, #tpu.memory_space<semaphore_mem>>)
    %slice3A_1703 = vector.extract_strided_slice %get3A_1540 {offsets = [9], sizes = [1], strides = [1]} : vector<16xi32> to vector<1xi32>
    %reshape3A_1704 = vector.extract %slice3A_1703[0] : i32 from vector<1xi32>
    %and3A_1705 = arith.constant -128 : i32
    %and3A_1706 = arith.andi %reshape3A_1704, %and3A_1705 : i32
    %multiple_of3A_1707 = tpu.assume_multiple %and3A_1706, 128 : i32
    %add3A_1708 = arith.constant 73 : i32
    %add3A_1709 = arith.addi %mul3A_2, %add3A_1708 : i32
    %and3A_1710 = arith.constant -8 : i32
    %and3A_1711 = arith.andi %add3A_1709, %and3A_1710 : i32
    %multiple_of3A_1712 = tpu.assume_multiple %and3A_1711, 8 : i32
    %dma_start3A_1713 = arith.constant 72 : i32
    %dma_start3A_1714 = arith.constant 0 : i32
    %dma_start3A_1715 = tpu.memref_slice %arg7[%dma_start3A_1713, %dma_start3A_1714] : memref<128x128xf32, #tpu.memory_space<vmem>> -> memref<8x128xf32, #tpu.memory_space<vmem>>
    %dma_start3A_1716 = tpu.memref_slice %arg2[%multiple_of3A_1712, %multiple_of3A_1707] : memref<4096x32000xf32, #tpu.memory_space<hbm>> -> memref<8x128xf32, #tpu.memory_space<hbm>>
    %dma_start3A_1717 = arith.constant 72 : i32
    %dma_start3A_1718 = arith.constant 0 : i32
    %dma_start3A_1719 = tpu.memref_slice %arg7[%dma_start3A_1717, %dma_start3A_1718] : memref<128x128xf32, #tpu.memory_space<vmem>> -> memref<8x128xf32, #tpu.memory_space<vmem>>
    %dma_start3A_1720 = tpu.memref_slice %arg2[%multiple_of3A_1712, %multiple_of3A_1707] : memref<4096x32000xf32, #tpu.memory_space<hbm>> -> memref<8x128xf32, #tpu.memory_space<hbm>>
    tpu.enqueue_dma source(%dma_start3A_1720 : memref<8x128xf32, #tpu.memory_space<hbm>>) target(%dma_start3A_1719 : memref<8x128xf32, #tpu.memory_space<vmem>>) target_semaphore(%arg11 : memref<!tpu.dma_semaphore, #tpu.memory_space<semaphore_mem>>)
    %slice3A_1721 = vector.extract_strided_slice %get3A_1540 {offsets = [10], sizes = [1], strides = [1]} : vector<16xi32> to vector<1xi32>
    %reshape3A_1722 = vector.extract %slice3A_1721[0] : i32 from vector<1xi32>
    %and3A_1723 = arith.constant -128 : i32
    %and3A_1724 = arith.andi %reshape3A_1722, %and3A_1723 : i32
    %multiple_of3A_1725 = tpu.assume_multiple %and3A_1724, 128 : i32
    %add3A_1726 = arith.constant 74 : i32
    %add3A_1727 = arith.addi %mul3A_2, %add3A_1726 : i32
    %and3A_1728 = arith.constant -8 : i32
    %and3A_1729 = arith.andi %add3A_1727, %and3A_1728 : i32
    %multiple_of3A_1730 = tpu.assume_multiple %and3A_1729, 8 : i32
    %dma_start3A_1731 = arith.constant 80 : i32
    %dma_start3A_1732 = arith.constant 0 : i32
    %dma_start3A_1733 = tpu.memref_slice %arg7[%dma_start3A_1731, %dma_start3A_1732] : memref<128x128xf32, #tpu.memory_space<vmem>> -> memref<8x128xf32, #tpu.memory_space<vmem>>
    %dma_start3A_1734 = tpu.memref_slice %arg2[%multiple_of3A_1730, %multiple_of3A_1725] : memref<4096x32000xf32, #tpu.memory_space<hbm>> -> memref<8x128xf32, #tpu.memory_space<hbm>>
    %dma_start3A_1735 = arith.constant 80 : i32
    %dma_start3A_1736 = arith.constant 0 : i32
    %dma_start3A_1737 = tpu.memref_slice %arg7[%dma_start3A_1735, %dma_start3A_1736] : memref<128x128xf32, #tpu.memory_space<vmem>> -> memref<8x128xf32, #tpu.memory_space<vmem>>
    %dma_start3A_1738 = tpu.memref_slice %arg2[%multiple_of3A_1730, %multiple_of3A_1725] : memref<4096x32000xf32, #tpu.memory_space<hbm>> -> memref<8x128xf32, #tpu.memory_space<hbm>>
    tpu.enqueue_dma source(%dma_start3A_1738 : memref<8x128xf32, #tpu.memory_space<hbm>>) target(%dma_start3A_1737 : memref<8x128xf32, #tpu.memory_space<vmem>>) target_semaphore(%arg11 : memref<!tpu.dma_semaphore, #tpu.memory_space<semaphore_mem>>)
    %slice3A_1739 = vector.extract_strided_slice %get3A_1540 {offsets = [11], sizes = [1], strides = [1]} : vector<16xi32> to vector<1xi32>
    %reshape3A_1740 = vector.extract %slice3A_1739[0] : i32 from vector<1xi32>
    %and3A_1741 = arith.constant -128 : i32
    %and3A_1742 = arith.andi %reshape3A_1740, %and3A_1741 : i32
    %multiple_of3A_1743 = tpu.assume_multiple %and3A_1742, 128 : i32
    %add3A_1744 = arith.constant 75 : i32
    %add3A_1745 = arith.addi %mul3A_2, %add3A_1744 : i32
    %and3A_1746 = arith.constant -8 : i32
    %and3A_1747 = arith.andi %add3A_1745, %and3A_1746 : i32
    %multiple_of3A_1748 = tpu.assume_multiple %and3A_1747, 8 : i32
    %dma_start3A_1749 = arith.constant 88 : i32
    %dma_start3A_1750 = arith.constant 0 : i32
    %dma_start3A_1751 = tpu.memref_slice %arg7[%dma_start3A_1749, %dma_start3A_1750] : memref<128x128xf32, #tpu.memory_space<vmem>> -> memref<8x128xf32, #tpu.memory_space<vmem>>
    %dma_start3A_1752 = tpu.memref_slice %arg2[%multiple_of3A_1748, %multiple_of3A_1743] : memref<4096x32000xf32, #tpu.memory_space<hbm>> -> memref<8x128xf32, #tpu.memory_space<hbm>>
    %dma_start3A_1753 = arith.constant 88 : i32
    %dma_start3A_1754 = arith.constant 0 : i32
    %dma_start3A_1755 = tpu.memref_slice %arg7[%dma_start3A_1753, %dma_start3A_1754] : memref<128x128xf32, #tpu.memory_space<vmem>> -> memref<8x128xf32, #tpu.memory_space<vmem>>
    %dma_start3A_1756 = tpu.memref_slice %arg2[%multiple_of3A_1748, %multiple_of3A_1743] : memref<4096x32000xf32, #tpu.memory_space<hbm>> -> memref<8x128xf32, #tpu.memory_space<hbm>>
    tpu.enqueue_dma source(%dma_start3A_1756 : memref<8x128xf32, #tpu.memory_space<hbm>>) target(%dma_start3A_1755 : memref<8x128xf32, #tpu.memory_space<vmem>>) target_semaphore(%arg11 : memref<!tpu.dma_semaphore, #tpu.memory_space<semaphore_mem>>)
    %slice3A_1757 = vector.extract_strided_slice %get3A_1540 {offsets = [12], sizes = [1], strides = [1]} : vector<16xi32> to vector<1xi32>
    %reshape3A_1758 = vector.extract %slice3A_1757[0] : i32 from vector<1xi32>
    %and3A_1759 = arith.constant -128 : i32
    %and3A_1760 = arith.andi %reshape3A_1758, %and3A_1759 : i32
    %multiple_of3A_1761 = tpu.assume_multiple %and3A_1760, 128 : i32
    %add3A_1762 = arith.constant 76 : i32
    %add3A_1763 = arith.addi %mul3A_2, %add3A_1762 : i32
    %and3A_1764 = arith.constant -8 : i32
    %and3A_1765 = arith.andi %add3A_1763, %and3A_1764 : i32
    %multiple_of3A_1766 = tpu.assume_multiple %and3A_1765, 8 : i32
    %dma_start3A_1767 = arith.constant 96 : i32
    %dma_start3A_1768 = arith.constant 0 : i32
    %dma_start3A_1769 = tpu.memref_slice %arg7[%dma_start3A_1767, %dma_start3A_1768] : memref<128x128xf32, #tpu.memory_space<vmem>> -> memref<8x128xf32, #tpu.memory_space<vmem>>
    %dma_start3A_1770 = tpu.memref_slice %arg2[%multiple_of3A_1766, %multiple_of3A_1761] : memref<4096x32000xf32, #tpu.memory_space<hbm>> -> memref<8x128xf32, #tpu.memory_space<hbm>>
    %dma_start3A_1771 = arith.constant 96 : i32
    %dma_start3A_1772 = arith.constant 0 : i32
    %dma_start3A_1773 = tpu.memref_slice %arg7[%dma_start3A_1771, %dma_start3A_1772] : memref<128x128xf32, #tpu.memory_space<vmem>> -> memref<8x128xf32, #tpu.memory_space<vmem>>
    %dma_start3A_1774 = tpu.memref_slice %arg2[%multiple_of3A_1766, %multiple_of3A_1761] : memref<4096x32000xf32, #tpu.memory_space<hbm>> -> memref<8x128xf32, #tpu.memory_space<hbm>>
    tpu.enqueue_dma source(%dma_start3A_1774 : memref<8x128xf32, #tpu.memory_space<hbm>>) target(%dma_start3A_1773 : memref<8x128xf32, #tpu.memory_space<vmem>>) target_semaphore(%arg11 : memref<!tpu.dma_semaphore, #tpu.memory_space<semaphore_mem>>)
    %slice3A_1775 = vector.extract_strided_slice %get3A_1540 {offsets = [13], sizes = [1], strides = [1]} : vector<16xi32> to vector<1xi32>
    %reshape3A_1776 = vector.extract %slice3A_1775[0] : i32 from vector<1xi32>
    %and3A_1777 = arith.constant -128 : i32
    %and3A_1778 = arith.andi %reshape3A_1776, %and3A_1777 : i32
    %multiple_of3A_1779 = tpu.assume_multiple %and3A_1778, 128 : i32
    %add3A_1780 = arith.constant 77 : i32
    %add3A_1781 = arith.addi %mul3A_2, %add3A_1780 : i32
    %and3A_1782 = arith.constant -8 : i32
    %and3A_1783 = arith.andi %add3A_1781, %and3A_1782 : i32
    %multiple_of3A_1784 = tpu.assume_multiple %and3A_1783, 8 : i32
    %dma_start3A_1785 = arith.constant 104 : i32
    %dma_start3A_1786 = arith.constant 0 : i32
    %dma_start3A_1787 = tpu.memref_slice %arg7[%dma_start3A_1785, %dma_start3A_1786] : memref<128x128xf32, #tpu.memory_space<vmem>> -> memref<8x128xf32, #tpu.memory_space<vmem>>
    %dma_start3A_1788 = tpu.memref_slice %arg2[%multiple_of3A_1784, %multiple_of3A_1779] : memref<4096x32000xf32, #tpu.memory_space<hbm>> -> memref<8x128xf32, #tpu.memory_space<hbm>>
    %dma_start3A_1789 = arith.constant 104 : i32
    %dma_start3A_1790 = arith.constant 0 : i32
    %dma_start3A_1791 = tpu.memref_slice %arg7[%dma_start3A_1789, %dma_start3A_1790] : memref<128x128xf32, #tpu.memory_space<vmem>> -> memref<8x128xf32, #tpu.memory_space<vmem>>
    %dma_start3A_1792 = tpu.memref_slice %arg2[%multiple_of3A_1784, %multiple_of3A_1779] : memref<4096x32000xf32, #tpu.memory_space<hbm>> -> memref<8x128xf32, #tpu.memory_space<hbm>>
    tpu.enqueue_dma source(%dma_start3A_1792 : memref<8x128xf32, #tpu.memory_space<hbm>>) target(%dma_start3A_1791 : memref<8x128xf32, #tpu.memory_space<vmem>>) target_semaphore(%arg11 : memref<!tpu.dma_semaphore, #tpu.memory_space<semaphore_mem>>)
    %slice3A_1793 = vector.extract_strided_slice %get3A_1540 {offsets = [14], sizes = [1], strides = [1]} : vector<16xi32> to vector<1xi32>
    %reshape3A_1794 = vector.extract %slice3A_1793[0] : i32 from vector<1xi32>
    %and3A_1795 = arith.constant -128 : i32
    %and3A_1796 = arith.andi %reshape3A_1794, %and3A_1795 : i32
    %multiple_of3A_1797 = tpu.assume_multiple %and3A_1796, 128 : i32
    %add3A_1798 = arith.constant 78 : i32
    %add3A_1799 = arith.addi %mul3A_2, %add3A_1798 : i32
    %and3A_1800 = arith.constant -8 : i32
    %and3A_1801 = arith.andi %add3A_1799, %and3A_1800 : i32
    %multiple_of3A_1802 = tpu.assume_multiple %and3A_1801, 8 : i32
    %dma_start3A_1803 = arith.constant 112 : i32
    %dma_start3A_1804 = arith.constant 0 : i32
    %dma_start3A_1805 = tpu.memref_slice %arg7[%dma_start3A_1803, %dma_start3A_1804] : memref<128x128xf32, #tpu.memory_space<vmem>> -> memref<8x128xf32, #tpu.memory_space<vmem>>
    %dma_start3A_1806 = tpu.memref_slice %arg2[%multiple_of3A_1802, %multiple_of3A_1797] : memref<4096x32000xf32, #tpu.memory_space<hbm>> -> memref<8x128xf32, #tpu.memory_space<hbm>>
    %dma_start3A_1807 = arith.constant 112 : i32
    %dma_start3A_1808 = arith.constant 0 : i32
    %dma_start3A_1809 = tpu.memref_slice %arg7[%dma_start3A_1807, %dma_start3A_1808] : memref<128x128xf32, #tpu.memory_space<vmem>> -> memref<8x128xf32, #tpu.memory_space<vmem>>
    %dma_start3A_1810 = tpu.memref_slice %arg2[%multiple_of3A_1802, %multiple_of3A_1797] : memref<4096x32000xf32, #tpu.memory_space<hbm>> -> memref<8x128xf32, #tpu.memory_space<hbm>>
    tpu.enqueue_dma source(%dma_start3A_1810 : memref<8x128xf32, #tpu.memory_space<hbm>>) target(%dma_start3A_1809 : memref<8x128xf32, #tpu.memory_space<vmem>>) target_semaphore(%arg11 : memref<!tpu.dma_semaphore, #tpu.memory_space<semaphore_mem>>)
    %slice3A_1811 = vector.extract_strided_slice %get3A_1540 {offsets = [15], sizes = [1], strides = [1]} : vector<16xi32> to vector<1xi32>
    %reshape3A_1812 = vector.extract %slice3A_1811[0] : i32 from vector<1xi32>
    %and3A_1813 = arith.constant -128 : i32
    %and3A_1814 = arith.andi %reshape3A_1812, %and3A_1813 : i32
    %multiple_of3A_1815 = tpu.assume_multiple %and3A_1814, 128 : i32
    %add3A_1816 = arith.constant 79 : i32
    %add3A_1817 = arith.addi %mul3A_2, %add3A_1816 : i32
    %and3A_1818 = arith.constant -8 : i32
    %and3A_1819 = arith.andi %add3A_1817, %and3A_1818 : i32
    %multiple_of3A_1820 = tpu.assume_multiple %and3A_1819, 8 : i32
    %dma_start3A_1821 = arith.constant 120 : i32
    %dma_start3A_1822 = arith.constant 0 : i32
    %dma_start3A_1823 = tpu.memref_slice %arg7[%dma_start3A_1821, %dma_start3A_1822] : memref<128x128xf32, #tpu.memory_space<vmem>> -> memref<8x128xf32, #tpu.memory_space<vmem>>
    %dma_start3A_1824 = tpu.memref_slice %arg2[%multiple_of3A_1820, %multiple_of3A_1815] : memref<4096x32000xf32, #tpu.memory_space<hbm>> -> memref<8x128xf32, #tpu.memory_space<hbm>>
    %dma_start3A_1825 = arith.constant 120 : i32
    %dma_start3A_1826 = arith.constant 0 : i32
    %dma_start3A_1827 = tpu.memref_slice %arg7[%dma_start3A_1825, %dma_start3A_1826] : memref<128x128xf32, #tpu.memory_space<vmem>> -> memref<8x128xf32, #tpu.memory_space<vmem>>
    %dma_start3A_1828 = tpu.memref_slice %arg2[%multiple_of3A_1820, %multiple_of3A_1815] : memref<4096x32000xf32, #tpu.memory_space<hbm>> -> memref<8x128xf32, #tpu.memory_space<hbm>>
    tpu.enqueue_dma source(%dma_start3A_1828 : memref<8x128xf32, #tpu.memory_space<hbm>>) target(%dma_start3A_1827 : memref<8x128xf32, #tpu.memory_space<vmem>>) target_semaphore(%arg11 : memref<!tpu.dma_semaphore, #tpu.memory_space<semaphore_mem>>)
    %dma_wait3A_1829 = arith.constant 0 : i32
    %dma_wait3A_1830 = arith.constant 0 : i32
    %dma_wait3A_1831 = tpu.memref_slice %arg8[%dma_wait3A_1829, %dma_wait3A_1830] : memref<128x128xf32, #tpu.memory_space<vmem>> -> memref<8x128xf32, #tpu.memory_space<vmem>>
    %dma_wait3A_1832 = tpu.memref_slice %arg2[%multiple_of3A_668, %multiple_of3A_663] : memref<4096x32000xf32, #tpu.memory_space<hbm>> -> memref<8x128xf32, #tpu.memory_space<hbm>>
    %dma_wait3A_1833 = arith.constant 0 : i32
    %dma_wait3A_1834 = arith.constant 0 : i32
    %dma_wait3A_1835 = tpu.memref_slice %arg8[%dma_wait3A_1833, %dma_wait3A_1834] : memref<128x128xf32, #tpu.memory_space<vmem>> -> memref<8x128xf32, #tpu.memory_space<vmem>>
    %dma_wait3A_1836 = tpu.memref_slice %arg2[%multiple_of3A_668, %multiple_of3A_663] : memref<4096x32000xf32, #tpu.memory_space<hbm>> -> memref<8x128xf32, #tpu.memory_space<hbm>>
    tpu.wait_dma2 semaphore(%arg12 : memref<!tpu.dma_semaphore, #tpu.memory_space<semaphore_mem>>) src(%dma_wait3A_1836 : memref<8x128xf32, #tpu.memory_space<hbm>>) dst(%dma_wait3A_1835 : memref<8x128xf32, #tpu.memory_space<vmem>>)
    %dma_wait3A_1837 = arith.constant 8 : i32
    %dma_wait3A_1838 = arith.constant 0 : i32
    %dma_wait3A_1839 = tpu.memref_slice %arg8[%dma_wait3A_1837, %dma_wait3A_1838] : memref<128x128xf32, #tpu.memory_space<vmem>> -> memref<8x128xf32, #tpu.memory_space<vmem>>
    %dma_wait3A_1840 = tpu.memref_slice %arg2[%multiple_of3A_686, %multiple_of3A_681] : memref<4096x32000xf32, #tpu.memory_space<hbm>> -> memref<8x128xf32, #tpu.memory_space<hbm>>
    %dma_wait3A_1841 = arith.constant 8 : i32
    %dma_wait3A_1842 = arith.constant 0 : i32
    %dma_wait3A_1843 = tpu.memref_slice %arg8[%dma_wait3A_1841, %dma_wait3A_1842] : memref<128x128xf32, #tpu.memory_space<vmem>> -> memref<8x128xf32, #tpu.memory_space<vmem>>
    %dma_wait3A_1844 = tpu.memref_slice %arg2[%multiple_of3A_686, %multiple_of3A_681] : memref<4096x32000xf32, #tpu.memory_space<hbm>> -> memref<8x128xf32, #tpu.memory_space<hbm>>
    tpu.wait_dma2 semaphore(%arg12 : memref<!tpu.dma_semaphore, #tpu.memory_space<semaphore_mem>>) src(%dma_wait3A_1844 : memref<8x128xf32, #tpu.memory_space<hbm>>) dst(%dma_wait3A_1843 : memref<8x128xf32, #tpu.memory_space<vmem>>)
    %dma_wait3A_1845 = arith.constant 16 : i32
    %dma_wait3A_1846 = arith.constant 0 : i32
    %dma_wait3A_1847 = tpu.memref_slice %arg8[%dma_wait3A_1845, %dma_wait3A_1846] : memref<128x128xf32, #tpu.memory_space<vmem>> -> memref<8x128xf32, #tpu.memory_space<vmem>>
    %dma_wait3A_1848 = tpu.memref_slice %arg2[%multiple_of3A_704, %multiple_of3A_699] : memref<4096x32000xf32, #tpu.memory_space<hbm>> -> memref<8x128xf32, #tpu.memory_space<hbm>>
    %dma_wait3A_1849 = arith.constant 16 : i32
    %dma_wait3A_1850 = arith.constant 0 : i32
    %dma_wait3A_1851 = tpu.memref_slice %arg8[%dma_wait3A_1849, %dma_wait3A_1850] : memref<128x128xf32, #tpu.memory_space<vmem>> -> memref<8x128xf32, #tpu.memory_space<vmem>>
    %dma_wait3A_1852 = tpu.memref_slice %arg2[%multiple_of3A_704, %multiple_of3A_699] : memref<4096x32000xf32, #tpu.memory_space<hbm>> -> memref<8x128xf32, #tpu.memory_space<hbm>>
    tpu.wait_dma2 semaphore(%arg12 : memref<!tpu.dma_semaphore, #tpu.memory_space<semaphore_mem>>) src(%dma_wait3A_1852 : memref<8x128xf32, #tpu.memory_space<hbm>>) dst(%dma_wait3A_1851 : memref<8x128xf32, #tpu.memory_space<vmem>>)
    %dma_wait3A_1853 = arith.constant 24 : i32
    %dma_wait3A_1854 = arith.constant 0 : i32
    %dma_wait3A_1855 = tpu.memref_slice %arg8[%dma_wait3A_1853, %dma_wait3A_1854] : memref<128x128xf32, #tpu.memory_space<vmem>> -> memref<8x128xf32, #tpu.memory_space<vmem>>
    %dma_wait3A_1856 = tpu.memref_slice %arg2[%multiple_of3A_722, %multiple_of3A_717] : memref<4096x32000xf32, #tpu.memory_space<hbm>> -> memref<8x128xf32, #tpu.memory_space<hbm>>
    %dma_wait3A_1857 = arith.constant 24 : i32
    %dma_wait3A_1858 = arith.constant 0 : i32
    %dma_wait3A_1859 = tpu.memref_slice %arg8[%dma_wait3A_1857, %dma_wait3A_1858] : memref<128x128xf32, #tpu.memory_space<vmem>> -> memref<8x128xf32, #tpu.memory_space<vmem>>
    %dma_wait3A_1860 = tpu.memref_slice %arg2[%multiple_of3A_722, %multiple_of3A_717] : memref<4096x32000xf32, #tpu.memory_space<hbm>> -> memref<8x128xf32, #tpu.memory_space<hbm>>
    tpu.wait_dma2 semaphore(%arg12 : memref<!tpu.dma_semaphore, #tpu.memory_space<semaphore_mem>>) src(%dma_wait3A_1860 : memref<8x128xf32, #tpu.memory_space<hbm>>) dst(%dma_wait3A_1859 : memref<8x128xf32, #tpu.memory_space<vmem>>)
    %dma_wait3A_1861 = arith.constant 32 : i32
    %dma_wait3A_1862 = arith.constant 0 : i32
    %dma_wait3A_1863 = tpu.memref_slice %arg8[%dma_wait3A_1861, %dma_wait3A_1862] : memref<128x128xf32, #tpu.memory_space<vmem>> -> memref<8x128xf32, #tpu.memory_space<vmem>>
    %dma_wait3A_1864 = tpu.memref_slice %arg2[%multiple_of3A_740, %multiple_of3A_735] : memref<4096x32000xf32, #tpu.memory_space<hbm>> -> memref<8x128xf32, #tpu.memory_space<hbm>>
    %dma_wait3A_1865 = arith.constant 32 : i32
    %dma_wait3A_1866 = arith.constant 0 : i32
    %dma_wait3A_1867 = tpu.memref_slice %arg8[%dma_wait3A_1865, %dma_wait3A_1866] : memref<128x128xf32, #tpu.memory_space<vmem>> -> memref<8x128xf32, #tpu.memory_space<vmem>>
    %dma_wait3A_1868 = tpu.memref_slice %arg2[%multiple_of3A_740, %multiple_of3A_735] : memref<4096x32000xf32, #tpu.memory_space<hbm>> -> memref<8x128xf32, #tpu.memory_space<hbm>>
    tpu.wait_dma2 semaphore(%arg12 : memref<!tpu.dma_semaphore, #tpu.memory_space<semaphore_mem>>) src(%dma_wait3A_1868 : memref<8x128xf32, #tpu.memory_space<hbm>>) dst(%dma_wait3A_1867 : memref<8x128xf32, #tpu.memory_space<vmem>>)
    %dma_wait3A_1869 = arith.constant 40 : i32
    %dma_wait3A_1870 = arith.constant 0 : i32
    %dma_wait3A_1871 = tpu.memref_slice %arg8[%dma_wait3A_1869, %dma_wait3A_1870] : memref<128x128xf32, #tpu.memory_space<vmem>> -> memref<8x128xf32, #tpu.memory_space<vmem>>
    %dma_wait3A_1872 = tpu.memref_slice %arg2[%multiple_of3A_758, %multiple_of3A_753] : memref<4096x32000xf32, #tpu.memory_space<hbm>> -> memref<8x128xf32, #tpu.memory_space<hbm>>
    %dma_wait3A_1873 = arith.constant 40 : i32
    %dma_wait3A_1874 = arith.constant 0 : i32
    %dma_wait3A_1875 = tpu.memref_slice %arg8[%dma_wait3A_1873, %dma_wait3A_1874] : memref<128x128xf32, #tpu.memory_space<vmem>> -> memref<8x128xf32, #tpu.memory_space<vmem>>
    %dma_wait3A_1876 = tpu.memref_slice %arg2[%multiple_of3A_758, %multiple_of3A_753] : memref<4096x32000xf32, #tpu.memory_space<hbm>> -> memref<8x128xf32, #tpu.memory_space<hbm>>
    tpu.wait_dma2 semaphore(%arg12 : memref<!tpu.dma_semaphore, #tpu.memory_space<semaphore_mem>>) src(%dma_wait3A_1876 : memref<8x128xf32, #tpu.memory_space<hbm>>) dst(%dma_wait3A_1875 : memref<8x128xf32, #tpu.memory_space<vmem>>)
    %dma_wait3A_1877 = arith.constant 48 : i32
    %dma_wait3A_1878 = arith.constant 0 : i32
    %dma_wait3A_1879 = tpu.memref_slice %arg8[%dma_wait3A_1877, %dma_wait3A_1878] : memref<128x128xf32, #tpu.memory_space<vmem>> -> memref<8x128xf32, #tpu.memory_space<vmem>>
    %dma_wait3A_1880 = tpu.memref_slice %arg2[%multiple_of3A_776, %multiple_of3A_771] : memref<4096x32000xf32, #tpu.memory_space<hbm>> -> memref<8x128xf32, #tpu.memory_space<hbm>>
    %dma_wait3A_1881 = arith.constant 48 : i32
    %dma_wait3A_1882 = arith.constant 0 : i32
    %dma_wait3A_1883 = tpu.memref_slice %arg8[%dma_wait3A_1881, %dma_wait3A_1882] : memref<128x128xf32, #tpu.memory_space<vmem>> -> memref<8x128xf32, #tpu.memory_space<vmem>>
    %dma_wait3A_1884 = tpu.memref_slice %arg2[%multiple_of3A_776, %multiple_of3A_771] : memref<4096x32000xf32, #tpu.memory_space<hbm>> -> memref<8x128xf32, #tpu.memory_space<hbm>>
    tpu.wait_dma2 semaphore(%arg12 : memref<!tpu.dma_semaphore, #tpu.memory_space<semaphore_mem>>) src(%dma_wait3A_1884 : memref<8x128xf32, #tpu.memory_space<hbm>>) dst(%dma_wait3A_1883 : memref<8x128xf32, #tpu.memory_space<vmem>>)
    %dma_wait3A_1885 = arith.constant 56 : i32
    %dma_wait3A_1886 = arith.constant 0 : i32
    %dma_wait3A_1887 = tpu.memref_slice %arg8[%dma_wait3A_1885, %dma_wait3A_1886] : memref<128x128xf32, #tpu.memory_space<vmem>> -> memref<8x128xf32, #tpu.memory_space<vmem>>
    %dma_wait3A_1888 = tpu.memref_slice %arg2[%multiple_of3A_794, %multiple_of3A_789] : memref<4096x32000xf32, #tpu.memory_space<hbm>> -> memref<8x128xf32, #tpu.memory_space<hbm>>
    %dma_wait3A_1889 = arith.constant 56 : i32
    %dma_wait3A_1890 = arith.constant 0 : i32
    %dma_wait3A_1891 = tpu.memref_slice %arg8[%dma_wait3A_1889, %dma_wait3A_1890] : memref<128x128xf32, #tpu.memory_space<vmem>> -> memref<8x128xf32, #tpu.memory_space<vmem>>
    %dma_wait3A_1892 = tpu.memref_slice %arg2[%multiple_of3A_794, %multiple_of3A_789] : memref<4096x32000xf32, #tpu.memory_space<hbm>> -> memref<8x128xf32, #tpu.memory_space<hbm>>
    tpu.wait_dma2 semaphore(%arg12 : memref<!tpu.dma_semaphore, #tpu.memory_space<semaphore_mem>>) src(%dma_wait3A_1892 : memref<8x128xf32, #tpu.memory_space<hbm>>) dst(%dma_wait3A_1891 : memref<8x128xf32, #tpu.memory_space<vmem>>)
    %dma_wait3A_1893 = arith.constant 64 : i32
    %dma_wait3A_1894 = arith.constant 0 : i32
    %dma_wait3A_1895 = tpu.memref_slice %arg8[%dma_wait3A_1893, %dma_wait3A_1894] : memref<128x128xf32, #tpu.memory_space<vmem>> -> memref<8x128xf32, #tpu.memory_space<vmem>>
    %dma_wait3A_1896 = tpu.memref_slice %arg2[%multiple_of3A_812, %multiple_of3A_807] : memref<4096x32000xf32, #tpu.memory_space<hbm>> -> memref<8x128xf32, #tpu.memory_space<hbm>>
    %dma_wait3A_1897 = arith.constant 64 : i32
    %dma_wait3A_1898 = arith.constant 0 : i32
    %dma_wait3A_1899 = tpu.memref_slice %arg8[%dma_wait3A_1897, %dma_wait3A_1898] : memref<128x128xf32, #tpu.memory_space<vmem>> -> memref<8x128xf32, #tpu.memory_space<vmem>>
    %dma_wait3A_1900 = tpu.memref_slice %arg2[%multiple_of3A_812, %multiple_of3A_807] : memref<4096x32000xf32, #tpu.memory_space<hbm>> -> memref<8x128xf32, #tpu.memory_space<hbm>>
    tpu.wait_dma2 semaphore(%arg12 : memref<!tpu.dma_semaphore, #tpu.memory_space<semaphore_mem>>) src(%dma_wait3A_1900 : memref<8x128xf32, #tpu.memory_space<hbm>>) dst(%dma_wait3A_1899 : memref<8x128xf32, #tpu.memory_space<vmem>>)
    %dma_wait3A_1901 = arith.constant 72 : i32
    %dma_wait3A_1902 = arith.constant 0 : i32
    %dma_wait3A_1903 = tpu.memref_slice %arg8[%dma_wait3A_1901, %dma_wait3A_1902] : memref<128x128xf32, #tpu.memory_space<vmem>> -> memref<8x128xf32, #tpu.memory_space<vmem>>
    %dma_wait3A_1904 = tpu.memref_slice %arg2[%multiple_of3A_830, %multiple_of3A_825] : memref<4096x32000xf32, #tpu.memory_space<hbm>> -> memref<8x128xf32, #tpu.memory_space<hbm>>
    %dma_wait3A_1905 = arith.constant 72 : i32
    %dma_wait3A_1906 = arith.constant 0 : i32
    %dma_wait3A_1907 = tpu.memref_slice %arg8[%dma_wait3A_1905, %dma_wait3A_1906] : memref<128x128xf32, #tpu.memory_space<vmem>> -> memref<8x128xf32, #tpu.memory_space<vmem>>
    %dma_wait3A_1908 = tpu.memref_slice %arg2[%multiple_of3A_830, %multiple_of3A_825] : memref<4096x32000xf32, #tpu.memory_space<hbm>> -> memref<8x128xf32, #tpu.memory_space<hbm>>
    tpu.wait_dma2 semaphore(%arg12 : memref<!tpu.dma_semaphore, #tpu.memory_space<semaphore_mem>>) src(%dma_wait3A_1908 : memref<8x128xf32, #tpu.memory_space<hbm>>) dst(%dma_wait3A_1907 : memref<8x128xf32, #tpu.memory_space<vmem>>)
    %dma_wait3A_1909 = arith.constant 80 : i32
    %dma_wait3A_1910 = arith.constant 0 : i32
    %dma_wait3A_1911 = tpu.memref_slice %arg8[%dma_wait3A_1909, %dma_wait3A_1910] : memref<128x128xf32, #tpu.memory_space<vmem>> -> memref<8x128xf32, #tpu.memory_space<vmem>>
    %dma_wait3A_1912 = tpu.memref_slice %arg2[%multiple_of3A_848, %multiple_of3A_843] : memref<4096x32000xf32, #tpu.memory_space<hbm>> -> memref<8x128xf32, #tpu.memory_space<hbm>>
    %dma_wait3A_1913 = arith.constant 80 : i32
    %dma_wait3A_1914 = arith.constant 0 : i32
    %dma_wait3A_1915 = tpu.memref_slice %arg8[%dma_wait3A_1913, %dma_wait3A_1914] : memref<128x128xf32, #tpu.memory_space<vmem>> -> memref<8x128xf32, #tpu.memory_space<vmem>>
    %dma_wait3A_1916 = tpu.memref_slice %arg2[%multiple_of3A_848, %multiple_of3A_843] : memref<4096x32000xf32, #tpu.memory_space<hbm>> -> memref<8x128xf32, #tpu.memory_space<hbm>>
    tpu.wait_dma2 semaphore(%arg12 : memref<!tpu.dma_semaphore, #tpu.memory_space<semaphore_mem>>) src(%dma_wait3A_1916 : memref<8x128xf32, #tpu.memory_space<hbm>>) dst(%dma_wait3A_1915 : memref<8x128xf32, #tpu.memory_space<vmem>>)
    %dma_wait3A_1917 = arith.constant 88 : i32
    %dma_wait3A_1918 = arith.constant 0 : i32
    %dma_wait3A_1919 = tpu.memref_slice %arg8[%dma_wait3A_1917, %dma_wait3A_1918] : memref<128x128xf32, #tpu.memory_space<vmem>> -> memref<8x128xf32, #tpu.memory_space<vmem>>
    %dma_wait3A_1920 = tpu.memref_slice %arg2[%multiple_of3A_866, %multiple_of3A_861] : memref<4096x32000xf32, #tpu.memory_space<hbm>> -> memref<8x128xf32, #tpu.memory_space<hbm>>
    %dma_wait3A_1921 = arith.constant 88 : i32
    %dma_wait3A_1922 = arith.constant 0 : i32
    %dma_wait3A_1923 = tpu.memref_slice %arg8[%dma_wait3A_1921, %dma_wait3A_1922] : memref<128x128xf32, #tpu.memory_space<vmem>> -> memref<8x128xf32, #tpu.memory_space<vmem>>
    %dma_wait3A_1924 = tpu.memref_slice %arg2[%multiple_of3A_866, %multiple_of3A_861] : memref<4096x32000xf32, #tpu.memory_space<hbm>> -> memref<8x128xf32, #tpu.memory_space<hbm>>
    tpu.wait_dma2 semaphore(%arg12 : memref<!tpu.dma_semaphore, #tpu.memory_space<semaphore_mem>>) src(%dma_wait3A_1924 : memref<8x128xf32, #tpu.memory_space<hbm>>) dst(%dma_wait3A_1923 : memref<8x128xf32, #tpu.memory_space<vmem>>)
    %dma_wait3A_1925 = arith.constant 96 : i32
    %dma_wait3A_1926 = arith.constant 0 : i32
    %dma_wait3A_1927 = tpu.memref_slice %arg8[%dma_wait3A_1925, %dma_wait3A_1926] : memref<128x128xf32, #tpu.memory_space<vmem>> -> memref<8x128xf32, #tpu.memory_space<vmem>>
    %dma_wait3A_1928 = tpu.memref_slice %arg2[%multiple_of3A_884, %multiple_of3A_879] : memref<4096x32000xf32, #tpu.memory_space<hbm>> -> memref<8x128xf32, #tpu.memory_space<hbm>>
    %dma_wait3A_1929 = arith.constant 96 : i32
    %dma_wait3A_1930 = arith.constant 0 : i32
    %dma_wait3A_1931 = tpu.memref_slice %arg8[%dma_wait3A_1929, %dma_wait3A_1930] : memref<128x128xf32, #tpu.memory_space<vmem>> -> memref<8x128xf32, #tpu.memory_space<vmem>>
    %dma_wait3A_1932 = tpu.memref_slice %arg2[%multiple_of3A_884, %multiple_of3A_879] : memref<4096x32000xf32, #tpu.memory_space<hbm>> -> memref<8x128xf32, #tpu.memory_space<hbm>>
    tpu.wait_dma2 semaphore(%arg12 : memref<!tpu.dma_semaphore, #tpu.memory_space<semaphore_mem>>) src(%dma_wait3A_1932 : memref<8x128xf32, #tpu.memory_space<hbm>>) dst(%dma_wait3A_1931 : memref<8x128xf32, #tpu.memory_space<vmem>>)
    %dma_wait3A_1933 = arith.constant 104 : i32
    %dma_wait3A_1934 = arith.constant 0 : i32
    %dma_wait3A_1935 = tpu.memref_slice %arg8[%dma_wait3A_1933, %dma_wait3A_1934] : memref<128x128xf32, #tpu.memory_space<vmem>> -> memref<8x128xf32, #tpu.memory_space<vmem>>
    %dma_wait3A_1936 = tpu.memref_slice %arg2[%multiple_of3A_902, %multiple_of3A_897] : memref<4096x32000xf32, #tpu.memory_space<hbm>> -> memref<8x128xf32, #tpu.memory_space<hbm>>
    %dma_wait3A_1937 = arith.constant 104 : i32
    %dma_wait3A_1938 = arith.constant 0 : i32
    %dma_wait3A_1939 = tpu.memref_slice %arg8[%dma_wait3A_1937, %dma_wait3A_1938] : memref<128x128xf32, #tpu.memory_space<vmem>> -> memref<8x128xf32, #tpu.memory_space<vmem>>
    %dma_wait3A_1940 = tpu.memref_slice %arg2[%multiple_of3A_902, %multiple_of3A_897] : memref<4096x32000xf32, #tpu.memory_space<hbm>> -> memref<8x128xf32, #tpu.memory_space<hbm>>
    tpu.wait_dma2 semaphore(%arg12 : memref<!tpu.dma_semaphore, #tpu.memory_space<semaphore_mem>>) src(%dma_wait3A_1940 : memref<8x128xf32, #tpu.memory_space<hbm>>) dst(%dma_wait3A_1939 : memref<8x128xf32, #tpu.memory_space<vmem>>)
    %dma_wait3A_1941 = arith.constant 112 : i32
    %dma_wait3A_1942 = arith.constant 0 : i32
    %dma_wait3A_1943 = tpu.memref_slice %arg8[%dma_wait3A_1941, %dma_wait3A_1942] : memref<128x128xf32, #tpu.memory_space<vmem>> -> memref<8x128xf32, #tpu.memory_space<vmem>>
    %dma_wait3A_1944 = tpu.memref_slice %arg2[%multiple_of3A_920, %multiple_of3A_915] : memref<4096x32000xf32, #tpu.memory_space<hbm>> -> memref<8x128xf32, #tpu.memory_space<hbm>>
    %dma_wait3A_1945 = arith.constant 112 : i32
    %dma_wait3A_1946 = arith.constant 0 : i32
    %dma_wait3A_1947 = tpu.memref_slice %arg8[%dma_wait3A_1945, %dma_wait3A_1946] : memref<128x128xf32, #tpu.memory_space<vmem>> -> memref<8x128xf32, #tpu.memory_space<vmem>>
    %dma_wait3A_1948 = tpu.memref_slice %arg2[%multiple_of3A_920, %multiple_of3A_915] : memref<4096x32000xf32, #tpu.memory_space<hbm>> -> memref<8x128xf32, #tpu.memory_space<hbm>>
    tpu.wait_dma2 semaphore(%arg12 : memref<!tpu.dma_semaphore, #tpu.memory_space<semaphore_mem>>) src(%dma_wait3A_1948 : memref<8x128xf32, #tpu.memory_space<hbm>>) dst(%dma_wait3A_1947 : memref<8x128xf32, #tpu.memory_space<vmem>>)
    %dma_wait3A_1949 = arith.constant 120 : i32
    %dma_wait3A_1950 = arith.constant 0 : i32
    %dma_wait3A_1951 = tpu.memref_slice %arg8[%dma_wait3A_1949, %dma_wait3A_1950] : memref<128x128xf32, #tpu.memory_space<vmem>> -> memref<8x128xf32, #tpu.memory_space<vmem>>
    %dma_wait3A_1952 = tpu.memref_slice %arg2[%multiple_of3A_938, %multiple_of3A_933] : memref<4096x32000xf32, #tpu.memory_space<hbm>> -> memref<8x128xf32, #tpu.memory_space<hbm>>
    %dma_wait3A_1953 = arith.constant 120 : i32
    %dma_wait3A_1954 = arith.constant 0 : i32
    %dma_wait3A_1955 = tpu.memref_slice %arg8[%dma_wait3A_1953, %dma_wait3A_1954] : memref<128x128xf32, #tpu.memory_space<vmem>> -> memref<8x128xf32, #tpu.memory_space<vmem>>
    %dma_wait3A_1956 = tpu.memref_slice %arg2[%multiple_of3A_938, %multiple_of3A_933] : memref<4096x32000xf32, #tpu.memory_space<hbm>> -> memref<8x128xf32, #tpu.memory_space<hbm>>
    tpu.wait_dma2 semaphore(%arg12 : memref<!tpu.dma_semaphore, #tpu.memory_space<semaphore_mem>>) src(%dma_wait3A_1956 : memref<8x128xf32, #tpu.memory_space<hbm>>) dst(%dma_wait3A_1955 : memref<8x128xf32, #tpu.memory_space<vmem>>)
    %and3A_1957 = arith.constant 127 : i32
    %and3A_1958 = vector.broadcast %and3A_1957 : i32 to vector<16xi32>
    %and3A_1959 = arith.andi %get3A_658, %and3A_1958 : vector<16xi32>
    %gather3A_1960 = tpu.vector_load_idx %arg8[%add3A_25, %and3A_1959] : memref<128x128xf32, #tpu.memory_space<vmem>>[vector<16xi32>, vector<16xi32>], vector<16xf32>,
    %add3A_1961 = arith.addf %add3A_1519, %gather3A_1960 : vector<16xf32>
    %jit3A_1962 = arith.constant 2048 : i32
    %eq3A_1963 = arith.constant 0 : i32
    %eq3A_1964 = arith.cmpi eq, %jit3A_1962, %eq3A_1963 : i32
    %jit3A_1965 = arith.constant 1 : i32
    %select_n3A_1966 = arith.select %eq3A_1964, %jit3A_1965, %jit3A_1962 : i32
    %rem3A_1967 = arith.remsi %mul3A_2, %select_n3A_1966 : i32
    %ne3A_1968 = arith.constant 0 : i32
    %ne3A_1969 = arith.cmpi ne, %rem3A_1967, %ne3A_1968 : i32
    %lt3A_1970 = arith.constant 0 : i32
    %lt3A_1971 = arith.cmpi slt, %rem3A_1967, %lt3A_1970 : i32
    %lt3A_1972 = arith.constant 0 : i32
    %lt3A_1973 = arith.cmpi slt, %select_n3A_1966, %lt3A_1972 : i32
    %ne3A_1974 = arith.xori %lt3A_1971, %lt3A_1973 : i1
    %and3A_1975 = arith.andi %ne3A_1974, %ne3A_1969 : i1
    %add3A_1976 = arith.addi %rem3A_1967, %select_n3A_1966 : i32
    %select_n3A_1977 = arith.select %and3A_1975, %add3A_1976, %rem3A_1967 : i32
    %add3A_1978 = arith.constant 80 : i32
    %add3A_1979 = arith.addi %select_n3A_1977, %add3A_1978 : i32
    %get3A_1980 = arith.index_cast %select_n3A : i32 to index
    %get3A_1981 = arith.index_cast %add3A_1979 : i32 to index
    %get3A_1982 = tpu.vector_load %arg5[%get3A_1980, %get3A_1981] {strides = array<i32>} : memref<2x2048xi32, #tpu.memory_space<vmem>>, vector<16xi32>,
    %slice3A_1983 = vector.extract_strided_slice %get3A_1982 {offsets = [0], sizes = [1], strides = [1]} : vector<16xi32> to vector<1xi32>
    %reshape3A_1984 = vector.extract %slice3A_1983[0] : i32 from vector<1xi32>
    %and3A_1985 = arith.constant -128 : i32
    %and3A_1986 = arith.andi %reshape3A_1984, %and3A_1985 : i32
    %multiple_of3A_1987 = tpu.assume_multiple %and3A_1986, 128 : i32
    %add3A_1988 = arith.constant 80 : i32
    %add3A_1989 = arith.addi %mul3A_2, %add3A_1988 : i32
    %and3A_1990 = arith.constant -8 : i32
    %and3A_1991 = arith.andi %add3A_1989, %and3A_1990 : i32
    %multiple_of3A_1992 = tpu.assume_multiple %and3A_1991, 8 : i32
    %dma_start3A_1993 = arith.constant 0 : i32
    %dma_start3A_1994 = arith.constant 0 : i32
    %dma_start3A_1995 = tpu.memref_slice %arg8[%dma_start3A_1993, %dma_start3A_1994] : memref<128x128xf32, #tpu.memory_space<vmem>> -> memref<8x128xf32, #tpu.memory_space<vmem>>
    %dma_start3A_1996 = tpu.memref_slice %arg2[%multiple_of3A_1992, %multiple_of3A_1987] : memref<4096x32000xf32, #tpu.memory_space<hbm>> -> memref<8x128xf32, #tpu.memory_space<hbm>>
    %dma_start3A_1997 = arith.constant 0 : i32
    %dma_start3A_1998 = arith.constant 0 : i32
    %dma_start3A_1999 = tpu.memref_slice %arg8[%dma_start3A_1997, %dma_start3A_1998] : memref<128x128xf32, #tpu.memory_space<vmem>> -> memref<8x128xf32, #tpu.memory_space<vmem>>
    %dma_start3A_2000 = tpu.memref_slice %arg2[%multiple_of3A_1992, %multiple_of3A_1987] : memref<4096x32000xf32, #tpu.memory_space<hbm>> -> memref<8x128xf32, #tpu.memory_space<hbm>>
    tpu.enqueue_dma source(%dma_start3A_2000 : memref<8x128xf32, #tpu.memory_space<hbm>>) target(%dma_start3A_1999 : memref<8x128xf32, #tpu.memory_space<vmem>>) target_semaphore(%arg12 : memref<!tpu.dma_semaphore, #tpu.memory_space<semaphore_mem>>)
    %slice3A_2001 = vector.extract_strided_slice %get3A_1982 {offsets = [1], sizes = [1], strides = [1]} : vector<16xi32> to vector<1xi32>
    %reshape3A_2002 = vector.extract %slice3A_2001[0] : i32 from vector<1xi32>
    %and3A_2003 = arith.constant -128 : i32
    %and3A_2004 = arith.andi %reshape3A_2002, %and3A_2003 : i32
    %multiple_of3A_2005 = tpu.assume_multiple %and3A_2004, 128 : i32
    %add3A_2006 = arith.constant 81 : i32
    %add3A_2007 = arith.addi %mul3A_2, %add3A_2006 : i32
    %and3A_2008 = arith.constant -8 : i32
    %and3A_2009 = arith.andi %add3A_2007, %and3A_2008 : i32
    %multiple_of3A_2010 = tpu.assume_multiple %and3A_2009, 8 : i32
    %dma_start3A_2011 = arith.constant 8 : i32
    %dma_start3A_2012 = arith.constant 0 : i32
    %dma_start3A_2013 = tpu.memref_slice %arg8[%dma_start3A_2011, %dma_start3A_2012] : memref<128x128xf32, #tpu.memory_space<vmem>> -> memref<8x128xf32, #tpu.memory_space<vmem>>
    %dma_start3A_2014 = tpu.memref_slice %arg2[%multiple_of3A_2010, %multiple_of3A_2005] : memref<4096x32000xf32, #tpu.memory_space<hbm>> -> memref<8x128xf32, #tpu.memory_space<hbm>>
    %dma_start3A_2015 = arith.constant 8 : i32
    %dma_start3A_2016 = arith.constant 0 : i32
    %dma_start3A_2017 = tpu.memref_slice %arg8[%dma_start3A_2015, %dma_start3A_2016] : memref<128x128xf32, #tpu.memory_space<vmem>> -> memref<8x128xf32, #tpu.memory_space<vmem>>
    %dma_start3A_2018 = tpu.memref_slice %arg2[%multiple_of3A_2010, %multiple_of3A_2005] : memref<4096x32000xf32, #tpu.memory_space<hbm>> -> memref<8x128xf32, #tpu.memory_space<hbm>>
    tpu.enqueue_dma source(%dma_start3A_2018 : memref<8x128xf32, #tpu.memory_space<hbm>>) target(%dma_start3A_2017 : memref<8x128xf32, #tpu.memory_space<vmem>>) target_semaphore(%arg12 : memref<!tpu.dma_semaphore, #tpu.memory_space<semaphore_mem>>)
    %slice3A_2019 = vector.extract_strided_slice %get3A_1982 {offsets = [2], sizes = [1], strides = [1]} : vector<16xi32> to vector<1xi32>
    %reshape3A_2020 = vector.extract %slice3A_2019[0] : i32 from vector<1xi32>
    %and3A_2021 = arith.constant -128 : i32
    %and3A_2022 = arith.andi %reshape3A_2020, %and3A_2021 : i32
    %multiple_of3A_2023 = tpu.assume_multiple %and3A_2022, 128 : i32
    %add3A_2024 = arith.constant 82 : i32
    %add3A_2025 = arith.addi %mul3A_2, %add3A_2024 : i32
    %and3A_2026 = arith.constant -8 : i32
    %and3A_2027 = arith.andi %add3A_2025, %and3A_2026 : i32
    %multiple_of3A_2028 = tpu.assume_multiple %and3A_2027, 8 : i32
    %dma_start3A_2029 = arith.constant 16 : i32
    %dma_start3A_2030 = arith.constant 0 : i32
    %dma_start3A_2031 = tpu.memref_slice %arg8[%dma_start3A_2029, %dma_start3A_2030] : memref<128x128xf32, #tpu.memory_space<vmem>> -> memref<8x128xf32, #tpu.memory_space<vmem>>
    %dma_start3A_2032 = tpu.memref_slice %arg2[%multiple_of3A_2028, %multiple_of3A_2023] : memref<4096x32000xf32, #tpu.memory_space<hbm>> -> memref<8x128xf32, #tpu.memory_space<hbm>>
    %dma_start3A_2033 = arith.constant 16 : i32
    %dma_start3A_2034 = arith.constant 0 : i32
    %dma_start3A_2035 = tpu.memref_slice %arg8[%dma_start3A_2033, %dma_start3A_2034] : memref<128x128xf32, #tpu.memory_space<vmem>> -> memref<8x128xf32, #tpu.memory_space<vmem>>
    %dma_start3A_2036 = tpu.memref_slice %arg2[%multiple_of3A_2028, %multiple_of3A_2023] : memref<4096x32000xf32, #tpu.memory_space<hbm>> -> memref<8x128xf32, #tpu.memory_space<hbm>>
    tpu.enqueue_dma source(%dma_start3A_2036 : memref<8x128xf32, #tpu.memory_space<hbm>>) target(%dma_start3A_2035 : memref<8x128xf32, #tpu.memory_space<vmem>>) target_semaphore(%arg12 : memref<!tpu.dma_semaphore, #tpu.memory_space<semaphore_mem>>)
    %slice3A_2037 = vector.extract_strided_slice %get3A_1982 {offsets = [3], sizes = [1], strides = [1]} : vector<16xi32> to vector<1xi32>
    %reshape3A_2038 = vector.extract %slice3A_2037[0] : i32 from vector<1xi32>
    %and3A_2039 = arith.constant -128 : i32
    %and3A_2040 = arith.andi %reshape3A_2038, %and3A_2039 : i32
    %multiple_of3A_2041 = tpu.assume_multiple %and3A_2040, 128 : i32
    %add3A_2042 = arith.constant 83 : i32
    %add3A_2043 = arith.addi %mul3A_2, %add3A_2042 : i32
    %and3A_2044 = arith.constant -8 : i32
    %and3A_2045 = arith.andi %add3A_2043, %and3A_2044 : i32
    %multiple_of3A_2046 = tpu.assume_multiple %and3A_2045, 8 : i32
    %dma_start3A_2047 = arith.constant 24 : i32
    %dma_start3A_2048 = arith.constant 0 : i32
    %dma_start3A_2049 = tpu.memref_slice %arg8[%dma_start3A_2047, %dma_start3A_2048] : memref<128x128xf32, #tpu.memory_space<vmem>> -> memref<8x128xf32, #tpu.memory_space<vmem>>
    %dma_start3A_2050 = tpu.memref_slice %arg2[%multiple_of3A_2046, %multiple_of3A_2041] : memref<4096x32000xf32, #tpu.memory_space<hbm>> -> memref<8x128xf32, #tpu.memory_space<hbm>>
    %dma_start3A_2051 = arith.constant 24 : i32
    %dma_start3A_2052 = arith.constant 0 : i32
    %dma_start3A_2053 = tpu.memref_slice %arg8[%dma_start3A_2051, %dma_start3A_2052] : memref<128x128xf32, #tpu.memory_space<vmem>> -> memref<8x128xf32, #tpu.memory_space<vmem>>
    %dma_start3A_2054 = tpu.memref_slice %arg2[%multiple_of3A_2046, %multiple_of3A_2041] : memref<4096x32000xf32, #tpu.memory_space<hbm>> -> memref<8x128xf32, #tpu.memory_space<hbm>>
    tpu.enqueue_dma source(%dma_start3A_2054 : memref<8x128xf32, #tpu.memory_space<hbm>>) target(%dma_start3A_2053 : memref<8x128xf32, #tpu.memory_space<vmem>>) target_semaphore(%arg12 : memref<!tpu.dma_semaphore, #tpu.memory_space<semaphore_mem>>)
    %slice3A_2055 = vector.extract_strided_slice %get3A_1982 {offsets = [4], sizes = [1], strides = [1]} : vector<16xi32> to vector<1xi32>
    %reshape3A_2056 = vector.extract %slice3A_2055[0] : i32 from vector<1xi32>
    %and3A_2057 = arith.constant -128 : i32
    %and3A_2058 = arith.andi %reshape3A_2056, %and3A_2057 : i32
    %multiple_of3A_2059 = tpu.assume_multiple %and3A_2058, 128 : i32
    %add3A_2060 = arith.constant 84 : i32
    %add3A_2061 = arith.addi %mul3A_2, %add3A_2060 : i32
    %and3A_2062 = arith.constant -8 : i32
    %and3A_2063 = arith.andi %add3A_2061, %and3A_2062 : i32
    %multiple_of3A_2064 = tpu.assume_multiple %and3A_2063, 8 : i32
    %dma_start3A_2065 = arith.constant 32 : i32
    %dma_start3A_2066 = arith.constant 0 : i32
    %dma_start3A_2067 = tpu.memref_slice %arg8[%dma_start3A_2065, %dma_start3A_2066] : memref<128x128xf32, #tpu.memory_space<vmem>> -> memref<8x128xf32, #tpu.memory_space<vmem>>
    %dma_start3A_2068 = tpu.memref_slice %arg2[%multiple_of3A_2064, %multiple_of3A_2059] : memref<4096x32000xf32, #tpu.memory_space<hbm>> -> memref<8x128xf32, #tpu.memory_space<hbm>>
    %dma_start3A_2069 = arith.constant 32 : i32
    %dma_start3A_2070 = arith.constant 0 : i32
    %dma_start3A_2071 = tpu.memref_slice %arg8[%dma_start3A_2069, %dma_start3A_2070] : memref<128x128xf32, #tpu.memory_space<vmem>> -> memref<8x128xf32, #tpu.memory_space<vmem>>
    %dma_start3A_2072 = tpu.memref_slice %arg2[%multiple_of3A_2064, %multiple_of3A_2059] : memref<4096x32000xf32, #tpu.memory_space<hbm>> -> memref<8x128xf32, #tpu.memory_space<hbm>>
    tpu.enqueue_dma source(%dma_start3A_2072 : memref<8x128xf32, #tpu.memory_space<hbm>>) target(%dma_start3A_2071 : memref<8x128xf32, #tpu.memory_space<vmem>>) target_semaphore(%arg12 : memref<!tpu.dma_semaphore, #tpu.memory_space<semaphore_mem>>)
    %slice3A_2073 = vector.extract_strided_slice %get3A_1982 {offsets = [5], sizes = [1], strides = [1]} : vector<16xi32> to vector<1xi32>
    %reshape3A_2074 = vector.extract %slice3A_2073[0] : i32 from vector<1xi32>
    %and3A_2075 = arith.constant -128 : i32
    %and3A_2076 = arith.andi %reshape3A_2074, %and3A_2075 : i32
    %multiple_of3A_2077 = tpu.assume_multiple %and3A_2076, 128 : i32
    %add3A_2078 = arith.constant 85 : i32
    %add3A_2079 = arith.addi %mul3A_2, %add3A_2078 : i32
    %and3A_2080 = arith.constant -8 : i32
    %and3A_2081 = arith.andi %add3A_2079, %and3A_2080 : i32
    %multiple_of3A_2082 = tpu.assume_multiple %and3A_2081, 8 : i32
    %dma_start3A_2083 = arith.constant 40 : i32
    %dma_start3A_2084 = arith.constant 0 : i32
    %dma_start3A_2085 = tpu.memref_slice %arg8[%dma_start3A_2083, %dma_start3A_2084] : memref<128x128xf32, #tpu.memory_space<vmem>> -> memref<8x128xf32, #tpu.memory_space<vmem>>
    %dma_start3A_2086 = tpu.memref_slice %arg2[%multiple_of3A_2082, %multiple_of3A_2077] : memref<4096x32000xf32, #tpu.memory_space<hbm>> -> memref<8x128xf32, #tpu.memory_space<hbm>>
    %dma_start3A_2087 = arith.constant 40 : i32
    %dma_start3A_2088 = arith.constant 0 : i32
    %dma_start3A_2089 = tpu.memref_slice %arg8[%dma_start3A_2087, %dma_start3A_2088] : memref<128x128xf32, #tpu.memory_space<vmem>> -> memref<8x128xf32, #tpu.memory_space<vmem>>
    %dma_start3A_2090 = tpu.memref_slice %arg2[%multiple_of3A_2082, %multiple_of3A_2077] : memref<4096x32000xf32, #tpu.memory_space<hbm>> -> memref<8x128xf32, #tpu.memory_space<hbm>>
    tpu.enqueue_dma source(%dma_start3A_2090 : memref<8x128xf32, #tpu.memory_space<hbm>>) target(%dma_start3A_2089 : memref<8x128xf32, #tpu.memory_space<vmem>>) target_semaphore(%arg12 : memref<!tpu.dma_semaphore, #tpu.memory_space<semaphore_mem>>)
    %slice3A_2091 = vector.extract_strided_slice %get3A_1982 {offsets = [6], sizes = [1], strides = [1]} : vector<16xi32> to vector<1xi32>
    %reshape3A_2092 = vector.extract %slice3A_2091[0] : i32 from vector<1xi32>
    %and3A_2093 = arith.constant -128 : i32
    %and3A_2094 = arith.andi %reshape3A_2092, %and3A_2093 : i32
    %multiple_of3A_2095 = tpu.assume_multiple %and3A_2094, 128 : i32
    %add3A_2096 = arith.constant 86 : i32
    %add3A_2097 = arith.addi %mul3A_2, %add3A_2096 : i32
    %and3A_2098 = arith.constant -8 : i32
    %and3A_2099 = arith.andi %add3A_2097, %and3A_2098 : i32
    %multiple_of3A_2100 = tpu.assume_multiple %and3A_2099, 8 : i32
    %dma_start3A_2101 = arith.constant 48 : i32
    %dma_start3A_2102 = arith.constant 0 : i32
    %dma_start3A_2103 = tpu.memref_slice %arg8[%dma_start3A_2101, %dma_start3A_2102] : memref<128x128xf32, #tpu.memory_space<vmem>> -> memref<8x128xf32, #tpu.memory_space<vmem>>
    %dma_start3A_2104 = tpu.memref_slice %arg2[%multiple_of3A_2100, %multiple_of3A_2095] : memref<4096x32000xf32, #tpu.memory_space<hbm>> -> memref<8x128xf32, #tpu.memory_space<hbm>>
    %dma_start3A_2105 = arith.constant 48 : i32
    %dma_start3A_2106 = arith.constant 0 : i32
    %dma_start3A_2107 = tpu.memref_slice %arg8[%dma_start3A_2105, %dma_start3A_2106] : memref<128x128xf32, #tpu.memory_space<vmem>> -> memref<8x128xf32, #tpu.memory_space<vmem>>
    %dma_start3A_2108 = tpu.memref_slice %arg2[%multiple_of3A_2100, %multiple_of3A_2095] : memref<4096x32000xf32, #tpu.memory_space<hbm>> -> memref<8x128xf32, #tpu.memory_space<hbm>>
    tpu.enqueue_dma source(%dma_start3A_2108 : memref<8x128xf32, #tpu.memory_space<hbm>>) target(%dma_start3A_2107 : memref<8x128xf32, #tpu.memory_space<vmem>>) target_semaphore(%arg12 : memref<!tpu.dma_semaphore, #tpu.memory_space<semaphore_mem>>)
    %slice3A_2109 = vector.extract_strided_slice %get3A_1982 {offsets = [7], sizes = [1], strides = [1]} : vector<16xi32> to vector<1xi32>
    %reshape3A_2110 = vector.extract %slice3A_2109[0] : i32 from vector<1xi32>
    %and3A_2111 = arith.constant -128 : i32
    %and3A_2112 = arith.andi %reshape3A_2110, %and3A_2111 : i32
    %multiple_of3A_2113 = tpu.assume_multiple %and3A_2112, 128 : i32
    %add3A_2114 = arith.constant 87 : i32
    %add3A_2115 = arith.addi %mul3A_2, %add3A_2114 : i32
    %and3A_2116 = arith.constant -8 : i32
    %and3A_2117 = arith.andi %add3A_2115, %and3A_2116 : i32
    %multiple_of3A_2118 = tpu.assume_multiple %and3A_2117, 8 : i32
    %dma_start3A_2119 = arith.constant 56 : i32
    %dma_start3A_2120 = arith.constant 0 : i32
    %dma_start3A_2121 = tpu.memref_slice %arg8[%dma_start3A_2119, %dma_start3A_2120] : memref<128x128xf32, #tpu.memory_space<vmem>> -> memref<8x128xf32, #tpu.memory_space<vmem>>
    %dma_start3A_2122 = tpu.memref_slice %arg2[%multiple_of3A_2118, %multiple_of3A_2113] : memref<4096x32000xf32, #tpu.memory_space<hbm>> -> memref<8x128xf32, #tpu.memory_space<hbm>>
    %dma_start3A_2123 = arith.constant 56 : i32
    %dma_start3A_2124 = arith.constant 0 : i32
    %dma_start3A_2125 = tpu.memref_slice %arg8[%dma_start3A_2123, %dma_start3A_2124] : memref<128x128xf32, #tpu.memory_space<vmem>> -> memref<8x128xf32, #tpu.memory_space<vmem>>
    %dma_start3A_2126 = tpu.memref_slice %arg2[%multiple_of3A_2118, %multiple_of3A_2113] : memref<4096x32000xf32, #tpu.memory_space<hbm>> -> memref<8x128xf32, #tpu.memory_space<hbm>>
    tpu.enqueue_dma source(%dma_start3A_2126 : memref<8x128xf32, #tpu.memory_space<hbm>>) target(%dma_start3A_2125 : memref<8x128xf32, #tpu.memory_space<vmem>>) target_semaphore(%arg12 : memref<!tpu.dma_semaphore, #tpu.memory_space<semaphore_mem>>)
    %slice3A_2127 = vector.extract_strided_slice %get3A_1982 {offsets = [8], sizes = [1], strides = [1]} : vector<16xi32> to vector<1xi32>
    %reshape3A_2128 = vector.extract %slice3A_2127[0] : i32 from vector<1xi32>
    %and3A_2129 = arith.constant -128 : i32
    %and3A_2130 = arith.andi %reshape3A_2128, %and3A_2129 : i32
    %multiple_of3A_2131 = tpu.assume_multiple %and3A_2130, 128 : i32
    %add3A_2132 = arith.constant 88 : i32
    %add3A_2133 = arith.addi %mul3A_2, %add3A_2132 : i32
    %and3A_2134 = arith.constant -8 : i32
    %and3A_2135 = arith.andi %add3A_2133, %and3A_2134 : i32
    %multiple_of3A_2136 = tpu.assume_multiple %and3A_2135, 8 : i32
    %dma_start3A_2137 = arith.constant 64 : i32
    %dma_start3A_2138 = arith.constant 0 : i32
    %dma_start3A_2139 = tpu.memref_slice %arg8[%dma_start3A_2137, %dma_start3A_2138] : memref<128x128xf32, #tpu.memory_space<vmem>> -> memref<8x128xf32, #tpu.memory_space<vmem>>
    %dma_start3A_2140 = tpu.memref_slice %arg2[%multiple_of3A_2136, %multiple_of3A_2131] : memref<4096x32000xf32, #tpu.memory_space<hbm>> -> memref<8x128xf32, #tpu.memory_space<hbm>>
    %dma_start3A_2141 = arith.constant 64 : i32
    %dma_start3A_2142 = arith.constant 0 : i32
    %dma_start3A_2143 = tpu.memref_slice %arg8[%dma_start3A_2141, %dma_start3A_2142] : memref<128x128xf32, #tpu.memory_space<vmem>> -> memref<8x128xf32, #tpu.memory_space<vmem>>
    %dma_start3A_2144 = tpu.memref_slice %arg2[%multiple_of3A_2136, %multiple_of3A_2131] : memref<4096x32000xf32, #tpu.memory_space<hbm>> -> memref<8x128xf32, #tpu.memory_space<hbm>>
    tpu.enqueue_dma source(%dma_start3A_2144 : memref<8x128xf32, #tpu.memory_space<hbm>>) target(%dma_start3A_2143 : memref<8x128xf32, #tpu.memory_space<vmem>>) target_semaphore(%arg12 : memref<!tpu.dma_semaphore, #tpu.memory_space<semaphore_mem>>)
    %slice3A_2145 = vector.extract_strided_slice %get3A_1982 {offsets = [9], sizes = [1], strides = [1]} : vector<16xi32> to vector<1xi32>
    %reshape3A_2146 = vector.extract %slice3A_2145[0] : i32 from vector<1xi32>
    %and3A_2147 = arith.constant -128 : i32
    %and3A_2148 = arith.andi %reshape3A_2146, %and3A_2147 : i32
    %multiple_of3A_2149 = tpu.assume_multiple %and3A_2148, 128 : i32
    %add3A_2150 = arith.constant 89 : i32
    %add3A_2151 = arith.addi %mul3A_2, %add3A_2150 : i32
    %and3A_2152 = arith.constant -8 : i32
    %and3A_2153 = arith.andi %add3A_2151, %and3A_2152 : i32
    %multiple_of3A_2154 = tpu.assume_multiple %and3A_2153, 8 : i32
    %dma_start3A_2155 = arith.constant 72 : i32
    %dma_start3A_2156 = arith.constant 0 : i32
    %dma_start3A_2157 = tpu.memref_slice %arg8[%dma_start3A_2155, %dma_start3A_2156] : memref<128x128xf32, #tpu.memory_space<vmem>> -> memref<8x128xf32, #tpu.memory_space<vmem>>
    %dma_start3A_2158 = tpu.memref_slice %arg2[%multiple_of3A_2154, %multiple_of3A_2149] : memref<4096x32000xf32, #tpu.memory_space<hbm>> -> memref<8x128xf32, #tpu.memory_space<hbm>>
    %dma_start3A_2159 = arith.constant 72 : i32
    %dma_start3A_2160 = arith.constant 0 : i32
    %dma_start3A_2161 = tpu.memref_slice %arg8[%dma_start3A_2159, %dma_start3A_2160] : memref<128x128xf32, #tpu.memory_space<vmem>> -> memref<8x128xf32, #tpu.memory_space<vmem>>
    %dma_start3A_2162 = tpu.memref_slice %arg2[%multiple_of3A_2154, %multiple_of3A_2149] : memref<4096x32000xf32, #tpu.memory_space<hbm>> -> memref<8x128xf32, #tpu.memory_space<hbm>>
    tpu.enqueue_dma source(%dma_start3A_2162 : memref<8x128xf32, #tpu.memory_space<hbm>>) target(%dma_start3A_2161 : memref<8x128xf32, #tpu.memory_space<vmem>>) target_semaphore(%arg12 : memref<!tpu.dma_semaphore, #tpu.memory_space<semaphore_mem>>)
    %slice3A_2163 = vector.extract_strided_slice %get3A_1982 {offsets = [10], sizes = [1], strides = [1]} : vector<16xi32> to vector<1xi32>
    %reshape3A_2164 = vector.extract %slice3A_2163[0] : i32 from vector<1xi32>
    %and3A_2165 = arith.constant -128 : i32
    %and3A_2166 = arith.andi %reshape3A_2164, %and3A_2165 : i32
    %multiple_of3A_2167 = tpu.assume_multiple %and3A_2166, 128 : i32
    %add3A_2168 = arith.constant 90 : i32
    %add3A_2169 = arith.addi %mul3A_2, %add3A_2168 : i32
    %and3A_2170 = arith.constant -8 : i32
    %and3A_2171 = arith.andi %add3A_2169, %and3A_2170 : i32
    %multiple_of3A_2172 = tpu.assume_multiple %and3A_2171, 8 : i32
    %dma_start3A_2173 = arith.constant 80 : i32
    %dma_start3A_2174 = arith.constant 0 : i32
    %dma_start3A_2175 = tpu.memref_slice %arg8[%dma_start3A_2173, %dma_start3A_2174] : memref<128x128xf32, #tpu.memory_space<vmem>> -> memref<8x128xf32, #tpu.memory_space<vmem>>
    %dma_start3A_2176 = tpu.memref_slice %arg2[%multiple_of3A_2172, %multiple_of3A_2167] : memref<4096x32000xf32, #tpu.memory_space<hbm>> -> memref<8x128xf32, #tpu.memory_space<hbm>>
    %dma_start3A_2177 = arith.constant 80 : i32
    %dma_start3A_2178 = arith.constant 0 : i32
    %dma_start3A_2179 = tpu.memref_slice %arg8[%dma_start3A_2177, %dma_start3A_2178] : memref<128x128xf32, #tpu.memory_space<vmem>> -> memref<8x128xf32, #tpu.memory_space<vmem>>
    %dma_start3A_2180 = tpu.memref_slice %arg2[%multiple_of3A_2172, %multiple_of3A_2167] : memref<4096x32000xf32, #tpu.memory_space<hbm>> -> memref<8x128xf32, #tpu.memory_space<hbm>>
    tpu.enqueue_dma source(%dma_start3A_2180 : memref<8x128xf32, #tpu.memory_space<hbm>>) target(%dma_start3A_2179 : memref<8x128xf32, #tpu.memory_space<vmem>>) target_semaphore(%arg12 : memref<!tpu.dma_semaphore, #tpu.memory_space<semaphore_mem>>)
    %slice3A_2181 = vector.extract_strided_slice %get3A_1982 {offsets = [11], sizes = [1], strides = [1]} : vector<16xi32> to vector<1xi32>
    %reshape3A_2182 = vector.extract %slice3A_2181[0] : i32 from vector<1xi32>
    %and3A_2183 = arith.constant -128 : i32
    %and3A_2184 = arith.andi %reshape3A_2182, %and3A_2183 : i32
    %multiple_of3A_2185 = tpu.assume_multiple %and3A_2184, 128 : i32
    %add3A_2186 = arith.constant 91 : i32
    %add3A_2187 = arith.addi %mul3A_2, %add3A_2186 : i32
    %and3A_2188 = arith.constant -8 : i32
    %and3A_2189 = arith.andi %add3A_2187, %and3A_2188 : i32
    %multiple_of3A_2190 = tpu.assume_multiple %and3A_2189, 8 : i32
    %dma_start3A_2191 = arith.constant 88 : i32
    %dma_start3A_2192 = arith.constant 0 : i32
    %dma_start3A_2193 = tpu.memref_slice %arg8[%dma_start3A_2191, %dma_start3A_2192] : memref<128x128xf32, #tpu.memory_space<vmem>> -> memref<8x128xf32, #tpu.memory_space<vmem>>
    %dma_start3A_2194 = tpu.memref_slice %arg2[%multiple_of3A_2190, %multiple_of3A_2185] : memref<4096x32000xf32, #tpu.memory_space<hbm>> -> memref<8x128xf32, #tpu.memory_space<hbm>>
    %dma_start3A_2195 = arith.constant 88 : i32
    %dma_start3A_2196 = arith.constant 0 : i32
    %dma_start3A_2197 = tpu.memref_slice %arg8[%dma_start3A_2195, %dma_start3A_2196] : memref<128x128xf32, #tpu.memory_space<vmem>> -> memref<8x128xf32, #tpu.memory_space<vmem>>
    %dma_start3A_2198 = tpu.memref_slice %arg2[%multiple_of3A_2190, %multiple_of3A_2185] : memref<4096x32000xf32, #tpu.memory_space<hbm>> -> memref<8x128xf32, #tpu.memory_space<hbm>>
    tpu.enqueue_dma source(%dma_start3A_2198 : memref<8x128xf32, #tpu.memory_space<hbm>>) target(%dma_start3A_2197 : memref<8x128xf32, #tpu.memory_space<vmem>>) target_semaphore(%arg12 : memref<!tpu.dma_semaphore, #tpu.memory_space<semaphore_mem>>)
    %slice3A_2199 = vector.extract_strided_slice %get3A_1982 {offsets = [12], sizes = [1], strides = [1]} : vector<16xi32> to vector<1xi32>
    %reshape3A_2200 = vector.extract %slice3A_2199[0] : i32 from vector<1xi32>
    %and3A_2201 = arith.constant -128 : i32
    %and3A_2202 = arith.andi %reshape3A_2200, %and3A_2201 : i32
    %multiple_of3A_2203 = tpu.assume_multiple %and3A_2202, 128 : i32
    %add3A_2204 = arith.constant 92 : i32
    %add3A_2205 = arith.addi %mul3A_2, %add3A_2204 : i32
    %and3A_2206 = arith.constant -8 : i32
    %and3A_2207 = arith.andi %add3A_2205, %and3A_2206 : i32
    %multiple_of3A_2208 = tpu.assume_multiple %and3A_2207, 8 : i32
    %dma_start3A_2209 = arith.constant 96 : i32
    %dma_start3A_2210 = arith.constant 0 : i32
    %dma_start3A_2211 = tpu.memref_slice %arg8[%dma_start3A_2209, %dma_start3A_2210] : memref<128x128xf32, #tpu.memory_space<vmem>> -> memref<8x128xf32, #tpu.memory_space<vmem>>
    %dma_start3A_2212 = tpu.memref_slice %arg2[%multiple_of3A_2208, %multiple_of3A_2203] : memref<4096x32000xf32, #tpu.memory_space<hbm>> -> memref<8x128xf32, #tpu.memory_space<hbm>>
    %dma_start3A_2213 = arith.constant 96 : i32
    %dma_start3A_2214 = arith.constant 0 : i32
    %dma_start3A_2215 = tpu.memref_slice %arg8[%dma_start3A_2213, %dma_start3A_2214] : memref<128x128xf32, #tpu.memory_space<vmem>> -> memref<8x128xf32, #tpu.memory_space<vmem>>
    %dma_start3A_2216 = tpu.memref_slice %arg2[%multiple_of3A_2208, %multiple_of3A_2203] : memref<4096x32000xf32, #tpu.memory_space<hbm>> -> memref<8x128xf32, #tpu.memory_space<hbm>>
    tpu.enqueue_dma source(%dma_start3A_2216 : memref<8x128xf32, #tpu.memory_space<hbm>>) target(%dma_start3A_2215 : memref<8x128xf32, #tpu.memory_space<vmem>>) target_semaphore(%arg12 : memref<!tpu.dma_semaphore, #tpu.memory_space<semaphore_mem>>)
    %slice3A_2217 = vector.extract_strided_slice %get3A_1982 {offsets = [13], sizes = [1], strides = [1]} : vector<16xi32> to vector<1xi32>
    %reshape3A_2218 = vector.extract %slice3A_2217[0] : i32 from vector<1xi32>
    %and3A_2219 = arith.constant -128 : i32
    %and3A_2220 = arith.andi %reshape3A_2218, %and3A_2219 : i32
    %multiple_of3A_2221 = tpu.assume_multiple %and3A_2220, 128 : i32
    %add3A_2222 = arith.constant 93 : i32
    %add3A_2223 = arith.addi %mul3A_2, %add3A_2222 : i32
    %and3A_2224 = arith.constant -8 : i32
    %and3A_2225 = arith.andi %add3A_2223, %and3A_2224 : i32
    %multiple_of3A_2226 = tpu.assume_multiple %and3A_2225, 8 : i32
    %dma_start3A_2227 = arith.constant 104 : i32
    %dma_start3A_2228 = arith.constant 0 : i32
    %dma_start3A_2229 = tpu.memref_slice %arg8[%dma_start3A_2227, %dma_start3A_2228] : memref<128x128xf32, #tpu.memory_space<vmem>> -> memref<8x128xf32, #tpu.memory_space<vmem>>
    %dma_start3A_2230 = tpu.memref_slice %arg2[%multiple_of3A_2226, %multiple_of3A_2221] : memref<4096x32000xf32, #tpu.memory_space<hbm>> -> memref<8x128xf32, #tpu.memory_space<hbm>>
    %dma_start3A_2231 = arith.constant 104 : i32
    %dma_start3A_2232 = arith.constant 0 : i32
    %dma_start3A_2233 = tpu.memref_slice %arg8[%dma_start3A_2231, %dma_start3A_2232] : memref<128x128xf32, #tpu.memory_space<vmem>> -> memref<8x128xf32, #tpu.memory_space<vmem>>
    %dma_start3A_2234 = tpu.memref_slice %arg2[%multiple_of3A_2226, %multiple_of3A_2221] : memref<4096x32000xf32, #tpu.memory_space<hbm>> -> memref<8x128xf32, #tpu.memory_space<hbm>>
    tpu.enqueue_dma source(%dma_start3A_2234 : memref<8x128xf32, #tpu.memory_space<hbm>>) target(%dma_start3A_2233 : memref<8x128xf32, #tpu.memory_space<vmem>>) target_semaphore(%arg12 : memref<!tpu.dma_semaphore, #tpu.memory_space<semaphore_mem>>)
    %slice3A_2235 = vector.extract_strided_slice %get3A_1982 {offsets = [14], sizes = [1], strides = [1]} : vector<16xi32> to vector<1xi32>
    %reshape3A_2236 = vector.extract %slice3A_2235[0] : i32 from vector<1xi32>
    %and3A_2237 = arith.constant -128 : i32
    %and3A_2238 = arith.andi %reshape3A_2236, %and3A_2237 : i32
    %multiple_of3A_2239 = tpu.assume_multiple %and3A_2238, 128 : i32
    %add3A_2240 = arith.constant 94 : i32
    %add3A_2241 = arith.addi %mul3A_2, %add3A_2240 : i32
    %and3A_2242 = arith.constant -8 : i32
    %and3A_2243 = arith.andi %add3A_2241, %and3A_2242 : i32
    %multiple_of3A_2244 = tpu.assume_multiple %and3A_2243, 8 : i32
    %dma_start3A_2245 = arith.constant 112 : i32
    %dma_start3A_2246 = arith.constant 0 : i32
    %dma_start3A_2247 = tpu.memref_slice %arg8[%dma_start3A_2245, %dma_start3A_2246] : memref<128x128xf32, #tpu.memory_space<vmem>> -> memref<8x128xf32, #tpu.memory_space<vmem>>
    %dma_start3A_2248 = tpu.memref_slice %arg2[%multiple_of3A_2244, %multiple_of3A_2239] : memref<4096x32000xf32, #tpu.memory_space<hbm>> -> memref<8x128xf32, #tpu.memory_space<hbm>>
    %dma_start3A_2249 = arith.constant 112 : i32
    %dma_start3A_2250 = arith.constant 0 : i32
    %dma_start3A_2251 = tpu.memref_slice %arg8[%dma_start3A_2249, %dma_start3A_2250] : memref<128x128xf32, #tpu.memory_space<vmem>> -> memref<8x128xf32, #tpu.memory_space<vmem>>
    %dma_start3A_2252 = tpu.memref_slice %arg2[%multiple_of3A_2244, %multiple_of3A_2239] : memref<4096x32000xf32, #tpu.memory_space<hbm>> -> memref<8x128xf32, #tpu.memory_space<hbm>>
    tpu.enqueue_dma source(%dma_start3A_2252 : memref<8x128xf32, #tpu.memory_space<hbm>>) target(%dma_start3A_2251 : memref<8x128xf32, #tpu.memory_space<vmem>>) target_semaphore(%arg12 : memref<!tpu.dma_semaphore, #tpu.memory_space<semaphore_mem>>)
    %slice3A_2253 = vector.extract_strided_slice %get3A_1982 {offsets = [15], sizes = [1], strides = [1]} : vector<16xi32> to vector<1xi32>
    %reshape3A_2254 = vector.extract %slice3A_2253[0] : i32 from vector<1xi32>
    %and3A_2255 = arith.constant -128 : i32
    %and3A_2256 = arith.andi %reshape3A_2254, %and3A_2255 : i32
    %multiple_of3A_2257 = tpu.assume_multiple %and3A_2256, 128 : i32
    %add3A_2258 = arith.constant 95 : i32
    %add3A_2259 = arith.addi %mul3A_2, %add3A_2258 : i32
    %and3A_2260 = arith.constant -8 : i32
    %and3A_2261 = arith.andi %add3A_2259, %and3A_2260 : i32
    %multiple_of3A_2262 = tpu.assume_multiple %and3A_2261, 8 : i32
    %dma_start3A_2263 = arith.constant 120 : i32
    %dma_start3A_2264 = arith.constant 0 : i32
    %dma_start3A_2265 = tpu.memref_slice %arg8[%dma_start3A_2263, %dma_start3A_2264] : memref<128x128xf32, #tpu.memory_space<vmem>> -> memref<8x128xf32, #tpu.memory_space<vmem>>
    %dma_start3A_2266 = tpu.memref_slice %arg2[%multiple_of3A_2262, %multiple_of3A_2257] : memref<4096x32000xf32, #tpu.memory_space<hbm>> -> memref<8x128xf32, #tpu.memory_space<hbm>>
    %dma_start3A_2267 = arith.constant 120 : i32
    %dma_start3A_2268 = arith.constant 0 : i32
    %dma_start3A_2269 = tpu.memref_slice %arg8[%dma_start3A_2267, %dma_start3A_2268] : memref<128x128xf32, #tpu.memory_space<vmem>> -> memref<8x128xf32, #tpu.memory_space<vmem>>
    %dma_start3A_2270 = tpu.memref_slice %arg2[%multiple_of3A_2262, %multiple_of3A_2257] : memref<4096x32000xf32, #tpu.memory_space<hbm>> -> memref<8x128xf32, #tpu.memory_space<hbm>>
    tpu.enqueue_dma source(%dma_start3A_2270 : memref<8x128xf32, #tpu.memory_space<hbm>>) target(%dma_start3A_2269 : memref<8x128xf32, #tpu.memory_space<vmem>>) target_semaphore(%arg12 : memref<!tpu.dma_semaphore, #tpu.memory_space<semaphore_mem>>)
    %dma_wait3A_2271 = arith.constant 0 : i32
    %dma_wait3A_2272 = arith.constant 0 : i32
    %dma_wait3A_2273 = tpu.memref_slice %arg6[%dma_wait3A_2271, %dma_wait3A_2272] : memref<128x128xf32, #tpu.memory_space<vmem>> -> memref<8x128xf32, #tpu.memory_space<vmem>>
    %dma_wait3A_2274 = tpu.memref_slice %arg2[%multiple_of3A_1108, %multiple_of3A_1103] : memref<4096x32000xf32, #tpu.memory_space<hbm>> -> memref<8x128xf32, #tpu.memory_space<hbm>>
    %dma_wait3A_2275 = arith.constant 0 : i32
    %dma_wait3A_2276 = arith.constant 0 : i32
    %dma_wait3A_2277 = tpu.memref_slice %arg6[%dma_wait3A_2275, %dma_wait3A_2276] : memref<128x128xf32, #tpu.memory_space<vmem>> -> memref<8x128xf32, #tpu.memory_space<vmem>>
    %dma_wait3A_2278 = tpu.memref_slice %arg2[%multiple_of3A_1108, %multiple_of3A_1103] : memref<4096x32000xf32, #tpu.memory_space<hbm>> -> memref<8x128xf32, #tpu.memory_space<hbm>>
    tpu.wait_dma2 semaphore(%arg10 : memref<!tpu.dma_semaphore, #tpu.memory_space<semaphore_mem>>) src(%dma_wait3A_2278 : memref<8x128xf32, #tpu.memory_space<hbm>>) dst(%dma_wait3A_2277 : memref<8x128xf32, #tpu.memory_space<vmem>>)
    %dma_wait3A_2279 = arith.constant 8 : i32
    %dma_wait3A_2280 = arith.constant 0 : i32
    %dma_wait3A_2281 = tpu.memref_slice %arg6[%dma_wait3A_2279, %dma_wait3A_2280] : memref<128x128xf32, #tpu.memory_space<vmem>> -> memref<8x128xf32, #tpu.memory_space<vmem>>
    %dma_wait3A_2282 = tpu.memref_slice %arg2[%multiple_of3A_1126, %multiple_of3A_1121] : memref<4096x32000xf32, #tpu.memory_space<hbm>> -> memref<8x128xf32, #tpu.memory_space<hbm>>
    %dma_wait3A_2283 = arith.constant 8 : i32
    %dma_wait3A_2284 = arith.constant 0 : i32
    %dma_wait3A_2285 = tpu.memref_slice %arg6[%dma_wait3A_2283, %dma_wait3A_2284] : memref<128x128xf32, #tpu.memory_space<vmem>> -> memref<8x128xf32, #tpu.memory_space<vmem>>
    %dma_wait3A_2286 = tpu.memref_slice %arg2[%multiple_of3A_1126, %multiple_of3A_1121] : memref<4096x32000xf32, #tpu.memory_space<hbm>> -> memref<8x128xf32, #tpu.memory_space<hbm>>
    tpu.wait_dma2 semaphore(%arg10 : memref<!tpu.dma_semaphore, #tpu.memory_space<semaphore_mem>>) src(%dma_wait3A_2286 : memref<8x128xf32, #tpu.memory_space<hbm>>) dst(%dma_wait3A_2285 : memref<8x128xf32, #tpu.memory_space<vmem>>)
    %dma_wait3A_2287 = arith.constant 16 : i32
    %dma_wait3A_2288 = arith.constant 0 : i32
    %dma_wait3A_2289 = tpu.memref_slice %arg6[%dma_wait3A_2287, %dma_wait3A_2288] : memref<128x128xf32, #tpu.memory_space<vmem>> -> memref<8x128xf32, #tpu.memory_space<vmem>>
    %dma_wait3A_2290 = tpu.memref_slice %arg2[%multiple_of3A_1144, %multiple_of3A_1139] : memref<4096x32000xf32, #tpu.memory_space<hbm>> -> memref<8x128xf32, #tpu.memory_space<hbm>>
    %dma_wait3A_2291 = arith.constant 16 : i32
    %dma_wait3A_2292 = arith.constant 0 : i32
    %dma_wait3A_2293 = tpu.memref_slice %arg6[%dma_wait3A_2291, %dma_wait3A_2292] : memref<128x128xf32, #tpu.memory_space<vmem>> -> memref<8x128xf32, #tpu.memory_space<vmem>>
    %dma_wait3A_2294 = tpu.memref_slice %arg2[%multiple_of3A_1144, %multiple_of3A_1139] : memref<4096x32000xf32, #tpu.memory_space<hbm>> -> memref<8x128xf32, #tpu.memory_space<hbm>>
    tpu.wait_dma2 semaphore(%arg10 : memref<!tpu.dma_semaphore, #tpu.memory_space<semaphore_mem>>) src(%dma_wait3A_2294 : memref<8x128xf32, #tpu.memory_space<hbm>>) dst(%dma_wait3A_2293 : memref<8x128xf32, #tpu.memory_space<vmem>>)
    %dma_wait3A_2295 = arith.constant 24 : i32
    %dma_wait3A_2296 = arith.constant 0 : i32
    %dma_wait3A_2297 = tpu.memref_slice %arg6[%dma_wait3A_2295, %dma_wait3A_2296] : memref<128x128xf32, #tpu.memory_space<vmem>> -> memref<8x128xf32, #tpu.memory_space<vmem>>
    %dma_wait3A_2298 = tpu.memref_slice %arg2[%multiple_of3A_1162, %multiple_of3A_1157] : memref<4096x32000xf32, #tpu.memory_space<hbm>> -> memref<8x128xf32, #tpu.memory_space<hbm>>
    %dma_wait3A_2299 = arith.constant 24 : i32
    %dma_wait3A_2300 = arith.constant 0 : i32
    %dma_wait3A_2301 = tpu.memref_slice %arg6[%dma_wait3A_2299, %dma_wait3A_2300] : memref<128x128xf32, #tpu.memory_space<vmem>> -> memref<8x128xf32, #tpu.memory_space<vmem>>
    %dma_wait3A_2302 = tpu.memref_slice %arg2[%multiple_of3A_1162, %multiple_of3A_1157] : memref<4096x32000xf32, #tpu.memory_space<hbm>> -> memref<8x128xf32, #tpu.memory_space<hbm>>
    tpu.wait_dma2 semaphore(%arg10 : memref<!tpu.dma_semaphore, #tpu.memory_space<semaphore_mem>>) src(%dma_wait3A_2302 : memref<8x128xf32, #tpu.memory_space<hbm>>) dst(%dma_wait3A_2301 : memref<8x128xf32, #tpu.memory_space<vmem>>)
    %dma_wait3A_2303 = arith.constant 32 : i32
    %dma_wait3A_2304 = arith.constant 0 : i32
    %dma_wait3A_2305 = tpu.memref_slice %arg6[%dma_wait3A_2303, %dma_wait3A_2304] : memref<128x128xf32, #tpu.memory_space<vmem>> -> memref<8x128xf32, #tpu.memory_space<vmem>>
    %dma_wait3A_2306 = tpu.memref_slice %arg2[%multiple_of3A_1180, %multiple_of3A_1175] : memref<4096x32000xf32, #tpu.memory_space<hbm>> -> memref<8x128xf32, #tpu.memory_space<hbm>>
    %dma_wait3A_2307 = arith.constant 32 : i32
    %dma_wait3A_2308 = arith.constant 0 : i32
    %dma_wait3A_2309 = tpu.memref_slice %arg6[%dma_wait3A_2307, %dma_wait3A_2308] : memref<128x128xf32, #tpu.memory_space<vmem>> -> memref<8x128xf32, #tpu.memory_space<vmem>>
    %dma_wait3A_2310 = tpu.memref_slice %arg2[%multiple_of3A_1180, %multiple_of3A_1175] : memref<4096x32000xf32, #tpu.memory_space<hbm>> -> memref<8x128xf32, #tpu.memory_space<hbm>>
    tpu.wait_dma2 semaphore(%arg10 : memref<!tpu.dma_semaphore, #tpu.memory_space<semaphore_mem>>) src(%dma_wait3A_2310 : memref<8x128xf32, #tpu.memory_space<hbm>>) dst(%dma_wait3A_2309 : memref<8x128xf32, #tpu.memory_space<vmem>>)
    %dma_wait3A_2311 = arith.constant 40 : i32
    %dma_wait3A_2312 = arith.constant 0 : i32
    %dma_wait3A_2313 = tpu.memref_slice %arg6[%dma_wait3A_2311, %dma_wait3A_2312] : memref<128x128xf32, #tpu.memory_space<vmem>> -> memref<8x128xf32, #tpu.memory_space<vmem>>
    %dma_wait3A_2314 = tpu.memref_slice %arg2[%multiple_of3A_1198, %multiple_of3A_1193] : memref<4096x32000xf32, #tpu.memory_space<hbm>> -> memref<8x128xf32, #tpu.memory_space<hbm>>
    %dma_wait3A_2315 = arith.constant 40 : i32
    %dma_wait3A_2316 = arith.constant 0 : i32
    %dma_wait3A_2317 = tpu.memref_slice %arg6[%dma_wait3A_2315, %dma_wait3A_2316] : memref<128x128xf32, #tpu.memory_space<vmem>> -> memref<8x128xf32, #tpu.memory_space<vmem>>
    %dma_wait3A_2318 = tpu.memref_slice %arg2[%multiple_of3A_1198, %multiple_of3A_1193] : memref<4096x32000xf32, #tpu.memory_space<hbm>> -> memref<8x128xf32, #tpu.memory_space<hbm>>
    tpu.wait_dma2 semaphore(%arg10 : memref<!tpu.dma_semaphore, #tpu.memory_space<semaphore_mem>>) src(%dma_wait3A_2318 : memref<8x128xf32, #tpu.memory_space<hbm>>) dst(%dma_wait3A_2317 : memref<8x128xf32, #tpu.memory_space<vmem>>)
    %dma_wait3A_2319 = arith.constant 48 : i32
    %dma_wait3A_2320 = arith.constant 0 : i32
    %dma_wait3A_2321 = tpu.memref_slice %arg6[%dma_wait3A_2319, %dma_wait3A_2320] : memref<128x128xf32, #tpu.memory_space<vmem>> -> memref<8x128xf32, #tpu.memory_space<vmem>>
    %dma_wait3A_2322 = tpu.memref_slice %arg2[%multiple_of3A_1216, %multiple_of3A_1211] : memref<4096x32000xf32, #tpu.memory_space<hbm>> -> memref<8x128xf32, #tpu.memory_space<hbm>>
    %dma_wait3A_2323 = arith.constant 48 : i32
    %dma_wait3A_2324 = arith.constant 0 : i32
    %dma_wait3A_2325 = tpu.memref_slice %arg6[%dma_wait3A_2323, %dma_wait3A_2324] : memref<128x128xf32, #tpu.memory_space<vmem>> -> memref<8x128xf32, #tpu.memory_space<vmem>>
    %dma_wait3A_2326 = tpu.memref_slice %arg2[%multiple_of3A_1216, %multiple_of3A_1211] : memref<4096x32000xf32, #tpu.memory_space<hbm>> -> memref<8x128xf32, #tpu.memory_space<hbm>>
    tpu.wait_dma2 semaphore(%arg10 : memref<!tpu.dma_semaphore, #tpu.memory_space<semaphore_mem>>) src(%dma_wait3A_2326 : memref<8x128xf32, #tpu.memory_space<hbm>>) dst(%dma_wait3A_2325 : memref<8x128xf32, #tpu.memory_space<vmem>>)
    %dma_wait3A_2327 = arith.constant 56 : i32
    %dma_wait3A_2328 = arith.constant 0 : i32
    %dma_wait3A_2329 = tpu.memref_slice %arg6[%dma_wait3A_2327, %dma_wait3A_2328] : memref<128x128xf32, #tpu.memory_space<vmem>> -> memref<8x128xf32, #tpu.memory_space<vmem>>
    %dma_wait3A_2330 = tpu.memref_slice %arg2[%multiple_of3A_1234, %multiple_of3A_1229] : memref<4096x32000xf32, #tpu.memory_space<hbm>> -> memref<8x128xf32, #tpu.memory_space<hbm>>
    %dma_wait3A_2331 = arith.constant 56 : i32
    %dma_wait3A_2332 = arith.constant 0 : i32
    %dma_wait3A_2333 = tpu.memref_slice %arg6[%dma_wait3A_2331, %dma_wait3A_2332] : memref<128x128xf32, #tpu.memory_space<vmem>> -> memref<8x128xf32, #tpu.memory_space<vmem>>
    %dma_wait3A_2334 = tpu.memref_slice %arg2[%multiple_of3A_1234, %multiple_of3A_1229] : memref<4096x32000xf32, #tpu.memory_space<hbm>> -> memref<8x128xf32, #tpu.memory_space<hbm>>
    tpu.wait_dma2 semaphore(%arg10 : memref<!tpu.dma_semaphore, #tpu.memory_space<semaphore_mem>>) src(%dma_wait3A_2334 : memref<8x128xf32, #tpu.memory_space<hbm>>) dst(%dma_wait3A_2333 : memref<8x128xf32, #tpu.memory_space<vmem>>)
    %dma_wait3A_2335 = arith.constant 64 : i32
    %dma_wait3A_2336 = arith.constant 0 : i32
    %dma_wait3A_2337 = tpu.memref_slice %arg6[%dma_wait3A_2335, %dma_wait3A_2336] : memref<128x128xf32, #tpu.memory_space<vmem>> -> memref<8x128xf32, #tpu.memory_space<vmem>>
    %dma_wait3A_2338 = tpu.memref_slice %arg2[%multiple_of3A_1252, %multiple_of3A_1247] : memref<4096x32000xf32, #tpu.memory_space<hbm>> -> memref<8x128xf32, #tpu.memory_space<hbm>>
    %dma_wait3A_2339 = arith.constant 64 : i32
    %dma_wait3A_2340 = arith.constant 0 : i32
    %dma_wait3A_2341 = tpu.memref_slice %arg6[%dma_wait3A_2339, %dma_wait3A_2340] : memref<128x128xf32, #tpu.memory_space<vmem>> -> memref<8x128xf32, #tpu.memory_space<vmem>>
    %dma_wait3A_2342 = tpu.memref_slice %arg2[%multiple_of3A_1252, %multiple_of3A_1247] : memref<4096x32000xf32, #tpu.memory_space<hbm>> -> memref<8x128xf32, #tpu.memory_space<hbm>>
    tpu.wait_dma2 semaphore(%arg10 : memref<!tpu.dma_semaphore, #tpu.memory_space<semaphore_mem>>) src(%dma_wait3A_2342 : memref<8x128xf32, #tpu.memory_space<hbm>>) dst(%dma_wait3A_2341 : memref<8x128xf32, #tpu.memory_space<vmem>>)
    %dma_wait3A_2343 = arith.constant 72 : i32
    %dma_wait3A_2344 = arith.constant 0 : i32
    %dma_wait3A_2345 = tpu.memref_slice %arg6[%dma_wait3A_2343, %dma_wait3A_2344] : memref<128x128xf32, #tpu.memory_space<vmem>> -> memref<8x128xf32, #tpu.memory_space<vmem>>
    %dma_wait3A_2346 = tpu.memref_slice %arg2[%multiple_of3A_1270, %multiple_of3A_1265] : memref<4096x32000xf32, #tpu.memory_space<hbm>> -> memref<8x128xf32, #tpu.memory_space<hbm>>
    %dma_wait3A_2347 = arith.constant 72 : i32
    %dma_wait3A_2348 = arith.constant 0 : i32
    %dma_wait3A_2349 = tpu.memref_slice %arg6[%dma_wait3A_2347, %dma_wait3A_2348] : memref<128x128xf32, #tpu.memory_space<vmem>> -> memref<8x128xf32, #tpu.memory_space<vmem>>
    %dma_wait3A_2350 = tpu.memref_slice %arg2[%multiple_of3A_1270, %multiple_of3A_1265] : memref<4096x32000xf32, #tpu.memory_space<hbm>> -> memref<8x128xf32, #tpu.memory_space<hbm>>
    tpu.wait_dma2 semaphore(%arg10 : memref<!tpu.dma_semaphore, #tpu.memory_space<semaphore_mem>>) src(%dma_wait3A_2350 : memref<8x128xf32, #tpu.memory_space<hbm>>) dst(%dma_wait3A_2349 : memref<8x128xf32, #tpu.memory_space<vmem>>)
    %dma_wait3A_2351 = arith.constant 80 : i32
    %dma_wait3A_2352 = arith.constant 0 : i32
    %dma_wait3A_2353 = tpu.memref_slice %arg6[%dma_wait3A_2351, %dma_wait3A_2352] : memref<128x128xf32, #tpu.memory_space<vmem>> -> memref<8x128xf32, #tpu.memory_space<vmem>>
    %dma_wait3A_2354 = tpu.memref_slice %arg2[%multiple_of3A_1288, %multiple_of3A_1283] : memref<4096x32000xf32, #tpu.memory_space<hbm>> -> memref<8x128xf32, #tpu.memory_space<hbm>>
    %dma_wait3A_2355 = arith.constant 80 : i32
    %dma_wait3A_2356 = arith.constant 0 : i32
    %dma_wait3A_2357 = tpu.memref_slice %arg6[%dma_wait3A_2355, %dma_wait3A_2356] : memref<128x128xf32, #tpu.memory_space<vmem>> -> memref<8x128xf32, #tpu.memory_space<vmem>>
    %dma_wait3A_2358 = tpu.memref_slice %arg2[%multiple_of3A_1288, %multiple_of3A_1283] : memref<4096x32000xf32, #tpu.memory_space<hbm>> -> memref<8x128xf32, #tpu.memory_space<hbm>>
    tpu.wait_dma2 semaphore(%arg10 : memref<!tpu.dma_semaphore, #tpu.memory_space<semaphore_mem>>) src(%dma_wait3A_2358 : memref<8x128xf32, #tpu.memory_space<hbm>>) dst(%dma_wait3A_2357 : memref<8x128xf32, #tpu.memory_space<vmem>>)
    %dma_wait3A_2359 = arith.constant 88 : i32
    %dma_wait3A_2360 = arith.constant 0 : i32
    %dma_wait3A_2361 = tpu.memref_slice %arg6[%dma_wait3A_2359, %dma_wait3A_2360] : memref<128x128xf32, #tpu.memory_space<vmem>> -> memref<8x128xf32, #tpu.memory_space<vmem>>
    %dma_wait3A_2362 = tpu.memref_slice %arg2[%multiple_of3A_1306, %multiple_of3A_1301] : memref<4096x32000xf32, #tpu.memory_space<hbm>> -> memref<8x128xf32, #tpu.memory_space<hbm>>
    %dma_wait3A_2363 = arith.constant 88 : i32
    %dma_wait3A_2364 = arith.constant 0 : i32
    %dma_wait3A_2365 = tpu.memref_slice %arg6[%dma_wait3A_2363, %dma_wait3A_2364] : memref<128x128xf32, #tpu.memory_space<vmem>> -> memref<8x128xf32, #tpu.memory_space<vmem>>
    %dma_wait3A_2366 = tpu.memref_slice %arg2[%multiple_of3A_1306, %multiple_of3A_1301] : memref<4096x32000xf32, #tpu.memory_space<hbm>> -> memref<8x128xf32, #tpu.memory_space<hbm>>
    tpu.wait_dma2 semaphore(%arg10 : memref<!tpu.dma_semaphore, #tpu.memory_space<semaphore_mem>>) src(%dma_wait3A_2366 : memref<8x128xf32, #tpu.memory_space<hbm>>) dst(%dma_wait3A_2365 : memref<8x128xf32, #tpu.memory_space<vmem>>)
    %dma_wait3A_2367 = arith.constant 96 : i32
    %dma_wait3A_2368 = arith.constant 0 : i32
    %dma_wait3A_2369 = tpu.memref_slice %arg6[%dma_wait3A_2367, %dma_wait3A_2368] : memref<128x128xf32, #tpu.memory_space<vmem>> -> memref<8x128xf32, #tpu.memory_space<vmem>>
    %dma_wait3A_2370 = tpu.memref_slice %arg2[%multiple_of3A_1324, %multiple_of3A_1319] : memref<4096x32000xf32, #tpu.memory_space<hbm>> -> memref<8x128xf32, #tpu.memory_space<hbm>>
    %dma_wait3A_2371 = arith.constant 96 : i32
    %dma_wait3A_2372 = arith.constant 0 : i32
    %dma_wait3A_2373 = tpu.memref_slice %arg6[%dma_wait3A_2371, %dma_wait3A_2372] : memref<128x128xf32, #tpu.memory_space<vmem>> -> memref<8x128xf32, #tpu.memory_space<vmem>>
    %dma_wait3A_2374 = tpu.memref_slice %arg2[%multiple_of3A_1324, %multiple_of3A_1319] : memref<4096x32000xf32, #tpu.memory_space<hbm>> -> memref<8x128xf32, #tpu.memory_space<hbm>>
    tpu.wait_dma2 semaphore(%arg10 : memref<!tpu.dma_semaphore, #tpu.memory_space<semaphore_mem>>) src(%dma_wait3A_2374 : memref<8x128xf32, #tpu.memory_space<hbm>>) dst(%dma_wait3A_2373 : memref<8x128xf32, #tpu.memory_space<vmem>>)
    %dma_wait3A_2375 = arith.constant 104 : i32
    %dma_wait3A_2376 = arith.constant 0 : i32
    %dma_wait3A_2377 = tpu.memref_slice %arg6[%dma_wait3A_2375, %dma_wait3A_2376] : memref<128x128xf32, #tpu.memory_space<vmem>> -> memref<8x128xf32, #tpu.memory_space<vmem>>
    %dma_wait3A_2378 = tpu.memref_slice %arg2[%multiple_of3A_1342, %multiple_of3A_1337] : memref<4096x32000xf32, #tpu.memory_space<hbm>> -> memref<8x128xf32, #tpu.memory_space<hbm>>
    %dma_wait3A_2379 = arith.constant 104 : i32
    %dma_wait3A_2380 = arith.constant 0 : i32
    %dma_wait3A_2381 = tpu.memref_slice %arg6[%dma_wait3A_2379, %dma_wait3A_2380] : memref<128x128xf32, #tpu.memory_space<vmem>> -> memref<8x128xf32, #tpu.memory_space<vmem>>
    %dma_wait3A_2382 = tpu.memref_slice %arg2[%multiple_of3A_1342, %multiple_of3A_1337] : memref<4096x32000xf32, #tpu.memory_space<hbm>> -> memref<8x128xf32, #tpu.memory_space<hbm>>
    tpu.wait_dma2 semaphore(%arg10 : memref<!tpu.dma_semaphore, #tpu.memory_space<semaphore_mem>>) src(%dma_wait3A_2382 : memref<8x128xf32, #tpu.memory_space<hbm>>) dst(%dma_wait3A_2381 : memref<8x128xf32, #tpu.memory_space<vmem>>)
    %dma_wait3A_2383 = arith.constant 112 : i32
    %dma_wait3A_2384 = arith.constant 0 : i32
    %dma_wait3A_2385 = tpu.memref_slice %arg6[%dma_wait3A_2383, %dma_wait3A_2384] : memref<128x128xf32, #tpu.memory_space<vmem>> -> memref<8x128xf32, #tpu.memory_space<vmem>>
    %dma_wait3A_2386 = tpu.memref_slice %arg2[%multiple_of3A_1360, %multiple_of3A_1355] : memref<4096x32000xf32, #tpu.memory_space<hbm>> -> memref<8x128xf32, #tpu.memory_space<hbm>>
    %dma_wait3A_2387 = arith.constant 112 : i32
    %dma_wait3A_2388 = arith.constant 0 : i32
    %dma_wait3A_2389 = tpu.memref_slice %arg6[%dma_wait3A_2387, %dma_wait3A_2388] : memref<128x128xf32, #tpu.memory_space<vmem>> -> memref<8x128xf32, #tpu.memory_space<vmem>>
    %dma_wait3A_2390 = tpu.memref_slice %arg2[%multiple_of3A_1360, %multiple_of3A_1355] : memref<4096x32000xf32, #tpu.memory_space<hbm>> -> memref<8x128xf32, #tpu.memory_space<hbm>>
    tpu.wait_dma2 semaphore(%arg10 : memref<!tpu.dma_semaphore, #tpu.memory_space<semaphore_mem>>) src(%dma_wait3A_2390 : memref<8x128xf32, #tpu.memory_space<hbm>>) dst(%dma_wait3A_2389 : memref<8x128xf32, #tpu.memory_space<vmem>>)
    %dma_wait3A_2391 = arith.constant 120 : i32
    %dma_wait3A_2392 = arith.constant 0 : i32
    %dma_wait3A_2393 = tpu.memref_slice %arg6[%dma_wait3A_2391, %dma_wait3A_2392] : memref<128x128xf32, #tpu.memory_space<vmem>> -> memref<8x128xf32, #tpu.memory_space<vmem>>
    %dma_wait3A_2394 = tpu.memref_slice %arg2[%multiple_of3A_1378, %multiple_of3A_1373] : memref<4096x32000xf32, #tpu.memory_space<hbm>> -> memref<8x128xf32, #tpu.memory_space<hbm>>
    %dma_wait3A_2395 = arith.constant 120 : i32
    %dma_wait3A_2396 = arith.constant 0 : i32
    %dma_wait3A_2397 = tpu.memref_slice %arg6[%dma_wait3A_2395, %dma_wait3A_2396] : memref<128x128xf32, #tpu.memory_space<vmem>> -> memref<8x128xf32, #tpu.memory_space<vmem>>
    %dma_wait3A_2398 = tpu.memref_slice %arg2[%multiple_of3A_1378, %multiple_of3A_1373] : memref<4096x32000xf32, #tpu.memory_space<hbm>> -> memref<8x128xf32, #tpu.memory_space<hbm>>
    tpu.wait_dma2 semaphore(%arg10 : memref<!tpu.dma_semaphore, #tpu.memory_space<semaphore_mem>>) src(%dma_wait3A_2398 : memref<8x128xf32, #tpu.memory_space<hbm>>) dst(%dma_wait3A_2397 : memref<8x128xf32, #tpu.memory_space<vmem>>)
    %and3A_2399 = arith.constant 127 : i32
    %and3A_2400 = vector.broadcast %and3A_2399 : i32 to vector<16xi32>
    %and3A_2401 = arith.andi %get3A_1098, %and3A_2400 : vector<16xi32>
    %gather3A_2402 = tpu.vector_load_idx %arg6[%add3A_25, %and3A_2401] : memref<128x128xf32, #tpu.memory_space<vmem>>[vector<16xi32>, vector<16xi32>], vector<16xf32>,
    %add3A_2403 = arith.addf %add3A_1961, %gather3A_2402 : vector<16xf32>
    %jit3A_2404 = arith.constant 2048 : i32
    %eq3A_2405 = arith.constant 0 : i32
    %eq3A_2406 = arith.cmpi eq, %jit3A_2404, %eq3A_2405 : i32
    %jit3A_2407 = arith.constant 1 : i32
    %select_n3A_2408 = arith.select %eq3A_2406, %jit3A_2407, %jit3A_2404 : i32
    %rem3A_2409 = arith.remsi %mul3A_2, %select_n3A_2408 : i32
    %ne3A_2410 = arith.constant 0 : i32
    %ne3A_2411 = arith.cmpi ne, %rem3A_2409, %ne3A_2410 : i32
    %lt3A_2412 = arith.constant 0 : i32
    %lt3A_2413 = arith.cmpi slt, %rem3A_2409, %lt3A_2412 : i32
    %lt3A_2414 = arith.constant 0 : i32
    %lt3A_2415 = arith.cmpi slt, %select_n3A_2408, %lt3A_2414 : i32
    %ne3A_2416 = arith.xori %lt3A_2413, %lt3A_2415 : i1
    %and3A_2417 = arith.andi %ne3A_2416, %ne3A_2411 : i1
    %add3A_2418 = arith.addi %rem3A_2409, %select_n3A_2408 : i32
    %select_n3A_2419 = arith.select %and3A_2417, %add3A_2418, %rem3A_2409 : i32
    %add3A_2420 = arith.constant 96 : i32
    %add3A_2421 = arith.addi %select_n3A_2419, %add3A_2420 : i32
    %get3A_2422 = arith.index_cast %select_n3A : i32 to index
    %get3A_2423 = arith.index_cast %add3A_2421 : i32 to index
    %get3A_2424 = tpu.vector_load %arg5[%get3A_2422, %get3A_2423] {strides = array<i32>} : memref<2x2048xi32, #tpu.memory_space<vmem>>, vector<16xi32>,
    %slice3A_2425 = vector.extract_strided_slice %get3A_2424 {offsets = [0], sizes = [1], strides = [1]} : vector<16xi32> to vector<1xi32>
    %reshape3A_2426 = vector.extract %slice3A_2425[0] : i32 from vector<1xi32>
    %and3A_2427 = arith.constant -128 : i32
    %and3A_2428 = arith.andi %reshape3A_2426, %and3A_2427 : i32
    %multiple_of3A_2429 = tpu.assume_multiple %and3A_2428, 128 : i32
    %add3A_2430 = arith.constant 96 : i32
    %add3A_2431 = arith.addi %mul3A_2, %add3A_2430 : i32
    %and3A_2432 = arith.constant -8 : i32
    %and3A_2433 = arith.andi %add3A_2431, %and3A_2432 : i32
    %multiple_of3A_2434 = tpu.assume_multiple %and3A_2433, 8 : i32
    %dma_start3A_2435 = arith.constant 0 : i32
    %dma_start3A_2436 = arith.constant 0 : i32
    %dma_start3A_2437 = tpu.memref_slice %arg6[%dma_start3A_2435, %dma_start3A_2436] : memref<128x128xf32, #tpu.memory_space<vmem>> -> memref<8x128xf32, #tpu.memory_space<vmem>>
    %dma_start3A_2438 = tpu.memref_slice %arg2[%multiple_of3A_2434, %multiple_of3A_2429] : memref<4096x32000xf32, #tpu.memory_space<hbm>> -> memref<8x128xf32, #tpu.memory_space<hbm>>
    %dma_start3A_2439 = arith.constant 0 : i32
    %dma_start3A_2440 = arith.constant 0 : i32
    %dma_start3A_2441 = tpu.memref_slice %arg6[%dma_start3A_2439, %dma_start3A_2440] : memref<128x128xf32, #tpu.memory_space<vmem>> -> memref<8x128xf32, #tpu.memory_space<vmem>>
    %dma_start3A_2442 = tpu.memref_slice %arg2[%multiple_of3A_2434, %multiple_of3A_2429] : memref<4096x32000xf32, #tpu.memory_space<hbm>> -> memref<8x128xf32, #tpu.memory_space<hbm>>
    tpu.enqueue_dma source(%dma_start3A_2442 : memref<8x128xf32, #tpu.memory_space<hbm>>) target(%dma_start3A_2441 : memref<8x128xf32, #tpu.memory_space<vmem>>) target_semaphore(%arg10 : memref<!tpu.dma_semaphore, #tpu.memory_space<semaphore_mem>>)
    %slice3A_2443 = vector.extract_strided_slice %get3A_2424 {offsets = [1], sizes = [1], strides = [1]} : vector<16xi32> to vector<1xi32>
    %reshape3A_2444 = vector.extract %slice3A_2443[0] : i32 from vector<1xi32>
    %and3A_2445 = arith.constant -128 : i32
    %and3A_2446 = arith.andi %reshape3A_2444, %and3A_2445 : i32
    %multiple_of3A_2447 = tpu.assume_multiple %and3A_2446, 128 : i32
    %add3A_2448 = arith.constant 97 : i32
    %add3A_2449 = arith.addi %mul3A_2, %add3A_2448 : i32
    %and3A_2450 = arith.constant -8 : i32
    %and3A_2451 = arith.andi %add3A_2449, %and3A_2450 : i32
    %multiple_of3A_2452 = tpu.assume_multiple %and3A_2451, 8 : i32
    %dma_start3A_2453 = arith.constant 8 : i32
    %dma_start3A_2454 = arith.constant 0 : i32
    %dma_start3A_2455 = tpu.memref_slice %arg6[%dma_start3A_2453, %dma_start3A_2454] : memref<128x128xf32, #tpu.memory_space<vmem>> -> memref<8x128xf32, #tpu.memory_space<vmem>>
    %dma_start3A_2456 = tpu.memref_slice %arg2[%multiple_of3A_2452, %multiple_of3A_2447] : memref<4096x32000xf32, #tpu.memory_space<hbm>> -> memref<8x128xf32, #tpu.memory_space<hbm>>
    %dma_start3A_2457 = arith.constant 8 : i32
    %dma_start3A_2458 = arith.constant 0 : i32
    %dma_start3A_2459 = tpu.memref_slice %arg6[%dma_start3A_2457, %dma_start3A_2458] : memref<128x128xf32, #tpu.memory_space<vmem>> -> memref<8x128xf32, #tpu.memory_space<vmem>>
    %dma_start3A_2460 = tpu.memref_slice %arg2[%multiple_of3A_2452, %multiple_of3A_2447] : memref<4096x32000xf32, #tpu.memory_space<hbm>> -> memref<8x128xf32, #tpu.memory_space<hbm>>
    tpu.enqueue_dma source(%dma_start3A_2460 : memref<8x128xf32, #tpu.memory_space<hbm>>) target(%dma_start3A_2459 : memref<8x128xf32, #tpu.memory_space<vmem>>) target_semaphore(%arg10 : memref<!tpu.dma_semaphore, #tpu.memory_space<semaphore_mem>>)
    %slice3A_2461 = vector.extract_strided_slice %get3A_2424 {offsets = [2], sizes = [1], strides = [1]} : vector<16xi32> to vector<1xi32>
    %reshape3A_2462 = vector.extract %slice3A_2461[0] : i32 from vector<1xi32>
    %and3A_2463 = arith.constant -128 : i32
    %and3A_2464 = arith.andi %reshape3A_2462, %and3A_2463 : i32
    %multiple_of3A_2465 = tpu.assume_multiple %and3A_2464, 128 : i32
    %add3A_2466 = arith.constant 98 : i32
    %add3A_2467 = arith.addi %mul3A_2, %add3A_2466 : i32
    %and3A_2468 = arith.constant -8 : i32
    %and3A_2469 = arith.andi %add3A_2467, %and3A_2468 : i32
    %multiple_of3A_2470 = tpu.assume_multiple %and3A_2469, 8 : i32
    %dma_start3A_2471 = arith.constant 16 : i32
    %dma_start3A_2472 = arith.constant 0 : i32
    %dma_start3A_2473 = tpu.memref_slice %arg6[%dma_start3A_2471, %dma_start3A_2472] : memref<128x128xf32, #tpu.memory_space<vmem>> -> memref<8x128xf32, #tpu.memory_space<vmem>>
    %dma_start3A_2474 = tpu.memref_slice %arg2[%multiple_of3A_2470, %multiple_of3A_2465] : memref<4096x32000xf32, #tpu.memory_space<hbm>> -> memref<8x128xf32, #tpu.memory_space<hbm>>
    %dma_start3A_2475 = arith.constant 16 : i32
    %dma_start3A_2476 = arith.constant 0 : i32
    %dma_start3A_2477 = tpu.memref_slice %arg6[%dma_start3A_2475, %dma_start3A_2476] : memref<128x128xf32, #tpu.memory_space<vmem>> -> memref<8x128xf32, #tpu.memory_space<vmem>>
    %dma_start3A_2478 = tpu.memref_slice %arg2[%multiple_of3A_2470, %multiple_of3A_2465] : memref<4096x32000xf32, #tpu.memory_space<hbm>> -> memref<8x128xf32, #tpu.memory_space<hbm>>
    tpu.enqueue_dma source(%dma_start3A_2478 : memref<8x128xf32, #tpu.memory_space<hbm>>) target(%dma_start3A_2477 : memref<8x128xf32, #tpu.memory_space<vmem>>) target_semaphore(%arg10 : memref<!tpu.dma_semaphore, #tpu.memory_space<semaphore_mem>>)
    %slice3A_2479 = vector.extract_strided_slice %get3A_2424 {offsets = [3], sizes = [1], strides = [1]} : vector<16xi32> to vector<1xi32>
    %reshape3A_2480 = vector.extract %slice3A_2479[0] : i32 from vector<1xi32>
    %and3A_2481 = arith.constant -128 : i32
    %and3A_2482 = arith.andi %reshape3A_2480, %and3A_2481 : i32
    %multiple_of3A_2483 = tpu.assume_multiple %and3A_2482, 128 : i32
    %add3A_2484 = arith.constant 99 : i32
    %add3A_2485 = arith.addi %mul3A_2, %add3A_2484 : i32
    %and3A_2486 = arith.constant -8 : i32
    %and3A_2487 = arith.andi %add3A_2485, %and3A_2486 : i32
    %multiple_of3A_2488 = tpu.assume_multiple %and3A_2487, 8 : i32
    %dma_start3A_2489 = arith.constant 24 : i32
    %dma_start3A_2490 = arith.constant 0 : i32
    %dma_start3A_2491 = tpu.memref_slice %arg6[%dma_start3A_2489, %dma_start3A_2490] : memref<128x128xf32, #tpu.memory_space<vmem>> -> memref<8x128xf32, #tpu.memory_space<vmem>>
    %dma_start3A_2492 = tpu.memref_slice %arg2[%multiple_of3A_2488, %multiple_of3A_2483] : memref<4096x32000xf32, #tpu.memory_space<hbm>> -> memref<8x128xf32, #tpu.memory_space<hbm>>
    %dma_start3A_2493 = arith.constant 24 : i32
    %dma_start3A_2494 = arith.constant 0 : i32
    %dma_start3A_2495 = tpu.memref_slice %arg6[%dma_start3A_2493, %dma_start3A_2494] : memref<128x128xf32, #tpu.memory_space<vmem>> -> memref<8x128xf32, #tpu.memory_space<vmem>>
    %dma_start3A_2496 = tpu.memref_slice %arg2[%multiple_of3A_2488, %multiple_of3A_2483] : memref<4096x32000xf32, #tpu.memory_space<hbm>> -> memref<8x128xf32, #tpu.memory_space<hbm>>
    tpu.enqueue_dma source(%dma_start3A_2496 : memref<8x128xf32, #tpu.memory_space<hbm>>) target(%dma_start3A_2495 : memref<8x128xf32, #tpu.memory_space<vmem>>) target_semaphore(%arg10 : memref<!tpu.dma_semaphore, #tpu.memory_space<semaphore_mem>>)
    %slice3A_2497 = vector.extract_strided_slice %get3A_2424 {offsets = [4], sizes = [1], strides = [1]} : vector<16xi32> to vector<1xi32>
    %reshape3A_2498 = vector.extract %slice3A_2497[0] : i32 from vector<1xi32>
    %and3A_2499 = arith.constant -128 : i32
    %and3A_2500 = arith.andi %reshape3A_2498, %and3A_2499 : i32
    %multiple_of3A_2501 = tpu.assume_multiple %and3A_2500, 128 : i32
    %add3A_2502 = arith.constant 100 : i32
    %add3A_2503 = arith.addi %mul3A_2, %add3A_2502 : i32
    %and3A_2504 = arith.constant -8 : i32
    %and3A_2505 = arith.andi %add3A_2503, %and3A_2504 : i32
    %multiple_of3A_2506 = tpu.assume_multiple %and3A_2505, 8 : i32
    %dma_start3A_2507 = arith.constant 32 : i32
    %dma_start3A_2508 = arith.constant 0 : i32
    %dma_start3A_2509 = tpu.memref_slice %arg6[%dma_start3A_2507, %dma_start3A_2508] : memref<128x128xf32, #tpu.memory_space<vmem>> -> memref<8x128xf32, #tpu.memory_space<vmem>>
    %dma_start3A_2510 = tpu.memref_slice %arg2[%multiple_of3A_2506, %multiple_of3A_2501] : memref<4096x32000xf32, #tpu.memory_space<hbm>> -> memref<8x128xf32, #tpu.memory_space<hbm>>
    %dma_start3A_2511 = arith.constant 32 : i32
    %dma_start3A_2512 = arith.constant 0 : i32
    %dma_start3A_2513 = tpu.memref_slice %arg6[%dma_start3A_2511, %dma_start3A_2512] : memref<128x128xf32, #tpu.memory_space<vmem>> -> memref<8x128xf32, #tpu.memory_space<vmem>>
    %dma_start3A_2514 = tpu.memref_slice %arg2[%multiple_of3A_2506, %multiple_of3A_2501] : memref<4096x32000xf32, #tpu.memory_space<hbm>> -> memref<8x128xf32, #tpu.memory_space<hbm>>
    tpu.enqueue_dma source(%dma_start3A_2514 : memref<8x128xf32, #tpu.memory_space<hbm>>) target(%dma_start3A_2513 : memref<8x128xf32, #tpu.memory_space<vmem>>) target_semaphore(%arg10 : memref<!tpu.dma_semaphore, #tpu.memory_space<semaphore_mem>>)
    %slice3A_2515 = vector.extract_strided_slice %get3A_2424 {offsets = [5], sizes = [1], strides = [1]} : vector<16xi32> to vector<1xi32>
    %reshape3A_2516 = vector.extract %slice3A_2515[0] : i32 from vector<1xi32>
    %and3A_2517 = arith.constant -128 : i32
    %and3A_2518 = arith.andi %reshape3A_2516, %and3A_2517 : i32
    %multiple_of3A_2519 = tpu.assume_multiple %and3A_2518, 128 : i32
    %add3A_2520 = arith.constant 101 : i32
    %add3A_2521 = arith.addi %mul3A_2, %add3A_2520 : i32
    %and3A_2522 = arith.constant -8 : i32
    %and3A_2523 = arith.andi %add3A_2521, %and3A_2522 : i32
    %multiple_of3A_2524 = tpu.assume_multiple %and3A_2523, 8 : i32
    %dma_start3A_2525 = arith.constant 40 : i32
    %dma_start3A_2526 = arith.constant 0 : i32
    %dma_start3A_2527 = tpu.memref_slice %arg6[%dma_start3A_2525, %dma_start3A_2526] : memref<128x128xf32, #tpu.memory_space<vmem>> -> memref<8x128xf32, #tpu.memory_space<vmem>>
    %dma_start3A_2528 = tpu.memref_slice %arg2[%multiple_of3A_2524, %multiple_of3A_2519] : memref<4096x32000xf32, #tpu.memory_space<hbm>> -> memref<8x128xf32, #tpu.memory_space<hbm>>
    %dma_start3A_2529 = arith.constant 40 : i32
    %dma_start3A_2530 = arith.constant 0 : i32
    %dma_start3A_2531 = tpu.memref_slice %arg6[%dma_start3A_2529, %dma_start3A_2530] : memref<128x128xf32, #tpu.memory_space<vmem>> -> memref<8x128xf32, #tpu.memory_space<vmem>>
    %dma_start3A_2532 = tpu.memref_slice %arg2[%multiple_of3A_2524, %multiple_of3A_2519] : memref<4096x32000xf32, #tpu.memory_space<hbm>> -> memref<8x128xf32, #tpu.memory_space<hbm>>
    tpu.enqueue_dma source(%dma_start3A_2532 : memref<8x128xf32, #tpu.memory_space<hbm>>) target(%dma_start3A_2531 : memref<8x128xf32, #tpu.memory_space<vmem>>) target_semaphore(%arg10 : memref<!tpu.dma_semaphore, #tpu.memory_space<semaphore_mem>>)
    %slice3A_2533 = vector.extract_strided_slice %get3A_2424 {offsets = [6], sizes = [1], strides = [1]} : vector<16xi32> to vector<1xi32>
    %reshape3A_2534 = vector.extract %slice3A_2533[0] : i32 from vector<1xi32>
    %and3A_2535 = arith.constant -128 : i32
    %and3A_2536 = arith.andi %reshape3A_2534, %and3A_2535 : i32
    %multiple_of3A_2537 = tpu.assume_multiple %and3A_2536, 128 : i32
    %add3A_2538 = arith.constant 102 : i32
    %add3A_2539 = arith.addi %mul3A_2, %add3A_2538 : i32
    %and3A_2540 = arith.constant -8 : i32
    %and3A_2541 = arith.andi %add3A_2539, %and3A_2540 : i32
    %multiple_of3A_2542 = tpu.assume_multiple %and3A_2541, 8 : i32
    %dma_start3A_2543 = arith.constant 48 : i32
    %dma_start3A_2544 = arith.constant 0 : i32
    %dma_start3A_2545 = tpu.memref_slice %arg6[%dma_start3A_2543, %dma_start3A_2544] : memref<128x128xf32, #tpu.memory_space<vmem>> -> memref<8x128xf32, #tpu.memory_space<vmem>>
    %dma_start3A_2546 = tpu.memref_slice %arg2[%multiple_of3A_2542, %multiple_of3A_2537] : memref<4096x32000xf32, #tpu.memory_space<hbm>> -> memref<8x128xf32, #tpu.memory_space<hbm>>
    %dma_start3A_2547 = arith.constant 48 : i32
    %dma_start3A_2548 = arith.constant 0 : i32
    %dma_start3A_2549 = tpu.memref_slice %arg6[%dma_start3A_2547, %dma_start3A_2548] : memref<128x128xf32, #tpu.memory_space<vmem>> -> memref<8x128xf32, #tpu.memory_space<vmem>>
    %dma_start3A_2550 = tpu.memref_slice %arg2[%multiple_of3A_2542, %multiple_of3A_2537] : memref<4096x32000xf32, #tpu.memory_space<hbm>> -> memref<8x128xf32, #tpu.memory_space<hbm>>
    tpu.enqueue_dma source(%dma_start3A_2550 : memref<8x128xf32, #tpu.memory_space<hbm>>) target(%dma_start3A_2549 : memref<8x128xf32, #tpu.memory_space<vmem>>) target_semaphore(%arg10 : memref<!tpu.dma_semaphore, #tpu.memory_space<semaphore_mem>>)
    %slice3A_2551 = vector.extract_strided_slice %get3A_2424 {offsets = [7], sizes = [1], strides = [1]} : vector<16xi32> to vector<1xi32>
    %reshape3A_2552 = vector.extract %slice3A_2551[0] : i32 from vector<1xi32>
    %and3A_2553 = arith.constant -128 : i32
    %and3A_2554 = arith.andi %reshape3A_2552, %and3A_2553 : i32
    %multiple_of3A_2555 = tpu.assume_multiple %and3A_2554, 128 : i32
    %add3A_2556 = arith.constant 103 : i32
    %add3A_2557 = arith.addi %mul3A_2, %add3A_2556 : i32
    %and3A_2558 = arith.constant -8 : i32
    %and3A_2559 = arith.andi %add3A_2557, %and3A_2558 : i32
    %multiple_of3A_2560 = tpu.assume_multiple %and3A_2559, 8 : i32
    %dma_start3A_2561 = arith.constant 56 : i32
    %dma_start3A_2562 = arith.constant 0 : i32
    %dma_start3A_2563 = tpu.memref_slice %arg6[%dma_start3A_2561, %dma_start3A_2562] : memref<128x128xf32, #tpu.memory_space<vmem>> -> memref<8x128xf32, #tpu.memory_space<vmem>>
    %dma_start3A_2564 = tpu.memref_slice %arg2[%multiple_of3A_2560, %multiple_of3A_2555] : memref<4096x32000xf32, #tpu.memory_space<hbm>> -> memref<8x128xf32, #tpu.memory_space<hbm>>
    %dma_start3A_2565 = arith.constant 56 : i32
    %dma_start3A_2566 = arith.constant 0 : i32
    %dma_start3A_2567 = tpu.memref_slice %arg6[%dma_start3A_2565, %dma_start3A_2566] : memref<128x128xf32, #tpu.memory_space<vmem>> -> memref<8x128xf32, #tpu.memory_space<vmem>>
    %dma_start3A_2568 = tpu.memref_slice %arg2[%multiple_of3A_2560, %multiple_of3A_2555] : memref<4096x32000xf32, #tpu.memory_space<hbm>> -> memref<8x128xf32, #tpu.memory_space<hbm>>
    tpu.enqueue_dma source(%dma_start3A_2568 : memref<8x128xf32, #tpu.memory_space<hbm>>) target(%dma_start3A_2567 : memref<8x128xf32, #tpu.memory_space<vmem>>) target_semaphore(%arg10 : memref<!tpu.dma_semaphore, #tpu.memory_space<semaphore_mem>>)
    %slice3A_2569 = vector.extract_strided_slice %get3A_2424 {offsets = [8], sizes = [1], strides = [1]} : vector<16xi32> to vector<1xi32>
    %reshape3A_2570 = vector.extract %slice3A_2569[0] : i32 from vector<1xi32>
    %and3A_2571 = arith.constant -128 : i32
    %and3A_2572 = arith.andi %reshape3A_2570, %and3A_2571 : i32
    %multiple_of3A_2573 = tpu.assume_multiple %and3A_2572, 128 : i32
    %add3A_2574 = arith.constant 104 : i32
    %add3A_2575 = arith.addi %mul3A_2, %add3A_2574 : i32
    %and3A_2576 = arith.constant -8 : i32
    %and3A_2577 = arith.andi %add3A_2575, %and3A_2576 : i32
    %multiple_of3A_2578 = tpu.assume_multiple %and3A_2577, 8 : i32
    %dma_start3A_2579 = arith.constant 64 : i32
    %dma_start3A_2580 = arith.constant 0 : i32
    %dma_start3A_2581 = tpu.memref_slice %arg6[%dma_start3A_2579, %dma_start3A_2580] : memref<128x128xf32, #tpu.memory_space<vmem>> -> memref<8x128xf32, #tpu.memory_space<vmem>>
    %dma_start3A_2582 = tpu.memref_slice %arg2[%multiple_of3A_2578, %multiple_of3A_2573] : memref<4096x32000xf32, #tpu.memory_space<hbm>> -> memref<8x128xf32, #tpu.memory_space<hbm>>
    %dma_start3A_2583 = arith.constant 64 : i32
    %dma_start3A_2584 = arith.constant 0 : i32
    %dma_start3A_2585 = tpu.memref_slice %arg6[%dma_start3A_2583, %dma_start3A_2584] : memref<128x128xf32, #tpu.memory_space<vmem>> -> memref<8x128xf32, #tpu.memory_space<vmem>>
    %dma_start3A_2586 = tpu.memref_slice %arg2[%multiple_of3A_2578, %multiple_of3A_2573] : memref<4096x32000xf32, #tpu.memory_space<hbm>> -> memref<8x128xf32, #tpu.memory_space<hbm>>
    tpu.enqueue_dma source(%dma_start3A_2586 : memref<8x128xf32, #tpu.memory_space<hbm>>) target(%dma_start3A_2585 : memref<8x128xf32, #tpu.memory_space<vmem>>) target_semaphore(%arg10 : memref<!tpu.dma_semaphore, #tpu.memory_space<semaphore_mem>>)
    %slice3A_2587 = vector.extract_strided_slice %get3A_2424 {offsets = [9], sizes = [1], strides = [1]} : vector<16xi32> to vector<1xi32>
    %reshape3A_2588 = vector.extract %slice3A_2587[0] : i32 from vector<1xi32>
    %and3A_2589 = arith.constant -128 : i32
    %and3A_2590 = arith.andi %reshape3A_2588, %and3A_2589 : i32
    %multiple_of3A_2591 = tpu.assume_multiple %and3A_2590, 128 : i32
    %add3A_2592 = arith.constant 105 : i32
    %add3A_2593 = arith.addi %mul3A_2, %add3A_2592 : i32
    %and3A_2594 = arith.constant -8 : i32
    %and3A_2595 = arith.andi %add3A_2593, %and3A_2594 : i32
    %multiple_of3A_2596 = tpu.assume_multiple %and3A_2595, 8 : i32
    %dma_start3A_2597 = arith.constant 72 : i32
    %dma_start3A_2598 = arith.constant 0 : i32
    %dma_start3A_2599 = tpu.memref_slice %arg6[%dma_start3A_2597, %dma_start3A_2598] : memref<128x128xf32, #tpu.memory_space<vmem>> -> memref<8x128xf32, #tpu.memory_space<vmem>>
    %dma_start3A_2600 = tpu.memref_slice %arg2[%multiple_of3A_2596, %multiple_of3A_2591] : memref<4096x32000xf32, #tpu.memory_space<hbm>> -> memref<8x128xf32, #tpu.memory_space<hbm>>
    %dma_start3A_2601 = arith.constant 72 : i32
    %dma_start3A_2602 = arith.constant 0 : i32
    %dma_start3A_2603 = tpu.memref_slice %arg6[%dma_start3A_2601, %dma_start3A_2602] : memref<128x128xf32, #tpu.memory_space<vmem>> -> memref<8x128xf32, #tpu.memory_space<vmem>>
    %dma_start3A_2604 = tpu.memref_slice %arg2[%multiple_of3A_2596, %multiple_of3A_2591] : memref<4096x32000xf32, #tpu.memory_space<hbm>> -> memref<8x128xf32, #tpu.memory_space<hbm>>
    tpu.enqueue_dma source(%dma_start3A_2604 : memref<8x128xf32, #tpu.memory_space<hbm>>) target(%dma_start3A_2603 : memref<8x128xf32, #tpu.memory_space<vmem>>) target_semaphore(%arg10 : memref<!tpu.dma_semaphore, #tpu.memory_space<semaphore_mem>>)
    %slice3A_2605 = vector.extract_strided_slice %get3A_2424 {offsets = [10], sizes = [1], strides = [1]} : vector<16xi32> to vector<1xi32>
    %reshape3A_2606 = vector.extract %slice3A_2605[0] : i32 from vector<1xi32>
    %and3A_2607 = arith.constant -128 : i32
    %and3A_2608 = arith.andi %reshape3A_2606, %and3A_2607 : i32
    %multiple_of3A_2609 = tpu.assume_multiple %and3A_2608, 128 : i32
    %add3A_2610 = arith.constant 106 : i32
    %add3A_2611 = arith.addi %mul3A_2, %add3A_2610 : i32
    %and3A_2612 = arith.constant -8 : i32
    %and3A_2613 = arith.andi %add3A_2611, %and3A_2612 : i32
    %multiple_of3A_2614 = tpu.assume_multiple %and3A_2613, 8 : i32
    %dma_start3A_2615 = arith.constant 80 : i32
    %dma_start3A_2616 = arith.constant 0 : i32
    %dma_start3A_2617 = tpu.memref_slice %arg6[%dma_start3A_2615, %dma_start3A_2616] : memref<128x128xf32, #tpu.memory_space<vmem>> -> memref<8x128xf32, #tpu.memory_space<vmem>>
    %dma_start3A_2618 = tpu.memref_slice %arg2[%multiple_of3A_2614, %multiple_of3A_2609] : memref<4096x32000xf32, #tpu.memory_space<hbm>> -> memref<8x128xf32, #tpu.memory_space<hbm>>
    %dma_start3A_2619 = arith.constant 80 : i32
    %dma_start3A_2620 = arith.constant 0 : i32
    %dma_start3A_2621 = tpu.memref_slice %arg6[%dma_start3A_2619, %dma_start3A_2620] : memref<128x128xf32, #tpu.memory_space<vmem>> -> memref<8x128xf32, #tpu.memory_space<vmem>>
    %dma_start3A_2622 = tpu.memref_slice %arg2[%multiple_of3A_2614, %multiple_of3A_2609] : memref<4096x32000xf32, #tpu.memory_space<hbm>> -> memref<8x128xf32, #tpu.memory_space<hbm>>
    tpu.enqueue_dma source(%dma_start3A_2622 : memref<8x128xf32, #tpu.memory_space<hbm>>) target(%dma_start3A_2621 : memref<8x128xf32, #tpu.memory_space<vmem>>) target_semaphore(%arg10 : memref<!tpu.dma_semaphore, #tpu.memory_space<semaphore_mem>>)
    %slice3A_2623 = vector.extract_strided_slice %get3A_2424 {offsets = [11], sizes = [1], strides = [1]} : vector<16xi32> to vector<1xi32>
    %reshape3A_2624 = vector.extract %slice3A_2623[0] : i32 from vector<1xi32>
    %and3A_2625 = arith.constant -128 : i32
    %and3A_2626 = arith.andi %reshape3A_2624, %and3A_2625 : i32
    %multiple_of3A_2627 = tpu.assume_multiple %and3A_2626, 128 : i32
    %add3A_2628 = arith.constant 107 : i32
    %add3A_2629 = arith.addi %mul3A_2, %add3A_2628 : i32
    %and3A_2630 = arith.constant -8 : i32
    %and3A_2631 = arith.andi %add3A_2629, %and3A_2630 : i32
    %multiple_of3A_2632 = tpu.assume_multiple %and3A_2631, 8 : i32
    %dma_start3A_2633 = arith.constant 88 : i32
    %dma_start3A_2634 = arith.constant 0 : i32
    %dma_start3A_2635 = tpu.memref_slice %arg6[%dma_start3A_2633, %dma_start3A_2634] : memref<128x128xf32, #tpu.memory_space<vmem>> -> memref<8x128xf32, #tpu.memory_space<vmem>>
    %dma_start3A_2636 = tpu.memref_slice %arg2[%multiple_of3A_2632, %multiple_of3A_2627] : memref<4096x32000xf32, #tpu.memory_space<hbm>> -> memref<8x128xf32, #tpu.memory_space<hbm>>
    %dma_start3A_2637 = arith.constant 88 : i32
    %dma_start3A_2638 = arith.constant 0 : i32
    %dma_start3A_2639 = tpu.memref_slice %arg6[%dma_start3A_2637, %dma_start3A_2638] : memref<128x128xf32, #tpu.memory_space<vmem>> -> memref<8x128xf32, #tpu.memory_space<vmem>>
    %dma_start3A_2640 = tpu.memref_slice %arg2[%multiple_of3A_2632, %multiple_of3A_2627] : memref<4096x32000xf32, #tpu.memory_space<hbm>> -> memref<8x128xf32, #tpu.memory_space<hbm>>
    tpu.enqueue_dma source(%dma_start3A_2640 : memref<8x128xf32, #tpu.memory_space<hbm>>) target(%dma_start3A_2639 : memref<8x128xf32, #tpu.memory_space<vmem>>) target_semaphore(%arg10 : memref<!tpu.dma_semaphore, #tpu.memory_space<semaphore_mem>>)
    %slice3A_2641 = vector.extract_strided_slice %get3A_2424 {offsets = [12], sizes = [1], strides = [1]} : vector<16xi32> to vector<1xi32>
    %reshape3A_2642 = vector.extract %slice3A_2641[0] : i32 from vector<1xi32>
    %and3A_2643 = arith.constant -128 : i32
    %and3A_2644 = arith.andi %reshape3A_2642, %and3A_2643 : i32
    %multiple_of3A_2645 = tpu.assume_multiple %and3A_2644, 128 : i32
    %add3A_2646 = arith.constant 108 : i32
    %add3A_2647 = arith.addi %mul3A_2, %add3A_2646 : i32
    %and3A_2648 = arith.constant -8 : i32
    %and3A_2649 = arith.andi %add3A_2647, %and3A_2648 : i32
    %multiple_of3A_2650 = tpu.assume_multiple %and3A_2649, 8 : i32
    %dma_start3A_2651 = arith.constant 96 : i32
    %dma_start3A_2652 = arith.constant 0 : i32
    %dma_start3A_2653 = tpu.memref_slice %arg6[%dma_start3A_2651, %dma_start3A_2652] : memref<128x128xf32, #tpu.memory_space<vmem>> -> memref<8x128xf32, #tpu.memory_space<vmem>>
    %dma_start3A_2654 = tpu.memref_slice %arg2[%multiple_of3A_2650, %multiple_of3A_2645] : memref<4096x32000xf32, #tpu.memory_space<hbm>> -> memref<8x128xf32, #tpu.memory_space<hbm>>
    %dma_start3A_2655 = arith.constant 96 : i32
    %dma_start3A_2656 = arith.constant 0 : i32
    %dma_start3A_2657 = tpu.memref_slice %arg6[%dma_start3A_2655, %dma_start3A_2656] : memref<128x128xf32, #tpu.memory_space<vmem>> -> memref<8x128xf32, #tpu.memory_space<vmem>>
    %dma_start3A_2658 = tpu.memref_slice %arg2[%multiple_of3A_2650, %multiple_of3A_2645] : memref<4096x32000xf32, #tpu.memory_space<hbm>> -> memref<8x128xf32, #tpu.memory_space<hbm>>
    tpu.enqueue_dma source(%dma_start3A_2658 : memref<8x128xf32, #tpu.memory_space<hbm>>) target(%dma_start3A_2657 : memref<8x128xf32, #tpu.memory_space<vmem>>) target_semaphore(%arg10 : memref<!tpu.dma_semaphore, #tpu.memory_space<semaphore_mem>>)
    %slice3A_2659 = vector.extract_strided_slice %get3A_2424 {offsets = [13], sizes = [1], strides = [1]} : vector<16xi32> to vector<1xi32>
    %reshape3A_2660 = vector.extract %slice3A_2659[0] : i32 from vector<1xi32>
    %and3A_2661 = arith.constant -128 : i32
    %and3A_2662 = arith.andi %reshape3A_2660, %and3A_2661 : i32
    %multiple_of3A_2663 = tpu.assume_multiple %and3A_2662, 128 : i32
    %add3A_2664 = arith.constant 109 : i32
    %add3A_2665 = arith.addi %mul3A_2, %add3A_2664 : i32
    %and3A_2666 = arith.constant -8 : i32
    %and3A_2667 = arith.andi %add3A_2665, %and3A_2666 : i32
    %multiple_of3A_2668 = tpu.assume_multiple %and3A_2667, 8 : i32
    %dma_start3A_2669 = arith.constant 104 : i32
    %dma_start3A_2670 = arith.constant 0 : i32
    %dma_start3A_2671 = tpu.memref_slice %arg6[%dma_start3A_2669, %dma_start3A_2670] : memref<128x128xf32, #tpu.memory_space<vmem>> -> memref<8x128xf32, #tpu.memory_space<vmem>>
    %dma_start3A_2672 = tpu.memref_slice %arg2[%multiple_of3A_2668, %multiple_of3A_2663] : memref<4096x32000xf32, #tpu.memory_space<hbm>> -> memref<8x128xf32, #tpu.memory_space<hbm>>
    %dma_start3A_2673 = arith.constant 104 : i32
    %dma_start3A_2674 = arith.constant 0 : i32
    %dma_start3A_2675 = tpu.memref_slice %arg6[%dma_start3A_2673, %dma_start3A_2674] : memref<128x128xf32, #tpu.memory_space<vmem>> -> memref<8x128xf32, #tpu.memory_space<vmem>>
    %dma_start3A_2676 = tpu.memref_slice %arg2[%multiple_of3A_2668, %multiple_of3A_2663] : memref<4096x32000xf32, #tpu.memory_space<hbm>> -> memref<8x128xf32, #tpu.memory_space<hbm>>
    tpu.enqueue_dma source(%dma_start3A_2676 : memref<8x128xf32, #tpu.memory_space<hbm>>) target(%dma_start3A_2675 : memref<8x128xf32, #tpu.memory_space<vmem>>) target_semaphore(%arg10 : memref<!tpu.dma_semaphore, #tpu.memory_space<semaphore_mem>>)
    %slice3A_2677 = vector.extract_strided_slice %get3A_2424 {offsets = [14], sizes = [1], strides = [1]} : vector<16xi32> to vector<1xi32>
    %reshape3A_2678 = vector.extract %slice3A_2677[0] : i32 from vector<1xi32>
    %and3A_2679 = arith.constant -128 : i32
    %and3A_2680 = arith.andi %reshape3A_2678, %and3A_2679 : i32
    %multiple_of3A_2681 = tpu.assume_multiple %and3A_2680, 128 : i32
    %add3A_2682 = arith.constant 110 : i32
    %add3A_2683 = arith.addi %mul3A_2, %add3A_2682 : i32
    %and3A_2684 = arith.constant -8 : i32
    %and3A_2685 = arith.andi %add3A_2683, %and3A_2684 : i32
    %multiple_of3A_2686 = tpu.assume_multiple %and3A_2685, 8 : i32
    %dma_start3A_2687 = arith.constant 112 : i32
    %dma_start3A_2688 = arith.constant 0 : i32
    %dma_start3A_2689 = tpu.memref_slice %arg6[%dma_start3A_2687, %dma_start3A_2688] : memref<128x128xf32, #tpu.memory_space<vmem>> -> memref<8x128xf32, #tpu.memory_space<vmem>>
    %dma_start3A_2690 = tpu.memref_slice %arg2[%multiple_of3A_2686, %multiple_of3A_2681] : memref<4096x32000xf32, #tpu.memory_space<hbm>> -> memref<8x128xf32, #tpu.memory_space<hbm>>
    %dma_start3A_2691 = arith.constant 112 : i32
    %dma_start3A_2692 = arith.constant 0 : i32
    %dma_start3A_2693 = tpu.memref_slice %arg6[%dma_start3A_2691, %dma_start3A_2692] : memref<128x128xf32, #tpu.memory_space<vmem>> -> memref<8x128xf32, #tpu.memory_space<vmem>>
    %dma_start3A_2694 = tpu.memref_slice %arg2[%multiple_of3A_2686, %multiple_of3A_2681] : memref<4096x32000xf32, #tpu.memory_space<hbm>> -> memref<8x128xf32, #tpu.memory_space<hbm>>
    tpu.enqueue_dma source(%dma_start3A_2694 : memref<8x128xf32, #tpu.memory_space<hbm>>) target(%dma_start3A_2693 : memref<8x128xf32, #tpu.memory_space<vmem>>) target_semaphore(%arg10 : memref<!tpu.dma_semaphore, #tpu.memory_space<semaphore_mem>>)
    %slice3A_2695 = vector.extract_strided_slice %get3A_2424 {offsets = [15], sizes = [1], strides = [1]} : vector<16xi32> to vector<1xi32>
    %reshape3A_2696 = vector.extract %slice3A_2695[0] : i32 from vector<1xi32>
    %and3A_2697 = arith.constant -128 : i32
    %and3A_2698 = arith.andi %reshape3A_2696, %and3A_2697 : i32
    %multiple_of3A_2699 = tpu.assume_multiple %and3A_2698, 128 : i32
    %add3A_2700 = arith.constant 111 : i32
    %add3A_2701 = arith.addi %mul3A_2, %add3A_2700 : i32
    %and3A_2702 = arith.constant -8 : i32
    %and3A_2703 = arith.andi %add3A_2701, %and3A_2702 : i32
    %multiple_of3A_2704 = tpu.assume_multiple %and3A_2703, 8 : i32
    %dma_start3A_2705 = arith.constant 120 : i32
    %dma_start3A_2706 = arith.constant 0 : i32
    %dma_start3A_2707 = tpu.memref_slice %arg6[%dma_start3A_2705, %dma_start3A_2706] : memref<128x128xf32, #tpu.memory_space<vmem>> -> memref<8x128xf32, #tpu.memory_space<vmem>>
    %dma_start3A_2708 = tpu.memref_slice %arg2[%multiple_of3A_2704, %multiple_of3A_2699] : memref<4096x32000xf32, #tpu.memory_space<hbm>> -> memref<8x128xf32, #tpu.memory_space<hbm>>
    %dma_start3A_2709 = arith.constant 120 : i32
    %dma_start3A_2710 = arith.constant 0 : i32
    %dma_start3A_2711 = tpu.memref_slice %arg6[%dma_start3A_2709, %dma_start3A_2710] : memref<128x128xf32, #tpu.memory_space<vmem>> -> memref<8x128xf32, #tpu.memory_space<vmem>>
    %dma_start3A_2712 = tpu.memref_slice %arg2[%multiple_of3A_2704, %multiple_of3A_2699] : memref<4096x32000xf32, #tpu.memory_space<hbm>> -> memref<8x128xf32, #tpu.memory_space<hbm>>
    tpu.enqueue_dma source(%dma_start3A_2712 : memref<8x128xf32, #tpu.memory_space<hbm>>) target(%dma_start3A_2711 : memref<8x128xf32, #tpu.memory_space<vmem>>) target_semaphore(%arg10 : memref<!tpu.dma_semaphore, #tpu.memory_space<semaphore_mem>>)
    %dma_wait3A_2713 = arith.constant 0 : i32
    %dma_wait3A_2714 = arith.constant 0 : i32
    %dma_wait3A_2715 = tpu.memref_slice %arg7[%dma_wait3A_2713, %dma_wait3A_2714] : memref<128x128xf32, #tpu.memory_space<vmem>> -> memref<8x128xf32, #tpu.memory_space<vmem>>
    %dma_wait3A_2716 = tpu.memref_slice %arg2[%multiple_of3A_1550, %multiple_of3A_1545] : memref<4096x32000xf32, #tpu.memory_space<hbm>> -> memref<8x128xf32, #tpu.memory_space<hbm>>
    %dma_wait3A_2717 = arith.constant 0 : i32
    %dma_wait3A_2718 = arith.constant 0 : i32
    %dma_wait3A_2719 = tpu.memref_slice %arg7[%dma_wait3A_2717, %dma_wait3A_2718] : memref<128x128xf32, #tpu.memory_space<vmem>> -> memref<8x128xf32, #tpu.memory_space<vmem>>
    %dma_wait3A_2720 = tpu.memref_slice %arg2[%multiple_of3A_1550, %multiple_of3A_1545] : memref<4096x32000xf32, #tpu.memory_space<hbm>> -> memref<8x128xf32, #tpu.memory_space<hbm>>
    tpu.wait_dma2 semaphore(%arg11 : memref<!tpu.dma_semaphore, #tpu.memory_space<semaphore_mem>>) src(%dma_wait3A_2720 : memref<8x128xf32, #tpu.memory_space<hbm>>) dst(%dma_wait3A_2719 : memref<8x128xf32, #tpu.memory_space<vmem>>)
    %dma_wait3A_2721 = arith.constant 8 : i32
    %dma_wait3A_2722 = arith.constant 0 : i32
    %dma_wait3A_2723 = tpu.memref_slice %arg7[%dma_wait3A_2721, %dma_wait3A_2722] : memref<128x128xf32, #tpu.memory_space<vmem>> -> memref<8x128xf32, #tpu.memory_space<vmem>>
    %dma_wait3A_2724 = tpu.memref_slice %arg2[%multiple_of3A_1568, %multiple_of3A_1563] : memref<4096x32000xf32, #tpu.memory_space<hbm>> -> memref<8x128xf32, #tpu.memory_space<hbm>>
    %dma_wait3A_2725 = arith.constant 8 : i32
    %dma_wait3A_2726 = arith.constant 0 : i32
    %dma_wait3A_2727 = tpu.memref_slice %arg7[%dma_wait3A_2725, %dma_wait3A_2726] : memref<128x128xf32, #tpu.memory_space<vmem>> -> memref<8x128xf32, #tpu.memory_space<vmem>>
    %dma_wait3A_2728 = tpu.memref_slice %arg2[%multiple_of3A_1568, %multiple_of3A_1563] : memref<4096x32000xf32, #tpu.memory_space<hbm>> -> memref<8x128xf32, #tpu.memory_space<hbm>>
    tpu.wait_dma2 semaphore(%arg11 : memref<!tpu.dma_semaphore, #tpu.memory_space<semaphore_mem>>) src(%dma_wait3A_2728 : memref<8x128xf32, #tpu.memory_space<hbm>>) dst(%dma_wait3A_2727 : memref<8x128xf32, #tpu.memory_space<vmem>>)
    %dma_wait3A_2729 = arith.constant 16 : i32
    %dma_wait3A_2730 = arith.constant 0 : i32
    %dma_wait3A_2731 = tpu.memref_slice %arg7[%dma_wait3A_2729, %dma_wait3A_2730] : memref<128x128xf32, #tpu.memory_space<vmem>> -> memref<8x128xf32, #tpu.memory_space<vmem>>
    %dma_wait3A_2732 = tpu.memref_slice %arg2[%multiple_of3A_1586, %multiple_of3A_1581] : memref<4096x32000xf32, #tpu.memory_space<hbm>> -> memref<8x128xf32, #tpu.memory_space<hbm>>
    %dma_wait3A_2733 = arith.constant 16 : i32
    %dma_wait3A_2734 = arith.constant 0 : i32
    %dma_wait3A_2735 = tpu.memref_slice %arg7[%dma_wait3A_2733, %dma_wait3A_2734] : memref<128x128xf32, #tpu.memory_space<vmem>> -> memref<8x128xf32, #tpu.memory_space<vmem>>
    %dma_wait3A_2736 = tpu.memref_slice %arg2[%multiple_of3A_1586, %multiple_of3A_1581] : memref<4096x32000xf32, #tpu.memory_space<hbm>> -> memref<8x128xf32, #tpu.memory_space<hbm>>
    tpu.wait_dma2 semaphore(%arg11 : memref<!tpu.dma_semaphore, #tpu.memory_space<semaphore_mem>>) src(%dma_wait3A_2736 : memref<8x128xf32, #tpu.memory_space<hbm>>) dst(%dma_wait3A_2735 : memref<8x128xf32, #tpu.memory_space<vmem>>)
    %dma_wait3A_2737 = arith.constant 24 : i32
    %dma_wait3A_2738 = arith.constant 0 : i32
    %dma_wait3A_2739 = tpu.memref_slice %arg7[%dma_wait3A_2737, %dma_wait3A_2738] : memref<128x128xf32, #tpu.memory_space<vmem>> -> memref<8x128xf32, #tpu.memory_space<vmem>>
    %dma_wait3A_2740 = tpu.memref_slice %arg2[%multiple_of3A_1604, %multiple_of3A_1599] : memref<4096x32000xf32, #tpu.memory_space<hbm>> -> memref<8x128xf32, #tpu.memory_space<hbm>>
    %dma_wait3A_2741 = arith.constant 24 : i32
    %dma_wait3A_2742 = arith.constant 0 : i32
    %dma_wait3A_2743 = tpu.memref_slice %arg7[%dma_wait3A_2741, %dma_wait3A_2742] : memref<128x128xf32, #tpu.memory_space<vmem>> -> memref<8x128xf32, #tpu.memory_space<vmem>>
    %dma_wait3A_2744 = tpu.memref_slice %arg2[%multiple_of3A_1604, %multiple_of3A_1599] : memref<4096x32000xf32, #tpu.memory_space<hbm>> -> memref<8x128xf32, #tpu.memory_space<hbm>>
    tpu.wait_dma2 semaphore(%arg11 : memref<!tpu.dma_semaphore, #tpu.memory_space<semaphore_mem>>) src(%dma_wait3A_2744 : memref<8x128xf32, #tpu.memory_space<hbm>>) dst(%dma_wait3A_2743 : memref<8x128xf32, #tpu.memory_space<vmem>>)
    %dma_wait3A_2745 = arith.constant 32 : i32
    %dma_wait3A_2746 = arith.constant 0 : i32
    %dma_wait3A_2747 = tpu.memref_slice %arg7[%dma_wait3A_2745, %dma_wait3A_2746] : memref<128x128xf32, #tpu.memory_space<vmem>> -> memref<8x128xf32, #tpu.memory_space<vmem>>
    %dma_wait3A_2748 = tpu.memref_slice %arg2[%multiple_of3A_1622, %multiple_of3A_1617] : memref<4096x32000xf32, #tpu.memory_space<hbm>> -> memref<8x128xf32, #tpu.memory_space<hbm>>
    %dma_wait3A_2749 = arith.constant 32 : i32
    %dma_wait3A_2750 = arith.constant 0 : i32
    %dma_wait3A_2751 = tpu.memref_slice %arg7[%dma_wait3A_2749, %dma_wait3A_2750] : memref<128x128xf32, #tpu.memory_space<vmem>> -> memref<8x128xf32, #tpu.memory_space<vmem>>
    %dma_wait3A_2752 = tpu.memref_slice %arg2[%multiple_of3A_1622, %multiple_of3A_1617] : memref<4096x32000xf32, #tpu.memory_space<hbm>> -> memref<8x128xf32, #tpu.memory_space<hbm>>
    tpu.wait_dma2 semaphore(%arg11 : memref<!tpu.dma_semaphore, #tpu.memory_space<semaphore_mem>>) src(%dma_wait3A_2752 : memref<8x128xf32, #tpu.memory_space<hbm>>) dst(%dma_wait3A_2751 : memref<8x128xf32, #tpu.memory_space<vmem>>)
    %dma_wait3A_2753 = arith.constant 40 : i32
    %dma_wait3A_2754 = arith.constant 0 : i32
    %dma_wait3A_2755 = tpu.memref_slice %arg7[%dma_wait3A_2753, %dma_wait3A_2754] : memref<128x128xf32, #tpu.memory_space<vmem>> -> memref<8x128xf32, #tpu.memory_space<vmem>>
    %dma_wait3A_2756 = tpu.memref_slice %arg2[%multiple_of3A_1640, %multiple_of3A_1635] : memref<4096x32000xf32, #tpu.memory_space<hbm>> -> memref<8x128xf32, #tpu.memory_space<hbm>>
    %dma_wait3A_2757 = arith.constant 40 : i32
    %dma_wait3A_2758 = arith.constant 0 : i32
    %dma_wait3A_2759 = tpu.memref_slice %arg7[%dma_wait3A_2757, %dma_wait3A_2758] : memref<128x128xf32, #tpu.memory_space<vmem>> -> memref<8x128xf32, #tpu.memory_space<vmem>>
    %dma_wait3A_2760 = tpu.memref_slice %arg2[%multiple_of3A_1640, %multiple_of3A_1635] : memref<4096x32000xf32, #tpu.memory_space<hbm>> -> memref<8x128xf32, #tpu.memory_space<hbm>>
    tpu.wait_dma2 semaphore(%arg11 : memref<!tpu.dma_semaphore, #tpu.memory_space<semaphore_mem>>) src(%dma_wait3A_2760 : memref<8x128xf32, #tpu.memory_space<hbm>>) dst(%dma_wait3A_2759 : memref<8x128xf32, #tpu.memory_space<vmem>>)
    %dma_wait3A_2761 = arith.constant 48 : i32
    %dma_wait3A_2762 = arith.constant 0 : i32
    %dma_wait3A_2763 = tpu.memref_slice %arg7[%dma_wait3A_2761, %dma_wait3A_2762] : memref<128x128xf32, #tpu.memory_space<vmem>> -> memref<8x128xf32, #tpu.memory_space<vmem>>
    %dma_wait3A_2764 = tpu.memref_slice %arg2[%multiple_of3A_1658, %multiple_of3A_1653] : memref<4096x32000xf32, #tpu.memory_space<hbm>> -> memref<8x128xf32, #tpu.memory_space<hbm>>
    %dma_wait3A_2765 = arith.constant 48 : i32
    %dma_wait3A_2766 = arith.constant 0 : i32
    %dma_wait3A_2767 = tpu.memref_slice %arg7[%dma_wait3A_2765, %dma_wait3A_2766] : memref<128x128xf32, #tpu.memory_space<vmem>> -> memref<8x128xf32, #tpu.memory_space<vmem>>
    %dma_wait3A_2768 = tpu.memref_slice %arg2[%multiple_of3A_1658, %multiple_of3A_1653] : memref<4096x32000xf32, #tpu.memory_space<hbm>> -> memref<8x128xf32, #tpu.memory_space<hbm>>
    tpu.wait_dma2 semaphore(%arg11 : memref<!tpu.dma_semaphore, #tpu.memory_space<semaphore_mem>>) src(%dma_wait3A_2768 : memref<8x128xf32, #tpu.memory_space<hbm>>) dst(%dma_wait3A_2767 : memref<8x128xf32, #tpu.memory_space<vmem>>)
    %dma_wait3A_2769 = arith.constant 56 : i32
    %dma_wait3A_2770 = arith.constant 0 : i32
    %dma_wait3A_2771 = tpu.memref_slice %arg7[%dma_wait3A_2769, %dma_wait3A_2770] : memref<128x128xf32, #tpu.memory_space<vmem>> -> memref<8x128xf32, #tpu.memory_space<vmem>>
    %dma_wait3A_2772 = tpu.memref_slice %arg2[%multiple_of3A_1676, %multiple_of3A_1671] : memref<4096x32000xf32, #tpu.memory_space<hbm>> -> memref<8x128xf32, #tpu.memory_space<hbm>>
    %dma_wait3A_2773 = arith.constant 56 : i32
    %dma_wait3A_2774 = arith.constant 0 : i32
    %dma_wait3A_2775 = tpu.memref_slice %arg7[%dma_wait3A_2773, %dma_wait3A_2774] : memref<128x128xf32, #tpu.memory_space<vmem>> -> memref<8x128xf32, #tpu.memory_space<vmem>>
    %dma_wait3A_2776 = tpu.memref_slice %arg2[%multiple_of3A_1676, %multiple_of3A_1671] : memref<4096x32000xf32, #tpu.memory_space<hbm>> -> memref<8x128xf32, #tpu.memory_space<hbm>>
    tpu.wait_dma2 semaphore(%arg11 : memref<!tpu.dma_semaphore, #tpu.memory_space<semaphore_mem>>) src(%dma_wait3A_2776 : memref<8x128xf32, #tpu.memory_space<hbm>>) dst(%dma_wait3A_2775 : memref<8x128xf32, #tpu.memory_space<vmem>>)
    %dma_wait3A_2777 = arith.constant 64 : i32
    %dma_wait3A_2778 = arith.constant 0 : i32
    %dma_wait3A_2779 = tpu.memref_slice %arg7[%dma_wait3A_2777, %dma_wait3A_2778] : memref<128x128xf32, #tpu.memory_space<vmem>> -> memref<8x128xf32, #tpu.memory_space<vmem>>
    %dma_wait3A_2780 = tpu.memref_slice %arg2[%multiple_of3A_1694, %multiple_of3A_1689] : memref<4096x32000xf32, #tpu.memory_space<hbm>> -> memref<8x128xf32, #tpu.memory_space<hbm>>
    %dma_wait3A_2781 = arith.constant 64 : i32
    %dma_wait3A_2782 = arith.constant 0 : i32
    %dma_wait3A_2783 = tpu.memref_slice %arg7[%dma_wait3A_2781, %dma_wait3A_2782] : memref<128x128xf32, #tpu.memory_space<vmem>> -> memref<8x128xf32, #tpu.memory_space<vmem>>
    %dma_wait3A_2784 = tpu.memref_slice %arg2[%multiple_of3A_1694, %multiple_of3A_1689] : memref<4096x32000xf32, #tpu.memory_space<hbm>> -> memref<8x128xf32, #tpu.memory_space<hbm>>
    tpu.wait_dma2 semaphore(%arg11 : memref<!tpu.dma_semaphore, #tpu.memory_space<semaphore_mem>>) src(%dma_wait3A_2784 : memref<8x128xf32, #tpu.memory_space<hbm>>) dst(%dma_wait3A_2783 : memref<8x128xf32, #tpu.memory_space<vmem>>)
    %dma_wait3A_2785 = arith.constant 72 : i32
    %dma_wait3A_2786 = arith.constant 0 : i32
    %dma_wait3A_2787 = tpu.memref_slice %arg7[%dma_wait3A_2785, %dma_wait3A_2786] : memref<128x128xf32, #tpu.memory_space<vmem>> -> memref<8x128xf32, #tpu.memory_space<vmem>>
    %dma_wait3A_2788 = tpu.memref_slice %arg2[%multiple_of3A_1712, %multiple_of3A_1707] : memref<4096x32000xf32, #tpu.memory_space<hbm>> -> memref<8x128xf32, #tpu.memory_space<hbm>>
    %dma_wait3A_2789 = arith.constant 72 : i32
    %dma_wait3A_2790 = arith.constant 0 : i32
    %dma_wait3A_2791 = tpu.memref_slice %arg7[%dma_wait3A_2789, %dma_wait3A_2790] : memref<128x128xf32, #tpu.memory_space<vmem>> -> memref<8x128xf32, #tpu.memory_space<vmem>>
    %dma_wait3A_2792 = tpu.memref_slice %arg2[%multiple_of3A_1712, %multiple_of3A_1707] : memref<4096x32000xf32, #tpu.memory_space<hbm>> -> memref<8x128xf32, #tpu.memory_space<hbm>>
    tpu.wait_dma2 semaphore(%arg11 : memref<!tpu.dma_semaphore, #tpu.memory_space<semaphore_mem>>) src(%dma_wait3A_2792 : memref<8x128xf32, #tpu.memory_space<hbm>>) dst(%dma_wait3A_2791 : memref<8x128xf32, #tpu.memory_space<vmem>>)
    %dma_wait3A_2793 = arith.constant 80 : i32
    %dma_wait3A_2794 = arith.constant 0 : i32
    %dma_wait3A_2795 = tpu.memref_slice %arg7[%dma_wait3A_2793, %dma_wait3A_2794] : memref<128x128xf32, #tpu.memory_space<vmem>> -> memref<8x128xf32, #tpu.memory_space<vmem>>
    %dma_wait3A_2796 = tpu.memref_slice %arg2[%multiple_of3A_1730, %multiple_of3A_1725] : memref<4096x32000xf32, #tpu.memory_space<hbm>> -> memref<8x128xf32, #tpu.memory_space<hbm>>
    %dma_wait3A_2797 = arith.constant 80 : i32
    %dma_wait3A_2798 = arith.constant 0 : i32
    %dma_wait3A_2799 = tpu.memref_slice %arg7[%dma_wait3A_2797, %dma_wait3A_2798] : memref<128x128xf32, #tpu.memory_space<vmem>> -> memref<8x128xf32, #tpu.memory_space<vmem>>
    %dma_wait3A_2800 = tpu.memref_slice %arg2[%multiple_of3A_1730, %multiple_of3A_1725] : memref<4096x32000xf32, #tpu.memory_space<hbm>> -> memref<8x128xf32, #tpu.memory_space<hbm>>
    tpu.wait_dma2 semaphore(%arg11 : memref<!tpu.dma_semaphore, #tpu.memory_space<semaphore_mem>>) src(%dma_wait3A_2800 : memref<8x128xf32, #tpu.memory_space<hbm>>) dst(%dma_wait3A_2799 : memref<8x128xf32, #tpu.memory_space<vmem>>)
    %dma_wait3A_2801 = arith.constant 88 : i32
    %dma_wait3A_2802 = arith.constant 0 : i32
    %dma_wait3A_2803 = tpu.memref_slice %arg7[%dma_wait3A_2801, %dma_wait3A_2802] : memref<128x128xf32, #tpu.memory_space<vmem>> -> memref<8x128xf32, #tpu.memory_space<vmem>>
    %dma_wait3A_2804 = tpu.memref_slice %arg2[%multiple_of3A_1748, %multiple_of3A_1743] : memref<4096x32000xf32, #tpu.memory_space<hbm>> -> memref<8x128xf32, #tpu.memory_space<hbm>>
    %dma_wait3A_2805 = arith.constant 88 : i32
    %dma_wait3A_2806 = arith.constant 0 : i32
    %dma_wait3A_2807 = tpu.memref_slice %arg7[%dma_wait3A_2805, %dma_wait3A_2806] : memref<128x128xf32, #tpu.memory_space<vmem>> -> memref<8x128xf32, #tpu.memory_space<vmem>>
    %dma_wait3A_2808 = tpu.memref_slice %arg2[%multiple_of3A_1748, %multiple_of3A_1743] : memref<4096x32000xf32, #tpu.memory_space<hbm>> -> memref<8x128xf32, #tpu.memory_space<hbm>>
    tpu.wait_dma2 semaphore(%arg11 : memref<!tpu.dma_semaphore, #tpu.memory_space<semaphore_mem>>) src(%dma_wait3A_2808 : memref<8x128xf32, #tpu.memory_space<hbm>>) dst(%dma_wait3A_2807 : memref<8x128xf32, #tpu.memory_space<vmem>>)
    %dma_wait3A_2809 = arith.constant 96 : i32
    %dma_wait3A_2810 = arith.constant 0 : i32
    %dma_wait3A_2811 = tpu.memref_slice %arg7[%dma_wait3A_2809, %dma_wait3A_2810] : memref<128x128xf32, #tpu.memory_space<vmem>> -> memref<8x128xf32, #tpu.memory_space<vmem>>
    %dma_wait3A_2812 = tpu.memref_slice %arg2[%multiple_of3A_1766, %multiple_of3A_1761] : memref<4096x32000xf32, #tpu.memory_space<hbm>> -> memref<8x128xf32, #tpu.memory_space<hbm>>
    %dma_wait3A_2813 = arith.constant 96 : i32
    %dma_wait3A_2814 = arith.constant 0 : i32
    %dma_wait3A_2815 = tpu.memref_slice %arg7[%dma_wait3A_2813, %dma_wait3A_2814] : memref<128x128xf32, #tpu.memory_space<vmem>> -> memref<8x128xf32, #tpu.memory_space<vmem>>
    %dma_wait3A_2816 = tpu.memref_slice %arg2[%multiple_of3A_1766, %multiple_of3A_1761] : memref<4096x32000xf32, #tpu.memory_space<hbm>> -> memref<8x128xf32, #tpu.memory_space<hbm>>
    tpu.wait_dma2 semaphore(%arg11 : memref<!tpu.dma_semaphore, #tpu.memory_space<semaphore_mem>>) src(%dma_wait3A_2816 : memref<8x128xf32, #tpu.memory_space<hbm>>) dst(%dma_wait3A_2815 : memref<8x128xf32, #tpu.memory_space<vmem>>)
    %dma_wait3A_2817 = arith.constant 104 : i32
    %dma_wait3A_2818 = arith.constant 0 : i32
    %dma_wait3A_2819 = tpu.memref_slice %arg7[%dma_wait3A_2817, %dma_wait3A_2818] : memref<128x128xf32, #tpu.memory_space<vmem>> -> memref<8x128xf32, #tpu.memory_space<vmem>>
    %dma_wait3A_2820 = tpu.memref_slice %arg2[%multiple_of3A_1784, %multiple_of3A_1779] : memref<4096x32000xf32, #tpu.memory_space<hbm>> -> memref<8x128xf32, #tpu.memory_space<hbm>>
    %dma_wait3A_2821 = arith.constant 104 : i32
    %dma_wait3A_2822 = arith.constant 0 : i32
    %dma_wait3A_2823 = tpu.memref_slice %arg7[%dma_wait3A_2821, %dma_wait3A_2822] : memref<128x128xf32, #tpu.memory_space<vmem>> -> memref<8x128xf32, #tpu.memory_space<vmem>>
    %dma_wait3A_2824 = tpu.memref_slice %arg2[%multiple_of3A_1784, %multiple_of3A_1779] : memref<4096x32000xf32, #tpu.memory_space<hbm>> -> memref<8x128xf32, #tpu.memory_space<hbm>>
    tpu.wait_dma2 semaphore(%arg11 : memref<!tpu.dma_semaphore, #tpu.memory_space<semaphore_mem>>) src(%dma_wait3A_2824 : memref<8x128xf32, #tpu.memory_space<hbm>>) dst(%dma_wait3A_2823 : memref<8x128xf32, #tpu.memory_space<vmem>>)
    %dma_wait3A_2825 = arith.constant 112 : i32
    %dma_wait3A_2826 = arith.constant 0 : i32
    %dma_wait3A_2827 = tpu.memref_slice %arg7[%dma_wait3A_2825, %dma_wait3A_2826] : memref<128x128xf32, #tpu.memory_space<vmem>> -> memref<8x128xf32, #tpu.memory_space<vmem>>
    %dma_wait3A_2828 = tpu.memref_slice %arg2[%multiple_of3A_1802, %multiple_of3A_1797] : memref<4096x32000xf32, #tpu.memory_space<hbm>> -> memref<8x128xf32, #tpu.memory_space<hbm>>
    %dma_wait3A_2829 = arith.constant 112 : i32
    %dma_wait3A_2830 = arith.constant 0 : i32
    %dma_wait3A_2831 = tpu.memref_slice %arg7[%dma_wait3A_2829, %dma_wait3A_2830] : memref<128x128xf32, #tpu.memory_space<vmem>> -> memref<8x128xf32, #tpu.memory_space<vmem>>
    %dma_wait3A_2832 = tpu.memref_slice %arg2[%multiple_of3A_1802, %multiple_of3A_1797] : memref<4096x32000xf32, #tpu.memory_space<hbm>> -> memref<8x128xf32, #tpu.memory_space<hbm>>
    tpu.wait_dma2 semaphore(%arg11 : memref<!tpu.dma_semaphore, #tpu.memory_space<semaphore_mem>>) src(%dma_wait3A_2832 : memref<8x128xf32, #tpu.memory_space<hbm>>) dst(%dma_wait3A_2831 : memref<8x128xf32, #tpu.memory_space<vmem>>)
    %dma_wait3A_2833 = arith.constant 120 : i32
    %dma_wait3A_2834 = arith.constant 0 : i32
    %dma_wait3A_2835 = tpu.memref_slice %arg7[%dma_wait3A_2833, %dma_wait3A_2834] : memref<128x128xf32, #tpu.memory_space<vmem>> -> memref<8x128xf32, #tpu.memory_space<vmem>>
    %dma_wait3A_2836 = tpu.memref_slice %arg2[%multiple_of3A_1820, %multiple_of3A_1815] : memref<4096x32000xf32, #tpu.memory_space<hbm>> -> memref<8x128xf32, #tpu.memory_space<hbm>>
    %dma_wait3A_2837 = arith.constant 120 : i32
    %dma_wait3A_2838 = arith.constant 0 : i32
    %dma_wait3A_2839 = tpu.memref_slice %arg7[%dma_wait3A_2837, %dma_wait3A_2838] : memref<128x128xf32, #tpu.memory_space<vmem>> -> memref<8x128xf32, #tpu.memory_space<vmem>>
    %dma_wait3A_2840 = tpu.memref_slice %arg2[%multiple_of3A_1820, %multiple_of3A_1815] : memref<4096x32000xf32, #tpu.memory_space<hbm>> -> memref<8x128xf32, #tpu.memory_space<hbm>>
    tpu.wait_dma2 semaphore(%arg11 : memref<!tpu.dma_semaphore, #tpu.memory_space<semaphore_mem>>) src(%dma_wait3A_2840 : memref<8x128xf32, #tpu.memory_space<hbm>>) dst(%dma_wait3A_2839 : memref<8x128xf32, #tpu.memory_space<vmem>>)
    %and3A_2841 = arith.constant 127 : i32
    %and3A_2842 = vector.broadcast %and3A_2841 : i32 to vector<16xi32>
    %and3A_2843 = arith.andi %get3A_1540, %and3A_2842 : vector<16xi32>
    %gather3A_2844 = tpu.vector_load_idx %arg7[%add3A_25, %and3A_2843] : memref<128x128xf32, #tpu.memory_space<vmem>>[vector<16xi32>, vector<16xi32>], vector<16xf32>,
    %add3A_2845 = arith.addf %add3A_2403, %gather3A_2844 : vector<16xf32>
    %jit3A_2846 = arith.constant 2048 : i32
    %eq3A_2847 = arith.constant 0 : i32
    %eq3A_2848 = arith.cmpi eq, %jit3A_2846, %eq3A_2847 : i32
    %jit3A_2849 = arith.constant 1 : i32
    %select_n3A_2850 = arith.select %eq3A_2848, %jit3A_2849, %jit3A_2846 : i32
    %rem3A_2851 = arith.remsi %mul3A_2, %select_n3A_2850 : i32
    %ne3A_2852 = arith.constant 0 : i32
    %ne3A_2853 = arith.cmpi ne, %rem3A_2851, %ne3A_2852 : i32
    %lt3A_2854 = arith.constant 0 : i32
    %lt3A_2855 = arith.cmpi slt, %rem3A_2851, %lt3A_2854 : i32
    %lt3A_2856 = arith.constant 0 : i32
    %lt3A_2857 = arith.cmpi slt, %select_n3A_2850, %lt3A_2856 : i32
    %ne3A_2858 = arith.xori %lt3A_2855, %lt3A_2857 : i1
    %and3A_2859 = arith.andi %ne3A_2858, %ne3A_2853 : i1
    %add3A_2860 = arith.addi %rem3A_2851, %select_n3A_2850 : i32
    %select_n3A_2861 = arith.select %and3A_2859, %add3A_2860, %rem3A_2851 : i32
    %add3A_2862 = arith.constant 112 : i32
    %add3A_2863 = arith.addi %select_n3A_2861, %add3A_2862 : i32
    %get3A_2864 = arith.index_cast %select_n3A : i32 to index
    %get3A_2865 = arith.index_cast %add3A_2863 : i32 to index
    %get3A_2866 = tpu.vector_load %arg5[%get3A_2864, %get3A_2865] {strides = array<i32>} : memref<2x2048xi32, #tpu.memory_space<vmem>>, vector<16xi32>,
    %slice3A_2867 = vector.extract_strided_slice %get3A_2866 {offsets = [0], sizes = [1], strides = [1]} : vector<16xi32> to vector<1xi32>
    %reshape3A_2868 = vector.extract %slice3A_2867[0] : i32 from vector<1xi32>
    %and3A_2869 = arith.constant -128 : i32
    %and3A_2870 = arith.andi %reshape3A_2868, %and3A_2869 : i32
    %multiple_of3A_2871 = tpu.assume_multiple %and3A_2870, 128 : i32
    %add3A_2872 = arith.constant 112 : i32
    %add3A_2873 = arith.addi %mul3A_2, %add3A_2872 : i32
    %and3A_2874 = arith.constant -8 : i32
    %and3A_2875 = arith.andi %add3A_2873, %and3A_2874 : i32
    %multiple_of3A_2876 = tpu.assume_multiple %and3A_2875, 8 : i32
    %dma_start3A_2877 = arith.constant 0 : i32
    %dma_start3A_2878 = arith.constant 0 : i32
    %dma_start3A_2879 = tpu.memref_slice %arg7[%dma_start3A_2877, %dma_start3A_2878] : memref<128x128xf32, #tpu.memory_space<vmem>> -> memref<8x128xf32, #tpu.memory_space<vmem>>
    %dma_start3A_2880 = tpu.memref_slice %arg2[%multiple_of3A_2876, %multiple_of3A_2871] : memref<4096x32000xf32, #tpu.memory_space<hbm>> -> memref<8x128xf32, #tpu.memory_space<hbm>>
    %dma_start3A_2881 = arith.constant 0 : i32
    %dma_start3A_2882 = arith.constant 0 : i32
    %dma_start3A_2883 = tpu.memref_slice %arg7[%dma_start3A_2881, %dma_start3A_2882] : memref<128x128xf32, #tpu.memory_space<vmem>> -> memref<8x128xf32, #tpu.memory_space<vmem>>
    %dma_start3A_2884 = tpu.memref_slice %arg2[%multiple_of3A_2876, %multiple_of3A_2871] : memref<4096x32000xf32, #tpu.memory_space<hbm>> -> memref<8x128xf32, #tpu.memory_space<hbm>>
    tpu.enqueue_dma source(%dma_start3A_2884 : memref<8x128xf32, #tpu.memory_space<hbm>>) target(%dma_start3A_2883 : memref<8x128xf32, #tpu.memory_space<vmem>>) target_semaphore(%arg11 : memref<!tpu.dma_semaphore, #tpu.memory_space<semaphore_mem>>)
    %slice3A_2885 = vector.extract_strided_slice %get3A_2866 {offsets = [1], sizes = [1], strides = [1]} : vector<16xi32> to vector<1xi32>
    %reshape3A_2886 = vector.extract %slice3A_2885[0] : i32 from vector<1xi32>
    %and3A_2887 = arith.constant -128 : i32
    %and3A_2888 = arith.andi %reshape3A_2886, %and3A_2887 : i32
    %multiple_of3A_2889 = tpu.assume_multiple %and3A_2888, 128 : i32
    %add3A_2890 = arith.constant 113 : i32
    %add3A_2891 = arith.addi %mul3A_2, %add3A_2890 : i32
    %and3A_2892 = arith.constant -8 : i32
    %and3A_2893 = arith.andi %add3A_2891, %and3A_2892 : i32
    %multiple_of3A_2894 = tpu.assume_multiple %and3A_2893, 8 : i32
    %dma_start3A_2895 = arith.constant 8 : i32
    %dma_start3A_2896 = arith.constant 0 : i32
    %dma_start3A_2897 = tpu.memref_slice %arg7[%dma_start3A_2895, %dma_start3A_2896] : memref<128x128xf32, #tpu.memory_space<vmem>> -> memref<8x128xf32, #tpu.memory_space<vmem>>
    %dma_start3A_2898 = tpu.memref_slice %arg2[%multiple_of3A_2894, %multiple_of3A_2889] : memref<4096x32000xf32, #tpu.memory_space<hbm>> -> memref<8x128xf32, #tpu.memory_space<hbm>>
    %dma_start3A_2899 = arith.constant 8 : i32
    %dma_start3A_2900 = arith.constant 0 : i32
    %dma_start3A_2901 = tpu.memref_slice %arg7[%dma_start3A_2899, %dma_start3A_2900] : memref<128x128xf32, #tpu.memory_space<vmem>> -> memref<8x128xf32, #tpu.memory_space<vmem>>
    %dma_start3A_2902 = tpu.memref_slice %arg2[%multiple_of3A_2894, %multiple_of3A_2889] : memref<4096x32000xf32, #tpu.memory_space<hbm>> -> memref<8x128xf32, #tpu.memory_space<hbm>>
    tpu.enqueue_dma source(%dma_start3A_2902 : memref<8x128xf32, #tpu.memory_space<hbm>>) target(%dma_start3A_2901 : memref<8x128xf32, #tpu.memory_space<vmem>>) target_semaphore(%arg11 : memref<!tpu.dma_semaphore, #tpu.memory_space<semaphore_mem>>)
    %slice3A_2903 = vector.extract_strided_slice %get3A_2866 {offsets = [2], sizes = [1], strides = [1]} : vector<16xi32> to vector<1xi32>
    %reshape3A_2904 = vector.extract %slice3A_2903[0] : i32 from vector<1xi32>
    %and3A_2905 = arith.constant -128 : i32
    %and3A_2906 = arith.andi %reshape3A_2904, %and3A_2905 : i32
    %multiple_of3A_2907 = tpu.assume_multiple %and3A_2906, 128 : i32
    %add3A_2908 = arith.constant 114 : i32
    %add3A_2909 = arith.addi %mul3A_2, %add3A_2908 : i32
    %and3A_2910 = arith.constant -8 : i32
    %and3A_2911 = arith.andi %add3A_2909, %and3A_2910 : i32
    %multiple_of3A_2912 = tpu.assume_multiple %and3A_2911, 8 : i32
    %dma_start3A_2913 = arith.constant 16 : i32
    %dma_start3A_2914 = arith.constant 0 : i32
    %dma_start3A_2915 = tpu.memref_slice %arg7[%dma_start3A_2913, %dma_start3A_2914] : memref<128x128xf32, #tpu.memory_space<vmem>> -> memref<8x128xf32, #tpu.memory_space<vmem>>
    %dma_start3A_2916 = tpu.memref_slice %arg2[%multiple_of3A_2912, %multiple_of3A_2907] : memref<4096x32000xf32, #tpu.memory_space<hbm>> -> memref<8x128xf32, #tpu.memory_space<hbm>>
    %dma_start3A_2917 = arith.constant 16 : i32
    %dma_start3A_2918 = arith.constant 0 : i32
    %dma_start3A_2919 = tpu.memref_slice %arg7[%dma_start3A_2917, %dma_start3A_2918] : memref<128x128xf32, #tpu.memory_space<vmem>> -> memref<8x128xf32, #tpu.memory_space<vmem>>
    %dma_start3A_2920 = tpu.memref_slice %arg2[%multiple_of3A_2912, %multiple_of3A_2907] : memref<4096x32000xf32, #tpu.memory_space<hbm>> -> memref<8x128xf32, #tpu.memory_space<hbm>>
    tpu.enqueue_dma source(%dma_start3A_2920 : memref<8x128xf32, #tpu.memory_space<hbm>>) target(%dma_start3A_2919 : memref<8x128xf32, #tpu.memory_space<vmem>>) target_semaphore(%arg11 : memref<!tpu.dma_semaphore, #tpu.memory_space<semaphore_mem>>)
    %slice3A_2921 = vector.extract_strided_slice %get3A_2866 {offsets = [3], sizes = [1], strides = [1]} : vector<16xi32> to vector<1xi32>
    %reshape3A_2922 = vector.extract %slice3A_2921[0] : i32 from vector<1xi32>
    %and3A_2923 = arith.constant -128 : i32
    %and3A_2924 = arith.andi %reshape3A_2922, %and3A_2923 : i32
    %multiple_of3A_2925 = tpu.assume_multiple %and3A_2924, 128 : i32
    %add3A_2926 = arith.constant 115 : i32
    %add3A_2927 = arith.addi %mul3A_2, %add3A_2926 : i32
    %and3A_2928 = arith.constant -8 : i32
    %and3A_2929 = arith.andi %add3A_2927, %and3A_2928 : i32
    %multiple_of3A_2930 = tpu.assume_multiple %and3A_2929, 8 : i32
    %dma_start3A_2931 = arith.constant 24 : i32
    %dma_start3A_2932 = arith.constant 0 : i32
    %dma_start3A_2933 = tpu.memref_slice %arg7[%dma_start3A_2931, %dma_start3A_2932] : memref<128x128xf32, #tpu.memory_space<vmem>> -> memref<8x128xf32, #tpu.memory_space<vmem>>
    %dma_start3A_2934 = tpu.memref_slice %arg2[%multiple_of3A_2930, %multiple_of3A_2925] : memref<4096x32000xf32, #tpu.memory_space<hbm>> -> memref<8x128xf32, #tpu.memory_space<hbm>>
    %dma_start3A_2935 = arith.constant 24 : i32
    %dma_start3A_2936 = arith.constant 0 : i32
    %dma_start3A_2937 = tpu.memref_slice %arg7[%dma_start3A_2935, %dma_start3A_2936] : memref<128x128xf32, #tpu.memory_space<vmem>> -> memref<8x128xf32, #tpu.memory_space<vmem>>
    %dma_start3A_2938 = tpu.memref_slice %arg2[%multiple_of3A_2930, %multiple_of3A_2925] : memref<4096x32000xf32, #tpu.memory_space<hbm>> -> memref<8x128xf32, #tpu.memory_space<hbm>>
    tpu.enqueue_dma source(%dma_start3A_2938 : memref<8x128xf32, #tpu.memory_space<hbm>>) target(%dma_start3A_2937 : memref<8x128xf32, #tpu.memory_space<vmem>>) target_semaphore(%arg11 : memref<!tpu.dma_semaphore, #tpu.memory_space<semaphore_mem>>)
    %slice3A_2939 = vector.extract_strided_slice %get3A_2866 {offsets = [4], sizes = [1], strides = [1]} : vector<16xi32> to vector<1xi32>
    %reshape3A_2940 = vector.extract %slice3A_2939[0] : i32 from vector<1xi32>
    %and3A_2941 = arith.constant -128 : i32
    %and3A_2942 = arith.andi %reshape3A_2940, %and3A_2941 : i32
    %multiple_of3A_2943 = tpu.assume_multiple %and3A_2942, 128 : i32
    %add3A_2944 = arith.constant 116 : i32
    %add3A_2945 = arith.addi %mul3A_2, %add3A_2944 : i32
    %and3A_2946 = arith.constant -8 : i32
    %and3A_2947 = arith.andi %add3A_2945, %and3A_2946 : i32
    %multiple_of3A_2948 = tpu.assume_multiple %and3A_2947, 8 : i32
    %dma_start3A_2949 = arith.constant 32 : i32
    %dma_start3A_2950 = arith.constant 0 : i32
    %dma_start3A_2951 = tpu.memref_slice %arg7[%dma_start3A_2949, %dma_start3A_2950] : memref<128x128xf32, #tpu.memory_space<vmem>> -> memref<8x128xf32, #tpu.memory_space<vmem>>
    %dma_start3A_2952 = tpu.memref_slice %arg2[%multiple_of3A_2948, %multiple_of3A_2943] : memref<4096x32000xf32, #tpu.memory_space<hbm>> -> memref<8x128xf32, #tpu.memory_space<hbm>>
    %dma_start3A_2953 = arith.constant 32 : i32
    %dma_start3A_2954 = arith.constant 0 : i32
    %dma_start3A_2955 = tpu.memref_slice %arg7[%dma_start3A_2953, %dma_start3A_2954] : memref<128x128xf32, #tpu.memory_space<vmem>> -> memref<8x128xf32, #tpu.memory_space<vmem>>
    %dma_start3A_2956 = tpu.memref_slice %arg2[%multiple_of3A_2948, %multiple_of3A_2943] : memref<4096x32000xf32, #tpu.memory_space<hbm>> -> memref<8x128xf32, #tpu.memory_space<hbm>>
    tpu.enqueue_dma source(%dma_start3A_2956 : memref<8x128xf32, #tpu.memory_space<hbm>>) target(%dma_start3A_2955 : memref<8x128xf32, #tpu.memory_space<vmem>>) target_semaphore(%arg11 : memref<!tpu.dma_semaphore, #tpu.memory_space<semaphore_mem>>)
    %slice3A_2957 = vector.extract_strided_slice %get3A_2866 {offsets = [5], sizes = [1], strides = [1]} : vector<16xi32> to vector<1xi32>
    %reshape3A_2958 = vector.extract %slice3A_2957[0] : i32 from vector<1xi32>
    %and3A_2959 = arith.constant -128 : i32
    %and3A_2960 = arith.andi %reshape3A_2958, %and3A_2959 : i32
    %multiple_of3A_2961 = tpu.assume_multiple %and3A_2960, 128 : i32
    %add3A_2962 = arith.constant 117 : i32
    %add3A_2963 = arith.addi %mul3A_2, %add3A_2962 : i32
    %and3A_2964 = arith.constant -8 : i32
    %and3A_2965 = arith.andi %add3A_2963, %and3A_2964 : i32
    %multiple_of3A_2966 = tpu.assume_multiple %and3A_2965, 8 : i32
    %dma_start3A_2967 = arith.constant 40 : i32
    %dma_start3A_2968 = arith.constant 0 : i32
    %dma_start3A_2969 = tpu.memref_slice %arg7[%dma_start3A_2967, %dma_start3A_2968] : memref<128x128xf32, #tpu.memory_space<vmem>> -> memref<8x128xf32, #tpu.memory_space<vmem>>
    %dma_start3A_2970 = tpu.memref_slice %arg2[%multiple_of3A_2966, %multiple_of3A_2961] : memref<4096x32000xf32, #tpu.memory_space<hbm>> -> memref<8x128xf32, #tpu.memory_space<hbm>>
    %dma_start3A_2971 = arith.constant 40 : i32
    %dma_start3A_2972 = arith.constant 0 : i32
    %dma_start3A_2973 = tpu.memref_slice %arg7[%dma_start3A_2971, %dma_start3A_2972] : memref<128x128xf32, #tpu.memory_space<vmem>> -> memref<8x128xf32, #tpu.memory_space<vmem>>
    %dma_start3A_2974 = tpu.memref_slice %arg2[%multiple_of3A_2966, %multiple_of3A_2961] : memref<4096x32000xf32, #tpu.memory_space<hbm>> -> memref<8x128xf32, #tpu.memory_space<hbm>>
    tpu.enqueue_dma source(%dma_start3A_2974 : memref<8x128xf32, #tpu.memory_space<hbm>>) target(%dma_start3A_2973 : memref<8x128xf32, #tpu.memory_space<vmem>>) target_semaphore(%arg11 : memref<!tpu.dma_semaphore, #tpu.memory_space<semaphore_mem>>)
    %slice3A_2975 = vector.extract_strided_slice %get3A_2866 {offsets = [6], sizes = [1], strides = [1]} : vector<16xi32> to vector<1xi32>
    %reshape3A_2976 = vector.extract %slice3A_2975[0] : i32 from vector<1xi32>
    %and3A_2977 = arith.constant -128 : i32
    %and3A_2978 = arith.andi %reshape3A_2976, %and3A_2977 : i32
    %multiple_of3A_2979 = tpu.assume_multiple %and3A_2978, 128 : i32
    %add3A_2980 = arith.constant 118 : i32
    %add3A_2981 = arith.addi %mul3A_2, %add3A_2980 : i32
    %and3A_2982 = arith.constant -8 : i32
    %and3A_2983 = arith.andi %add3A_2981, %and3A_2982 : i32
    %multiple_of3A_2984 = tpu.assume_multiple %and3A_2983, 8 : i32
    %dma_start3A_2985 = arith.constant 48 : i32
    %dma_start3A_2986 = arith.constant 0 : i32
    %dma_start3A_2987 = tpu.memref_slice %arg7[%dma_start3A_2985, %dma_start3A_2986] : memref<128x128xf32, #tpu.memory_space<vmem>> -> memref<8x128xf32, #tpu.memory_space<vmem>>
    %dma_start3A_2988 = tpu.memref_slice %arg2[%multiple_of3A_2984, %multiple_of3A_2979] : memref<4096x32000xf32, #tpu.memory_space<hbm>> -> memref<8x128xf32, #tpu.memory_space<hbm>>
    %dma_start3A_2989 = arith.constant 48 : i32
    %dma_start3A_2990 = arith.constant 0 : i32
    %dma_start3A_2991 = tpu.memref_slice %arg7[%dma_start3A_2989, %dma_start3A_2990] : memref<128x128xf32, #tpu.memory_space<vmem>> -> memref<8x128xf32, #tpu.memory_space<vmem>>
    %dma_start3A_2992 = tpu.memref_slice %arg2[%multiple_of3A_2984, %multiple_of3A_2979] : memref<4096x32000xf32, #tpu.memory_space<hbm>> -> memref<8x128xf32, #tpu.memory_space<hbm>>
    tpu.enqueue_dma source(%dma_start3A_2992 : memref<8x128xf32, #tpu.memory_space<hbm>>) target(%dma_start3A_2991 : memref<8x128xf32, #tpu.memory_space<vmem>>) target_semaphore(%arg11 : memref<!tpu.dma_semaphore, #tpu.memory_space<semaphore_mem>>)
    %slice3A_2993 = vector.extract_strided_slice %get3A_2866 {offsets = [7], sizes = [1], strides = [1]} : vector<16xi32> to vector<1xi32>
    %reshape3A_2994 = vector.extract %slice3A_2993[0] : i32 from vector<1xi32>
    %and3A_2995 = arith.constant -128 : i32
    %and3A_2996 = arith.andi %reshape3A_2994, %and3A_2995 : i32
    %multiple_of3A_2997 = tpu.assume_multiple %and3A_2996, 128 : i32
    %add3A_2998 = arith.constant 119 : i32
    %add3A_2999 = arith.addi %mul3A_2, %add3A_2998 : i32
    %and3A_3000 = arith.constant -8 : i32
    %and3A_3001 = arith.andi %add3A_2999, %and3A_3000 : i32
    %multiple_of3A_3002 = tpu.assume_multiple %and3A_3001, 8 : i32
    %dma_start3A_3003 = arith.constant 56 : i32
    %dma_start3A_3004 = arith.constant 0 : i32
    %dma_start3A_3005 = tpu.memref_slice %arg7[%dma_start3A_3003, %dma_start3A_3004] : memref<128x128xf32, #tpu.memory_space<vmem>> -> memref<8x128xf32, #tpu.memory_space<vmem>>
    %dma_start3A_3006 = tpu.memref_slice %arg2[%multiple_of3A_3002, %multiple_of3A_2997] : memref<4096x32000xf32, #tpu.memory_space<hbm>> -> memref<8x128xf32, #tpu.memory_space<hbm>>
    %dma_start3A_3007 = arith.constant 56 : i32
    %dma_start3A_3008 = arith.constant 0 : i32
    %dma_start3A_3009 = tpu.memref_slice %arg7[%dma_start3A_3007, %dma_start3A_3008] : memref<128x128xf32, #tpu.memory_space<vmem>> -> memref<8x128xf32, #tpu.memory_space<vmem>>
    %dma_start3A_3010 = tpu.memref_slice %arg2[%multiple_of3A_3002, %multiple_of3A_2997] : memref<4096x32000xf32, #tpu.memory_space<hbm>> -> memref<8x128xf32, #tpu.memory_space<hbm>>
    tpu.enqueue_dma source(%dma_start3A_3010 : memref<8x128xf32, #tpu.memory_space<hbm>>) target(%dma_start3A_3009 : memref<8x128xf32, #tpu.memory_space<vmem>>) target_semaphore(%arg11 : memref<!tpu.dma_semaphore, #tpu.memory_space<semaphore_mem>>)
    %slice3A_3011 = vector.extract_strided_slice %get3A_2866 {offsets = [8], sizes = [1], strides = [1]} : vector<16xi32> to vector<1xi32>
    %reshape3A_3012 = vector.extract %slice3A_3011[0] : i32 from vector<1xi32>
    %and3A_3013 = arith.constant -128 : i32
    %and3A_3014 = arith.andi %reshape3A_3012, %and3A_3013 : i32
    %multiple_of3A_3015 = tpu.assume_multiple %and3A_3014, 128 : i32
    %add3A_3016 = arith.constant 120 : i32
    %add3A_3017 = arith.addi %mul3A_2, %add3A_3016 : i32
    %and3A_3018 = arith.constant -8 : i32
    %and3A_3019 = arith.andi %add3A_3017, %and3A_3018 : i32
    %multiple_of3A_3020 = tpu.assume_multiple %and3A_3019, 8 : i32
    %dma_start3A_3021 = arith.constant 64 : i32
    %dma_start3A_3022 = arith.constant 0 : i32
    %dma_start3A_3023 = tpu.memref_slice %arg7[%dma_start3A_3021, %dma_start3A_3022] : memref<128x128xf32, #tpu.memory_space<vmem>> -> memref<8x128xf32, #tpu.memory_space<vmem>>
    %dma_start3A_3024 = tpu.memref_slice %arg2[%multiple_of3A_3020, %multiple_of3A_3015] : memref<4096x32000xf32, #tpu.memory_space<hbm>> -> memref<8x128xf32, #tpu.memory_space<hbm>>
    %dma_start3A_3025 = arith.constant 64 : i32
    %dma_start3A_3026 = arith.constant 0 : i32
    %dma_start3A_3027 = tpu.memref_slice %arg7[%dma_start3A_3025, %dma_start3A_3026] : memref<128x128xf32, #tpu.memory_space<vmem>> -> memref<8x128xf32, #tpu.memory_space<vmem>>
    %dma_start3A_3028 = tpu.memref_slice %arg2[%multiple_of3A_3020, %multiple_of3A_3015] : memref<4096x32000xf32, #tpu.memory_space<hbm>> -> memref<8x128xf32, #tpu.memory_space<hbm>>
    tpu.enqueue_dma source(%dma_start3A_3028 : memref<8x128xf32, #tpu.memory_space<hbm>>) target(%dma_start3A_3027 : memref<8x128xf32, #tpu.memory_space<vmem>>) target_semaphore(%arg11 : memref<!tpu.dma_semaphore, #tpu.memory_space<semaphore_mem>>)
    %slice3A_3029 = vector.extract_strided_slice %get3A_2866 {offsets = [9], sizes = [1], strides = [1]} : vector<16xi32> to vector<1xi32>
    %reshape3A_3030 = vector.extract %slice3A_3029[0] : i32 from vector<1xi32>
    %and3A_3031 = arith.constant -128 : i32
    %and3A_3032 = arith.andi %reshape3A_3030, %and3A_3031 : i32
    %multiple_of3A_3033 = tpu.assume_multiple %and3A_3032, 128 : i32
    %add3A_3034 = arith.constant 121 : i32
    %add3A_3035 = arith.addi %mul3A_2, %add3A_3034 : i32
    %and3A_3036 = arith.constant -8 : i32
    %and3A_3037 = arith.andi %add3A_3035, %and3A_3036 : i32
    %multiple_of3A_3038 = tpu.assume_multiple %and3A_3037, 8 : i32
    %dma_start3A_3039 = arith.constant 72 : i32
    %dma_start3A_3040 = arith.constant 0 : i32
    %dma_start3A_3041 = tpu.memref_slice %arg7[%dma_start3A_3039, %dma_start3A_3040] : memref<128x128xf32, #tpu.memory_space<vmem>> -> memref<8x128xf32, #tpu.memory_space<vmem>>
    %dma_start3A_3042 = tpu.memref_slice %arg2[%multiple_of3A_3038, %multiple_of3A_3033] : memref<4096x32000xf32, #tpu.memory_space<hbm>> -> memref<8x128xf32, #tpu.memory_space<hbm>>
    %dma_start3A_3043 = arith.constant 72 : i32
    %dma_start3A_3044 = arith.constant 0 : i32
    %dma_start3A_3045 = tpu.memref_slice %arg7[%dma_start3A_3043, %dma_start3A_3044] : memref<128x128xf32, #tpu.memory_space<vmem>> -> memref<8x128xf32, #tpu.memory_space<vmem>>
    %dma_start3A_3046 = tpu.memref_slice %arg2[%multiple_of3A_3038, %multiple_of3A_3033] : memref<4096x32000xf32, #tpu.memory_space<hbm>> -> memref<8x128xf32, #tpu.memory_space<hbm>>
    tpu.enqueue_dma source(%dma_start3A_3046 : memref<8x128xf32, #tpu.memory_space<hbm>>) target(%dma_start3A_3045 : memref<8x128xf32, #tpu.memory_space<vmem>>) target_semaphore(%arg11 : memref<!tpu.dma_semaphore, #tpu.memory_space<semaphore_mem>>)
    %slice3A_3047 = vector.extract_strided_slice %get3A_2866 {offsets = [10], sizes = [1], strides = [1]} : vector<16xi32> to vector<1xi32>
    %reshape3A_3048 = vector.extract %slice3A_3047[0] : i32 from vector<1xi32>
    %and3A_3049 = arith.constant -128 : i32
    %and3A_3050 = arith.andi %reshape3A_3048, %and3A_3049 : i32
    %multiple_of3A_3051 = tpu.assume_multiple %and3A_3050, 128 : i32
    %add3A_3052 = arith.constant 122 : i32
    %add3A_3053 = arith.addi %mul3A_2, %add3A_3052 : i32
    %and3A_3054 = arith.constant -8 : i32
    %and3A_3055 = arith.andi %add3A_3053, %and3A_3054 : i32
    %multiple_of3A_3056 = tpu.assume_multiple %and3A_3055, 8 : i32
    %dma_start3A_3057 = arith.constant 80 : i32
    %dma_start3A_3058 = arith.constant 0 : i32
    %dma_start3A_3059 = tpu.memref_slice %arg7[%dma_start3A_3057, %dma_start3A_3058] : memref<128x128xf32, #tpu.memory_space<vmem>> -> memref<8x128xf32, #tpu.memory_space<vmem>>
    %dma_start3A_3060 = tpu.memref_slice %arg2[%multiple_of3A_3056, %multiple_of3A_3051] : memref<4096x32000xf32, #tpu.memory_space<hbm>> -> memref<8x128xf32, #tpu.memory_space<hbm>>
    %dma_start3A_3061 = arith.constant 80 : i32
    %dma_start3A_3062 = arith.constant 0 : i32
    %dma_start3A_3063 = tpu.memref_slice %arg7[%dma_start3A_3061, %dma_start3A_3062] : memref<128x128xf32, #tpu.memory_space<vmem>> -> memref<8x128xf32, #tpu.memory_space<vmem>>
    %dma_start3A_3064 = tpu.memref_slice %arg2[%multiple_of3A_3056, %multiple_of3A_3051] : memref<4096x32000xf32, #tpu.memory_space<hbm>> -> memref<8x128xf32, #tpu.memory_space<hbm>>
    tpu.enqueue_dma source(%dma_start3A_3064 : memref<8x128xf32, #tpu.memory_space<hbm>>) target(%dma_start3A_3063 : memref<8x128xf32, #tpu.memory_space<vmem>>) target_semaphore(%arg11 : memref<!tpu.dma_semaphore, #tpu.memory_space<semaphore_mem>>)
    %slice3A_3065 = vector.extract_strided_slice %get3A_2866 {offsets = [11], sizes = [1], strides = [1]} : vector<16xi32> to vector<1xi32>
    %reshape3A_3066 = vector.extract %slice3A_3065[0] : i32 from vector<1xi32>
    %and3A_3067 = arith.constant -128 : i32
    %and3A_3068 = arith.andi %reshape3A_3066, %and3A_3067 : i32
    %multiple_of3A_3069 = tpu.assume_multiple %and3A_3068, 128 : i32
    %add3A_3070 = arith.constant 123 : i32
    %add3A_3071 = arith.addi %mul3A_2, %add3A_3070 : i32
    %and3A_3072 = arith.constant -8 : i32
    %and3A_3073 = arith.andi %add3A_3071, %and3A_3072 : i32
    %multiple_of3A_3074 = tpu.assume_multiple %and3A_3073, 8 : i32
    %dma_start3A_3075 = arith.constant 88 : i32
    %dma_start3A_3076 = arith.constant 0 : i32
    %dma_start3A_3077 = tpu.memref_slice %arg7[%dma_start3A_3075, %dma_start3A_3076] : memref<128x128xf32, #tpu.memory_space<vmem>> -> memref<8x128xf32, #tpu.memory_space<vmem>>
    %dma_start3A_3078 = tpu.memref_slice %arg2[%multiple_of3A_3074, %multiple_of3A_3069] : memref<4096x32000xf32, #tpu.memory_space<hbm>> -> memref<8x128xf32, #tpu.memory_space<hbm>>
    %dma_start3A_3079 = arith.constant 88 : i32
    %dma_start3A_3080 = arith.constant 0 : i32
    %dma_start3A_3081 = tpu.memref_slice %arg7[%dma_start3A_3079, %dma_start3A_3080] : memref<128x128xf32, #tpu.memory_space<vmem>> -> memref<8x128xf32, #tpu.memory_space<vmem>>
    %dma_start3A_3082 = tpu.memref_slice %arg2[%multiple_of3A_3074, %multiple_of3A_3069] : memref<4096x32000xf32, #tpu.memory_space<hbm>> -> memref<8x128xf32, #tpu.memory_space<hbm>>
    tpu.enqueue_dma source(%dma_start3A_3082 : memref<8x128xf32, #tpu.memory_space<hbm>>) target(%dma_start3A_3081 : memref<8x128xf32, #tpu.memory_space<vmem>>) target_semaphore(%arg11 : memref<!tpu.dma_semaphore, #tpu.memory_space<semaphore_mem>>)
    %slice3A_3083 = vector.extract_strided_slice %get3A_2866 {offsets = [12], sizes = [1], strides = [1]} : vector<16xi32> to vector<1xi32>
    %reshape3A_3084 = vector.extract %slice3A_3083[0] : i32 from vector<1xi32>
    %and3A_3085 = arith.constant -128 : i32
    %and3A_3086 = arith.andi %reshape3A_3084, %and3A_3085 : i32
    %multiple_of3A_3087 = tpu.assume_multiple %and3A_3086, 128 : i32
    %add3A_3088 = arith.constant 124 : i32
    %add3A_3089 = arith.addi %mul3A_2, %add3A_3088 : i32
    %and3A_3090 = arith.constant -8 : i32
    %and3A_3091 = arith.andi %add3A_3089, %and3A_3090 : i32
    %multiple_of3A_3092 = tpu.assume_multiple %and3A_3091, 8 : i32
    %dma_start3A_3093 = arith.constant 96 : i32
    %dma_start3A_3094 = arith.constant 0 : i32
    %dma_start3A_3095 = tpu.memref_slice %arg7[%dma_start3A_3093, %dma_start3A_3094] : memref<128x128xf32, #tpu.memory_space<vmem>> -> memref<8x128xf32, #tpu.memory_space<vmem>>
    %dma_start3A_3096 = tpu.memref_slice %arg2[%multiple_of3A_3092, %multiple_of3A_3087] : memref<4096x32000xf32, #tpu.memory_space<hbm>> -> memref<8x128xf32, #tpu.memory_space<hbm>>
    %dma_start3A_3097 = arith.constant 96 : i32
    %dma_start3A_3098 = arith.constant 0 : i32
    %dma_start3A_3099 = tpu.memref_slice %arg7[%dma_start3A_3097, %dma_start3A_3098] : memref<128x128xf32, #tpu.memory_space<vmem>> -> memref<8x128xf32, #tpu.memory_space<vmem>>
    %dma_start3A_3100 = tpu.memref_slice %arg2[%multiple_of3A_3092, %multiple_of3A_3087] : memref<4096x32000xf32, #tpu.memory_space<hbm>> -> memref<8x128xf32, #tpu.memory_space<hbm>>
    tpu.enqueue_dma source(%dma_start3A_3100 : memref<8x128xf32, #tpu.memory_space<hbm>>) target(%dma_start3A_3099 : memref<8x128xf32, #tpu.memory_space<vmem>>) target_semaphore(%arg11 : memref<!tpu.dma_semaphore, #tpu.memory_space<semaphore_mem>>)
    %slice3A_3101 = vector.extract_strided_slice %get3A_2866 {offsets = [13], sizes = [1], strides = [1]} : vector<16xi32> to vector<1xi32>
    %reshape3A_3102 = vector.extract %slice3A_3101[0] : i32 from vector<1xi32>
    %and3A_3103 = arith.constant -128 : i32
    %and3A_3104 = arith.andi %reshape3A_3102, %and3A_3103 : i32
    %multiple_of3A_3105 = tpu.assume_multiple %and3A_3104, 128 : i32
    %add3A_3106 = arith.constant 125 : i32
    %add3A_3107 = arith.addi %mul3A_2, %add3A_3106 : i32
    %and3A_3108 = arith.constant -8 : i32
    %and3A_3109 = arith.andi %add3A_3107, %and3A_3108 : i32
    %multiple_of3A_3110 = tpu.assume_multiple %and3A_3109, 8 : i32
    %dma_start3A_3111 = arith.constant 104 : i32
    %dma_start3A_3112 = arith.constant 0 : i32
    %dma_start3A_3113 = tpu.memref_slice %arg7[%dma_start3A_3111, %dma_start3A_3112] : memref<128x128xf32, #tpu.memory_space<vmem>> -> memref<8x128xf32, #tpu.memory_space<vmem>>
    %dma_start3A_3114 = tpu.memref_slice %arg2[%multiple_of3A_3110, %multiple_of3A_3105] : memref<4096x32000xf32, #tpu.memory_space<hbm>> -> memref<8x128xf32, #tpu.memory_space<hbm>>
    %dma_start3A_3115 = arith.constant 104 : i32
    %dma_start3A_3116 = arith.constant 0 : i32
    %dma_start3A_3117 = tpu.memref_slice %arg7[%dma_start3A_3115, %dma_start3A_3116] : memref<128x128xf32, #tpu.memory_space<vmem>> -> memref<8x128xf32, #tpu.memory_space<vmem>>
    %dma_start3A_3118 = tpu.memref_slice %arg2[%multiple_of3A_3110, %multiple_of3A_3105] : memref<4096x32000xf32, #tpu.memory_space<hbm>> -> memref<8x128xf32, #tpu.memory_space<hbm>>
    tpu.enqueue_dma source(%dma_start3A_3118 : memref<8x128xf32, #tpu.memory_space<hbm>>) target(%dma_start3A_3117 : memref<8x128xf32, #tpu.memory_space<vmem>>) target_semaphore(%arg11 : memref<!tpu.dma_semaphore, #tpu.memory_space<semaphore_mem>>)
    %slice3A_3119 = vector.extract_strided_slice %get3A_2866 {offsets = [14], sizes = [1], strides = [1]} : vector<16xi32> to vector<1xi32>
    %reshape3A_3120 = vector.extract %slice3A_3119[0] : i32 from vector<1xi32>
    %and3A_3121 = arith.constant -128 : i32
    %and3A_3122 = arith.andi %reshape3A_3120, %and3A_3121 : i32
    %multiple_of3A_3123 = tpu.assume_multiple %and3A_3122, 128 : i32
    %add3A_3124 = arith.constant 126 : i32
    %add3A_3125 = arith.addi %mul3A_2, %add3A_3124 : i32
    %and3A_3126 = arith.constant -8 : i32
    %and3A_3127 = arith.andi %add3A_3125, %and3A_3126 : i32
    %multiple_of3A_3128 = tpu.assume_multiple %and3A_3127, 8 : i32
    %dma_start3A_3129 = arith.constant 112 : i32
    %dma_start3A_3130 = arith.constant 0 : i32
    %dma_start3A_3131 = tpu.memref_slice %arg7[%dma_start3A_3129, %dma_start3A_3130] : memref<128x128xf32, #tpu.memory_space<vmem>> -> memref<8x128xf32, #tpu.memory_space<vmem>>
    %dma_start3A_3132 = tpu.memref_slice %arg2[%multiple_of3A_3128, %multiple_of3A_3123] : memref<4096x32000xf32, #tpu.memory_space<hbm>> -> memref<8x128xf32, #tpu.memory_space<hbm>>
    %dma_start3A_3133 = arith.constant 112 : i32
    %dma_start3A_3134 = arith.constant 0 : i32
    %dma_start3A_3135 = tpu.memref_slice %arg7[%dma_start3A_3133, %dma_start3A_3134] : memref<128x128xf32, #tpu.memory_space<vmem>> -> memref<8x128xf32, #tpu.memory_space<vmem>>
    %dma_start3A_3136 = tpu.memref_slice %arg2[%multiple_of3A_3128, %multiple_of3A_3123] : memref<4096x32000xf32, #tpu.memory_space<hbm>> -> memref<8x128xf32, #tpu.memory_space<hbm>>
    tpu.enqueue_dma source(%dma_start3A_3136 : memref<8x128xf32, #tpu.memory_space<hbm>>) target(%dma_start3A_3135 : memref<8x128xf32, #tpu.memory_space<vmem>>) target_semaphore(%arg11 : memref<!tpu.dma_semaphore, #tpu.memory_space<semaphore_mem>>)
    %slice3A_3137 = vector.extract_strided_slice %get3A_2866 {offsets = [15], sizes = [1], strides = [1]} : vector<16xi32> to vector<1xi32>
    %reshape3A_3138 = vector.extract %slice3A_3137[0] : i32 from vector<1xi32>
    %and3A_3139 = arith.constant -128 : i32
    %and3A_3140 = arith.andi %reshape3A_3138, %and3A_3139 : i32
    %multiple_of3A_3141 = tpu.assume_multiple %and3A_3140, 128 : i32
    %add3A_3142 = arith.constant 127 : i32
    %add3A_3143 = arith.addi %mul3A_2, %add3A_3142 : i32
    %and3A_3144 = arith.constant -8 : i32
    %and3A_3145 = arith.andi %add3A_3143, %and3A_3144 : i32
    %multiple_of3A_3146 = tpu.assume_multiple %and3A_3145, 8 : i32
    %dma_start3A_3147 = arith.constant 120 : i32
    %dma_start3A_3148 = arith.constant 0 : i32
    %dma_start3A_3149 = tpu.memref_slice %arg7[%dma_start3A_3147, %dma_start3A_3148] : memref<128x128xf32, #tpu.memory_space<vmem>> -> memref<8x128xf32, #tpu.memory_space<vmem>>
    %dma_start3A_3150 = tpu.memref_slice %arg2[%multiple_of3A_3146, %multiple_of3A_3141] : memref<4096x32000xf32, #tpu.memory_space<hbm>> -> memref<8x128xf32, #tpu.memory_space<hbm>>
    %dma_start3A_3151 = arith.constant 120 : i32
    %dma_start3A_3152 = arith.constant 0 : i32
    %dma_start3A_3153 = tpu.memref_slice %arg7[%dma_start3A_3151, %dma_start3A_3152] : memref<128x128xf32, #tpu.memory_space<vmem>> -> memref<8x128xf32, #tpu.memory_space<vmem>>
    %dma_start3A_3154 = tpu.memref_slice %arg2[%multiple_of3A_3146, %multiple_of3A_3141] : memref<4096x32000xf32, #tpu.memory_space<hbm>> -> memref<8x128xf32, #tpu.memory_space<hbm>>
    tpu.enqueue_dma source(%dma_start3A_3154 : memref<8x128xf32, #tpu.memory_space<hbm>>) target(%dma_start3A_3153 : memref<8x128xf32, #tpu.memory_space<vmem>>) target_semaphore(%arg11 : memref<!tpu.dma_semaphore, #tpu.memory_space<semaphore_mem>>)
    %dma_wait3A_3155 = arith.constant 0 : i32
    %dma_wait3A_3156 = arith.constant 0 : i32
    %dma_wait3A_3157 = tpu.memref_slice %arg8[%dma_wait3A_3155, %dma_wait3A_3156] : memref<128x128xf32, #tpu.memory_space<vmem>> -> memref<8x128xf32, #tpu.memory_space<vmem>>
    %dma_wait3A_3158 = tpu.memref_slice %arg2[%multiple_of3A_1992, %multiple_of3A_1987] : memref<4096x32000xf32, #tpu.memory_space<hbm>> -> memref<8x128xf32, #tpu.memory_space<hbm>>
    %dma_wait3A_3159 = arith.constant 0 : i32
    %dma_wait3A_3160 = arith.constant 0 : i32
    %dma_wait3A_3161 = tpu.memref_slice %arg8[%dma_wait3A_3159, %dma_wait3A_3160] : memref<128x128xf32, #tpu.memory_space<vmem>> -> memref<8x128xf32, #tpu.memory_space<vmem>>
    %dma_wait3A_3162 = tpu.memref_slice %arg2[%multiple_of3A_1992, %multiple_of3A_1987] : memref<4096x32000xf32, #tpu.memory_space<hbm>> -> memref<8x128xf32, #tpu.memory_space<hbm>>
    tpu.wait_dma2 semaphore(%arg12 : memref<!tpu.dma_semaphore, #tpu.memory_space<semaphore_mem>>) src(%dma_wait3A_3162 : memref<8x128xf32, #tpu.memory_space<hbm>>) dst(%dma_wait3A_3161 : memref<8x128xf32, #tpu.memory_space<vmem>>)
    %dma_wait3A_3163 = arith.constant 8 : i32
    %dma_wait3A_3164 = arith.constant 0 : i32
    %dma_wait3A_3165 = tpu.memref_slice %arg8[%dma_wait3A_3163, %dma_wait3A_3164] : memref<128x128xf32, #tpu.memory_space<vmem>> -> memref<8x128xf32, #tpu.memory_space<vmem>>
    %dma_wait3A_3166 = tpu.memref_slice %arg2[%multiple_of3A_2010, %multiple_of3A_2005] : memref<4096x32000xf32, #tpu.memory_space<hbm>> -> memref<8x128xf32, #tpu.memory_space<hbm>>
    %dma_wait3A_3167 = arith.constant 8 : i32
    %dma_wait3A_3168 = arith.constant 0 : i32
    %dma_wait3A_3169 = tpu.memref_slice %arg8[%dma_wait3A_3167, %dma_wait3A_3168] : memref<128x128xf32, #tpu.memory_space<vmem>> -> memref<8x128xf32, #tpu.memory_space<vmem>>
    %dma_wait3A_3170 = tpu.memref_slice %arg2[%multiple_of3A_2010, %multiple_of3A_2005] : memref<4096x32000xf32, #tpu.memory_space<hbm>> -> memref<8x128xf32, #tpu.memory_space<hbm>>
    tpu.wait_dma2 semaphore(%arg12 : memref<!tpu.dma_semaphore, #tpu.memory_space<semaphore_mem>>) src(%dma_wait3A_3170 : memref<8x128xf32, #tpu.memory_space<hbm>>) dst(%dma_wait3A_3169 : memref<8x128xf32, #tpu.memory_space<vmem>>)
    %dma_wait3A_3171 = arith.constant 16 : i32
    %dma_wait3A_3172 = arith.constant 0 : i32
    %dma_wait3A_3173 = tpu.memref_slice %arg8[%dma_wait3A_3171, %dma_wait3A_3172] : memref<128x128xf32, #tpu.memory_space<vmem>> -> memref<8x128xf32, #tpu.memory_space<vmem>>
    %dma_wait3A_3174 = tpu.memref_slice %arg2[%multiple_of3A_2028, %multiple_of3A_2023] : memref<4096x32000xf32, #tpu.memory_space<hbm>> -> memref<8x128xf32, #tpu.memory_space<hbm>>
    %dma_wait3A_3175 = arith.constant 16 : i32
    %dma_wait3A_3176 = arith.constant 0 : i32
    %dma_wait3A_3177 = tpu.memref_slice %arg8[%dma_wait3A_3175, %dma_wait3A_3176] : memref<128x128xf32, #tpu.memory_space<vmem>> -> memref<8x128xf32, #tpu.memory_space<vmem>>
    %dma_wait3A_3178 = tpu.memref_slice %arg2[%multiple_of3A_2028, %multiple_of3A_2023] : memref<4096x32000xf32, #tpu.memory_space<hbm>> -> memref<8x128xf32, #tpu.memory_space<hbm>>
    tpu.wait_dma2 semaphore(%arg12 : memref<!tpu.dma_semaphore, #tpu.memory_space<semaphore_mem>>) src(%dma_wait3A_3178 : memref<8x128xf32, #tpu.memory_space<hbm>>) dst(%dma_wait3A_3177 : memref<8x128xf32, #tpu.memory_space<vmem>>)
    %dma_wait3A_3179 = arith.constant 24 : i32
    %dma_wait3A_3180 = arith.constant 0 : i32
    %dma_wait3A_3181 = tpu.memref_slice %arg8[%dma_wait3A_3179, %dma_wait3A_3180] : memref<128x128xf32, #tpu.memory_space<vmem>> -> memref<8x128xf32, #tpu.memory_space<vmem>>
    %dma_wait3A_3182 = tpu.memref_slice %arg2[%multiple_of3A_2046, %multiple_of3A_2041] : memref<4096x32000xf32, #tpu.memory_space<hbm>> -> memref<8x128xf32, #tpu.memory_space<hbm>>
    %dma_wait3A_3183 = arith.constant 24 : i32
    %dma_wait3A_3184 = arith.constant 0 : i32
    %dma_wait3A_3185 = tpu.memref_slice %arg8[%dma_wait3A_3183, %dma_wait3A_3184] : memref<128x128xf32, #tpu.memory_space<vmem>> -> memref<8x128xf32, #tpu.memory_space<vmem>>
    %dma_wait3A_3186 = tpu.memref_slice %arg2[%multiple_of3A_2046, %multiple_of3A_2041] : memref<4096x32000xf32, #tpu.memory_space<hbm>> -> memref<8x128xf32, #tpu.memory_space<hbm>>
    tpu.wait_dma2 semaphore(%arg12 : memref<!tpu.dma_semaphore, #tpu.memory_space<semaphore_mem>>) src(%dma_wait3A_3186 : memref<8x128xf32, #tpu.memory_space<hbm>>) dst(%dma_wait3A_3185 : memref<8x128xf32, #tpu.memory_space<vmem>>)
    %dma_wait3A_3187 = arith.constant 32 : i32
    %dma_wait3A_3188 = arith.constant 0 : i32
    %dma_wait3A_3189 = tpu.memref_slice %arg8[%dma_wait3A_3187, %dma_wait3A_3188] : memref<128x128xf32, #tpu.memory_space<vmem>> -> memref<8x128xf32, #tpu.memory_space<vmem>>
    %dma_wait3A_3190 = tpu.memref_slice %arg2[%multiple_of3A_2064, %multiple_of3A_2059] : memref<4096x32000xf32, #tpu.memory_space<hbm>> -> memref<8x128xf32, #tpu.memory_space<hbm>>
    %dma_wait3A_3191 = arith.constant 32 : i32
    %dma_wait3A_3192 = arith.constant 0 : i32
    %dma_wait3A_3193 = tpu.memref_slice %arg8[%dma_wait3A_3191, %dma_wait3A_3192] : memref<128x128xf32, #tpu.memory_space<vmem>> -> memref<8x128xf32, #tpu.memory_space<vmem>>
    %dma_wait3A_3194 = tpu.memref_slice %arg2[%multiple_of3A_2064, %multiple_of3A_2059] : memref<4096x32000xf32, #tpu.memory_space<hbm>> -> memref<8x128xf32, #tpu.memory_space<hbm>>
    tpu.wait_dma2 semaphore(%arg12 : memref<!tpu.dma_semaphore, #tpu.memory_space<semaphore_mem>>) src(%dma_wait3A_3194 : memref<8x128xf32, #tpu.memory_space<hbm>>) dst(%dma_wait3A_3193 : memref<8x128xf32, #tpu.memory_space<vmem>>)
    %dma_wait3A_3195 = arith.constant 40 : i32
    %dma_wait3A_3196 = arith.constant 0 : i32
    %dma_wait3A_3197 = tpu.memref_slice %arg8[%dma_wait3A_3195, %dma_wait3A_3196] : memref<128x128xf32, #tpu.memory_space<vmem>> -> memref<8x128xf32, #tpu.memory_space<vmem>>
    %dma_wait3A_3198 = tpu.memref_slice %arg2[%multiple_of3A_2082, %multiple_of3A_2077] : memref<4096x32000xf32, #tpu.memory_space<hbm>> -> memref<8x128xf32, #tpu.memory_space<hbm>>
    %dma_wait3A_3199 = arith.constant 40 : i32
    %dma_wait3A_3200 = arith.constant 0 : i32
    %dma_wait3A_3201 = tpu.memref_slice %arg8[%dma_wait3A_3199, %dma_wait3A_3200] : memref<128x128xf32, #tpu.memory_space<vmem>> -> memref<8x128xf32, #tpu.memory_space<vmem>>
    %dma_wait3A_3202 = tpu.memref_slice %arg2[%multiple_of3A_2082, %multiple_of3A_2077] : memref<4096x32000xf32, #tpu.memory_space<hbm>> -> memref<8x128xf32, #tpu.memory_space<hbm>>
    tpu.wait_dma2 semaphore(%arg12 : memref<!tpu.dma_semaphore, #tpu.memory_space<semaphore_mem>>) src(%dma_wait3A_3202 : memref<8x128xf32, #tpu.memory_space<hbm>>) dst(%dma_wait3A_3201 : memref<8x128xf32, #tpu.memory_space<vmem>>)
    %dma_wait3A_3203 = arith.constant 48 : i32
    %dma_wait3A_3204 = arith.constant 0 : i32
    %dma_wait3A_3205 = tpu.memref_slice %arg8[%dma_wait3A_3203, %dma_wait3A_3204] : memref<128x128xf32, #tpu.memory_space<vmem>> -> memref<8x128xf32, #tpu.memory_space<vmem>>
    %dma_wait3A_3206 = tpu.memref_slice %arg2[%multiple_of3A_2100, %multiple_of3A_2095] : memref<4096x32000xf32, #tpu.memory_space<hbm>> -> memref<8x128xf32, #tpu.memory_space<hbm>>
    %dma_wait3A_3207 = arith.constant 48 : i32
    %dma_wait3A_3208 = arith.constant 0 : i32
    %dma_wait3A_3209 = tpu.memref_slice %arg8[%dma_wait3A_3207, %dma_wait3A_3208] : memref<128x128xf32, #tpu.memory_space<vmem>> -> memref<8x128xf32, #tpu.memory_space<vmem>>
    %dma_wait3A_3210 = tpu.memref_slice %arg2[%multiple_of3A_2100, %multiple_of3A_2095] : memref<4096x32000xf32, #tpu.memory_space<hbm>> -> memref<8x128xf32, #tpu.memory_space<hbm>>
    tpu.wait_dma2 semaphore(%arg12 : memref<!tpu.dma_semaphore, #tpu.memory_space<semaphore_mem>>) src(%dma_wait3A_3210 : memref<8x128xf32, #tpu.memory_space<hbm>>) dst(%dma_wait3A_3209 : memref<8x128xf32, #tpu.memory_space<vmem>>)
    %dma_wait3A_3211 = arith.constant 56 : i32
    %dma_wait3A_3212 = arith.constant 0 : i32
    %dma_wait3A_3213 = tpu.memref_slice %arg8[%dma_wait3A_3211, %dma_wait3A_3212] : memref<128x128xf32, #tpu.memory_space<vmem>> -> memref<8x128xf32, #tpu.memory_space<vmem>>
    %dma_wait3A_3214 = tpu.memref_slice %arg2[%multiple_of3A_2118, %multiple_of3A_2113] : memref<4096x32000xf32, #tpu.memory_space<hbm>> -> memref<8x128xf32, #tpu.memory_space<hbm>>
    %dma_wait3A_3215 = arith.constant 56 : i32
    %dma_wait3A_3216 = arith.constant 0 : i32
    %dma_wait3A_3217 = tpu.memref_slice %arg8[%dma_wait3A_3215, %dma_wait3A_3216] : memref<128x128xf32, #tpu.memory_space<vmem>> -> memref<8x128xf32, #tpu.memory_space<vmem>>
    %dma_wait3A_3218 = tpu.memref_slice %arg2[%multiple_of3A_2118, %multiple_of3A_2113] : memref<4096x32000xf32, #tpu.memory_space<hbm>> -> memref<8x128xf32, #tpu.memory_space<hbm>>
    tpu.wait_dma2 semaphore(%arg12 : memref<!tpu.dma_semaphore, #tpu.memory_space<semaphore_mem>>) src(%dma_wait3A_3218 : memref<8x128xf32, #tpu.memory_space<hbm>>) dst(%dma_wait3A_3217 : memref<8x128xf32, #tpu.memory_space<vmem>>)
    %dma_wait3A_3219 = arith.constant 64 : i32
    %dma_wait3A_3220 = arith.constant 0 : i32
    %dma_wait3A_3221 = tpu.memref_slice %arg8[%dma_wait3A_3219, %dma_wait3A_3220] : memref<128x128xf32, #tpu.memory_space<vmem>> -> memref<8x128xf32, #tpu.memory_space<vmem>>
    %dma_wait3A_3222 = tpu.memref_slice %arg2[%multiple_of3A_2136, %multiple_of3A_2131] : memref<4096x32000xf32, #tpu.memory_space<hbm>> -> memref<8x128xf32, #tpu.memory_space<hbm>>
    %dma_wait3A_3223 = arith.constant 64 : i32
    %dma_wait3A_3224 = arith.constant 0 : i32
    %dma_wait3A_3225 = tpu.memref_slice %arg8[%dma_wait3A_3223, %dma_wait3A_3224] : memref<128x128xf32, #tpu.memory_space<vmem>> -> memref<8x128xf32, #tpu.memory_space<vmem>>
    %dma_wait3A_3226 = tpu.memref_slice %arg2[%multiple_of3A_2136, %multiple_of3A_2131] : memref<4096x32000xf32, #tpu.memory_space<hbm>> -> memref<8x128xf32, #tpu.memory_space<hbm>>
    tpu.wait_dma2 semaphore(%arg12 : memref<!tpu.dma_semaphore, #tpu.memory_space<semaphore_mem>>) src(%dma_wait3A_3226 : memref<8x128xf32, #tpu.memory_space<hbm>>) dst(%dma_wait3A_3225 : memref<8x128xf32, #tpu.memory_space<vmem>>)
    %dma_wait3A_3227 = arith.constant 72 : i32
    %dma_wait3A_3228 = arith.constant 0 : i32
    %dma_wait3A_3229 = tpu.memref_slice %arg8[%dma_wait3A_3227, %dma_wait3A_3228] : memref<128x128xf32, #tpu.memory_space<vmem>> -> memref<8x128xf32, #tpu.memory_space<vmem>>
    %dma_wait3A_3230 = tpu.memref_slice %arg2[%multiple_of3A_2154, %multiple_of3A_2149] : memref<4096x32000xf32, #tpu.memory_space<hbm>> -> memref<8x128xf32, #tpu.memory_space<hbm>>
    %dma_wait3A_3231 = arith.constant 72 : i32
    %dma_wait3A_3232 = arith.constant 0 : i32
    %dma_wait3A_3233 = tpu.memref_slice %arg8[%dma_wait3A_3231, %dma_wait3A_3232] : memref<128x128xf32, #tpu.memory_space<vmem>> -> memref<8x128xf32, #tpu.memory_space<vmem>>
    %dma_wait3A_3234 = tpu.memref_slice %arg2[%multiple_of3A_2154, %multiple_of3A_2149] : memref<4096x32000xf32, #tpu.memory_space<hbm>> -> memref<8x128xf32, #tpu.memory_space<hbm>>
    tpu.wait_dma2 semaphore(%arg12 : memref<!tpu.dma_semaphore, #tpu.memory_space<semaphore_mem>>) src(%dma_wait3A_3234 : memref<8x128xf32, #tpu.memory_space<hbm>>) dst(%dma_wait3A_3233 : memref<8x128xf32, #tpu.memory_space<vmem>>)
    %dma_wait3A_3235 = arith.constant 80 : i32
    %dma_wait3A_3236 = arith.constant 0 : i32
    %dma_wait3A_3237 = tpu.memref_slice %arg8[%dma_wait3A_3235, %dma_wait3A_3236] : memref<128x128xf32, #tpu.memory_space<vmem>> -> memref<8x128xf32, #tpu.memory_space<vmem>>
    %dma_wait3A_3238 = tpu.memref_slice %arg2[%multiple_of3A_2172, %multiple_of3A_2167] : memref<4096x32000xf32, #tpu.memory_space<hbm>> -> memref<8x128xf32, #tpu.memory_space<hbm>>
    %dma_wait3A_3239 = arith.constant 80 : i32
    %dma_wait3A_3240 = arith.constant 0 : i32
    %dma_wait3A_3241 = tpu.memref_slice %arg8[%dma_wait3A_3239, %dma_wait3A_3240] : memref<128x128xf32, #tpu.memory_space<vmem>> -> memref<8x128xf32, #tpu.memory_space<vmem>>
    %dma_wait3A_3242 = tpu.memref_slice %arg2[%multiple_of3A_2172, %multiple_of3A_2167] : memref<4096x32000xf32, #tpu.memory_space<hbm>> -> memref<8x128xf32, #tpu.memory_space<hbm>>
    tpu.wait_dma2 semaphore(%arg12 : memref<!tpu.dma_semaphore, #tpu.memory_space<semaphore_mem>>) src(%dma_wait3A_3242 : memref<8x128xf32, #tpu.memory_space<hbm>>) dst(%dma_wait3A_3241 : memref<8x128xf32, #tpu.memory_space<vmem>>)
    %dma_wait3A_3243 = arith.constant 88 : i32
    %dma_wait3A_3244 = arith.constant 0 : i32
    %dma_wait3A_3245 = tpu.memref_slice %arg8[%dma_wait3A_3243, %dma_wait3A_3244] : memref<128x128xf32, #tpu.memory_space<vmem>> -> memref<8x128xf32, #tpu.memory_space<vmem>>
    %dma_wait3A_3246 = tpu.memref_slice %arg2[%multiple_of3A_2190, %multiple_of3A_2185] : memref<4096x32000xf32, #tpu.memory_space<hbm>> -> memref<8x128xf32, #tpu.memory_space<hbm>>
    %dma_wait3A_3247 = arith.constant 88 : i32
    %dma_wait3A_3248 = arith.constant 0 : i32
    %dma_wait3A_3249 = tpu.memref_slice %arg8[%dma_wait3A_3247, %dma_wait3A_3248] : memref<128x128xf32, #tpu.memory_space<vmem>> -> memref<8x128xf32, #tpu.memory_space<vmem>>
    %dma_wait3A_3250 = tpu.memref_slice %arg2[%multiple_of3A_2190, %multiple_of3A_2185] : memref<4096x32000xf32, #tpu.memory_space<hbm>> -> memref<8x128xf32, #tpu.memory_space<hbm>>
    tpu.wait_dma2 semaphore(%arg12 : memref<!tpu.dma_semaphore, #tpu.memory_space<semaphore_mem>>) src(%dma_wait3A_3250 : memref<8x128xf32, #tpu.memory_space<hbm>>) dst(%dma_wait3A_3249 : memref<8x128xf32, #tpu.memory_space<vmem>>)
    %dma_wait3A_3251 = arith.constant 96 : i32
    %dma_wait3A_3252 = arith.constant 0 : i32
    %dma_wait3A_3253 = tpu.memref_slice %arg8[%dma_wait3A_3251, %dma_wait3A_3252] : memref<128x128xf32, #tpu.memory_space<vmem>> -> memref<8x128xf32, #tpu.memory_space<vmem>>
    %dma_wait3A_3254 = tpu.memref_slice %arg2[%multiple_of3A_2208, %multiple_of3A_2203] : memref<4096x32000xf32, #tpu.memory_space<hbm>> -> memref<8x128xf32, #tpu.memory_space<hbm>>
    %dma_wait3A_3255 = arith.constant 96 : i32
    %dma_wait3A_3256 = arith.constant 0 : i32
    %dma_wait3A_3257 = tpu.memref_slice %arg8[%dma_wait3A_3255, %dma_wait3A_3256] : memref<128x128xf32, #tpu.memory_space<vmem>> -> memref<8x128xf32, #tpu.memory_space<vmem>>
    %dma_wait3A_3258 = tpu.memref_slice %arg2[%multiple_of3A_2208, %multiple_of3A_2203] : memref<4096x32000xf32, #tpu.memory_space<hbm>> -> memref<8x128xf32, #tpu.memory_space<hbm>>
    tpu.wait_dma2 semaphore(%arg12 : memref<!tpu.dma_semaphore, #tpu.memory_space<semaphore_mem>>) src(%dma_wait3A_3258 : memref<8x128xf32, #tpu.memory_space<hbm>>) dst(%dma_wait3A_3257 : memref<8x128xf32, #tpu.memory_space<vmem>>)
    %dma_wait3A_3259 = arith.constant 104 : i32
    %dma_wait3A_3260 = arith.constant 0 : i32
    %dma_wait3A_3261 = tpu.memref_slice %arg8[%dma_wait3A_3259, %dma_wait3A_3260] : memref<128x128xf32, #tpu.memory_space<vmem>> -> memref<8x128xf32, #tpu.memory_space<vmem>>
    %dma_wait3A_3262 = tpu.memref_slice %arg2[%multiple_of3A_2226, %multiple_of3A_2221] : memref<4096x32000xf32, #tpu.memory_space<hbm>> -> memref<8x128xf32, #tpu.memory_space<hbm>>
    %dma_wait3A_3263 = arith.constant 104 : i32
    %dma_wait3A_3264 = arith.constant 0 : i32
    %dma_wait3A_3265 = tpu.memref_slice %arg8[%dma_wait3A_3263, %dma_wait3A_3264] : memref<128x128xf32, #tpu.memory_space<vmem>> -> memref<8x128xf32, #tpu.memory_space<vmem>>
    %dma_wait3A_3266 = tpu.memref_slice %arg2[%multiple_of3A_2226, %multiple_of3A_2221] : memref<4096x32000xf32, #tpu.memory_space<hbm>> -> memref<8x128xf32, #tpu.memory_space<hbm>>
    tpu.wait_dma2 semaphore(%arg12 : memref<!tpu.dma_semaphore, #tpu.memory_space<semaphore_mem>>) src(%dma_wait3A_3266 : memref<8x128xf32, #tpu.memory_space<hbm>>) dst(%dma_wait3A_3265 : memref<8x128xf32, #tpu.memory_space<vmem>>)
    %dma_wait3A_3267 = arith.constant 112 : i32
    %dma_wait3A_3268 = arith.constant 0 : i32
    %dma_wait3A_3269 = tpu.memref_slice %arg8[%dma_wait3A_3267, %dma_wait3A_3268] : memref<128x128xf32, #tpu.memory_space<vmem>> -> memref<8x128xf32, #tpu.memory_space<vmem>>
    %dma_wait3A_3270 = tpu.memref_slice %arg2[%multiple_of3A_2244, %multiple_of3A_2239] : memref<4096x32000xf32, #tpu.memory_space<hbm>> -> memref<8x128xf32, #tpu.memory_space<hbm>>
    %dma_wait3A_3271 = arith.constant 112 : i32
    %dma_wait3A_3272 = arith.constant 0 : i32
    %dma_wait3A_3273 = tpu.memref_slice %arg8[%dma_wait3A_3271, %dma_wait3A_3272] : memref<128x128xf32, #tpu.memory_space<vmem>> -> memref<8x128xf32, #tpu.memory_space<vmem>>
    %dma_wait3A_3274 = tpu.memref_slice %arg2[%multiple_of3A_2244, %multiple_of3A_2239] : memref<4096x32000xf32, #tpu.memory_space<hbm>> -> memref<8x128xf32, #tpu.memory_space<hbm>>
    tpu.wait_dma2 semaphore(%arg12 : memref<!tpu.dma_semaphore, #tpu.memory_space<semaphore_mem>>) src(%dma_wait3A_3274 : memref<8x128xf32, #tpu.memory_space<hbm>>) dst(%dma_wait3A_3273 : memref<8x128xf32, #tpu.memory_space<vmem>>)
    %dma_wait3A_3275 = arith.constant 120 : i32
    %dma_wait3A_3276 = arith.constant 0 : i32
    %dma_wait3A_3277 = tpu.memref_slice %arg8[%dma_wait3A_3275, %dma_wait3A_3276] : memref<128x128xf32, #tpu.memory_space<vmem>> -> memref<8x128xf32, #tpu.memory_space<vmem>>
    %dma_wait3A_3278 = tpu.memref_slice %arg2[%multiple_of3A_2262, %multiple_of3A_2257] : memref<4096x32000xf32, #tpu.memory_space<hbm>> -> memref<8x128xf32, #tpu.memory_space<hbm>>
    %dma_wait3A_3279 = arith.constant 120 : i32
    %dma_wait3A_3280 = arith.constant 0 : i32
    %dma_wait3A_3281 = tpu.memref_slice %arg8[%dma_wait3A_3279, %dma_wait3A_3280] : memref<128x128xf32, #tpu.memory_space<vmem>> -> memref<8x128xf32, #tpu.memory_space<vmem>>
    %dma_wait3A_3282 = tpu.memref_slice %arg2[%multiple_of3A_2262, %multiple_of3A_2257] : memref<4096x32000xf32, #tpu.memory_space<hbm>> -> memref<8x128xf32, #tpu.memory_space<hbm>>
    tpu.wait_dma2 semaphore(%arg12 : memref<!tpu.dma_semaphore, #tpu.memory_space<semaphore_mem>>) src(%dma_wait3A_3282 : memref<8x128xf32, #tpu.memory_space<hbm>>) dst(%dma_wait3A_3281 : memref<8x128xf32, #tpu.memory_space<vmem>>)
    %and3A_3283 = arith.constant 127 : i32
    %and3A_3284 = vector.broadcast %and3A_3283 : i32 to vector<16xi32>
    %and3A_3285 = arith.andi %get3A_1982, %and3A_3284 : vector<16xi32>
    %gather3A_3286 = tpu.vector_load_idx %arg8[%add3A_25, %and3A_3285] : memref<128x128xf32, #tpu.memory_space<vmem>>[vector<16xi32>, vector<16xi32>], vector<16xf32>,
    %add3A_3287 = arith.addf %add3A_2845, %gather3A_3286 : vector<16xf32>
    %dma_wait3A_3288 = arith.constant 0 : i32
    %dma_wait3A_3289 = arith.constant 0 : i32
    %dma_wait3A_3290 = tpu.memref_slice %arg6[%dma_wait3A_3288, %dma_wait3A_3289] : memref<128x128xf32, #tpu.memory_space<vmem>> -> memref<8x128xf32, #tpu.memory_space<vmem>>
    %dma_wait3A_3291 = tpu.memref_slice %arg2[%multiple_of3A_2434, %multiple_of3A_2429] : memref<4096x32000xf32, #tpu.memory_space<hbm>> -> memref<8x128xf32, #tpu.memory_space<hbm>>
    %dma_wait3A_3292 = arith.constant 0 : i32
    %dma_wait3A_3293 = arith.constant 0 : i32
    %dma_wait3A_3294 = tpu.memref_slice %arg6[%dma_wait3A_3292, %dma_wait3A_3293] : memref<128x128xf32, #tpu.memory_space<vmem>> -> memref<8x128xf32, #tpu.memory_space<vmem>>
    %dma_wait3A_3295 = tpu.memref_slice %arg2[%multiple_of3A_2434, %multiple_of3A_2429] : memref<4096x32000xf32, #tpu.memory_space<hbm>> -> memref<8x128xf32, #tpu.memory_space<hbm>>
    tpu.wait_dma2 semaphore(%arg10 : memref<!tpu.dma_semaphore, #tpu.memory_space<semaphore_mem>>) src(%dma_wait3A_3295 : memref<8x128xf32, #tpu.memory_space<hbm>>) dst(%dma_wait3A_3294 : memref<8x128xf32, #tpu.memory_space<vmem>>)
    %dma_wait3A_3296 = arith.constant 8 : i32
    %dma_wait3A_3297 = arith.constant 0 : i32
    %dma_wait3A_3298 = tpu.memref_slice %arg6[%dma_wait3A_3296, %dma_wait3A_3297] : memref<128x128xf32, #tpu.memory_space<vmem>> -> memref<8x128xf32, #tpu.memory_space<vmem>>
    %dma_wait3A_3299 = tpu.memref_slice %arg2[%multiple_of3A_2452, %multiple_of3A_2447] : memref<4096x32000xf32, #tpu.memory_space<hbm>> -> memref<8x128xf32, #tpu.memory_space<hbm>>
    %dma_wait3A_3300 = arith.constant 8 : i32
    %dma_wait3A_3301 = arith.constant 0 : i32
    %dma_wait3A_3302 = tpu.memref_slice %arg6[%dma_wait3A_3300, %dma_wait3A_3301] : memref<128x128xf32, #tpu.memory_space<vmem>> -> memref<8x128xf32, #tpu.memory_space<vmem>>
    %dma_wait3A_3303 = tpu.memref_slice %arg2[%multiple_of3A_2452, %multiple_of3A_2447] : memref<4096x32000xf32, #tpu.memory_space<hbm>> -> memref<8x128xf32, #tpu.memory_space<hbm>>
    tpu.wait_dma2 semaphore(%arg10 : memref<!tpu.dma_semaphore, #tpu.memory_space<semaphore_mem>>) src(%dma_wait3A_3303 : memref<8x128xf32, #tpu.memory_space<hbm>>) dst(%dma_wait3A_3302 : memref<8x128xf32, #tpu.memory_space<vmem>>)
    %dma_wait3A_3304 = arith.constant 16 : i32
    %dma_wait3A_3305 = arith.constant 0 : i32
    %dma_wait3A_3306 = tpu.memref_slice %arg6[%dma_wait3A_3304, %dma_wait3A_3305] : memref<128x128xf32, #tpu.memory_space<vmem>> -> memref<8x128xf32, #tpu.memory_space<vmem>>
    %dma_wait3A_3307 = tpu.memref_slice %arg2[%multiple_of3A_2470, %multiple_of3A_2465] : memref<4096x32000xf32, #tpu.memory_space<hbm>> -> memref<8x128xf32, #tpu.memory_space<hbm>>
    %dma_wait3A_3308 = arith.constant 16 : i32
    %dma_wait3A_3309 = arith.constant 0 : i32
    %dma_wait3A_3310 = tpu.memref_slice %arg6[%dma_wait3A_3308, %dma_wait3A_3309] : memref<128x128xf32, #tpu.memory_space<vmem>> -> memref<8x128xf32, #tpu.memory_space<vmem>>
    %dma_wait3A_3311 = tpu.memref_slice %arg2[%multiple_of3A_2470, %multiple_of3A_2465] : memref<4096x32000xf32, #tpu.memory_space<hbm>> -> memref<8x128xf32, #tpu.memory_space<hbm>>
    tpu.wait_dma2 semaphore(%arg10 : memref<!tpu.dma_semaphore, #tpu.memory_space<semaphore_mem>>) src(%dma_wait3A_3311 : memref<8x128xf32, #tpu.memory_space<hbm>>) dst(%dma_wait3A_3310 : memref<8x128xf32, #tpu.memory_space<vmem>>)
    %dma_wait3A_3312 = arith.constant 24 : i32
    %dma_wait3A_3313 = arith.constant 0 : i32
    %dma_wait3A_3314 = tpu.memref_slice %arg6[%dma_wait3A_3312, %dma_wait3A_3313] : memref<128x128xf32, #tpu.memory_space<vmem>> -> memref<8x128xf32, #tpu.memory_space<vmem>>
    %dma_wait3A_3315 = tpu.memref_slice %arg2[%multiple_of3A_2488, %multiple_of3A_2483] : memref<4096x32000xf32, #tpu.memory_space<hbm>> -> memref<8x128xf32, #tpu.memory_space<hbm>>
    %dma_wait3A_3316 = arith.constant 24 : i32
    %dma_wait3A_3317 = arith.constant 0 : i32
    %dma_wait3A_3318 = tpu.memref_slice %arg6[%dma_wait3A_3316, %dma_wait3A_3317] : memref<128x128xf32, #tpu.memory_space<vmem>> -> memref<8x128xf32, #tpu.memory_space<vmem>>
    %dma_wait3A_3319 = tpu.memref_slice %arg2[%multiple_of3A_2488, %multiple_of3A_2483] : memref<4096x32000xf32, #tpu.memory_space<hbm>> -> memref<8x128xf32, #tpu.memory_space<hbm>>
    tpu.wait_dma2 semaphore(%arg10 : memref<!tpu.dma_semaphore, #tpu.memory_space<semaphore_mem>>) src(%dma_wait3A_3319 : memref<8x128xf32, #tpu.memory_space<hbm>>) dst(%dma_wait3A_3318 : memref<8x128xf32, #tpu.memory_space<vmem>>)
    %dma_wait3A_3320 = arith.constant 32 : i32
    %dma_wait3A_3321 = arith.constant 0 : i32
    %dma_wait3A_3322 = tpu.memref_slice %arg6[%dma_wait3A_3320, %dma_wait3A_3321] : memref<128x128xf32, #tpu.memory_space<vmem>> -> memref<8x128xf32, #tpu.memory_space<vmem>>
    %dma_wait3A_3323 = tpu.memref_slice %arg2[%multiple_of3A_2506, %multiple_of3A_2501] : memref<4096x32000xf32, #tpu.memory_space<hbm>> -> memref<8x128xf32, #tpu.memory_space<hbm>>
    %dma_wait3A_3324 = arith.constant 32 : i32
    %dma_wait3A_3325 = arith.constant 0 : i32
    %dma_wait3A_3326 = tpu.memref_slice %arg6[%dma_wait3A_3324, %dma_wait3A_3325] : memref<128x128xf32, #tpu.memory_space<vmem>> -> memref<8x128xf32, #tpu.memory_space<vmem>>
    %dma_wait3A_3327 = tpu.memref_slice %arg2[%multiple_of3A_2506, %multiple_of3A_2501] : memref<4096x32000xf32, #tpu.memory_space<hbm>> -> memref<8x128xf32, #tpu.memory_space<hbm>>
    tpu.wait_dma2 semaphore(%arg10 : memref<!tpu.dma_semaphore, #tpu.memory_space<semaphore_mem>>) src(%dma_wait3A_3327 : memref<8x128xf32, #tpu.memory_space<hbm>>) dst(%dma_wait3A_3326 : memref<8x128xf32, #tpu.memory_space<vmem>>)
    %dma_wait3A_3328 = arith.constant 40 : i32
    %dma_wait3A_3329 = arith.constant 0 : i32
    %dma_wait3A_3330 = tpu.memref_slice %arg6[%dma_wait3A_3328, %dma_wait3A_3329] : memref<128x128xf32, #tpu.memory_space<vmem>> -> memref<8x128xf32, #tpu.memory_space<vmem>>
    %dma_wait3A_3331 = tpu.memref_slice %arg2[%multiple_of3A_2524, %multiple_of3A_2519] : memref<4096x32000xf32, #tpu.memory_space<hbm>> -> memref<8x128xf32, #tpu.memory_space<hbm>>
    %dma_wait3A_3332 = arith.constant 40 : i32
    %dma_wait3A_3333 = arith.constant 0 : i32
    %dma_wait3A_3334 = tpu.memref_slice %arg6[%dma_wait3A_3332, %dma_wait3A_3333] : memref<128x128xf32, #tpu.memory_space<vmem>> -> memref<8x128xf32, #tpu.memory_space<vmem>>
    %dma_wait3A_3335 = tpu.memref_slice %arg2[%multiple_of3A_2524, %multiple_of3A_2519] : memref<4096x32000xf32, #tpu.memory_space<hbm>> -> memref<8x128xf32, #tpu.memory_space<hbm>>
    tpu.wait_dma2 semaphore(%arg10 : memref<!tpu.dma_semaphore, #tpu.memory_space<semaphore_mem>>) src(%dma_wait3A_3335 : memref<8x128xf32, #tpu.memory_space<hbm>>) dst(%dma_wait3A_3334 : memref<8x128xf32, #tpu.memory_space<vmem>>)
    %dma_wait3A_3336 = arith.constant 48 : i32
    %dma_wait3A_3337 = arith.constant 0 : i32
    %dma_wait3A_3338 = tpu.memref_slice %arg6[%dma_wait3A_3336, %dma_wait3A_3337] : memref<128x128xf32, #tpu.memory_space<vmem>> -> memref<8x128xf32, #tpu.memory_space<vmem>>
    %dma_wait3A_3339 = tpu.memref_slice %arg2[%multiple_of3A_2542, %multiple_of3A_2537] : memref<4096x32000xf32, #tpu.memory_space<hbm>> -> memref<8x128xf32, #tpu.memory_space<hbm>>
    %dma_wait3A_3340 = arith.constant 48 : i32
    %dma_wait3A_3341 = arith.constant 0 : i32
    %dma_wait3A_3342 = tpu.memref_slice %arg6[%dma_wait3A_3340, %dma_wait3A_3341] : memref<128x128xf32, #tpu.memory_space<vmem>> -> memref<8x128xf32, #tpu.memory_space<vmem>>
    %dma_wait3A_3343 = tpu.memref_slice %arg2[%multiple_of3A_2542, %multiple_of3A_2537] : memref<4096x32000xf32, #tpu.memory_space<hbm>> -> memref<8x128xf32, #tpu.memory_space<hbm>>
    tpu.wait_dma2 semaphore(%arg10 : memref<!tpu.dma_semaphore, #tpu.memory_space<semaphore_mem>>) src(%dma_wait3A_3343 : memref<8x128xf32, #tpu.memory_space<hbm>>) dst(%dma_wait3A_3342 : memref<8x128xf32, #tpu.memory_space<vmem>>)
    %dma_wait3A_3344 = arith.constant 56 : i32
    %dma_wait3A_3345 = arith.constant 0 : i32
    %dma_wait3A_3346 = tpu.memref_slice %arg6[%dma_wait3A_3344, %dma_wait3A_3345] : memref<128x128xf32, #tpu.memory_space<vmem>> -> memref<8x128xf32, #tpu.memory_space<vmem>>
    %dma_wait3A_3347 = tpu.memref_slice %arg2[%multiple_of3A_2560, %multiple_of3A_2555] : memref<4096x32000xf32, #tpu.memory_space<hbm>> -> memref<8x128xf32, #tpu.memory_space<hbm>>
    %dma_wait3A_3348 = arith.constant 56 : i32
    %dma_wait3A_3349 = arith.constant 0 : i32
    %dma_wait3A_3350 = tpu.memref_slice %arg6[%dma_wait3A_3348, %dma_wait3A_3349] : memref<128x128xf32, #tpu.memory_space<vmem>> -> memref<8x128xf32, #tpu.memory_space<vmem>>
    %dma_wait3A_3351 = tpu.memref_slice %arg2[%multiple_of3A_2560, %multiple_of3A_2555] : memref<4096x32000xf32, #tpu.memory_space<hbm>> -> memref<8x128xf32, #tpu.memory_space<hbm>>
    tpu.wait_dma2 semaphore(%arg10 : memref<!tpu.dma_semaphore, #tpu.memory_space<semaphore_mem>>) src(%dma_wait3A_3351 : memref<8x128xf32, #tpu.memory_space<hbm>>) dst(%dma_wait3A_3350 : memref<8x128xf32, #tpu.memory_space<vmem>>)
    %dma_wait3A_3352 = arith.constant 64 : i32
    %dma_wait3A_3353 = arith.constant 0 : i32
    %dma_wait3A_3354 = tpu.memref_slice %arg6[%dma_wait3A_3352, %dma_wait3A_3353] : memref<128x128xf32, #tpu.memory_space<vmem>> -> memref<8x128xf32, #tpu.memory_space<vmem>>
    %dma_wait3A_3355 = tpu.memref_slice %arg2[%multiple_of3A_2578, %multiple_of3A_2573] : memref<4096x32000xf32, #tpu.memory_space<hbm>> -> memref<8x128xf32, #tpu.memory_space<hbm>>
    %dma_wait3A_3356 = arith.constant 64 : i32
    %dma_wait3A_3357 = arith.constant 0 : i32
    %dma_wait3A_3358 = tpu.memref_slice %arg6[%dma_wait3A_3356, %dma_wait3A_3357] : memref<128x128xf32, #tpu.memory_space<vmem>> -> memref<8x128xf32, #tpu.memory_space<vmem>>
    %dma_wait3A_3359 = tpu.memref_slice %arg2[%multiple_of3A_2578, %multiple_of3A_2573] : memref<4096x32000xf32, #tpu.memory_space<hbm>> -> memref<8x128xf32, #tpu.memory_space<hbm>>
    tpu.wait_dma2 semaphore(%arg10 : memref<!tpu.dma_semaphore, #tpu.memory_space<semaphore_mem>>) src(%dma_wait3A_3359 : memref<8x128xf32, #tpu.memory_space<hbm>>) dst(%dma_wait3A_3358 : memref<8x128xf32, #tpu.memory_space<vmem>>)
    %dma_wait3A_3360 = arith.constant 72 : i32
    %dma_wait3A_3361 = arith.constant 0 : i32
    %dma_wait3A_3362 = tpu.memref_slice %arg6[%dma_wait3A_3360, %dma_wait3A_3361] : memref<128x128xf32, #tpu.memory_space<vmem>> -> memref<8x128xf32, #tpu.memory_space<vmem>>
    %dma_wait3A_3363 = tpu.memref_slice %arg2[%multiple_of3A_2596, %multiple_of3A_2591] : memref<4096x32000xf32, #tpu.memory_space<hbm>> -> memref<8x128xf32, #tpu.memory_space<hbm>>
    %dma_wait3A_3364 = arith.constant 72 : i32
    %dma_wait3A_3365 = arith.constant 0 : i32
    %dma_wait3A_3366 = tpu.memref_slice %arg6[%dma_wait3A_3364, %dma_wait3A_3365] : memref<128x128xf32, #tpu.memory_space<vmem>> -> memref<8x128xf32, #tpu.memory_space<vmem>>
    %dma_wait3A_3367 = tpu.memref_slice %arg2[%multiple_of3A_2596, %multiple_of3A_2591] : memref<4096x32000xf32, #tpu.memory_space<hbm>> -> memref<8x128xf32, #tpu.memory_space<hbm>>
    tpu.wait_dma2 semaphore(%arg10 : memref<!tpu.dma_semaphore, #tpu.memory_space<semaphore_mem>>) src(%dma_wait3A_3367 : memref<8x128xf32, #tpu.memory_space<hbm>>) dst(%dma_wait3A_3366 : memref<8x128xf32, #tpu.memory_space<vmem>>)
    %dma_wait3A_3368 = arith.constant 80 : i32
    %dma_wait3A_3369 = arith.constant 0 : i32
    %dma_wait3A_3370 = tpu.memref_slice %arg6[%dma_wait3A_3368, %dma_wait3A_3369] : memref<128x128xf32, #tpu.memory_space<vmem>> -> memref<8x128xf32, #tpu.memory_space<vmem>>
    %dma_wait3A_3371 = tpu.memref_slice %arg2[%multiple_of3A_2614, %multiple_of3A_2609] : memref<4096x32000xf32, #tpu.memory_space<hbm>> -> memref<8x128xf32, #tpu.memory_space<hbm>>
    %dma_wait3A_3372 = arith.constant 80 : i32
    %dma_wait3A_3373 = arith.constant 0 : i32
    %dma_wait3A_3374 = tpu.memref_slice %arg6[%dma_wait3A_3372, %dma_wait3A_3373] : memref<128x128xf32, #tpu.memory_space<vmem>> -> memref<8x128xf32, #tpu.memory_space<vmem>>
    %dma_wait3A_3375 = tpu.memref_slice %arg2[%multiple_of3A_2614, %multiple_of3A_2609] : memref<4096x32000xf32, #tpu.memory_space<hbm>> -> memref<8x128xf32, #tpu.memory_space<hbm>>
    tpu.wait_dma2 semaphore(%arg10 : memref<!tpu.dma_semaphore, #tpu.memory_space<semaphore_mem>>) src(%dma_wait3A_3375 : memref<8x128xf32, #tpu.memory_space<hbm>>) dst(%dma_wait3A_3374 : memref<8x128xf32, #tpu.memory_space<vmem>>)
    %dma_wait3A_3376 = arith.constant 88 : i32
    %dma_wait3A_3377 = arith.constant 0 : i32
    %dma_wait3A_3378 = tpu.memref_slice %arg6[%dma_wait3A_3376, %dma_wait3A_3377] : memref<128x128xf32, #tpu.memory_space<vmem>> -> memref<8x128xf32, #tpu.memory_space<vmem>>
    %dma_wait3A_3379 = tpu.memref_slice %arg2[%multiple_of3A_2632, %multiple_of3A_2627] : memref<4096x32000xf32, #tpu.memory_space<hbm>> -> memref<8x128xf32, #tpu.memory_space<hbm>>
    %dma_wait3A_3380 = arith.constant 88 : i32
    %dma_wait3A_3381 = arith.constant 0 : i32
    %dma_wait3A_3382 = tpu.memref_slice %arg6[%dma_wait3A_3380, %dma_wait3A_3381] : memref<128x128xf32, #tpu.memory_space<vmem>> -> memref<8x128xf32, #tpu.memory_space<vmem>>
    %dma_wait3A_3383 = tpu.memref_slice %arg2[%multiple_of3A_2632, %multiple_of3A_2627] : memref<4096x32000xf32, #tpu.memory_space<hbm>> -> memref<8x128xf32, #tpu.memory_space<hbm>>
    tpu.wait_dma2 semaphore(%arg10 : memref<!tpu.dma_semaphore, #tpu.memory_space<semaphore_mem>>) src(%dma_wait3A_3383 : memref<8x128xf32, #tpu.memory_space<hbm>>) dst(%dma_wait3A_3382 : memref<8x128xf32, #tpu.memory_space<vmem>>)
    %dma_wait3A_3384 = arith.constant 96 : i32
    %dma_wait3A_3385 = arith.constant 0 : i32
    %dma_wait3A_3386 = tpu.memref_slice %arg6[%dma_wait3A_3384, %dma_wait3A_3385] : memref<128x128xf32, #tpu.memory_space<vmem>> -> memref<8x128xf32, #tpu.memory_space<vmem>>
    %dma_wait3A_3387 = tpu.memref_slice %arg2[%multiple_of3A_2650, %multiple_of3A_2645] : memref<4096x32000xf32, #tpu.memory_space<hbm>> -> memref<8x128xf32, #tpu.memory_space<hbm>>
    %dma_wait3A_3388 = arith.constant 96 : i32
    %dma_wait3A_3389 = arith.constant 0 : i32
    %dma_wait3A_3390 = tpu.memref_slice %arg6[%dma_wait3A_3388, %dma_wait3A_3389] : memref<128x128xf32, #tpu.memory_space<vmem>> -> memref<8x128xf32, #tpu.memory_space<vmem>>
    %dma_wait3A_3391 = tpu.memref_slice %arg2[%multiple_of3A_2650, %multiple_of3A_2645] : memref<4096x32000xf32, #tpu.memory_space<hbm>> -> memref<8x128xf32, #tpu.memory_space<hbm>>
    tpu.wait_dma2 semaphore(%arg10 : memref<!tpu.dma_semaphore, #tpu.memory_space<semaphore_mem>>) src(%dma_wait3A_3391 : memref<8x128xf32, #tpu.memory_space<hbm>>) dst(%dma_wait3A_3390 : memref<8x128xf32, #tpu.memory_space<vmem>>)
    %dma_wait3A_3392 = arith.constant 104 : i32
    %dma_wait3A_3393 = arith.constant 0 : i32
    %dma_wait3A_3394 = tpu.memref_slice %arg6[%dma_wait3A_3392, %dma_wait3A_3393] : memref<128x128xf32, #tpu.memory_space<vmem>> -> memref<8x128xf32, #tpu.memory_space<vmem>>
    %dma_wait3A_3395 = tpu.memref_slice %arg2[%multiple_of3A_2668, %multiple_of3A_2663] : memref<4096x32000xf32, #tpu.memory_space<hbm>> -> memref<8x128xf32, #tpu.memory_space<hbm>>
    %dma_wait3A_3396 = arith.constant 104 : i32
    %dma_wait3A_3397 = arith.constant 0 : i32
    %dma_wait3A_3398 = tpu.memref_slice %arg6[%dma_wait3A_3396, %dma_wait3A_3397] : memref<128x128xf32, #tpu.memory_space<vmem>> -> memref<8x128xf32, #tpu.memory_space<vmem>>
    %dma_wait3A_3399 = tpu.memref_slice %arg2[%multiple_of3A_2668, %multiple_of3A_2663] : memref<4096x32000xf32, #tpu.memory_space<hbm>> -> memref<8x128xf32, #tpu.memory_space<hbm>>
    tpu.wait_dma2 semaphore(%arg10 : memref<!tpu.dma_semaphore, #tpu.memory_space<semaphore_mem>>) src(%dma_wait3A_3399 : memref<8x128xf32, #tpu.memory_space<hbm>>) dst(%dma_wait3A_3398 : memref<8x128xf32, #tpu.memory_space<vmem>>)
    %dma_wait3A_3400 = arith.constant 112 : i32
    %dma_wait3A_3401 = arith.constant 0 : i32
    %dma_wait3A_3402 = tpu.memref_slice %arg6[%dma_wait3A_3400, %dma_wait3A_3401] : memref<128x128xf32, #tpu.memory_space<vmem>> -> memref<8x128xf32, #tpu.memory_space<vmem>>
    %dma_wait3A_3403 = tpu.memref_slice %arg2[%multiple_of3A_2686, %multiple_of3A_2681] : memref<4096x32000xf32, #tpu.memory_space<hbm>> -> memref<8x128xf32, #tpu.memory_space<hbm>>
    %dma_wait3A_3404 = arith.constant 112 : i32
    %dma_wait3A_3405 = arith.constant 0 : i32
    %dma_wait3A_3406 = tpu.memref_slice %arg6[%dma_wait3A_3404, %dma_wait3A_3405] : memref<128x128xf32, #tpu.memory_space<vmem>> -> memref<8x128xf32, #tpu.memory_space<vmem>>
    %dma_wait3A_3407 = tpu.memref_slice %arg2[%multiple_of3A_2686, %multiple_of3A_2681] : memref<4096x32000xf32, #tpu.memory_space<hbm>> -> memref<8x128xf32, #tpu.memory_space<hbm>>
    tpu.wait_dma2 semaphore(%arg10 : memref<!tpu.dma_semaphore, #tpu.memory_space<semaphore_mem>>) src(%dma_wait3A_3407 : memref<8x128xf32, #tpu.memory_space<hbm>>) dst(%dma_wait3A_3406 : memref<8x128xf32, #tpu.memory_space<vmem>>)
    %dma_wait3A_3408 = arith.constant 120 : i32
    %dma_wait3A_3409 = arith.constant 0 : i32
    %dma_wait3A_3410 = tpu.memref_slice %arg6[%dma_wait3A_3408, %dma_wait3A_3409] : memref<128x128xf32, #tpu.memory_space<vmem>> -> memref<8x128xf32, #tpu.memory_space<vmem>>
    %dma_wait3A_3411 = tpu.memref_slice %arg2[%multiple_of3A_2704, %multiple_of3A_2699] : memref<4096x32000xf32, #tpu.memory_space<hbm>> -> memref<8x128xf32, #tpu.memory_space<hbm>>
    %dma_wait3A_3412 = arith.constant 120 : i32
    %dma_wait3A_3413 = arith.constant 0 : i32
    %dma_wait3A_3414 = tpu.memref_slice %arg6[%dma_wait3A_3412, %dma_wait3A_3413] : memref<128x128xf32, #tpu.memory_space<vmem>> -> memref<8x128xf32, #tpu.memory_space<vmem>>
    %dma_wait3A_3415 = tpu.memref_slice %arg2[%multiple_of3A_2704, %multiple_of3A_2699] : memref<4096x32000xf32, #tpu.memory_space<hbm>> -> memref<8x128xf32, #tpu.memory_space<hbm>>
    tpu.wait_dma2 semaphore(%arg10 : memref<!tpu.dma_semaphore, #tpu.memory_space<semaphore_mem>>) src(%dma_wait3A_3415 : memref<8x128xf32, #tpu.memory_space<hbm>>) dst(%dma_wait3A_3414 : memref<8x128xf32, #tpu.memory_space<vmem>>)
    %and3A_3416 = arith.constant 127 : i32
    %and3A_3417 = vector.broadcast %and3A_3416 : i32 to vector<16xi32>
    %and3A_3418 = arith.andi %get3A_2424, %and3A_3417 : vector<16xi32>
    %gather3A_3419 = tpu.vector_load_idx %arg6[%add3A_25, %and3A_3418] : memref<128x128xf32, #tpu.memory_space<vmem>>[vector<16xi32>, vector<16xi32>], vector<16xf32>,
    %add3A_3420 = arith.addf %add3A_3287, %gather3A_3419 : vector<16xf32>
    %dma_wait3A_3421 = arith.constant 0 : i32
    %dma_wait3A_3422 = arith.constant 0 : i32
    %dma_wait3A_3423 = tpu.memref_slice %arg7[%dma_wait3A_3421, %dma_wait3A_3422] : memref<128x128xf32, #tpu.memory_space<vmem>> -> memref<8x128xf32, #tpu.memory_space<vmem>>
    %dma_wait3A_3424 = tpu.memref_slice %arg2[%multiple_of3A_2876, %multiple_of3A_2871] : memref<4096x32000xf32, #tpu.memory_space<hbm>> -> memref<8x128xf32, #tpu.memory_space<hbm>>
    %dma_wait3A_3425 = arith.constant 0 : i32
    %dma_wait3A_3426 = arith.constant 0 : i32
    %dma_wait3A_3427 = tpu.memref_slice %arg7[%dma_wait3A_3425, %dma_wait3A_3426] : memref<128x128xf32, #tpu.memory_space<vmem>> -> memref<8x128xf32, #tpu.memory_space<vmem>>
    %dma_wait3A_3428 = tpu.memref_slice %arg2[%multiple_of3A_2876, %multiple_of3A_2871] : memref<4096x32000xf32, #tpu.memory_space<hbm>> -> memref<8x128xf32, #tpu.memory_space<hbm>>
    tpu.wait_dma2 semaphore(%arg11 : memref<!tpu.dma_semaphore, #tpu.memory_space<semaphore_mem>>) src(%dma_wait3A_3428 : memref<8x128xf32, #tpu.memory_space<hbm>>) dst(%dma_wait3A_3427 : memref<8x128xf32, #tpu.memory_space<vmem>>)
    %dma_wait3A_3429 = arith.constant 8 : i32
    %dma_wait3A_3430 = arith.constant 0 : i32
    %dma_wait3A_3431 = tpu.memref_slice %arg7[%dma_wait3A_3429, %dma_wait3A_3430] : memref<128x128xf32, #tpu.memory_space<vmem>> -> memref<8x128xf32, #tpu.memory_space<vmem>>
    %dma_wait3A_3432 = tpu.memref_slice %arg2[%multiple_of3A_2894, %multiple_of3A_2889] : memref<4096x32000xf32, #tpu.memory_space<hbm>> -> memref<8x128xf32, #tpu.memory_space<hbm>>
    %dma_wait3A_3433 = arith.constant 8 : i32
    %dma_wait3A_3434 = arith.constant 0 : i32
    %dma_wait3A_3435 = tpu.memref_slice %arg7[%dma_wait3A_3433, %dma_wait3A_3434] : memref<128x128xf32, #tpu.memory_space<vmem>> -> memref<8x128xf32, #tpu.memory_space<vmem>>
    %dma_wait3A_3436 = tpu.memref_slice %arg2[%multiple_of3A_2894, %multiple_of3A_2889] : memref<4096x32000xf32, #tpu.memory_space<hbm>> -> memref<8x128xf32, #tpu.memory_space<hbm>>
    tpu.wait_dma2 semaphore(%arg11 : memref<!tpu.dma_semaphore, #tpu.memory_space<semaphore_mem>>) src(%dma_wait3A_3436 : memref<8x128xf32, #tpu.memory_space<hbm>>) dst(%dma_wait3A_3435 : memref<8x128xf32, #tpu.memory_space<vmem>>)
    %dma_wait3A_3437 = arith.constant 16 : i32
    %dma_wait3A_3438 = arith.constant 0 : i32
    %dma_wait3A_3439 = tpu.memref_slice %arg7[%dma_wait3A_3437, %dma_wait3A_3438] : memref<128x128xf32, #tpu.memory_space<vmem>> -> memref<8x128xf32, #tpu.memory_space<vmem>>
    %dma_wait3A_3440 = tpu.memref_slice %arg2[%multiple_of3A_2912, %multiple_of3A_2907] : memref<4096x32000xf32, #tpu.memory_space<hbm>> -> memref<8x128xf32, #tpu.memory_space<hbm>>
    %dma_wait3A_3441 = arith.constant 16 : i32
    %dma_wait3A_3442 = arith.constant 0 : i32
    %dma_wait3A_3443 = tpu.memref_slice %arg7[%dma_wait3A_3441, %dma_wait3A_3442] : memref<128x128xf32, #tpu.memory_space<vmem>> -> memref<8x128xf32, #tpu.memory_space<vmem>>
    %dma_wait3A_3444 = tpu.memref_slice %arg2[%multiple_of3A_2912, %multiple_of3A_2907] : memref<4096x32000xf32, #tpu.memory_space<hbm>> -> memref<8x128xf32, #tpu.memory_space<hbm>>
    tpu.wait_dma2 semaphore(%arg11 : memref<!tpu.dma_semaphore, #tpu.memory_space<semaphore_mem>>) src(%dma_wait3A_3444 : memref<8x128xf32, #tpu.memory_space<hbm>>) dst(%dma_wait3A_3443 : memref<8x128xf32, #tpu.memory_space<vmem>>)
    %dma_wait3A_3445 = arith.constant 24 : i32
    %dma_wait3A_3446 = arith.constant 0 : i32
    %dma_wait3A_3447 = tpu.memref_slice %arg7[%dma_wait3A_3445, %dma_wait3A_3446] : memref<128x128xf32, #tpu.memory_space<vmem>> -> memref<8x128xf32, #tpu.memory_space<vmem>>
    %dma_wait3A_3448 = tpu.memref_slice %arg2[%multiple_of3A_2930, %multiple_of3A_2925] : memref<4096x32000xf32, #tpu.memory_space<hbm>> -> memref<8x128xf32, #tpu.memory_space<hbm>>
    %dma_wait3A_3449 = arith.constant 24 : i32
    %dma_wait3A_3450 = arith.constant 0 : i32
    %dma_wait3A_3451 = tpu.memref_slice %arg7[%dma_wait3A_3449, %dma_wait3A_3450] : memref<128x128xf32, #tpu.memory_space<vmem>> -> memref<8x128xf32, #tpu.memory_space<vmem>>
    %dma_wait3A_3452 = tpu.memref_slice %arg2[%multiple_of3A_2930, %multiple_of3A_2925] : memref<4096x32000xf32, #tpu.memory_space<hbm>> -> memref<8x128xf32, #tpu.memory_space<hbm>>
    tpu.wait_dma2 semaphore(%arg11 : memref<!tpu.dma_semaphore, #tpu.memory_space<semaphore_mem>>) src(%dma_wait3A_3452 : memref<8x128xf32, #tpu.memory_space<hbm>>) dst(%dma_wait3A_3451 : memref<8x128xf32, #tpu.memory_space<vmem>>)
    %dma_wait3A_3453 = arith.constant 32 : i32
    %dma_wait3A_3454 = arith.constant 0 : i32
    %dma_wait3A_3455 = tpu.memref_slice %arg7[%dma_wait3A_3453, %dma_wait3A_3454] : memref<128x128xf32, #tpu.memory_space<vmem>> -> memref<8x128xf32, #tpu.memory_space<vmem>>
    %dma_wait3A_3456 = tpu.memref_slice %arg2[%multiple_of3A_2948, %multiple_of3A_2943] : memref<4096x32000xf32, #tpu.memory_space<hbm>> -> memref<8x128xf32, #tpu.memory_space<hbm>>
    %dma_wait3A_3457 = arith.constant 32 : i32
    %dma_wait3A_3458 = arith.constant 0 : i32
    %dma_wait3A_3459 = tpu.memref_slice %arg7[%dma_wait3A_3457, %dma_wait3A_3458] : memref<128x128xf32, #tpu.memory_space<vmem>> -> memref<8x128xf32, #tpu.memory_space<vmem>>
    %dma_wait3A_3460 = tpu.memref_slice %arg2[%multiple_of3A_2948, %multiple_of3A_2943] : memref<4096x32000xf32, #tpu.memory_space<hbm>> -> memref<8x128xf32, #tpu.memory_space<hbm>>
    tpu.wait_dma2 semaphore(%arg11 : memref<!tpu.dma_semaphore, #tpu.memory_space<semaphore_mem>>) src(%dma_wait3A_3460 : memref<8x128xf32, #tpu.memory_space<hbm>>) dst(%dma_wait3A_3459 : memref<8x128xf32, #tpu.memory_space<vmem>>)
    %dma_wait3A_3461 = arith.constant 40 : i32
    %dma_wait3A_3462 = arith.constant 0 : i32
    %dma_wait3A_3463 = tpu.memref_slice %arg7[%dma_wait3A_3461, %dma_wait3A_3462] : memref<128x128xf32, #tpu.memory_space<vmem>> -> memref<8x128xf32, #tpu.memory_space<vmem>>
    %dma_wait3A_3464 = tpu.memref_slice %arg2[%multiple_of3A_2966, %multiple_of3A_2961] : memref<4096x32000xf32, #tpu.memory_space<hbm>> -> memref<8x128xf32, #tpu.memory_space<hbm>>
    %dma_wait3A_3465 = arith.constant 40 : i32
    %dma_wait3A_3466 = arith.constant 0 : i32
    %dma_wait3A_3467 = tpu.memref_slice %arg7[%dma_wait3A_3465, %dma_wait3A_3466] : memref<128x128xf32, #tpu.memory_space<vmem>> -> memref<8x128xf32, #tpu.memory_space<vmem>>
    %dma_wait3A_3468 = tpu.memref_slice %arg2[%multiple_of3A_2966, %multiple_of3A_2961] : memref<4096x32000xf32, #tpu.memory_space<hbm>> -> memref<8x128xf32, #tpu.memory_space<hbm>>
    tpu.wait_dma2 semaphore(%arg11 : memref<!tpu.dma_semaphore, #tpu.memory_space<semaphore_mem>>) src(%dma_wait3A_3468 : memref<8x128xf32, #tpu.memory_space<hbm>>) dst(%dma_wait3A_3467 : memref<8x128xf32, #tpu.memory_space<vmem>>)
    %dma_wait3A_3469 = arith.constant 48 : i32
    %dma_wait3A_3470 = arith.constant 0 : i32
    %dma_wait3A_3471 = tpu.memref_slice %arg7[%dma_wait3A_3469, %dma_wait3A_3470] : memref<128x128xf32, #tpu.memory_space<vmem>> -> memref<8x128xf32, #tpu.memory_space<vmem>>
    %dma_wait3A_3472 = tpu.memref_slice %arg2[%multiple_of3A_2984, %multiple_of3A_2979] : memref<4096x32000xf32, #tpu.memory_space<hbm>> -> memref<8x128xf32, #tpu.memory_space<hbm>>
    %dma_wait3A_3473 = arith.constant 48 : i32
    %dma_wait3A_3474 = arith.constant 0 : i32
    %dma_wait3A_3475 = tpu.memref_slice %arg7[%dma_wait3A_3473, %dma_wait3A_3474] : memref<128x128xf32, #tpu.memory_space<vmem>> -> memref<8x128xf32, #tpu.memory_space<vmem>>
    %dma_wait3A_3476 = tpu.memref_slice %arg2[%multiple_of3A_2984, %multiple_of3A_2979] : memref<4096x32000xf32, #tpu.memory_space<hbm>> -> memref<8x128xf32, #tpu.memory_space<hbm>>
    tpu.wait_dma2 semaphore(%arg11 : memref<!tpu.dma_semaphore, #tpu.memory_space<semaphore_mem>>) src(%dma_wait3A_3476 : memref<8x128xf32, #tpu.memory_space<hbm>>) dst(%dma_wait3A_3475 : memref<8x128xf32, #tpu.memory_space<vmem>>)
    %dma_wait3A_3477 = arith.constant 56 : i32
    %dma_wait3A_3478 = arith.constant 0 : i32
    %dma_wait3A_3479 = tpu.memref_slice %arg7[%dma_wait3A_3477, %dma_wait3A_3478] : memref<128x128xf32, #tpu.memory_space<vmem>> -> memref<8x128xf32, #tpu.memory_space<vmem>>
    %dma_wait3A_3480 = tpu.memref_slice %arg2[%multiple_of3A_3002, %multiple_of3A_2997] : memref<4096x32000xf32, #tpu.memory_space<hbm>> -> memref<8x128xf32, #tpu.memory_space<hbm>>
    %dma_wait3A_3481 = arith.constant 56 : i32
    %dma_wait3A_3482 = arith.constant 0 : i32
    %dma_wait3A_3483 = tpu.memref_slice %arg7[%dma_wait3A_3481, %dma_wait3A_3482] : memref<128x128xf32, #tpu.memory_space<vmem>> -> memref<8x128xf32, #tpu.memory_space<vmem>>
    %dma_wait3A_3484 = tpu.memref_slice %arg2[%multiple_of3A_3002, %multiple_of3A_2997] : memref<4096x32000xf32, #tpu.memory_space<hbm>> -> memref<8x128xf32, #tpu.memory_space<hbm>>
    tpu.wait_dma2 semaphore(%arg11 : memref<!tpu.dma_semaphore, #tpu.memory_space<semaphore_mem>>) src(%dma_wait3A_3484 : memref<8x128xf32, #tpu.memory_space<hbm>>) dst(%dma_wait3A_3483 : memref<8x128xf32, #tpu.memory_space<vmem>>)
    %dma_wait3A_3485 = arith.constant 64 : i32
    %dma_wait3A_3486 = arith.constant 0 : i32
    %dma_wait3A_3487 = tpu.memref_slice %arg7[%dma_wait3A_3485, %dma_wait3A_3486] : memref<128x128xf32, #tpu.memory_space<vmem>> -> memref<8x128xf32, #tpu.memory_space<vmem>>
    %dma_wait3A_3488 = tpu.memref_slice %arg2[%multiple_of3A_3020, %multiple_of3A_3015] : memref<4096x32000xf32, #tpu.memory_space<hbm>> -> memref<8x128xf32, #tpu.memory_space<hbm>>
    %dma_wait3A_3489 = arith.constant 64 : i32
    %dma_wait3A_3490 = arith.constant 0 : i32
    %dma_wait3A_3491 = tpu.memref_slice %arg7[%dma_wait3A_3489, %dma_wait3A_3490] : memref<128x128xf32, #tpu.memory_space<vmem>> -> memref<8x128xf32, #tpu.memory_space<vmem>>
    %dma_wait3A_3492 = tpu.memref_slice %arg2[%multiple_of3A_3020, %multiple_of3A_3015] : memref<4096x32000xf32, #tpu.memory_space<hbm>> -> memref<8x128xf32, #tpu.memory_space<hbm>>
    tpu.wait_dma2 semaphore(%arg11 : memref<!tpu.dma_semaphore, #tpu.memory_space<semaphore_mem>>) src(%dma_wait3A_3492 : memref<8x128xf32, #tpu.memory_space<hbm>>) dst(%dma_wait3A_3491 : memref<8x128xf32, #tpu.memory_space<vmem>>)
    %dma_wait3A_3493 = arith.constant 72 : i32
    %dma_wait3A_3494 = arith.constant 0 : i32
    %dma_wait3A_3495 = tpu.memref_slice %arg7[%dma_wait3A_3493, %dma_wait3A_3494] : memref<128x128xf32, #tpu.memory_space<vmem>> -> memref<8x128xf32, #tpu.memory_space<vmem>>
    %dma_wait3A_3496 = tpu.memref_slice %arg2[%multiple_of3A_3038, %multiple_of3A_3033] : memref<4096x32000xf32, #tpu.memory_space<hbm>> -> memref<8x128xf32, #tpu.memory_space<hbm>>
    %dma_wait3A_3497 = arith.constant 72 : i32
    %dma_wait3A_3498 = arith.constant 0 : i32
    %dma_wait3A_3499 = tpu.memref_slice %arg7[%dma_wait3A_3497, %dma_wait3A_3498] : memref<128x128xf32, #tpu.memory_space<vmem>> -> memref<8x128xf32, #tpu.memory_space<vmem>>
    %dma_wait3A_3500 = tpu.memref_slice %arg2[%multiple_of3A_3038, %multiple_of3A_3033] : memref<4096x32000xf32, #tpu.memory_space<hbm>> -> memref<8x128xf32, #tpu.memory_space<hbm>>
    tpu.wait_dma2 semaphore(%arg11 : memref<!tpu.dma_semaphore, #tpu.memory_space<semaphore_mem>>) src(%dma_wait3A_3500 : memref<8x128xf32, #tpu.memory_space<hbm>>) dst(%dma_wait3A_3499 : memref<8x128xf32, #tpu.memory_space<vmem>>)
    %dma_wait3A_3501 = arith.constant 80 : i32
    %dma_wait3A_3502 = arith.constant 0 : i32
    %dma_wait3A_3503 = tpu.memref_slice %arg7[%dma_wait3A_3501, %dma_wait3A_3502] : memref<128x128xf32, #tpu.memory_space<vmem>> -> memref<8x128xf32, #tpu.memory_space<vmem>>
    %dma_wait3A_3504 = tpu.memref_slice %arg2[%multiple_of3A_3056, %multiple_of3A_3051] : memref<4096x32000xf32, #tpu.memory_space<hbm>> -> memref<8x128xf32, #tpu.memory_space<hbm>>
    %dma_wait3A_3505 = arith.constant 80 : i32
    %dma_wait3A_3506 = arith.constant 0 : i32
    %dma_wait3A_3507 = tpu.memref_slice %arg7[%dma_wait3A_3505, %dma_wait3A_3506] : memref<128x128xf32, #tpu.memory_space<vmem>> -> memref<8x128xf32, #tpu.memory_space<vmem>>
    %dma_wait3A_3508 = tpu.memref_slice %arg2[%multiple_of3A_3056, %multiple_of3A_3051] : memref<4096x32000xf32, #tpu.memory_space<hbm>> -> memref<8x128xf32, #tpu.memory_space<hbm>>
    tpu.wait_dma2 semaphore(%arg11 : memref<!tpu.dma_semaphore, #tpu.memory_space<semaphore_mem>>) src(%dma_wait3A_3508 : memref<8x128xf32, #tpu.memory_space<hbm>>) dst(%dma_wait3A_3507 : memref<8x128xf32, #tpu.memory_space<vmem>>)
    %dma_wait3A_3509 = arith.constant 88 : i32
    %dma_wait3A_3510 = arith.constant 0 : i32
    %dma_wait3A_3511 = tpu.memref_slice %arg7[%dma_wait3A_3509, %dma_wait3A_3510] : memref<128x128xf32, #tpu.memory_space<vmem>> -> memref<8x128xf32, #tpu.memory_space<vmem>>
    %dma_wait3A_3512 = tpu.memref_slice %arg2[%multiple_of3A_3074, %multiple_of3A_3069] : memref<4096x32000xf32, #tpu.memory_space<hbm>> -> memref<8x128xf32, #tpu.memory_space<hbm>>
    %dma_wait3A_3513 = arith.constant 88 : i32
    %dma_wait3A_3514 = arith.constant 0 : i32
    %dma_wait3A_3515 = tpu.memref_slice %arg7[%dma_wait3A_3513, %dma_wait3A_3514] : memref<128x128xf32, #tpu.memory_space<vmem>> -> memref<8x128xf32, #tpu.memory_space<vmem>>
    %dma_wait3A_3516 = tpu.memref_slice %arg2[%multiple_of3A_3074, %multiple_of3A_3069] : memref<4096x32000xf32, #tpu.memory_space<hbm>> -> memref<8x128xf32, #tpu.memory_space<hbm>>
    tpu.wait_dma2 semaphore(%arg11 : memref<!tpu.dma_semaphore, #tpu.memory_space<semaphore_mem>>) src(%dma_wait3A_3516 : memref<8x128xf32, #tpu.memory_space<hbm>>) dst(%dma_wait3A_3515 : memref<8x128xf32, #tpu.memory_space<vmem>>)
    %dma_wait3A_3517 = arith.constant 96 : i32
    %dma_wait3A_3518 = arith.constant 0 : i32
    %dma_wait3A_3519 = tpu.memref_slice %arg7[%dma_wait3A_3517, %dma_wait3A_3518] : memref<128x128xf32, #tpu.memory_space<vmem>> -> memref<8x128xf32, #tpu.memory_space<vmem>>
    %dma_wait3A_3520 = tpu.memref_slice %arg2[%multiple_of3A_3092, %multiple_of3A_3087] : memref<4096x32000xf32, #tpu.memory_space<hbm>> -> memref<8x128xf32, #tpu.memory_space<hbm>>
    %dma_wait3A_3521 = arith.constant 96 : i32
    %dma_wait3A_3522 = arith.constant 0 : i32
    %dma_wait3A_3523 = tpu.memref_slice %arg7[%dma_wait3A_3521, %dma_wait3A_3522] : memref<128x128xf32, #tpu.memory_space<vmem>> -> memref<8x128xf32, #tpu.memory_space<vmem>>
    %dma_wait3A_3524 = tpu.memref_slice %arg2[%multiple_of3A_3092, %multiple_of3A_3087] : memref<4096x32000xf32, #tpu.memory_space<hbm>> -> memref<8x128xf32, #tpu.memory_space<hbm>>
    tpu.wait_dma2 semaphore(%arg11 : memref<!tpu.dma_semaphore, #tpu.memory_space<semaphore_mem>>) src(%dma_wait3A_3524 : memref<8x128xf32, #tpu.memory_space<hbm>>) dst(%dma_wait3A_3523 : memref<8x128xf32, #tpu.memory_space<vmem>>)
    %dma_wait3A_3525 = arith.constant 104 : i32
    %dma_wait3A_3526 = arith.constant 0 : i32
    %dma_wait3A_3527 = tpu.memref_slice %arg7[%dma_wait3A_3525, %dma_wait3A_3526] : memref<128x128xf32, #tpu.memory_space<vmem>> -> memref<8x128xf32, #tpu.memory_space<vmem>>
    %dma_wait3A_3528 = tpu.memref_slice %arg2[%multiple_of3A_3110, %multiple_of3A_3105] : memref<4096x32000xf32, #tpu.memory_space<hbm>> -> memref<8x128xf32, #tpu.memory_space<hbm>>
    %dma_wait3A_3529 = arith.constant 104 : i32
    %dma_wait3A_3530 = arith.constant 0 : i32
    %dma_wait3A_3531 = tpu.memref_slice %arg7[%dma_wait3A_3529, %dma_wait3A_3530] : memref<128x128xf32, #tpu.memory_space<vmem>> -> memref<8x128xf32, #tpu.memory_space<vmem>>
    %dma_wait3A_3532 = tpu.memref_slice %arg2[%multiple_of3A_3110, %multiple_of3A_3105] : memref<4096x32000xf32, #tpu.memory_space<hbm>> -> memref<8x128xf32, #tpu.memory_space<hbm>>
    tpu.wait_dma2 semaphore(%arg11 : memref<!tpu.dma_semaphore, #tpu.memory_space<semaphore_mem>>) src(%dma_wait3A_3532 : memref<8x128xf32, #tpu.memory_space<hbm>>) dst(%dma_wait3A_3531 : memref<8x128xf32, #tpu.memory_space<vmem>>)
    %dma_wait3A_3533 = arith.constant 112 : i32
    %dma_wait3A_3534 = arith.constant 0 : i32
    %dma_wait3A_3535 = tpu.memref_slice %arg7[%dma_wait3A_3533, %dma_wait3A_3534] : memref<128x128xf32, #tpu.memory_space<vmem>> -> memref<8x128xf32, #tpu.memory_space<vmem>>
    %dma_wait3A_3536 = tpu.memref_slice %arg2[%multiple_of3A_3128, %multiple_of3A_3123] : memref<4096x32000xf32, #tpu.memory_space<hbm>> -> memref<8x128xf32, #tpu.memory_space<hbm>>
    %dma_wait3A_3537 = arith.constant 112 : i32
    %dma_wait3A_3538 = arith.constant 0 : i32
    %dma_wait3A_3539 = tpu.memref_slice %arg7[%dma_wait3A_3537, %dma_wait3A_3538] : memref<128x128xf32, #tpu.memory_space<vmem>> -> memref<8x128xf32, #tpu.memory_space<vmem>>
    %dma_wait3A_3540 = tpu.memref_slice %arg2[%multiple_of3A_3128, %multiple_of3A_3123] : memref<4096x32000xf32, #tpu.memory_space<hbm>> -> memref<8x128xf32, #tpu.memory_space<hbm>>
    tpu.wait_dma2 semaphore(%arg11 : memref<!tpu.dma_semaphore, #tpu.memory_space<semaphore_mem>>) src(%dma_wait3A_3540 : memref<8x128xf32, #tpu.memory_space<hbm>>) dst(%dma_wait3A_3539 : memref<8x128xf32, #tpu.memory_space<vmem>>)
    %dma_wait3A_3541 = arith.constant 120 : i32
    %dma_wait3A_3542 = arith.constant 0 : i32
    %dma_wait3A_3543 = tpu.memref_slice %arg7[%dma_wait3A_3541, %dma_wait3A_3542] : memref<128x128xf32, #tpu.memory_space<vmem>> -> memref<8x128xf32, #tpu.memory_space<vmem>>
    %dma_wait3A_3544 = tpu.memref_slice %arg2[%multiple_of3A_3146, %multiple_of3A_3141] : memref<4096x32000xf32, #tpu.memory_space<hbm>> -> memref<8x128xf32, #tpu.memory_space<hbm>>
    %dma_wait3A_3545 = arith.constant 120 : i32
    %dma_wait3A_3546 = arith.constant 0 : i32
    %dma_wait3A_3547 = tpu.memref_slice %arg7[%dma_wait3A_3545, %dma_wait3A_3546] : memref<128x128xf32, #tpu.memory_space<vmem>> -> memref<8x128xf32, #tpu.memory_space<vmem>>
    %dma_wait3A_3548 = tpu.memref_slice %arg2[%multiple_of3A_3146, %multiple_of3A_3141] : memref<4096x32000xf32, #tpu.memory_space<hbm>> -> memref<8x128xf32, #tpu.memory_space<hbm>>
    tpu.wait_dma2 semaphore(%arg11 : memref<!tpu.dma_semaphore, #tpu.memory_space<semaphore_mem>>) src(%dma_wait3A_3548 : memref<8x128xf32, #tpu.memory_space<hbm>>) dst(%dma_wait3A_3547 : memref<8x128xf32, #tpu.memory_space<vmem>>)
    %and3A_3549 = arith.constant 127 : i32
    %and3A_3550 = vector.broadcast %and3A_3549 : i32 to vector<16xi32>
    %and3A_3551 = arith.andi %get3A_2866, %and3A_3550 : vector<16xi32>
    %gather3A_3552 = tpu.vector_load_idx %arg7[%add3A_25, %and3A_3551] : memref<128x128xf32, #tpu.memory_space<vmem>>[vector<16xi32>, vector<16xi32>], vector<16xf32>,
    %add3A_3553 = arith.addf %add3A_3420, %gather3A_3552 : vector<16xf32>
    %swap3A = arith.constant 0 : index
    %swap3A_3554 = tpu.vector_load %arg9[%swap3A] {strides = array<i32>} : memref<16xf32, #tpu.memory_space<vmem>>, vector<16xf32>,
    tpu.vector_store %arg9[%swap3A], %add3A_3553 {strides = array<i32>} : memref<16xf32, #tpu.memory_space<vmem>>, vector<16xf32>,
    "tpu.region"() ({
      %run_scoped3A = tpu.sem_alloc : memref<!tpu.dma_semaphore, #tpu.memory_space<semaphore_mem>>
      %dma_start3A_3555 = arith.constant 0 : i32
      %dma_start3A_3556 = tpu.memref_slice %arg4[%add3A, %dma_start3A_3555] : memref<32x16xf32, #tpu.memory_space<hbm>> -> memref<1x16xf32, #tpu.memory_space<hbm>>
      %dma_start3A_3557 = tpu.memref_squeeze %dma_start3A_3556 : memref<1x16xf32, #tpu.memory_space<hbm>> -> memref<16xf32, #tpu.memory_space<hbm>>
      %dma_start3A_3558 = arith.constant 0 : i32
      %dma_start3A_3559 = tpu.memref_slice %arg4[%add3A, %dma_start3A_3558] : memref<32x16xf32, #tpu.memory_space<hbm>> -> memref<1x16xf32, #tpu.memory_space<hbm>>
      %dma_start3A_3560 = tpu.memref_squeeze %dma_start3A_3559 : memref<1x16xf32, #tpu.memory_space<hbm>> -> memref<16xf32, #tpu.memory_space<hbm>>
      tpu.enqueue_dma source(%arg9 : memref<16xf32, #tpu.memory_space<vmem>>) target(%dma_start3A_3560 : memref<16xf32, #tpu.memory_space<hbm>>) target_semaphore(%run_scoped3A : memref<!tpu.dma_semaphore, #tpu.memory_space<semaphore_mem>>)
      %dma_wait3A_3561 = arith.constant 0 : i32
      %dma_wait3A_3562 = tpu.memref_slice %arg4[%add3A, %dma_wait3A_3561] : memref<32x16xf32, #tpu.memory_space<hbm>> -> memref<1x16xf32, #tpu.memory_space<hbm>>
      %dma_wait3A_3563 = tpu.memref_squeeze %dma_wait3A_3562 : memref<1x16xf32, #tpu.memory_space<hbm>> -> memref<16xf32, #tpu.memory_space<hbm>>
      %dma_wait3A_3564 = arith.constant 0 : i32
      %dma_wait3A_3565 = tpu.memref_slice %arg4[%add3A, %dma_wait3A_3564] : memref<32x16xf32, #tpu.memory_space<hbm>> -> memref<1x16xf32, #tpu.memory_space<hbm>>
      %dma_wait3A_3566 = tpu.memref_squeeze %dma_wait3A_3565 : memref<1x16xf32, #tpu.memory_space<hbm>> -> memref<16xf32, #tpu.memory_space<hbm>>
      tpu.wait_dma2 semaphore(%run_scoped3A : memref<!tpu.dma_semaphore, #tpu.memory_space<semaphore_mem>>) src(%arg9 : memref<16xf32, #tpu.memory_space<vmem>>) dst(%dma_wait3A_3566 : memref<16xf32, #tpu.memory_space<hbm>>)
      tpu.yield
    }) : () -> ()
    return
  }
}

</mosaic_0001>

<sc_bundles>
// kernel: kernel.3.cloned.1.call-start
scs
__scs_entry_jumppad:
0x0: {  	(pc) =	sbr.rel $0x88, $3  }
0x1: {  	(tag) =	ssettag $0x0;
	lr =	simm.s32 $0x1  }
0x2: {  	[smem:$0x3F9F] =	sst lr;
	_ =	strace $0xD0000000  }
0x3: {  	_ = 	snop  }
0x4: {  	_ = 	snop  }
0x5: {  	_ = 	snop  }
0x6: {  	_ = 	snop  }
0x7: {  	_ = 	snop  }
__scs_overlays_trampoline_lowered:
0x8: {  	[smem:$0x3FAE] =	sst s0  }
0x9: {  	[smem:$0x3FAF] =	sst s1  }
0xa: {  	[smem:$0x3FB0] =	sst s2  }
0xb: {  	[smem:$0x3FB1] =	sst s3  }
0xc: {  	[smem:$0x3FB2] =	sst s4  }
0xd: {  	[smem:$0x3FB3] =	sst s5  }
0xe: {  	[smem:$0x3FB4] =	sst s6  }
0xf: {  	[smem:$0x3FB5] =	sst s7  }
0x10: {  	[smem:$0x3FB6] =	sst s8  }
0x11: {  	[smem:$0x3FB7] =	sst s9;
	s0 =	simm.s32 @!p0 $0x0  }
0x12: {  	s1 =	sld [smem:$0x3F9D];
	s0 =	simm.s32 @p0 $0x1  }
0x13: {  	[smem:$0x3FB8] =	sst s0;
	s0 =	simm.s32 @!p1 $0x0  }
0x14: {  	s2 =	sld [smem:$0x3F9C];
	s0 =	simm.s32 @p1 $0x1  }
0x15: {  	[smem:$0x3FB9] =	sst s0;
	s0 =	simm.s32 @!p2 $0x0  }
0x16: {  	s3 =	sld [smem:$0x3FDB];
	s0 =	simm.s32 @p2 $0x1  }
0x17: {  	s4 =	simm.s32 $0x1BF5;
	[smem:$0x3FBB] =	sst s0  }
0x18: {  	s0 =	sld [smem:$0x3F9E];
	_ =	swait.ge [sflag:s4], $0x0  }
0x19: {  	s7 =	sld [smem:$0x3F9F]  }
0x1a: {  	s8 =	sadd.s32 $0xFFFFE003, lr  }
0x1b: {  	s9 =	sadd.s32 $0xFFFFFEF7, lr;
	s5 =	simm.s32 $0xFFFFFFFF;
	p2 =	slt.u32 s8, $0xFFFFF086  }
0x1c: {  	p1 =	slt.u32 s9, $0xF7A;
	s5 =	simm.s32 @!p2 $0x0  }
0x1d: {  	s5 =	simm.s32 @p1 $0x1;
	p0 =	seq.s32 s7, s2  }
0x1e: {  	s7 =	smul.u32 @!p0 $0xF7A, s2;
	p2 =	seq.s32 @!p0 s5, $0x0  }
0x1f: {  	s9 =	smul.u32 $0xF7A, s1;
	s8 =	simm.s32 @!p0 $0x1BF5;
	p2 =	por !p2, p0  }
0x20: {  	[sflag:s8] =	ssyncset.s32 @!p0 $0xFFFFF086;
	s6 =	sadd.s32 @!p0 s3, s7;
	s7 =	simm.s32 @!p0 $0x108  }
0x21: {  	s3 =	sadd.s32 s3, s9;
	s6 =	sadd.s32 @!p0 $0x88, s6;
	s7 =	simm.s32 @p2 $0x1082  }
0x22: {  	[simem:s7], [sflag:s8] =	dma.local @!p0 [hbm:s6], $0xF7A  }
0x23: {  	s9 =	sor.u32 $0xD0000000, s2;
	s6 =	simm.s32 $0x108;
	_ =	swait.ge @!p0 [sflag:s8], $0x0  }
0x24: {  	s3 =	sadd.s32 $0x88, s3;
	s6 =	simm.s32 @!p1 $0x1082;
	[sflag:s4] =	ssyncset.s32 $0xFFFFF086  }
0x25: {  	[simem:s6], [sflag:s4] =	dma.local [hbm:s3], $0xF7A  }
0x26: {  	[smem:$0x3F9F] =	sst s1;
	(tag) =	ssettag s2;
	_ =	strace s9  }
0x27: {  	s1 =	sld [smem:$0x3FAF]  }
0x28: {  	s2 =	sld [smem:$0x3FB0]  }
0x29: {  	s4 =	sld [smem:$0x3FB2]  }
0x2a: {  	p0 =	seq.s32 s5, $0x0;
	s5 =	sld [smem:$0x3FB3]  }
0x2b: {  	s6 =	sld [smem:$0x3FB4]  }
0x2c: {  	s7 =	sld [smem:$0x3FB5]  }
0x2d: {  	s3 =	simm.s32 $0x108;
	s8 =	sld [smem:$0x3FB6]  }
0x2e: {  	s3 =	simm.s32 @!p0 $0x1082;
	s9 =	sld [smem:$0x3FB7]  }
0x2f: {  	lr =	sadd.s32 s0, s3;
	s0 =	sld [smem:$0x3FAE]  }
0x30: {  	s3 =	sld [smem:$0x3FB1]  }
0x31: {  	[smem:$0x3FBA] =	sst s10  }
0x32: {  	s10 =	sld [smem:$0x3FB8];
	_ =	sdelay $0x3  }
0x33: {  	p0 =	seq.s32 s10, $0x1;
	s10 =	sld [smem:$0x3FBA];
	_ =	sdelay $0x3  }
0x34: {  	[smem:$0x3FBA] =	sst s10  }
0x35: {  	s10 =	sld [smem:$0x3FB9];
	_ =	sdelay $0x3  }
0x36: {  	p1 =	seq.s32 s10, $0x1;
	s10 =	sld [smem:$0x3FBA];
	_ =	sdelay $0x3  }
0x37: {  	[smem:$0x3FBA] =	sst s10  }
0x38: {  	s10 =	sld [smem:$0x3FBB]  }
0x39: {  	_ = 	snop;
	(pc) =	sbr.ind lr, $3  }
0x3a: {  	_ = 	snop  }
0x3b: {  	_ = 	snop  }
0x3c: {  	p2 =	seq.s32 s10, $0x1;
	s10 =	sld [smem:$0x3FBA]  }
0x3d: {  	_ =	shalt  }
0x3e: {  	_ =	shalt  }
0x3f: {  	_ =	shalt  }
0x40: {  	_ =	shalt  }
0x41: {  	_ =	shalt  }
0x42: {  	_ =	shalt  }
0x43: {  	_ =	shalt  }
0x44: {  	_ =	shalt  }
0x45: {  	_ =	shalt  }
0x46: {  	_ =	shalt  }
0x47: {  	_ =	shalt  }
0x48: {  	_ =	shalt  }
0x49: {  	_ =	shalt  }
0x4a: {  	_ =	shalt  }
0x4b: {  	_ =	shalt  }
0x4c: {  	_ =	shalt  }
0x4d: {  	_ =	shalt  }
0x4e: {  	_ =	shalt  }
0x4f: {  	_ =	shalt  }
0x50: {  	_ =	shalt  }
0x51: {  	_ =	shalt  }
0x52: {  	_ =	shalt  }
0x53: {  	_ =	shalt  }
0x54: {  	_ =	shalt  }
0x55: {  	_ =	shalt  }
0x56: {  	_ =	shalt  }
0x57: {  	_ =	shalt  }
0x58: {  	_ =	shalt  }
0x59: {  	_ =	shalt  }
0x5a: {  	_ =	shalt  }
0x5b: {  	_ =	shalt  }
0x5c: {  	_ =	shalt  }
0x5d: {  	_ =	shalt  }
0x5e: {  	_ =	shalt  }
0x5f: {  	_ =	shalt  }
0x60: {  	_ =	shalt  }
0x61: {  	_ =	shalt  }
0x62: {  	_ =	shalt  }
0x63: {  	_ =	shalt  }
0x64: {  	_ =	shalt  }
0x65: {  	_ =	shalt  }
0x66: {  	_ =	shalt  }
0x67: {  	_ =	shalt  }
0x68: {  	_ =	shalt  }
0x69: {  	_ =	shalt  }
0x6a: {  	_ =	shalt  }
0x6b: {  	_ =	shalt  }
0x6c: {  	_ =	shalt  }
0x6d: {  	_ =	shalt  }
0x6e: {  	_ =	shalt  }
0x6f: {  	_ =	shalt  }
0x70: {  	_ =	shalt  }
0x71: {  	_ =	shalt  }
0x72: {  	_ =	shalt  }
0x73: {  	_ =	shalt  }
0x74: {  	_ =	shalt  }
0x75: {  	_ =	shalt  }
0x76: {  	_ =	shalt  }
0x77: {  	_ =	shalt  }
0x78: {  	_ =	shalt  }
0x79: {  	_ =	shalt  }
0x7a: {  	_ =	shalt  }
0x7b: {  	_ =	shalt  }
0x7c: {  	_ =	shalt  }
0x7d: {  	_ =	shalt  }
0x7e: {  	_ =	shalt  }
0x7f: {  	_ =	shalt  }
0x80: {  	_ =	shalt  }
0x81: {  	_ =	shalt  }
0x82: {  	_ =	shalt  }
0x83: {  	_ =	shalt  }
0x84: {  	_ =	shalt  }
0x85: {  	_ =	shalt  }
0x86: {  	_ =	shalt  }
0x87: {  	_ =	shalt  }
.Lfunc_end0:
.L_simem_size_0:
called_computation_lowered:
.L_overlay_start_0:
0x88: {  	s2 =	sld [smem:$0x3FD9]  }
0x89: {  	s3 =	sld [smem:$0x3FFE];
	_ =	sdelay $0x1  }
0x8a: {  	s1 =	srdreg.scid  }
0x8b: {  	s0 =	sand.u32 $0x1, s1  }
0x8c: {  	s17 =	sshll.u32 s0, $0xA;
	s2 =	sadd.s32 s3, s2  }
0x8d: {  	s2 =	sadd.s32 s2, s17  }
0x8e: {  	[smem:$0x3FC6] =	sst s2  }
0x8f: {  	_ = 	snop  }
0x90: {  	s2 =	sld [smem:$0x3FC9]  }
0x91: {  	s18 =	sld [smem:$0x3FC8];
	(tm) =	ssettm $0x1  }
0x92: {  	s4 =	sld [smem:$0x3FFB];
	_ =	sdelay $0x3  }
0x93: {  	_ =	strace s4  }
0x94: {  	s4 =	sld [smem:$0x3FFC];
	_ =	sdelay $0x3  }
0x95: {  	_ =	strace s4  }
0x96: {  	s4 =	sld [smem:$0x3FFD];
	_ =	sdelay $0x3  }
0x97: {  	_ =	strace s4  }
0x98: {  	_ =	strace $0x8FFFFFFF  }
0x99: {  	s19 =	sld [smem:$0x3FDB];
	_ =	sdelay $0x1  }
0x9a: {  	s5 =	simm.s32 $_scs_section_size  }
0x9b: {  	s6 =	simm.s32 $_size__tile_overlayer_lowered;
	s7 =	simm.s32 $_tile_overlayer_lowered  }
0x9c: {  	s22 =	simm.s32 $0x1BFF;
	s21 =	sshll.u32 s7, $0x1;
	s4 =	sadd.s32 s5, s19  }
0x9d: {  	s8 =	simm.s32 $0x0;
	s20 =	sshll.u32 s6, $0x1;
	s6 =	sadd.s32 s21, s4  }
0x9e: {  	[timem:s8], [sflag:s22] =	dma.local [hbm:s6], s20  }
0x9f: {  	_ =	swait.ge [sflag:s22], s20  }
0xa0: {  	s5 =	ssub.s32 $0x0, s20;
	[sflag:s22] =	ssyncset.done $0x0  }
0xa1: {  	[sflag:s22] =	ssyncadd.s32 s5;
	_ =	sdelay $0x1  }
0xa2: {  	s23 =	simm.s32 $0x1B8B  }
0xa3: {  	_ =	swait.ge [sflag:s23], $0x1  }
0xa4: {  	[sflag:s23] =	ssyncset.done $0x0  }
0xa5: {  	s25 =	simm.s32 $0x1B8E;
	s24 =	sld [smem:$0x3FFE];
	[sflag:s23] =	ssyncadd.s32 $0xFFFFFFFF  }
0xa6: {  	s26 =	simm.s32 $execute0_lowered;
	[smem:$0x3FD2] =	sst s25  }
0xa7: {  	s6 =	sshll.u32 s26, $0x1;
	_ =	strace $0x80000046;
	[dreg:$0x1] =	wrdreg $0xFFFFFFFF  }
0xa8: {  	s28 =	simm.s32 $_size_execute0_lowered;
	s4 =	sadd.s32 s4, s6;
	[dreg:$0x0] =	wrdreg $0x0  }
0xa9: {  	s6 =	sshll.u32 s28, $0x1;
	[dreg:$0x2] =	wrdreg s4  }
0xaa: {  	[dreg:$0x3] =	wrdreg s6  }
0xab: {  	[dreg:$0x4] =	wrdreg $0xC0  }
0xac: {  	_ =	task [dreg:s8], $0x5FFFF  }
0xad: {  	[dreg:$0x1] =	wrdreg $0xFFFFFFFF  }
0xae: {  	[dreg:$0x0] =	wrdreg $0x60  }
0xaf: {  	[dreg:$0x2] =	wrdreg s2  }
0xb0: {  	[dreg:$0x3] =	wrdreg s18  }
0xb1: {  	[dreg:$0x4] =	wrdreg s24  }
0xb2: {  	[dreg:$0x5] =	wrdreg $0x9  }
0xb3: {  	_ =	task.clear_ibuf [dreg:s8], $0x6FFFF;
	_ =	strace $0x90000046  }
0xb4: {  	s29 =	simm.s32 $0x9;
	_ =	strace $0x80000048  }
0xb5: {  	_ =	swait.ge [sflag:s29], $0x1  }
0xb6: {  	[sflag:s29] =	ssyncadd.s32 $0xFFFFFFFF  }
0xb7: {  	_ =	strace $0x90000048  }
0xb8: {  	_ =	sfence  }
0xb9: {  	s30 =	sld [smem:$0x0];
	_ =	sdelay $0x2  }
0xba: {  	s31 =	sshll.u32 s1, $0xD;
	s1 =	sshrl.u32 s1, $0x2  }
0xbb: {  	s3 =	sand.u32 $0x4000, s31;
	s1 =	sadd.s32 s1, s30  }
0xbc: {  	s0 =	sor.u32 s3, s0;
	s1 =	sshll.u32 s1, $0x11  }
0xbd: {  	s0 =	sor.u32 s1, s0  }
0xbe: {  	s0 =	sadd.s32 $0x8F2B, s0  }
0xbf: {  	[sflag:s0] =	ssyncadd.remote.s32 $0x1  }
0xc0: {  	_ =	sfence.sel $0xFFFF  }
0xc1: {  	[dreg:$0x0] =	wrdreg $0xFFFFFFFF;
	(pc) =	sbr.abs _section_cstart, $3  }
0xc2: {  	[dreg:$0x1] =	wrdreg $0xFFFFFFFF  }
0xc3: {  	_ =	task.clear_ibuf [dreg:s8], $0x2FFFF;
	_ =	strace $0x9FFFFFFF  }
0xc4: {  	(tm) =	ssettm $0x7FFFFFFF  }
0xc5: {  	_ =	shalt  }
tec
execute0_lowered:
.L_overlay_start_1:
0x0: {  	(tag) =	ssettag $0x1  }
0x1: {  	s1 =	rddreg [dreg:$0x0]  }
0x2: {  	s0 =	rddreg [dreg:$0x1]  }
0x3: {  	s26 =	rddreg [dreg:$0x2];
	v0 =	vimm.s32 $0x3F80;
	vm0 =	vcmask $0x300  }
0x4: {  	s2 =	srdreg.scid;
	s6 =	stileid.u32;
	vm14 =	vcmask $0x704;
	v0 =	vsel vm0, $0x0, v0  }
0x5: {  	s3 =	simm.s32 $0x0;
	s28 =	simm.s32 $0xD000;
	vm15 =	vcmask $0xB08;
	s24 =	simm.s32 $0x3;
	v0 =	vsel vm14, $0x480, v0  }
0x6: {  	vm4 =	vcmask $0xF0C;
	s29 =	simm.s32 $0xA400;
	s30 =	simm.s32 $0xA800;
	s31 =	simm.s32 $0xAC00;
	v0 =	vsel vm15, $0x900, v0  }
0x7: {  	vm5 =	vcmask $0x1310;
	[dreg:$0x4] =	wrdreg s0;
	s2 =	sand.u32 $0x1, s2;
	s4 =	sshll.u32 s6, $0x1;
	v0 =	vsel vm4, $0xD80, v0  }
0x8: {  	vm6 =	vcmask $0x1714;
	[smem:$0x7FF] =	sst s3;
	s6 =	sshll.u32 s6, $0x4;
	s5 =	ssub.s32 $0x2, s2;
	v0 =	vsel vm5, $0x1200, v0  }
0x9: {  	vm7 =	vcmask $0x1B18;
	s2 =	sor.u32 s2, s4;
	_ =	strace $0x80000047;
	[dreg:$0x6] =	wrdreg s28;
	v0 =	vsel vm6, $0x1680, v0  }
0xa: {  	vm8 =	vcmask $0x1F1C;
	s7 =	sshll.u32 s2, $0x8;
	s4 =	smul.u32 $0x3E8000, s2;
	s8 =	sshrl.u32 s5, $0x1;
	v0 =	vsel vm7, $0x1B00, v0  }
0xb: {  	vm9 =	vcmask $0x2320;
	s2 =	sshll.u32 s2, $0x4;
	s6 =	sor.u32 s6, s7;
	s21 =	ssub.s32 s5, s8;
	v0 =	vsel vm8, $0x1F80, v0  }
0xc: {  	vm10 =	vcmask $0x2724;
	s0 =	sadd.s32 s26, s2;
	s5 =	sand.u32 $0xF80, s6;
	s6 =	sadd.s32 $0x3E800, s4;
	v0 =	vsel vm9, $0x2000, v0  }
0xd: {  	vm11 =	vcmask $0x2B28;
	s7 =	sadd.s32 $0x7D000, s4;
	s8 =	sadd.s32 $0xBB800, s4;
	s10 =	sadd.s32 $0x138800, s4;
	v0 =	vsel vm10, $0x2480, v0  }
0xe: {  	vm12 =	vcmask $0x2F2C;
	s9 =	sadd.s32 $0xFA000, s4;
	s11 =	sadd.s32 $0x1B5800, s4;
	s12 =	sadd.s32 $0x177000, s4;
	v0 =	vsel vm11, $0x2900, v0  }
0xf: {  	vm13 =	vcmask $0x3330;
	s13 =	sadd.s32 $0x1F4000, s4;
	s14 =	sadd.s32 $0x232800, s4;
	s15 =	sadd.s32 $0x271000, s4;
	v0 =	vsel vm12, $0x2D80, v0  }
0x10: {  	vm14 =	vcmask $0x3734;
	s2 =	simm.s32 $0x2;
	s16 =	sadd.s32 $0x2AF800, s4;
	s18 =	sadd.s32 $0x32C800, s4;
	v0 =	vsel vm13, $0x3200, v0  }
0x11: {  	vm15 =	vcmask $0x3B38;
	s17 =	sadd.s32 $0x2EE000, s4;
	s19 =	sadd.s32 $0x36B000, s4;
	s20 =	sadd.s32 $0x3A9800, s4;
	v0 =	vsel vm14, $0x3680, v0  }
0x12: {  	[dreg:$0x5] =	wrdreg s0;
	s21 =	smax.u32 s21, $0x1;
	s0 =	simm.s32 $0x1;
	v0 =	vsel vm15, $0x3B00, v0  }
.LBB2_1:
0x13: {  	s25 =	rddreg [dreg:$0x4];
	s22 =	simm.s32 $0x4  }
0x14: {  	[tilespmem:s3], [sflag:$0x4] =	stream.linear.gather [hbm4b:s25+s3], $0x1000, $0x38;
	[tilespmem:$0xD080] =	vst v63  }
0x15: {  	_ =	swait.ge [sflag:s22], $0x1000  }
0x16: {  	[sflag:s22] =	ssyncset.done $0x0  }
0x17: {  	[sflag:s22] =	ssyncadd.s32 $0xFFFFF000  }
0x18: {  	v1 =	vld [tilespmem:s5+$0x0];
	_ =	sdelay $0x4  }
0x19: {  	v2 =	vshll.u32 v1, $0x3  }
0x1a: {  	(v2sf) =	vpush v2, $0x0;
	_ =	sdelay $0x3  }
0x1b: {  	(v2sf) =	vpush v2, $0x1;
	_ =	sdelay $0x4  }
0x1c: {  	(v2sf) =	vpush v2, $0x2;
	_ =	sdelay $0x5  }
0x1d: {  	s22 =	spop (v2sf)  }
0x1e: {  	(v2sf) =	vpush v2, $0x3;
	s25 =	sand.u32 $0x7FFFFC00, s22  }
0x1f: {  	s25 =	sadd.s32 s4, s25  }
0x20: {  	s25 =	sshrl.u32 s25, $0x3  }
0x21: {  	s23 =	simm.s32 $0x1000;
	s26 =	spop (v2sf);
	s25 =	sadd.s32 s1, s25  }
0x22: {  	(v2sf) =	vpush v2, $0x4;
	[tilespmem:s23], [sflag:$0x1] =	stream.linear.gather [hbm4b:s25+s3], $0x400, $0x38;
	[tilespmem:$0xD080] =	vst v63  }
0x23: {  	s25 =	sand.u32 $0x7FFFFC00, s26  }
0x24: {  	s25 =	sadd.s32 s4, s25  }
0x25: {  	s25 =	sshrl.u32 s25, $0x3  }
0x26: {  	s28 =	simm.s32 $0x1400;
	s26 =	spop (v2sf);
	s25 =	sadd.s32 s1, s25  }
0x27: {  	(v2sf) =	vpush v2, $0x5;
	[tilespmem:s28], [sflag:$0x1] =	stream.linear.gather [hbm4b:s25+s3], $0x400, $0x38;
	[tilespmem:$0xD080] =	vst v63  }
0x28: {  	s25 =	sand.u32 $0x7FFFFC00, s26  }
0x29: {  	s25 =	sadd.s32 s4, s25  }
0x2a: {  	s25 =	sshrl.u32 s25, $0x3  }
0x2b: {  	s28 =	simm.s32 $0x1800;
	s25 =	sadd.s32 s1, s25  }
0x2c: {  	[tilespmem:s28], [sflag:$0x1] =	stream.linear.gather [hbm4b:s25+s3], $0x400, $0x38;
	[tilespmem:$0xD080] =	vst v63  }
0x2d: {  	s26 =	spop (v2sf)  }
0x2e: {  	(v2sf) =	vpush v2, $0x6;
	s25 =	sand.u32 $0x7FFFFC00, s26  }
0x2f: {  	s25 =	sadd.s32 s4, s25  }
0x30: {  	s25 =	sshrl.u32 s25, $0x3  }
0x31: {  	s28 =	simm.s32 $0x1C00;
	s26 =	spop (v2sf);
	s25 =	sadd.s32 s1, s25  }
0x32: {  	(v2sf) =	vpush v2, $0x7;
	[tilespmem:s28], [sflag:$0x1] =	stream.linear.gather [hbm4b:s25+s3], $0x400, $0x38;
	[tilespmem:$0xD080] =	vst v63  }
0x33: {  	s25 =	sand.u32 $0x7FFFFC00, s26  }
0x34: {  	s25 =	sadd.s32 s4, s25  }
0x35: {  	s25 =	sshrl.u32 s25, $0x3  }
0x36: {  	s28 =	simm.s32 $0x2000;
	s26 =	spop (v2sf);
	s25 =	sadd.s32 s1, s25  }
0x37: {  	(v2sf) =	vpush v2, $0x8;
	[tilespmem:s28], [sflag:$0x1] =	stream.linear.gather [hbm4b:s25+s3], $0x400, $0x38;
	[tilespmem:$0xD080] =	vst v63  }
0x38: {  	s25 =	sand.u32 $0x7FFFFC00, s26  }
0x39: {  	s25 =	sadd.s32 s4, s25  }
0x3a: {  	s25 =	sshrl.u32 s25, $0x3  }
0x3b: {  	s28 =	simm.s32 $0x2400;
	s25 =	sadd.s32 s1, s25  }
0x3c: {  	[tilespmem:s28], [sflag:$0x1] =	stream.linear.gather [hbm4b:s25+s3], $0x400, $0x38;
	[tilespmem:$0xD080] =	vst v63  }
0x3d: {  	s26 =	spop (v2sf)  }
0x3e: {  	(v2sf) =	vpush v2, $0x9;
	s25 =	sand.u32 $0x7FFFFC00, s26  }
0x3f: {  	s25 =	sadd.s32 s4, s25  }
0x40: {  	s25 =	sshrl.u32 s25, $0x3  }
0x41: {  	s28 =	simm.s32 $0x2800;
	s26 =	spop (v2sf);
	s25 =	sadd.s32 s1, s25  }
0x42: {  	(v2sf) =	vpush v2, $0xA;
	[tilespmem:s28], [sflag:$0x1] =	stream.linear.gather [hbm4b:s25+s3], $0x400, $0x38;
	[tilespmem:$0xD080] =	vst v63  }
0x43: {  	s25 =	sand.u32 $0x7FFFFC00, s26  }
0x44: {  	s25 =	sadd.s32 s4, s25  }
0x45: {  	s25 =	sshrl.u32 s25, $0x3  }
0x46: {  	s28 =	simm.s32 $0x2C00;
	s26 =	spop (v2sf);
	s25 =	sadd.s32 s1, s25  }
0x47: {  	(v2sf) =	vpush v2, $0xB;
	[tilespmem:s28], [sflag:$0x1] =	stream.linear.gather [hbm4b:s25+s3], $0x400, $0x38;
	[tilespmem:$0xD080] =	vst v63  }
0x48: {  	s25 =	sand.u32 $0x7FFFFC00, s26  }
0x49: {  	s25 =	sadd.s32 s6, s25  }
0x4a: {  	s25 =	sshrl.u32 s25, $0x3  }
0x4b: {  	s28 =	simm.s32 $0x3000;
	s25 =	sadd.s32 s1, s25  }
0x4c: {  	[tilespmem:s28], [sflag:$0x1] =	stream.linear.gather [hbm4b:s25+s3], $0x400, $0x38;
	[tilespmem:$0xD080] =	vst v63  }
0x4d: {  	s26 =	spop (v2sf)  }
0x4e: {  	(v2sf) =	vpush v2, $0xC;
	s25 =	sand.u32 $0x7FFFFC00, s26  }
0x4f: {  	s25 =	sadd.s32 s6, s25  }
0x50: {  	s25 =	sshrl.u32 s25, $0x3  }
0x51: {  	s28 =	simm.s32 $0x3400;
	s26 =	spop (v2sf);
	s25 =	sadd.s32 s1, s25  }
0x52: {  	(v2sf) =	vpush v2, $0xD;
	[tilespmem:s28], [sflag:$0x1] =	stream.linear.gather [hbm4b:s25+s3], $0x400, $0x38;
	[tilespmem:$0xD080] =	vst v63  }
0x53: {  	s25 =	sand.u32 $0x7FFFFC00, s26  }
0x54: {  	s25 =	sadd.s32 s6, s25  }
0x55: {  	s25 =	sshrl.u32 s25, $0x3  }
0x56: {  	s28 =	simm.s32 $0x3800;
	s26 =	spop (v2sf);
	s25 =	sadd.s32 s1, s25  }
0x57: {  	(v2sf) =	vpush v2, $0xE;
	[tilespmem:s28], [sflag:$0x1] =	stream.linear.gather [hbm4b:s25+s3], $0x400, $0x38;
	[tilespmem:$0xD080] =	vst v63  }
0x58: {  	s25 =	sand.u32 $0x7FFFFC00, s26  }
0x59: {  	s25 =	sadd.s32 s6, s25  }
0x5a: {  	s25 =	sshrl.u32 s25, $0x3  }
0x5b: {  	s28 =	simm.s32 $0x3C00;
	s25 =	sadd.s32 s1, s25  }
0x5c: {  	[tilespmem:s28], [sflag:$0x1] =	stream.linear.gather [hbm4b:s25+s3], $0x400, $0x38;
	[tilespmem:$0xD080] =	vst v63  }
0x5d: {  	s26 =	spop (v2sf)  }
0x5e: {  	(v2sf) =	vpush v2, $0xF;
	s25 =	sand.u32 $0x7FFFFC00, s26  }
0x5f: {  	s25 =	sadd.s32 s6, s25  }
0x60: {  	s25 =	sshrl.u32 s25, $0x3  }
0x61: {  	s28 =	simm.s32 $0x4000;
	s26 =	spop (v2sf);
	s25 =	sadd.s32 s1, s25  }
0x62: {  	[tilespmem:s28], [sflag:$0x1] =	stream.linear.gather [hbm4b:s25+s3], $0x400, $0x38;
	[tilespmem:$0xD080] =	vst v63  }
0x63: {  	s25 =	sand.u32 $0x7FFFFC00, s26  }
0x64: {  	s25 =	sadd.s32 s6, s25  }
0x65: {  	s25 =	sshrl.u32 s25, $0x3  }
0x66: {  	s28 =	simm.s32 $0x4400;
	s26 =	spop (v2sf);
	s25 =	sadd.s32 s1, s25  }
0x67: {  	[tilespmem:s28], [sflag:$0x1] =	stream.linear.gather [hbm4b:s25+s3], $0x400, $0x38;
	[tilespmem:$0xD080] =	vst v63  }
0x68: {  	s25 =	sand.u32 $0x7FFFFC00, s26  }
0x69: {  	s25 =	sadd.s32 s6, s25  }
0x6a: {  	s25 =	sshrl.u32 s25, $0x3  }
0x6b: {  	s28 =	simm.s32 $0x4800;
	s25 =	sadd.s32 s1, s25  }
0x6c: {  	[tilespmem:s28], [sflag:$0x1] =	stream.linear.gather [hbm4b:s25+s3], $0x400, $0x38;
	[tilespmem:$0xD080] =	vst v63  }
0x6d: {  	s26 =	spop (v2sf)  }
0x6e: {  	s25 =	sand.u32 $0x7FFFFC00, s26  }
0x6f: {  	s25 =	sadd.s32 s6, s25  }
0x70: {  	s25 =	sshrl.u32 s25, $0x3  }
0x71: {  	s28 =	simm.s32 $0x4C00;
	s25 =	sadd.s32 s1, s25  }
0x72: {  	[tilespmem:s28], [sflag:$0x1] =	stream.linear.gather [hbm4b:s25+s3], $0x400, $0x38;
	[tilespmem:$0xD080] =	vst v63  }
0x73: {  	v2 =	vld [tilespmem:s5+$0x10];
	_ =	sdelay $0x4  }
0x74: {  	v3 =	vshll.u32 v2, $0x3  }
0x75: {  	(v2sf) =	vpush v3, $0x0;
	_ =	sdelay $0x3  }
0x76: {  	(v2sf) =	vpush v3, $0x1;
	_ =	sdelay $0x6  }
0x77: {  	(v2sf) =	vpush v3, $0x2;
	_ =	sdelay $0x3  }
0x78: {  	s26 =	spop (v2sf)  }
0x79: {  	s25 =	sand.u32 $0x7FFFFC00, s26  }
0x7a: {  	(v2sf) =	vpush v3, $0x3;
	s25 =	sadd.s32 s7, s25  }
0x7b: {  	s25 =	sshrl.u32 s25, $0x3  }
0x7c: {  	s22 =	simm.s32 $0x5000;
	s28 =	spop (v2sf);
	s25 =	sadd.s32 s1, s25  }
0x7d: {  	[tilespmem:s22], [sflag:$0x2] =	stream.linear.gather [hbm4b:s25+s3], $0x400, $0x38;
	[tilespmem:$0xD080] =	vst v63  }
0x7e: {  	(v2sf) =	vpush v3, $0x4;
	s25 =	sand.u32 $0x7FFFFC00, s28  }
0x7f: {  	s25 =	sadd.s32 s7, s25  }
0x80: {  	s25 =	sshrl.u32 s25, $0x3  }
0x81: {  	s26 =	simm.s32 $0x5400;
	s25 =	sadd.s32 s1, s25  }
0x82: {  	[tilespmem:s26], [sflag:$0x2] =	stream.linear.gather [hbm4b:s25+s3], $0x400, $0x38;
	[tilespmem:$0xD080] =	vst v63  }
0x83: {  	s26 =	spop (v2sf)  }
0x84: {  	s25 =	sand.u32 $0x7FFFFC00, s26  }
0x85: {  	(v2sf) =	vpush v3, $0x5;
	s25 =	sadd.s32 s7, s25  }
0x86: {  	s25 =	sshrl.u32 s25, $0x3  }
0x87: {  	s28 =	simm.s32 $0x5800;
	s25 =	sadd.s32 s1, s25  }
0x88: {  	[tilespmem:s28], [sflag:$0x2] =	stream.linear.gather [hbm4b:s25+s3], $0x400, $0x38;
	[tilespmem:$0xD080] =	vst v63  }
0x89: {  	s26 =	spop (v2sf)  }
0x8a: {  	s25 =	sand.u32 $0x7FFFFC00, s26  }
0x8b: {  	(v2sf) =	vpush v3, $0x6;
	s25 =	sadd.s32 s7, s25  }
0x8c: {  	s25 =	sshrl.u32 s25, $0x3  }
0x8d: {  	s28 =	simm.s32 $0x5C00;
	s26 =	spop (v2sf);
	s25 =	sadd.s32 s1, s25  }
0x8e: {  	[tilespmem:s28], [sflag:$0x2] =	stream.linear.gather [hbm4b:s25+s3], $0x400, $0x38;
	[tilespmem:$0xD080] =	vst v63  }
0x8f: {  	(v2sf) =	vpush v3, $0x7;
	s25 =	sand.u32 $0x7FFFFC00, s26  }
0x90: {  	s25 =	sadd.s32 s7, s25  }
0x91: {  	s25 =	sshrl.u32 s25, $0x3  }
0x92: {  	s28 =	simm.s32 $0x6000;
	s25 =	sadd.s32 s1, s25  }
0x93: {  	[tilespmem:s28], [sflag:$0x2] =	stream.linear.gather [hbm4b:s25+s3], $0x400, $0x38;
	[tilespmem:$0xD080] =	vst v63  }
0x94: {  	s26 =	spop (v2sf)  }
0x95: {  	s25 =	sand.u32 $0x7FFFFC00, s26  }
0x96: {  	(v2sf) =	vpush v3, $0x8;
	s25 =	sadd.s32 s7, s25  }
0x97: {  	s25 =	sshrl.u32 s25, $0x3  }
0x98: {  	s28 =	simm.s32 $0x6400;
	s25 =	sadd.s32 s1, s25  }
0x99: {  	[tilespmem:s28], [sflag:$0x2] =	stream.linear.gather [hbm4b:s25+s3], $0x400, $0x38;
	[tilespmem:$0xD080] =	vst v63  }
0x9a: {  	s26 =	spop (v2sf)  }
0x9b: {  	s25 =	sand.u32 $0x7FFFFC00, s26  }
0x9c: {  	(v2sf) =	vpush v3, $0x9;
	s25 =	sadd.s32 s7, s25  }
0x9d: {  	s25 =	sshrl.u32 s25, $0x3  }
0x9e: {  	s28 =	simm.s32 $0x6800;
	s26 =	spop (v2sf);
	s25 =	sadd.s32 s1, s25  }
0x9f: {  	[tilespmem:s28], [sflag:$0x2] =	stream.linear.gather [hbm4b:s25+s3], $0x400, $0x38;
	[tilespmem:$0xD080] =	vst v63  }
0xa0: {  	(v2sf) =	vpush v3, $0xA;
	s25 =	sand.u32 $0x7FFFFC00, s26  }
0xa1: {  	s25 =	sadd.s32 s7, s25  }
0xa2: {  	s25 =	sshrl.u32 s25, $0x3  }
0xa3: {  	s28 =	simm.s32 $0x6C00;
	s25 =	sadd.s32 s1, s25  }
0xa4: {  	[tilespmem:s28], [sflag:$0x2] =	stream.linear.gather [hbm4b:s25+s3], $0x400, $0x38;
	[tilespmem:$0xD080] =	vst v63  }
0xa5: {  	s26 =	spop (v2sf)  }
0xa6: {  	s25 =	sand.u32 $0x7FFFFC00, s26  }
0xa7: {  	(v2sf) =	vpush v3, $0xB;
	s25 =	sadd.s32 s8, s25  }
0xa8: {  	s25 =	sshrl.u32 s25, $0x3  }
0xa9: {  	s28 =	simm.s32 $0x7000;
	s25 =	sadd.s32 s1, s25  }
0xaa: {  	[tilespmem:s28], [sflag:$0x2] =	stream.linear.gather [hbm4b:s25+s3], $0x400, $0x38;
	[tilespmem:$0xD080] =	vst v63  }
0xab: {  	s26 =	spop (v2sf)  }
0xac: {  	s25 =	sand.u32 $0x7FFFFC00, s26  }
0xad: {  	(v2sf) =	vpush v3, $0xC;
	s25 =	sadd.s32 s8, s25  }
0xae: {  	s25 =	sshrl.u32 s25, $0x3  }
0xaf: {  	s28 =	simm.s32 $0x7400;
	s26 =	spop (v2sf);
	s25 =	sadd.s32 s1, s25  }
0xb0: {  	[tilespmem:s28], [sflag:$0x2] =	stream.linear.gather [hbm4b:s25+s3], $0x400, $0x38;
	[tilespmem:$0xD080] =	vst v63  }
0xb1: {  	(v2sf) =	vpush v3, $0xD;
	s25 =	sand.u32 $0x7FFFFC00, s26  }
0xb2: {  	s25 =	sadd.s32 s8, s25  }
0xb3: {  	s25 =	sshrl.u32 s25, $0x3  }
0xb4: {  	s28 =	simm.s32 $0x7800;
	s25 =	sadd.s32 s1, s25  }
0xb5: {  	[tilespmem:s28], [sflag:$0x2] =	stream.linear.gather [hbm4b:s25+s3], $0x400, $0x38;
	[tilespmem:$0xD080] =	vst v63  }
0xb6: {  	s26 =	spop (v2sf)  }
0xb7: {  	s25 =	sand.u32 $0x7FFFFC00, s26  }
0xb8: {  	(v2sf) =	vpush v3, $0xE;
	s25 =	sadd.s32 s8, s25  }
0xb9: {  	s25 =	sshrl.u32 s25, $0x3  }
0xba: {  	s28 =	simm.s32 $0x7C00;
	s25 =	sadd.s32 s1, s25  }
0xbb: {  	[tilespmem:s28], [sflag:$0x2] =	stream.linear.gather [hbm4b:s25+s3], $0x400, $0x38;
	[tilespmem:$0xD080] =	vst v63  }
0xbc: {  	s26 =	spop (v2sf)  }
0xbd: {  	s25 =	sand.u32 $0x7FFFFC00, s26  }
0xbe: {  	(v2sf) =	vpush v3, $0xF;
	s25 =	sadd.s32 s8, s25  }
0xbf: {  	s25 =	sshrl.u32 s25, $0x3  }
0xc0: {  	s28 =	simm.s32 $0x8000;
	s26 =	spop (v2sf);
	s25 =	sadd.s32 s1, s25  }
0xc1: {  	[tilespmem:s28], [sflag:$0x2] =	stream.linear.gather [hbm4b:s25+s3], $0x400, $0x38;
	[tilespmem:$0xD080] =	vst v63  }
0xc2: {  	s25 =	sand.u32 $0x7FFFFC00, s26  }
0xc3: {  	s25 =	sadd.s32 s8, s25  }
0xc4: {  	s25 =	sshrl.u32 s25, $0x3  }
0xc5: {  	s28 =	simm.s32 $0x8400;
	s25 =	sadd.s32 s1, s25  }
0xc6: {  	[tilespmem:s28], [sflag:$0x2] =	stream.linear.gather [hbm4b:s25+s3], $0x400, $0x38;
	[tilespmem:$0xD080] =	vst v63  }
0xc7: {  	s26 =	spop (v2sf)  }
0xc8: {  	s25 =	sand.u32 $0x7FFFFC00, s26  }
0xc9: {  	s25 =	sadd.s32 s8, s25  }
0xca: {  	s25 =	sshrl.u32 s25, $0x3  }
0xcb: {  	s28 =	simm.s32 $0x8800;
	s25 =	sadd.s32 s1, s25  }
0xcc: {  	[tilespmem:s28], [sflag:$0x2] =	stream.linear.gather [hbm4b:s25+s3], $0x400, $0x38;
	[tilespmem:$0xD080] =	vst v63  }
0xcd: {  	s26 =	spop (v2sf)  }
0xce: {  	s25 =	sand.u32 $0x7FFFFC00, s26  }
0xcf: {  	s25 =	sadd.s32 s8, s25  }
0xd0: {  	s25 =	sshrl.u32 s25, $0x3  }
0xd1: {  	s28 =	simm.s32 $0x8C00;
	s25 =	sadd.s32 s1, s25  }
0xd2: {  	[tilespmem:s28], [sflag:$0x2] =	stream.linear.gather [hbm4b:s25+s3], $0x400, $0x38;
	[tilespmem:$0xD080] =	vst v63  }
0xd3: {  	v3 =	vld [tilespmem:s5+$0x20];
	_ =	sdelay $0x4  }
0xd4: {  	v4 =	vshll.u32 v3, $0x3  }
0xd5: {  	(v2sf) =	vpush v4, $0x0;
	_ =	sdelay $0x3  }
0xd6: {  	(v2sf) =	vpush v4, $0x1;
	_ =	sdelay $0x4  }
0xd7: {  	(v2sf) =	vpush v4, $0x2;
	_ =	sdelay $0x5  }
0xd8: {  	s26 =	spop (v2sf)  }
0xd9: {  	(v2sf) =	vpush v4, $0x3;
	s25 =	sand.u32 $0x7FFFFC00, s26  }
0xda: {  	s25 =	sadd.s32 s9, s25  }
0xdb: {  	s25 =	sshrl.u32 s25, $0x3  }
0xdc: {  	s28 =	simm.s32 $0x9000;
	s26 =	spop (v2sf);
	s25 =	sadd.s32 s1, s25  }
0xdd: {  	[tilespmem:s28], [sflag:$0x3] =	stream.linear.gather [hbm4b:s25+s3], $0x400, $0x38;
	[tilespmem:$0xD080] =	vst v63  }
0xde: {  	s25 =	sand.u32 $0x7FFFFC00, s26  }
0xdf: {  	(v2sf) =	vpush v4, $0x4;
	s25 =	sadd.s32 s9, s25  }
0xe0: {  	s25 =	sshrl.u32 s25, $0x3  }
0xe1: {  	s28 =	simm.s32 $0x9400;
	s26 =	spop (v2sf);
	s25 =	sadd.s32 s1, s25  }
0xe2: {  	[tilespmem:s28], [sflag:$0x3] =	stream.linear.gather [hbm4b:s25+s3], $0x400, $0x38;
	[tilespmem:$0xD080] =	vst v63  }
0xe3: {  	(v2sf) =	vpush v4, $0x5;
	s25 =	sand.u32 $0x7FFFFC00, s26  }
0xe4: {  	s25 =	sadd.s32 s9, s25  }
0xe5: {  	s25 =	sshrl.u32 s25, $0x3  }
0xe6: {  	s28 =	simm.s32 $0x9800;
	s25 =	sadd.s32 s1, s25  }
0xe7: {  	[tilespmem:s28], [sflag:$0x3] =	stream.linear.gather [hbm4b:s25+s3], $0x400, $0x38;
	[tilespmem:$0xD080] =	vst v63  }
0xe8: {  	s26 =	spop (v2sf)  }
0xe9: {  	s25 =	sand.u32 $0x7FFFFC00, s26  }
0xea: {  	(v2sf) =	vpush v4, $0x6;
	s25 =	sadd.s32 s9, s25  }
0xeb: {  	s25 =	sshrl.u32 s25, $0x3  }
0xec: {  	s28 =	simm.s32 $0x9C00;
	s25 =	sadd.s32 s1, s25  }
0xed: {  	[tilespmem:s28], [sflag:$0x3] =	stream.linear.gather [hbm4b:s25+s3], $0x400, $0x38;
	[tilespmem:$0xD080] =	vst v63  }
0xee: {  	s28 =	spop (v2sf)  }
0xef: {  	s25 =	sand.u32 $0x7FFFFC00, s28  }
0xf0: {  	(v2sf) =	vpush v4, $0x7;
	s25 =	sadd.s32 s9, s25  }
0xf1: {  	s25 =	sshrl.u32 s25, $0x3  }
0xf2: {  	s28 =	simm.s32 $0xA000;
	s26 =	spop (v2sf);
	s25 =	sadd.s32 s1, s25  }
0xf3: {  	[tilespmem:s28], [sflag:$0x3] =	stream.linear.gather [hbm4b:s25+s3], $0x400, $0x38;
	[tilespmem:$0xD080] =	vst v63  }
0xf4: {  	(v2sf) =	vpush v4, $0x8;
	s25 =	sand.u32 $0x7FFFFC00, s26  }
0xf5: {  	s25 =	sadd.s32 s9, s25  }
0xf6: {  	s25 =	sshrl.u32 s25, $0x3  }
0xf7: {  	s25 =	sadd.s32 s1, s25  }
0xf8: {  	[tilespmem:s29], [sflag:$0x3] =	stream.linear.gather [hbm4b:s25+s3], $0x400, $0x38;
	[tilespmem:$0xD080] =	vst v63  }
0xf9: {  	s26 =	spop (v2sf)  }
0xfa: {  	s25 =	sand.u32 $0x7FFFFC00, s26  }
0xfb: {  	(v2sf) =	vpush v4, $0x9;
	s25 =	sadd.s32 s9, s25  }
0xfc: {  	s25 =	sshrl.u32 s25, $0x3  }
0xfd: {  	s25 =	sadd.s32 s1, s25  }
0xfe: {  	[tilespmem:s30], [sflag:$0x3] =	stream.linear.gather [hbm4b:s25+s3], $0x400, $0x38;
	[tilespmem:$0xD080] =	vst v63  }
0xff: {  	s26 =	spop (v2sf)  }
0x100: {  	s25 =	sand.u32 $0x7FFFFC00, s26  }
0x101: {  	(v2sf) =	vpush v4, $0xA;
	s25 =	sadd.s32 s9, s25  }
0x102: {  	s25 =	sshrl.u32 s25, $0x3  }
0x103: {  	s26 =	spop (v2sf);
	s25 =	sadd.s32 s1, s25  }
0x104: {  	[tilespmem:s31], [sflag:$0x3] =	stream.linear.gather [hbm4b:s25+s3], $0x400, $0x38;
	[tilespmem:$0xD080] =	vst v63  }
0x105: {  	s25 =	sand.u32 $0x7FFFFC00, s26  }
0x106: {  	s25 =	sadd.s32 s10, s25  }
0x107: {  	(v2sf) =	vpush v4, $0xB;
	s25 =	sshrl.u32 s25, $0x3  }
0x108: {  	s26 =	simm.s32 $0xB000;
	s25 =	sadd.s32 s1, s25  }
0x109: {  	[tilespmem:s26], [sflag:$0x3] =	stream.linear.gather [hbm4b:s25+s3], $0x400, $0x38;
	[tilespmem:$0xD080] =	vst v63  }
0x10a: {  	s26 =	spop (v2sf)  }
0x10b: {  	s25 =	sand.u32 $0x7FFFFC00, s26  }
0x10c: {  	s25 =	sadd.s32 s10, s25  }
0x10d: {  	(v2sf) =	vpush v4, $0xC;
	s25 =	sshrl.u32 s25, $0x3  }
0x10e: {  	s26 =	simm.s32 $0xB400;
	s25 =	sadd.s32 s1, s25  }
0x10f: {  	[tilespmem:s26], [sflag:$0x3] =	stream.linear.gather [hbm4b:s25+s3], $0x400, $0x38;
	[tilespmem:$0xD080] =	vst v63  }
0x110: {  	s26 =	spop (v2sf)  }
0x111: {  	s25 =	sand.u32 $0x7FFFFC00, s26  }
0x112: {  	s25 =	sadd.s32 s10, s25  }
0x113: {  	(v2sf) =	vpush v4, $0xD;
	s25 =	sshrl.u32 s25, $0x3  }
0x114: {  	s26 =	simm.s32 $0xB800;
	s25 =	sadd.s32 s1, s25  }
0x115: {  	[tilespmem:s26], [sflag:$0x3] =	stream.linear.gather [hbm4b:s25+s3], $0x400, $0x38;
	[tilespmem:$0xD080] =	vst v63  }
0x116: {  	s26 =	spop (v2sf)  }
0x117: {  	s25 =	sand.u32 $0x7FFFFC00, s26  }
0x118: {  	s25 =	sadd.s32 s10, s25  }
0x119: {  	(v2sf) =	vpush v4, $0xE;
	s25 =	sshrl.u32 s25, $0x3  }
0x11a: {  	s26 =	simm.s32 $0xBC00;
	s25 =	sadd.s32 s1, s25  }
0x11b: {  	[tilespmem:s26], [sflag:$0x3] =	stream.linear.gather [hbm4b:s25+s3], $0x400, $0x38;
	[tilespmem:$0xD080] =	vst v63  }
0x11c: {  	s26 =	spop (v2sf)  }
0x11d: {  	s25 =	sand.u32 $0x7FFFFC00, s26  }
0x11e: {  	s25 =	sadd.s32 s10, s25  }
0x11f: {  	(v2sf) =	vpush v4, $0xF;
	s25 =	sshrl.u32 s25, $0x3  }
0x120: {  	s26 =	simm.s32 $0xC000;
	s25 =	sadd.s32 s1, s25  }
0x121: {  	[tilespmem:s26], [sflag:$0x3] =	stream.linear.gather [hbm4b:s25+s3], $0x400, $0x38;
	[tilespmem:$0xD080] =	vst v63  }
0x122: {  	s26 =	spop (v2sf)  }
0x123: {  	s25 =	sand.u32 $0x7FFFFC00, s26  }
0x124: {  	s25 =	sadd.s32 s10, s25  }
0x125: {  	s25 =	sshrl.u32 s25, $0x3  }
0x126: {  	s26 =	simm.s32 $0xC400;
	s25 =	sadd.s32 s1, s25  }
0x127: {  	[tilespmem:s26], [sflag:$0x3] =	stream.linear.gather [hbm4b:s25+s3], $0x400, $0x38;
	[tilespmem:$0xD080] =	vst v63  }
0x128: {  	s26 =	spop (v2sf)  }
0x129: {  	s25 =	sand.u32 $0x7FFFFC00, s26  }
0x12a: {  	s25 =	sadd.s32 s10, s25  }
0x12b: {  	s25 =	sshrl.u32 s25, $0x3  }
0x12c: {  	s26 =	simm.s32 $0xC800;
	s25 =	sadd.s32 s1, s25  }
0x12d: {  	[tilespmem:s26], [sflag:$0x3] =	stream.linear.gather [hbm4b:s25+s3], $0x400, $0x38;
	[tilespmem:$0xD080] =	vst v63  }
0x12e: {  	s26 =	spop (v2sf)  }
0x12f: {  	s25 =	sand.u32 $0x7FFFFC00, s26  }
0x130: {  	s25 =	sadd.s32 s10, s25  }
0x131: {  	s25 =	sshrl.u32 s25, $0x3  }
0x132: {  	s26 =	simm.s32 $0xCC00;
	s25 =	sadd.s32 s1, s25  }
0x133: {  	[tilespmem:s26], [sflag:$0x3] =	stream.linear.gather [hbm4b:s25+s3], $0x400, $0x38;
	[tilespmem:$0xD080] =	vst v63  }
0x134: {  	_ =	swait.ge [sflag:s0], $0x400  }
0x135: {  	[sflag:s0] =	ssyncset.done $0x0  }
0x136: {  	[sflag:s0] =	ssyncadd.s32 $0xFFFFFC00  }
0x137: {  	_ =	swait.ge [sflag:s0], $0x400  }
0x138: {  	[sflag:s0] =	ssyncset.done $0x0  }
0x139: {  	[sflag:s0] =	ssyncadd.s32 $0xFFFFFC00  }
0x13a: {  	_ =	swait.ge [sflag:s0], $0x400  }
0x13b: {  	[sflag:s0] =	ssyncset.done $0x0  }
0x13c: {  	[sflag:s0] =	ssyncadd.s32 $0xFFFFFC00  }
0x13d: {  	_ =	swait.ge [sflag:s0], $0x400  }
0x13e: {  	[sflag:s0] =	ssyncset.done $0x0  }
0x13f: {  	[sflag:s0] =	ssyncadd.s32 $0xFFFFFC00  }
0x140: {  	_ =	swait.ge [sflag:s0], $0x400  }
0x141: {  	[sflag:s0] =	ssyncset.done $0x0  }
0x142: {  	[sflag:s0] =	ssyncadd.s32 $0xFFFFFC00  }
0x143: {  	_ =	swait.ge [sflag:s0], $0x400  }
0x144: {  	[sflag:s0] =	ssyncset.done $0x0  }
0x145: {  	[sflag:s0] =	ssyncadd.s32 $0xFFFFFC00  }
0x146: {  	_ =	swait.ge [sflag:s0], $0x400  }
0x147: {  	[sflag:s0] =	ssyncset.done $0x0  }
0x148: {  	[sflag:s0] =	ssyncadd.s32 $0xFFFFFC00  }
0x149: {  	_ =	swait.ge [sflag:s0], $0x400  }
0x14a: {  	[sflag:s0] =	ssyncset.done $0x0  }
0x14b: {  	[sflag:s0] =	ssyncadd.s32 $0xFFFFFC00  }
0x14c: {  	_ =	swait.ge [sflag:s0], $0x400  }
0x14d: {  	[sflag:s0] =	ssyncset.done $0x0  }
0x14e: {  	[sflag:s0] =	ssyncadd.s32 $0xFFFFFC00  }
0x14f: {  	_ =	swait.ge [sflag:s0], $0x400  }
0x150: {  	[sflag:s0] =	ssyncset.done $0x0  }
0x151: {  	[sflag:s0] =	ssyncadd.s32 $0xFFFFFC00  }
0x152: {  	_ =	swait.ge [sflag:s0], $0x400  }
0x153: {  	[sflag:s0] =	ssyncset.done $0x0  }
0x154: {  	[sflag:s0] =	ssyncadd.s32 $0xFFFFFC00  }
0x155: {  	_ =	swait.ge [sflag:s0], $0x400  }
0x156: {  	[sflag:s0] =	ssyncset.done $0x0  }
0x157: {  	[sflag:s0] =	ssyncadd.s32 $0xFFFFFC00  }
0x158: {  	_ =	swait.ge [sflag:s0], $0x400  }
0x159: {  	[sflag:s0] =	ssyncset.done $0x0  }
0x15a: {  	[sflag:s0] =	ssyncadd.s32 $0xFFFFFC00  }
0x15b: {  	_ =	swait.ge [sflag:s0], $0x400  }
0x15c: {  	[sflag:s0] =	ssyncset.done $0x0  }
0x15d: {  	[sflag:s0] =	ssyncadd.s32 $0xFFFFFC00  }
0x15e: {  	_ =	swait.ge [sflag:s0], $0x400  }
0x15f: {  	[sflag:s0] =	ssyncset.done $0x0  }
0x160: {  	[sflag:s0] =	ssyncadd.s32 $0xFFFFFC00  }
0x161: {  	_ =	swait.ge [sflag:s0], $0x400  }
0x162: {  	[sflag:s0] =	ssyncset.done $0x0  }
0x163: {  	[sflag:s0] =	ssyncadd.s32 $0xFFFFFC00  }
0x164: {  	v59 =	vld [tilespmem:s5+$0x30];
	_ =	sdelay $0x4  }
0x165: {  	v5 =	vshll.u32 v59, $0x3  }
0x166: {  	(v2sf) =	vpush v5, $0x0;
	_ =	sdelay $0x5  }
0x167: {  	(v2sf) =	vpush v5, $0x1;
	_ =	sdelay $0x5  }
0x168: {  	(v2sf) =	vpush v5, $0x2;
	_ =	sdelay $0x1  }
0x169: {  	v1 =	vand.u32 $0x7F, v1  }
0x16a: {  	v1 =	vor.u32 v0, v1;
	s25 =	spop (v2sf)  }
0x16b: {  	s25 =	sand.u32 $0x7FFFFC00, s25  }
0x16c: {  	s25 =	sadd.s32 s12, s25  }
0x16d: {  	(v2sf) =	vpush v5, $0x3;
	s25 =	sshrl.u32 s25, $0x3  }
0x16e: {  	s23 =	simm.s32 $0x1000;
	s25 =	sadd.s32 s1, s25  }
0x16f: {  	v1 =	vld.idx.msk [tilespmem:v1+s23+$0x0], $0xffff;
	[tilespmem:s23], [sflag:$0x1] =	stream.linear.gather [hbm4b:s25+s3], $0x400, $0x38  }
0x170: {  	s23 =	spop (v2sf)  }
0x171: {  	s25 =	sand.u32 $0x7FFFFC00, s23  }
0x172: {  	s25 =	sadd.s32 s12, s25  }
0x173: {  	(v2sf) =	vpush v5, $0x4;
	s25 =	sshrl.u32 s25, $0x3  }
0x174: {  	s23 =	simm.s32 $0x1400;
	s25 =	sadd.s32 s1, s25  }
0x175: {  	[tilespmem:s23], [sflag:$0x1] =	stream.linear.gather [hbm4b:s25+s3], $0x400, $0x38;
	[tilespmem:$0xD080] =	vst v63  }
0x176: {  	s23 =	spop (v2sf)  }
0x177: {  	s25 =	sand.u32 $0x7FFFFC00, s23  }
0x178: {  	s25 =	sadd.s32 s12, s25  }
0x179: {  	(v2sf) =	vpush v5, $0x5;
	s25 =	sshrl.u32 s25, $0x3  }
0x17a: {  	s23 =	simm.s32 $0x1800;
	s25 =	sadd.s32 s1, s25  }
0x17b: {  	[tilespmem:s23], [sflag:$0x1] =	stream.linear.gather [hbm4b:s25+s3], $0x400, $0x38;
	[tilespmem:$0xD080] =	vst v63  }
0x17c: {  	s23 =	spop (v2sf)  }
0x17d: {  	s25 =	sand.u32 $0x7FFFFC00, s23  }
0x17e: {  	s25 =	sadd.s32 s12, s25  }
0x17f: {  	(v2sf) =	vpush v5, $0x6;
	s25 =	sshrl.u32 s25, $0x3  }
0x180: {  	s23 =	simm.s32 $0x1C00;
	s25 =	sadd.s32 s1, s25  }
0x181: {  	[tilespmem:s23], [sflag:$0x1] =	stream.linear.gather [hbm4b:s25+s3], $0x400, $0x38;
	[tilespmem:$0xD080] =	vst v63  }
0x182: {  	s23 =	spop (v2sf)  }
0x183: {  	s25 =	sand.u32 $0x7FFFFC00, s23  }
0x184: {  	s25 =	sadd.s32 s12, s25  }
0x185: {  	(v2sf) =	vpush v5, $0x7;
	s25 =	sshrl.u32 s25, $0x3  }
0x186: {  	s23 =	simm.s32 $0x2000;
	s25 =	sadd.s32 s1, s25  }
0x187: {  	[tilespmem:s23], [sflag:$0x1] =	stream.linear.gather [hbm4b:s25+s3], $0x400, $0x38;
	[tilespmem:$0xD080] =	vst v63  }
0x188: {  	s23 =	spop (v2sf)  }
0x189: {  	s25 =	sand.u32 $0x7FFFFC00, s23  }
0x18a: {  	s25 =	sadd.s32 s12, s25  }
0x18b: {  	(v2sf) =	vpush v5, $0x8;
	s25 =	sshrl.u32 s25, $0x3  }
0x18c: {  	s23 =	simm.s32 $0x2400;
	s25 =	sadd.s32 s1, s25  }
0x18d: {  	[tilespmem:s23], [sflag:$0x1] =	stream.linear.gather [hbm4b:s25+s3], $0x400, $0x38;
	[tilespmem:$0xD080] =	vst v63  }
0x18e: {  	s23 =	spop (v2sf)  }
0x18f: {  	s25 =	sand.u32 $0x7FFFFC00, s23  }
0x190: {  	s25 =	sadd.s32 s12, s25  }
0x191: {  	(v2sf) =	vpush v5, $0x9;
	s25 =	sshrl.u32 s25, $0x3  }
0x192: {  	s23 =	simm.s32 $0x2800;
	s25 =	sadd.s32 s1, s25  }
0x193: {  	[tilespmem:s23], [sflag:$0x1] =	stream.linear.gather [hbm4b:s25+s3], $0x400, $0x38;
	[tilespmem:$0xD080] =	vst v63  }
0x194: {  	s23 =	spop (v2sf)  }
0x195: {  	s25 =	sand.u32 $0x7FFFFC00, s23  }
0x196: {  	s25 =	sadd.s32 s12, s25  }
0x197: {  	(v2sf) =	vpush v5, $0xA;
	s25 =	sshrl.u32 s25, $0x3  }
0x198: {  	s23 =	simm.s32 $0x2C00;
	s25 =	sadd.s32 s1, s25  }
0x199: {  	[tilespmem:s23], [sflag:$0x1] =	stream.linear.gather [hbm4b:s25+s3], $0x400, $0x38;
	[tilespmem:$0xD080] =	vst v63  }
0x19a: {  	s23 =	spop (v2sf)  }
0x19b: {  	s25 =	sand.u32 $0x7FFFFC00, s23  }
0x19c: {  	s25 =	sadd.s32 s11, s25  }
0x19d: {  	(v2sf) =	vpush v5, $0xB;
	s25 =	sshrl.u32 s25, $0x3  }
0x19e: {  	s23 =	simm.s32 $0x3000;
	s25 =	sadd.s32 s1, s25  }
0x19f: {  	[tilespmem:s23], [sflag:$0x1] =	stream.linear.gather [hbm4b:s25+s3], $0x400, $0x38;
	[tilespmem:$0xD080] =	vst v63  }
0x1a0: {  	s23 =	spop (v2sf)  }
0x1a1: {  	s25 =	sand.u32 $0x7FFFFC00, s23  }
0x1a2: {  	s25 =	sadd.s32 s11, s25  }
0x1a3: {  	(v2sf) =	vpush v5, $0xC;
	s25 =	sshrl.u32 s25, $0x3  }
0x1a4: {  	s23 =	simm.s32 $0x3400;
	s25 =	sadd.s32 s1, s25  }
0x1a5: {  	[tilespmem:s23], [sflag:$0x1] =	stream.linear.gather [hbm4b:s25+s3], $0x400, $0x38;
	[tilespmem:$0xD080] =	vst v63  }
0x1a6: {  	s23 =	spop (v2sf)  }
0x1a7: {  	s25 =	sand.u32 $0x7FFFFC00, s23  }
0x1a8: {  	s25 =	sadd.s32 s11, s25  }
0x1a9: {  	(v2sf) =	vpush v5, $0xD;
	s25 =	sshrl.u32 s25, $0x3  }
0x1aa: {  	s23 =	simm.s32 $0x3800;
	s25 =	sadd.s32 s1, s25  }
0x1ab: {  	[tilespmem:s23], [sflag:$0x1] =	stream.linear.gather [hbm4b:s25+s3], $0x400, $0x38;
	[tilespmem:$0xD080] =	vst v63  }
0x1ac: {  	s23 =	spop (v2sf)  }
0x1ad: {  	s25 =	sand.u32 $0x7FFFFC00, s23  }
0x1ae: {  	s25 =	sadd.s32 s11, s25  }
0x1af: {  	(v2sf) =	vpush v5, $0xE;
	s25 =	sshrl.u32 s25, $0x3  }
0x1b0: {  	s23 =	simm.s32 $0x3C00;
	s25 =	sadd.s32 s1, s25  }
0x1b1: {  	[tilespmem:s23], [sflag:$0x1] =	stream.linear.gather [hbm4b:s25+s3], $0x400, $0x38;
	[tilespmem:$0xD080] =	vst v63  }
0x1b2: {  	s23 =	spop (v2sf)  }
0x1b3: {  	s25 =	sand.u32 $0x7FFFFC00, s23  }
0x1b4: {  	s25 =	sadd.s32 s11, s25  }
0x1b5: {  	(v2sf) =	vpush v5, $0xF;
	s25 =	sshrl.u32 s25, $0x3  }
0x1b6: {  	s23 =	simm.s32 $0x4000;
	s25 =	sadd.s32 s1, s25  }
0x1b7: {  	[tilespmem:s23], [sflag:$0x1] =	stream.linear.gather [hbm4b:s25+s3], $0x400, $0x38;
	[tilespmem:$0xD080] =	vst v63  }
0x1b8: {  	s23 =	spop (v2sf)  }
0x1b9: {  	s25 =	sand.u32 $0x7FFFFC00, s23  }
0x1ba: {  	s25 =	sadd.s32 s11, s25  }
0x1bb: {  	s25 =	sshrl.u32 s25, $0x3  }
0x1bc: {  	s23 =	simm.s32 $0x4400;
	s25 =	sadd.s32 s1, s25  }
0x1bd: {  	[tilespmem:s23], [sflag:$0x1] =	stream.linear.gather [hbm4b:s25+s3], $0x400, $0x38;
	[tilespmem:$0xD080] =	vst v63  }
0x1be: {  	s23 =	spop (v2sf)  }
0x1bf: {  	s25 =	sand.u32 $0x7FFFFC00, s23  }
0x1c0: {  	s25 =	sadd.s32 s11, s25  }
0x1c1: {  	s25 =	sshrl.u32 s25, $0x3  }
0x1c2: {  	s23 =	simm.s32 $0x4800;
	s25 =	sadd.s32 s1, s25  }
0x1c3: {  	[tilespmem:s23], [sflag:$0x1] =	stream.linear.gather [hbm4b:s25+s3], $0x400, $0x38;
	[tilespmem:$0xD080] =	vst v63  }
0x1c4: {  	s23 =	spop (v2sf)  }
0x1c5: {  	s25 =	sand.u32 $0x7FFFFC00, s23  }
0x1c6: {  	s25 =	sadd.s32 s11, s25  }
0x1c7: {  	s25 =	sshrl.u32 s25, $0x3  }
0x1c8: {  	s23 =	simm.s32 $0x4C00;
	s25 =	sadd.s32 s1, s25  }
0x1c9: {  	[tilespmem:s23], [sflag:$0x1] =	stream.linear.gather [hbm4b:s25+s3], $0x400, $0x38;
	[tilespmem:$0xD080] =	vst v63  }
0x1ca: {  	_ =	swait.ge [sflag:s2], $0x400  }
0x1cb: {  	[sflag:s2] =	ssyncset.done $0x0  }
0x1cc: {  	[sflag:s2] =	ssyncadd.s32 $0xFFFFFC00  }
0x1cd: {  	_ =	swait.ge [sflag:s2], $0x400  }
0x1ce: {  	[sflag:s2] =	ssyncset.done $0x0  }
0x1cf: {  	[sflag:s2] =	ssyncadd.s32 $0xFFFFFC00  }
0x1d0: {  	_ =	swait.ge [sflag:s2], $0x400  }
0x1d1: {  	[sflag:s2] =	ssyncset.done $0x0  }
0x1d2: {  	[sflag:s2] =	ssyncadd.s32 $0xFFFFFC00  }
0x1d3: {  	_ =	swait.ge [sflag:s2], $0x400  }
0x1d4: {  	[sflag:s2] =	ssyncset.done $0x0  }
0x1d5: {  	[sflag:s2] =	ssyncadd.s32 $0xFFFFFC00  }
0x1d6: {  	_ =	swait.ge [sflag:s2], $0x400  }
0x1d7: {  	[sflag:s2] =	ssyncset.done $0x0  }
0x1d8: {  	[sflag:s2] =	ssyncadd.s32 $0xFFFFFC00  }
0x1d9: {  	_ =	swait.ge [sflag:s2], $0x400  }
0x1da: {  	[sflag:s2] =	ssyncset.done $0x0  }
0x1db: {  	[sflag:s2] =	ssyncadd.s32 $0xFFFFFC00  }
0x1dc: {  	_ =	swait.ge [sflag:s2], $0x400  }
0x1dd: {  	[sflag:s2] =	ssyncset.done $0x0  }
0x1de: {  	[sflag:s2] =	ssyncadd.s32 $0xFFFFFC00  }
0x1df: {  	_ =	swait.ge [sflag:s2], $0x400  }
0x1e0: {  	[sflag:s2] =	ssyncset.done $0x0  }
0x1e1: {  	[sflag:s2] =	ssyncadd.s32 $0xFFFFFC00  }
0x1e2: {  	_ =	swait.ge [sflag:s2], $0x400  }
0x1e3: {  	[sflag:s2] =	ssyncset.done $0x0  }
0x1e4: {  	[sflag:s2] =	ssyncadd.s32 $0xFFFFFC00  }
0x1e5: {  	_ =	swait.ge [sflag:s2], $0x400  }
0x1e6: {  	[sflag:s2] =	ssyncset.done $0x0  }
0x1e7: {  	[sflag:s2] =	ssyncadd.s32 $0xFFFFFC00  }
0x1e8: {  	_ =	swait.ge [sflag:s2], $0x400  }
0x1e9: {  	[sflag:s2] =	ssyncset.done $0x0  }
0x1ea: {  	[sflag:s2] =	ssyncadd.s32 $0xFFFFFC00  }
0x1eb: {  	_ =	swait.ge [sflag:s2], $0x400  }
0x1ec: {  	[sflag:s2] =	ssyncset.done $0x0  }
0x1ed: {  	[sflag:s2] =	ssyncadd.s32 $0xFFFFFC00  }
0x1ee: {  	_ =	swait.ge [sflag:s2], $0x400  }
0x1ef: {  	[sflag:s2] =	ssyncset.done $0x0  }
0x1f0: {  	[sflag:s2] =	ssyncadd.s32 $0xFFFFFC00  }
0x1f1: {  	_ =	swait.ge [sflag:s2], $0x400  }
0x1f2: {  	[sflag:s2] =	ssyncset.done $0x0  }
0x1f3: {  	[sflag:s2] =	ssyncadd.s32 $0xFFFFFC00  }
0x1f4: {  	_ =	swait.ge [sflag:s2], $0x400  }
0x1f5: {  	[sflag:s2] =	ssyncset.done $0x0  }
0x1f6: {  	[sflag:s2] =	ssyncadd.s32 $0xFFFFFC00  }
0x1f7: {  	_ =	swait.ge [sflag:s2], $0x400  }
0x1f8: {  	[sflag:s2] =	ssyncset.done $0x0  }
0x1f9: {  	[sflag:s2] =	ssyncadd.s32 $0xFFFFFC00  }
0x1fa: {  	v60 =	vld [tilespmem:s5+$0x40];
	_ =	sdelay $0x4  }
0x1fb: {  	v6 =	vshll.u32 v60, $0x3  }
0x1fc: {  	(v2sf) =	vpush v6, $0x0;
	_ =	sdelay $0x5  }
0x1fd: {  	(v2sf) =	vpush v6, $0x1;
	_ =	sdelay $0x3  }
0x1fe: {  	(v2sf) =	vpush v6, $0x2;
	_ =	sdelay $0x3  }
0x1ff: {  	v2 =	vand.u32 $0x7F, v2  }
0x200: {  	v2 =	vor.u32 v0, v2;
	s23 =	spop (v2sf)  }
0x201: {  	s25 =	sand.u32 $0x7FFFFC00, s23  }
0x202: {  	(v2sf) =	vpush v6, $0x3;
	s25 =	sadd.s32 s13, s25  }
0x203: {  	s25 =	sshrl.u32 s25, $0x3  }
0x204: {  	s25 =	sadd.s32 s1, s25  }
0x205: {  	v2 =	vld.idx.msk [tilespmem:v2+s22+$0x0], $0xffff;
	[tilespmem:s22], [sflag:$0x2] =	stream.linear.gather [hbm4b:s25+s3], $0x400, $0x38  }
0x206: {  	s22 =	spop (v2sf)  }
0x207: {  	s25 =	sand.u32 $0x7FFFFC00, s22  }
0x208: {  	(v2sf) =	vpush v6, $0x4;
	s25 =	sadd.s32 s13, s25  }
0x209: {  	s25 =	sshrl.u32 s25, $0x3  }
0x20a: {  	s23 =	simm.s32 $0x5400;
	s22 =	spop (v2sf);
	s25 =	sadd.s32 s1, s25  }
0x20b: {  	[tilespmem:s23], [sflag:$0x2] =	stream.linear.gather [hbm4b:s25+s3], $0x400, $0x38;
	[tilespmem:$0xD080] =	vst v63  }
0x20c: {  	(v2sf) =	vpush v6, $0x5;
	s25 =	sand.u32 $0x7FFFFC00, s22  }
0x20d: {  	s25 =	sadd.s32 s13, s25  }
0x20e: {  	s25 =	sshrl.u32 s25, $0x3  }
0x20f: {  	s23 =	simm.s32 $0x5800;
	s25 =	sadd.s32 s1, s25  }
0x210: {  	[tilespmem:s23], [sflag:$0x2] =	stream.linear.gather [hbm4b:s25+s3], $0x400, $0x38;
	[tilespmem:$0xD080] =	vst v63  }
0x211: {  	s22 =	spop (v2sf)  }
0x212: {  	s25 =	sand.u32 $0x7FFFFC00, s22  }
0x213: {  	(v2sf) =	vpush v6, $0x6;
	s25 =	sadd.s32 s13, s25  }
0x214: {  	s25 =	sshrl.u32 s25, $0x3  }
0x215: {  	s23 =	simm.s32 $0x5C00;
	s25 =	sadd.s32 s1, s25  }
0x216: {  	[tilespmem:s23], [sflag:$0x2] =	stream.linear.gather [hbm4b:s25+s3], $0x400, $0x38;
	[tilespmem:$0xD080] =	vst v63  }
0x217: {  	s22 =	spop (v2sf)  }
0x218: {  	s25 =	sand.u32 $0x7FFFFC00, s22  }
0x219: {  	(v2sf) =	vpush v6, $0x7;
	s25 =	sadd.s32 s13, s25  }
0x21a: {  	s25 =	sshrl.u32 s25, $0x3  }
0x21b: {  	s23 =	simm.s32 $0x6000;
	s22 =	spop (v2sf);
	s25 =	sadd.s32 s1, s25  }
0x21c: {  	[tilespmem:s23], [sflag:$0x2] =	stream.linear.gather [hbm4b:s25+s3], $0x400, $0x38;
	[tilespmem:$0xD080] =	vst v63  }
0x21d: {  	(v2sf) =	vpush v6, $0x8;
	s25 =	sand.u32 $0x7FFFFC00, s22  }
0x21e: {  	s25 =	sadd.s32 s13, s25  }
0x21f: {  	s25 =	sshrl.u32 s25, $0x3  }
0x220: {  	s23 =	simm.s32 $0x6400;
	s25 =	sadd.s32 s1, s25  }
0x221: {  	[tilespmem:s23], [sflag:$0x2] =	stream.linear.gather [hbm4b:s25+s3], $0x400, $0x38;
	[tilespmem:$0xD080] =	vst v63  }
0x222: {  	s22 =	spop (v2sf)  }
0x223: {  	s25 =	sand.u32 $0x7FFFFC00, s22  }
0x224: {  	(v2sf) =	vpush v6, $0x9;
	s25 =	sadd.s32 s13, s25  }
0x225: {  	s25 =	sshrl.u32 s25, $0x3  }
0x226: {  	s23 =	simm.s32 $0x6800;
	s25 =	sadd.s32 s1, s25  }
0x227: {  	[tilespmem:s23], [sflag:$0x2] =	stream.linear.gather [hbm4b:s25+s3], $0x400, $0x38;
	[tilespmem:$0xD080] =	vst v63  }
0x228: {  	s22 =	spop (v2sf)  }
0x229: {  	s25 =	sand.u32 $0x7FFFFC00, s22  }
0x22a: {  	(v2sf) =	vpush v6, $0xA;
	s25 =	sadd.s32 s13, s25  }
0x22b: {  	s25 =	sshrl.u32 s25, $0x3  }
0x22c: {  	s23 =	simm.s32 $0x6C00;
	s22 =	spop (v2sf);
	s25 =	sadd.s32 s1, s25  }
0x22d: {  	[tilespmem:s23], [sflag:$0x2] =	stream.linear.gather [hbm4b:s25+s3], $0x400, $0x38;
	[tilespmem:$0xD080] =	vst v63  }
0x22e: {  	(v2sf) =	vpush v6, $0xB;
	s25 =	sand.u32 $0x7FFFFC00, s22  }
0x22f: {  	s25 =	sadd.s32 s14, s25  }
0x230: {  	s25 =	sshrl.u32 s25, $0x3  }
0x231: {  	s23 =	simm.s32 $0x7000;
	s25 =	sadd.s32 s1, s25  }
0x232: {  	[tilespmem:s23], [sflag:$0x2] =	stream.linear.gather [hbm4b:s25+s3], $0x400, $0x38;
	[tilespmem:$0xD080] =	vst v63  }
0x233: {  	s22 =	spop (v2sf)  }
0x234: {  	s25 =	sand.u32 $0x7FFFFC00, s22  }
0x235: {  	(v2sf) =	vpush v6, $0xC;
	s25 =	sadd.s32 s14, s25  }
0x236: {  	s25 =	sshrl.u32 s25, $0x3  }
0x237: {  	s23 =	simm.s32 $0x7400;
	s25 =	sadd.s32 s1, s25  }
0x238: {  	[tilespmem:s23], [sflag:$0x2] =	stream.linear.gather [hbm4b:s25+s3], $0x400, $0x38;
	[tilespmem:$0xD080] =	vst v63  }
0x239: {  	s22 =	spop (v2sf)  }
0x23a: {  	s25 =	sand.u32 $0x7FFFFC00, s22  }
0x23b: {  	(v2sf) =	vpush v6, $0xD;
	s25 =	sadd.s32 s14, s25  }
0x23c: {  	s25 =	sshrl.u32 s25, $0x3  }
0x23d: {  	s23 =	simm.s32 $0x7800;
	s22 =	spop (v2sf);
	s25 =	sadd.s32 s1, s25  }
0x23e: {  	[tilespmem:s23], [sflag:$0x2] =	stream.linear.gather [hbm4b:s25+s3], $0x400, $0x38;
	[tilespmem:$0xD080] =	vst v63  }
0x23f: {  	(v2sf) =	vpush v6, $0xE;
	s25 =	sand.u32 $0x7FFFFC00, s22  }
0x240: {  	s25 =	sadd.s32 s14, s25  }
0x241: {  	s25 =	sshrl.u32 s25, $0x3  }
0x242: {  	s23 =	simm.s32 $0x7C00;
	s25 =	sadd.s32 s1, s25  }
0x243: {  	[tilespmem:s23], [sflag:$0x2] =	stream.linear.gather [hbm4b:s25+s3], $0x400, $0x38;
	[tilespmem:$0xD080] =	vst v63  }
0x244: {  	s22 =	spop (v2sf)  }
0x245: {  	s25 =	sand.u32 $0x7FFFFC00, s22  }
0x246: {  	(v2sf) =	vpush v6, $0xF;
	s25 =	sadd.s32 s14, s25  }
0x247: {  	s25 =	sshrl.u32 s25, $0x3  }
0x248: {  	s23 =	simm.s32 $0x8000;
	s25 =	sadd.s32 s1, s25  }
0x249: {  	[tilespmem:s23], [sflag:$0x2] =	stream.linear.gather [hbm4b:s25+s3], $0x400, $0x38;
	[tilespmem:$0xD080] =	vst v63  }
0x24a: {  	s22 =	spop (v2sf)  }
0x24b: {  	s25 =	sand.u32 $0x7FFFFC00, s22  }
0x24c: {  	s25 =	sadd.s32 s14, s25  }
0x24d: {  	s25 =	sshrl.u32 s25, $0x3  }
0x24e: {  	s23 =	simm.s32 $0x8400;
	s22 =	spop (v2sf);
	s25 =	sadd.s32 s1, s25  }
0x24f: {  	[tilespmem:s23], [sflag:$0x2] =	stream.linear.gather [hbm4b:s25+s3], $0x400, $0x38;
	[tilespmem:$0xD080] =	vst v63  }
0x250: {  	s25 =	sand.u32 $0x7FFFFC00, s22  }
0x251: {  	s25 =	sadd.s32 s14, s25  }
0x252: {  	s25 =	sshrl.u32 s25, $0x3  }
0x253: {  	s23 =	simm.s32 $0x8800;
	s25 =	sadd.s32 s1, s25  }
0x254: {  	[tilespmem:s23], [sflag:$0x2] =	stream.linear.gather [hbm4b:s25+s3], $0x400, $0x38;
	[tilespmem:$0xD080] =	vst v63  }
0x255: {  	s22 =	spop (v2sf)  }
0x256: {  	s25 =	sand.u32 $0x7FFFFC00, s22  }
0x257: {  	s25 =	sadd.s32 s14, s25  }
0x258: {  	s25 =	sshrl.u32 s25, $0x3  }
0x259: {  	s23 =	simm.s32 $0x8C00;
	s25 =	sadd.s32 s1, s25  }
0x25a: {  	[tilespmem:s23], [sflag:$0x2] =	stream.linear.gather [hbm4b:s25+s3], $0x400, $0x38;
	[tilespmem:$0xD080] =	vst v63  }
0x25b: {  	_ =	swait.ge [sflag:s24], $0x400  }
0x25c: {  	[sflag:s24] =	ssyncset.done $0x0  }
0x25d: {  	[sflag:s24] =	ssyncadd.s32 $0xFFFFFC00  }
0x25e: {  	_ =	swait.ge [sflag:s24], $0x400  }
0x25f: {  	[sflag:s24] =	ssyncset.done $0x0  }
0x260: {  	[sflag:s24] =	ssyncadd.s32 $0xFFFFFC00  }
0x261: {  	_ =	swait.ge [sflag:s24], $0x400  }
0x262: {  	[sflag:s24] =	ssyncset.done $0x0  }
0x263: {  	[sflag:s24] =	ssyncadd.s32 $0xFFFFFC00  }
0x264: {  	_ =	swait.ge [sflag:s24], $0x400  }
0x265: {  	[sflag:s24] =	ssyncset.done $0x0  }
0x266: {  	[sflag:s24] =	ssyncadd.s32 $0xFFFFFC00  }
0x267: {  	_ =	swait.ge [sflag:s24], $0x400  }
0x268: {  	[sflag:s24] =	ssyncset.done $0x0  }
0x269: {  	[sflag:s24] =	ssyncadd.s32 $0xFFFFFC00  }
0x26a: {  	_ =	swait.ge [sflag:s24], $0x400  }
0x26b: {  	[sflag:s24] =	ssyncset.done $0x0  }
0x26c: {  	[sflag:s24] =	ssyncadd.s32 $0xFFFFFC00  }
0x26d: {  	_ =	swait.ge [sflag:s24], $0x400  }
0x26e: {  	[sflag:s24] =	ssyncset.done $0x0  }
0x26f: {  	[sflag:s24] =	ssyncadd.s32 $0xFFFFFC00  }
0x270: {  	_ =	swait.ge [sflag:s24], $0x400  }
0x271: {  	[sflag:s24] =	ssyncset.done $0x0  }
0x272: {  	[sflag:s24] =	ssyncadd.s32 $0xFFFFFC00  }
0x273: {  	_ =	swait.ge [sflag:s24], $0x400  }
0x274: {  	[sflag:s24] =	ssyncset.done $0x0  }
0x275: {  	[sflag:s24] =	ssyncadd.s32 $0xFFFFFC00  }
0x276: {  	_ =	swait.ge [sflag:s24], $0x400  }
0x277: {  	[sflag:s24] =	ssyncset.done $0x0  }
0x278: {  	[sflag:s24] =	ssyncadd.s32 $0xFFFFFC00  }
0x279: {  	_ =	swait.ge [sflag:s24], $0x400  }
0x27a: {  	[sflag:s24] =	ssyncset.done $0x0  }
0x27b: {  	[sflag:s24] =	ssyncadd.s32 $0xFFFFFC00  }
0x27c: {  	_ =	swait.ge [sflag:s24], $0x400  }
0x27d: {  	[sflag:s24] =	ssyncset.done $0x0  }
0x27e: {  	[sflag:s24] =	ssyncadd.s32 $0xFFFFFC00  }
0x27f: {  	_ =	swait.ge [sflag:s24], $0x400  }
0x280: {  	[sflag:s24] =	ssyncset.done $0x0  }
0x281: {  	[sflag:s24] =	ssyncadd.s32 $0xFFFFFC00  }
0x282: {  	_ =	swait.ge [sflag:s24], $0x400  }
0x283: {  	[sflag:s24] =	ssyncset.done $0x0  }
0x284: {  	[sflag:s24] =	ssyncadd.s32 $0xFFFFFC00  }
0x285: {  	_ =	swait.ge [sflag:s24], $0x400  }
0x286: {  	[sflag:s24] =	ssyncset.done $0x0  }
0x287: {  	[sflag:s24] =	ssyncadd.s32 $0xFFFFFC00  }
0x288: {  	_ =	swait.ge [sflag:s24], $0x400  }
0x289: {  	[sflag:s24] =	ssyncset.done $0x0  }
0x28a: {  	[sflag:s24] =	ssyncadd.s32 $0xFFFFFC00  }
0x28b: {  	v61 =	vld [tilespmem:s5+$0x50];
	_ =	sdelay $0x4  }
0x28c: {  	v7 =	vshll.u32 v61, $0x3  }
0x28d: {  	(v2sf) =	vpush v7, $0x0;
	_ =	sdelay $0x3  }
0x28e: {  	(v2sf) =	vpush v7, $0x1;
	_ =	sdelay $0x4  }
0x28f: {  	(v2sf) =	vpush v7, $0x2;
	_ =	sdelay $0x4  }
0x290: {  	v3 =	vand.u32 $0x7F, v3  }
0x291: {  	v3 =	vor.u32 v0, v3;
	s22 =	spop (v2sf)  }
0x292: {  	(v2sf) =	vpush v7, $0x3;
	s25 =	sand.u32 $0x7FFFFC00, s22  }
0x293: {  	s25 =	sadd.s32 s15, s25  }
0x294: {  	s25 =	sshrl.u32 s25, $0x3  }
0x295: {  	s23 =	simm.s32 $0x9000;
	s22 =	spop (v2sf);
	s25 =	sadd.s32 s1, s25  }
0x296: {  	v3 =	vld.idx.msk [tilespmem:v3+s23+$0x0], $0xffff;
	(v2sf) =	vpush v7, $0x4;
	[tilespmem:s23], [sflag:$0x3] =	stream.linear.gather [hbm4b:s25+s3], $0x400, $0x38  }
0x297: {  	s25 =	sand.u32 $0x7FFFFC00, s22  }
0x298: {  	s25 =	sadd.s32 s15, s25  }
0x299: {  	s25 =	sshrl.u32 s25, $0x3  }
0x29a: {  	s23 =	simm.s32 $0x9400;
	s22 =	spop (v2sf);
	s25 =	sadd.s32 s1, s25  }
0x29b: {  	(v2sf) =	vpush v7, $0x5;
	[tilespmem:s23], [sflag:$0x3] =	stream.linear.gather [hbm4b:s25+s3], $0x400, $0x38;
	[tilespmem:$0xD080] =	vst v63  }
0x29c: {  	s25 =	sand.u32 $0x7FFFFC00, s22  }
0x29d: {  	s25 =	sadd.s32 s15, s25  }
0x29e: {  	s25 =	sshrl.u32 s25, $0x3  }
0x29f: {  	s23 =	simm.s32 $0x9800;
	s25 =	sadd.s32 s1, s25  }
0x2a0: {  	[tilespmem:s23], [sflag:$0x3] =	stream.linear.gather [hbm4b:s25+s3], $0x400, $0x38;
	[tilespmem:$0xD080] =	vst v63  }
0x2a1: {  	s22 =	spop (v2sf)  }
0x2a2: {  	(v2sf) =	vpush v7, $0x6;
	s25 =	sand.u32 $0x7FFFFC00, s22  }
0x2a3: {  	s25 =	sadd.s32 s15, s25  }
0x2a4: {  	s25 =	sshrl.u32 s25, $0x3  }
0x2a5: {  	s23 =	simm.s32 $0x9C00;
	s22 =	spop (v2sf);
	s25 =	sadd.s32 s1, s25  }
0x2a6: {  	(v2sf) =	vpush v7, $0x7;
	[tilespmem:s23], [sflag:$0x3] =	stream.linear.gather [hbm4b:s25+s3], $0x400, $0x38;
	[tilespmem:$0xD080] =	vst v63  }
0x2a7: {  	s25 =	sand.u32 $0x7FFFFC00, s22  }
0x2a8: {  	s25 =	sadd.s32 s15, s25  }
0x2a9: {  	s25 =	sshrl.u32 s25, $0x3  }
0x2aa: {  	s23 =	spop (v2sf);
	s25 =	sadd.s32 s1, s25  }
0x2ab: {  	(v2sf) =	vpush v7, $0x8;
	[tilespmem:s28], [sflag:$0x3] =	stream.linear.gather [hbm4b:s25+s3], $0x400, $0x38;
	[tilespmem:$0xD080] =	vst v63  }
0x2ac: {  	s25 =	sand.u32 $0x7FFFFC00, s23  }
0x2ad: {  	s25 =	sadd.s32 s15, s25  }
0x2ae: {  	s25 =	sshrl.u32 s25, $0x3  }
0x2af: {  	s25 =	sadd.s32 s1, s25  }
0x2b0: {  	[tilespmem:s29], [sflag:$0x3] =	stream.linear.gather [hbm4b:s25+s3], $0x400, $0x38;
	[tilespmem:$0xD080] =	vst v63  }
0x2b1: {  	s28 =	spop (v2sf)  }
0x2b2: {  	(v2sf) =	vpush v7, $0x9;
	s25 =	sand.u32 $0x7FFFFC00, s28  }
0x2b3: {  	s25 =	sadd.s32 s15, s25  }
0x2b4: {  	s25 =	sshrl.u32 s25, $0x3  }
0x2b5: {  	s22 =	spop (v2sf);
	s25 =	sadd.s32 s1, s25  }
0x2b6: {  	(v2sf) =	vpush v7, $0xA;
	[tilespmem:s30], [sflag:$0x3] =	stream.linear.gather [hbm4b:s25+s3], $0x400, $0x38;
	[tilespmem:$0xD080] =	vst v63  }
0x2b7: {  	s25 =	sand.u32 $0x7FFFFC00, s22  }
0x2b8: {  	s25 =	sadd.s32 s15, s25  }
0x2b9: {  	s25 =	sshrl.u32 s25, $0x3  }
0x2ba: {  	s23 =	spop (v2sf);
	s25 =	sadd.s32 s1, s25  }
0x2bb: {  	(v2sf) =	vpush v7, $0xB;
	[tilespmem:s31], [sflag:$0x3] =	stream.linear.gather [hbm4b:s25+s3], $0x400, $0x38;
	[tilespmem:$0xD080] =	vst v63  }
0x2bc: {  	s25 =	sand.u32 $0x7FFFFC00, s23  }
0x2bd: {  	s25 =	sadd.s32 s16, s25  }
0x2be: {  	s25 =	sshrl.u32 s25, $0x3  }
0x2bf: {  	s28 =	simm.s32 $0xB000;
	s25 =	sadd.s32 s1, s25  }
0x2c0: {  	[tilespmem:s28], [sflag:$0x3] =	stream.linear.gather [hbm4b:s25+s3], $0x400, $0x38;
	[tilespmem:$0xD080] =	vst v63  }
0x2c1: {  	s23 =	spop (v2sf)  }
0x2c2: {  	(v2sf) =	vpush v7, $0xC;
	s25 =	sand.u32 $0x7FFFFC00, s23  }
0x2c3: {  	s25 =	sadd.s32 s16, s25  }
0x2c4: {  	s25 =	sshrl.u32 s25, $0x3  }
0x2c5: {  	s28 =	simm.s32 $0xB400;
	s23 =	spop (v2sf);
	s25 =	sadd.s32 s1, s25  }
0x2c6: {  	(v2sf) =	vpush v7, $0xD;
	[tilespmem:s28], [sflag:$0x3] =	stream.linear.gather [hbm4b:s25+s3], $0x400, $0x38;
	[tilespmem:$0xD080] =	vst v63  }
0x2c7: {  	s25 =	sand.u32 $0x7FFFFC00, s23  }
0x2c8: {  	s25 =	sadd.s32 s16, s25  }
0x2c9: {  	s25 =	sshrl.u32 s25, $0x3  }
0x2ca: {  	s28 =	simm.s32 $0xB800;
	s23 =	spop (v2sf);
	s25 =	sadd.s32 s1, s25  }
0x2cb: {  	(v2sf) =	vpush v7, $0xE;
	[tilespmem:s28], [sflag:$0x3] =	stream.linear.gather [hbm4b:s25+s3], $0x400, $0x38;
	[tilespmem:$0xD080] =	vst v63  }
0x2cc: {  	s25 =	sand.u32 $0x7FFFFC00, s23  }
0x2cd: {  	s25 =	sadd.s32 s16, s25  }
0x2ce: {  	s25 =	sshrl.u32 s25, $0x3  }
0x2cf: {  	s28 =	simm.s32 $0xBC00;
	s25 =	sadd.s32 s1, s25  }
0x2d0: {  	[tilespmem:s28], [sflag:$0x3] =	stream.linear.gather [hbm4b:s25+s3], $0x400, $0x38;
	[tilespmem:$0xD080] =	vst v63  }
0x2d1: {  	s23 =	spop (v2sf)  }
0x2d2: {  	(v2sf) =	vpush v7, $0xF;
	s25 =	sand.u32 $0x7FFFFC00, s23  }
0x2d3: {  	s25 =	sadd.s32 s16, s25  }
0x2d4: {  	s25 =	sshrl.u32 s25, $0x3  }
0x2d5: {  	s28 =	simm.s32 $0xC000;
	s23 =	spop (v2sf);
	s25 =	sadd.s32 s1, s25  }
0x2d6: {  	[tilespmem:s28], [sflag:$0x3] =	stream.linear.gather [hbm4b:s25+s3], $0x400, $0x38;
	[tilespmem:$0xD080] =	vst v63  }
0x2d7: {  	s25 =	sand.u32 $0x7FFFFC00, s23  }
0x2d8: {  	s25 =	sadd.s32 s16, s25  }
0x2d9: {  	s25 =	sshrl.u32 s25, $0x3  }
0x2da: {  	s28 =	simm.s32 $0xC400;
	s22 =	spop (v2sf);
	s25 =	sadd.s32 s1, s25  }
0x2db: {  	[tilespmem:s28], [sflag:$0x3] =	stream.linear.gather [hbm4b:s25+s3], $0x400, $0x38;
	[tilespmem:$0xD080] =	vst v63  }
0x2dc: {  	s25 =	sand.u32 $0x7FFFFC00, s22  }
0x2dd: {  	s25 =	sadd.s32 s16, s25  }
0x2de: {  	s25 =	sshrl.u32 s25, $0x3  }
0x2df: {  	s23 =	simm.s32 $0xC800;
	s25 =	sadd.s32 s1, s25  }
0x2e0: {  	[tilespmem:s23], [sflag:$0x3] =	stream.linear.gather [hbm4b:s25+s3], $0x400, $0x38;
	[tilespmem:$0xD080] =	vst v63  }
0x2e1: {  	s28 =	spop (v2sf)  }
0x2e2: {  	s25 =	sand.u32 $0x7FFFFC00, s28  }
0x2e3: {  	s25 =	sadd.s32 s16, s25  }
0x2e4: {  	s25 =	sshrl.u32 s25, $0x3  }
0x2e5: {  	s25 =	sadd.s32 s1, s25  }
0x2e6: {  	[tilespmem:s26], [sflag:$0x3] =	stream.linear.gather [hbm4b:s25+s3], $0x400, $0x38;
	[tilespmem:$0xD080] =	vst v63  }
0x2e7: {  	_ =	swait.ge [sflag:s0], $0x400  }
0x2e8: {  	[sflag:s0] =	ssyncset.done $0x0  }
0x2e9: {  	[sflag:s0] =	ssyncadd.s32 $0xFFFFFC00  }
0x2ea: {  	_ =	swait.ge [sflag:s0], $0x400  }
0x2eb: {  	[sflag:s0] =	ssyncset.done $0x0  }
0x2ec: {  	[sflag:s0] =	ssyncadd.s32 $0xFFFFFC00  }
0x2ed: {  	_ =	swait.ge [sflag:s0], $0x400  }
0x2ee: {  	[sflag:s0] =	ssyncset.done $0x0  }
0x2ef: {  	[sflag:s0] =	ssyncadd.s32 $0xFFFFFC00  }
0x2f0: {  	_ =	swait.ge [sflag:s0], $0x400  }
0x2f1: {  	[sflag:s0] =	ssyncset.done $0x0  }
0x2f2: {  	[sflag:s0] =	ssyncadd.s32 $0xFFFFFC00  }
0x2f3: {  	_ =	swait.ge [sflag:s0], $0x400  }
0x2f4: {  	[sflag:s0] =	ssyncset.done $0x0  }
0x2f5: {  	[sflag:s0] =	ssyncadd.s32 $0xFFFFFC00  }
0x2f6: {  	_ =	swait.ge [sflag:s0], $0x400  }
0x2f7: {  	[sflag:s0] =	ssyncset.done $0x0  }
0x2f8: {  	[sflag:s0] =	ssyncadd.s32 $0xFFFFFC00  }
0x2f9: {  	_ =	swait.ge [sflag:s0], $0x400  }
0x2fa: {  	[sflag:s0] =	ssyncset.done $0x0  }
0x2fb: {  	[sflag:s0] =	ssyncadd.s32 $0xFFFFFC00  }
0x2fc: {  	_ =	swait.ge [sflag:s0], $0x400  }
0x2fd: {  	[sflag:s0] =	ssyncset.done $0x0  }
0x2fe: {  	[sflag:s0] =	ssyncadd.s32 $0xFFFFFC00  }
0x2ff: {  	_ =	swait.ge [sflag:s0], $0x400  }
0x300: {  	[sflag:s0] =	ssyncset.done $0x0  }
0x301: {  	[sflag:s0] =	ssyncadd.s32 $0xFFFFFC00  }
0x302: {  	_ =	swait.ge [sflag:s0], $0x400  }
0x303: {  	[sflag:s0] =	ssyncset.done $0x0  }
0x304: {  	[sflag:s0] =	ssyncadd.s32 $0xFFFFFC00  }
0x305: {  	_ =	swait.ge [sflag:s0], $0x400  }
0x306: {  	[sflag:s0] =	ssyncset.done $0x0  }
0x307: {  	[sflag:s0] =	ssyncadd.s32 $0xFFFFFC00  }
0x308: {  	_ =	swait.ge [sflag:s0], $0x400  }
0x309: {  	[sflag:s0] =	ssyncset.done $0x0  }
0x30a: {  	[sflag:s0] =	ssyncadd.s32 $0xFFFFFC00  }
0x30b: {  	_ =	swait.ge [sflag:s0], $0x400  }
0x30c: {  	[sflag:s0] =	ssyncset.done $0x0  }
0x30d: {  	[sflag:s0] =	ssyncadd.s32 $0xFFFFFC00  }
0x30e: {  	_ =	swait.ge [sflag:s0], $0x400  }
0x30f: {  	[sflag:s0] =	ssyncset.done $0x0  }
0x310: {  	[sflag:s0] =	ssyncadd.s32 $0xFFFFFC00  }
0x311: {  	_ =	swait.ge [sflag:s0], $0x400  }
0x312: {  	[sflag:s0] =	ssyncset.done $0x0  }
0x313: {  	[sflag:s0] =	ssyncadd.s32 $0xFFFFFC00  }
0x314: {  	_ =	swait.ge [sflag:s0], $0x400  }
0x315: {  	[sflag:s0] =	ssyncset.done $0x0  }
0x316: {  	[sflag:s0] =	ssyncadd.s32 $0xFFFFFC00  }
0x317: {  	v62 =	vld [tilespmem:s5+$0x60];
	_ =	sdelay $0x4  }
0x318: {  	v8 =	vshll.u32 v62, $0x3  }
0x319: {  	(v2sf) =	vpush v8, $0x0;
	_ =	sdelay $0x3  }
0x31a: {  	(v2sf) =	vpush v8, $0x1;
	_ =	sdelay $0x4  }
0x31b: {  	(v2sf) =	vpush v8, $0x2;
	_ =	sdelay $0x4  }
0x31c: {  	v4 =	vand.u32 $0x7F, v59  }
0x31d: {  	v4 =	vor.u32 v0, v4;
	s22 =	spop (v2sf)  }
0x31e: {  	(v2sf) =	vpush v8, $0x3;
	s25 =	sand.u32 $0x7FFFFC00, s22  }
0x31f: {  	s25 =	sadd.s32 s17, s25  }
0x320: {  	s25 =	sshrl.u32 s25, $0x3  }
0x321: {  	s23 =	simm.s32 $0x1000;
	s26 =	spop (v2sf);
	s25 =	sadd.s32 s1, s25  }
0x322: {  	v4 =	vld.idx.msk [tilespmem:v4+s23+$0x0], $0xffff;
	(v2sf) =	vpush v8, $0x4;
	[tilespmem:s23], [sflag:$0x1] =	stream.linear.gather [hbm4b:s25+s3], $0x400, $0x38  }
0x323: {  	s25 =	sand.u32 $0x7FFFFC00, s26  }
0x324: {  	s25 =	sadd.s32 s17, s25  }
0x325: {  	s25 =	sshrl.u32 s25, $0x3  }
0x326: {  	s28 =	simm.s32 $0x1400;
	s26 =	spop (v2sf);
	s25 =	sadd.s32 s1, s25  }
0x327: {  	(v2sf) =	vpush v8, $0x5;
	[tilespmem:s28], [sflag:$0x1] =	stream.linear.gather [hbm4b:s25+s3], $0x400, $0x38;
	[tilespmem:$0xD080] =	vst v63  }
0x328: {  	s25 =	sand.u32 $0x7FFFFC00, s26  }
0x329: {  	s25 =	sadd.s32 s17, s25  }
0x32a: {  	s25 =	sshrl.u32 s25, $0x3  }
0x32b: {  	s28 =	simm.s32 $0x1800;
	s25 =	sadd.s32 s1, s25  }
0x32c: {  	[tilespmem:s28], [sflag:$0x1] =	stream.linear.gather [hbm4b:s25+s3], $0x400, $0x38;
	[tilespmem:$0xD080] =	vst v63  }
0x32d: {  	s26 =	spop (v2sf)  }
0x32e: {  	(v2sf) =	vpush v8, $0x6;
	s25 =	sand.u32 $0x7FFFFC00, s26  }
0x32f: {  	s25 =	sadd.s32 s17, s25  }
0x330: {  	s25 =	sshrl.u32 s25, $0x3  }
0x331: {  	s28 =	simm.s32 $0x1C00;
	s26 =	spop (v2sf);
	s25 =	sadd.s32 s1, s25  }
0x332: {  	(v2sf) =	vpush v8, $0x7;
	[tilespmem:s28], [sflag:$0x1] =	stream.linear.gather [hbm4b:s25+s3], $0x400, $0x38;
	[tilespmem:$0xD080] =	vst v63  }
0x333: {  	s25 =	sand.u32 $0x7FFFFC00, s26  }
0x334: {  	s25 =	sadd.s32 s17, s25  }
0x335: {  	s25 =	sshrl.u32 s25, $0x3  }
0x336: {  	s28 =	simm.s32 $0x2000;
	s26 =	spop (v2sf);
	s25 =	sadd.s32 s1, s25  }
0x337: {  	(v2sf) =	vpush v8, $0x8;
	[tilespmem:s28], [sflag:$0x1] =	stream.linear.gather [hbm4b:s25+s3], $0x400, $0x38;
	[tilespmem:$0xD080] =	vst v63  }
0x338: {  	s25 =	sand.u32 $0x7FFFFC00, s26  }
0x339: {  	s25 =	sadd.s32 s17, s25  }
0x33a: {  	s25 =	sshrl.u32 s25, $0x3  }
0x33b: {  	s28 =	simm.s32 $0x2400;
	s25 =	sadd.s32 s1, s25  }
0x33c: {  	[tilespmem:s28], [sflag:$0x1] =	stream.linear.gather [hbm4b:s25+s3], $0x400, $0x38;
	[tilespmem:$0xD080] =	vst v63  }
0x33d: {  	s26 =	spop (v2sf)  }
0x33e: {  	(v2sf) =	vpush v8, $0x9;
	s25 =	sand.u32 $0x7FFFFC00, s26  }
0x33f: {  	s25 =	sadd.s32 s17, s25  }
0x340: {  	s25 =	sshrl.u32 s25, $0x3  }
0x341: {  	s28 =	simm.s32 $0x2800;
	s26 =	spop (v2sf);
	s25 =	sadd.s32 s1, s25  }
0x342: {  	(v2sf) =	vpush v8, $0xA;
	[tilespmem:s28], [sflag:$0x1] =	stream.linear.gather [hbm4b:s25+s3], $0x400, $0x38;
	[tilespmem:$0xD080] =	vst v63  }
0x343: {  	s25 =	sand.u32 $0x7FFFFC00, s26  }
0x344: {  	s25 =	sadd.s32 s17, s25  }
0x345: {  	s25 =	sshrl.u32 s25, $0x3  }
0x346: {  	s28 =	simm.s32 $0x2C00;
	s26 =	spop (v2sf);
	s25 =	sadd.s32 s1, s25  }
0x347: {  	(v2sf) =	vpush v8, $0xB;
	[tilespmem:s28], [sflag:$0x1] =	stream.linear.gather [hbm4b:s25+s3], $0x400, $0x38;
	[tilespmem:$0xD080] =	vst v63  }
0x348: {  	s25 =	sand.u32 $0x7FFFFC00, s26  }
0x349: {  	s25 =	sadd.s32 s18, s25  }
0x34a: {  	s25 =	sshrl.u32 s25, $0x3  }
0x34b: {  	s28 =	simm.s32 $0x3000;
	s25 =	sadd.s32 s1, s25  }
0x34c: {  	[tilespmem:s28], [sflag:$0x1] =	stream.linear.gather [hbm4b:s25+s3], $0x400, $0x38;
	[tilespmem:$0xD080] =	vst v63  }
0x34d: {  	s26 =	spop (v2sf)  }
0x34e: {  	(v2sf) =	vpush v8, $0xC;
	s25 =	sand.u32 $0x7FFFFC00, s26  }
0x34f: {  	s25 =	sadd.s32 s18, s25  }
0x350: {  	s25 =	sshrl.u32 s25, $0x3  }
0x351: {  	s28 =	simm.s32 $0x3400;
	s26 =	spop (v2sf);
	s25 =	sadd.s32 s1, s25  }
0x352: {  	(v2sf) =	vpush v8, $0xD;
	[tilespmem:s28], [sflag:$0x1] =	stream.linear.gather [hbm4b:s25+s3], $0x400, $0x38;
	[tilespmem:$0xD080] =	vst v63  }
0x353: {  	s25 =	sand.u32 $0x7FFFFC00, s26  }
0x354: {  	s25 =	sadd.s32 s18, s25  }
0x355: {  	s25 =	sshrl.u32 s25, $0x3  }
0x356: {  	s28 =	simm.s32 $0x3800;
	s26 =	spop (v2sf);
	s25 =	sadd.s32 s1, s25  }
0x357: {  	(v2sf) =	vpush v8, $0xE;
	[tilespmem:s28], [sflag:$0x1] =	stream.linear.gather [hbm4b:s25+s3], $0x400, $0x38;
	[tilespmem:$0xD080] =	vst v63  }
0x358: {  	s25 =	sand.u32 $0x7FFFFC00, s26  }
0x359: {  	s25 =	sadd.s32 s18, s25  }
0x35a: {  	s25 =	sshrl.u32 s25, $0x3  }
0x35b: {  	s28 =	simm.s32 $0x3C00;
	s25 =	sadd.s32 s1, s25  }
0x35c: {  	[tilespmem:s28], [sflag:$0x1] =	stream.linear.gather [hbm4b:s25+s3], $0x400, $0x38;
	[tilespmem:$0xD080] =	vst v63  }
0x35d: {  	s26 =	spop (v2sf)  }
0x35e: {  	(v2sf) =	vpush v8, $0xF;
	s25 =	sand.u32 $0x7FFFFC00, s26  }
0x35f: {  	s25 =	sadd.s32 s18, s25  }
0x360: {  	s25 =	sshrl.u32 s25, $0x3  }
0x361: {  	s28 =	simm.s32 $0x4000;
	s26 =	spop (v2sf);
	s25 =	sadd.s32 s1, s25  }
0x362: {  	[tilespmem:s28], [sflag:$0x1] =	stream.linear.gather [hbm4b:s25+s3], $0x400, $0x38;
	[tilespmem:$0xD080] =	vst v63  }
0x363: {  	s25 =	sand.u32 $0x7FFFFC00, s26  }
0x364: {  	s25 =	sadd.s32 s18, s25  }
0x365: {  	s25 =	sshrl.u32 s25, $0x3  }
0x366: {  	s28 =	simm.s32 $0x4400;
	s26 =	spop (v2sf);
	s25 =	sadd.s32 s1, s25  }
0x367: {  	[tilespmem:s28], [sflag:$0x1] =	stream.linear.gather [hbm4b:s25+s3], $0x400, $0x38;
	[tilespmem:$0xD080] =	vst v63  }
0x368: {  	s25 =	sand.u32 $0x7FFFFC00, s26  }
0x369: {  	s25 =	sadd.s32 s18, s25  }
0x36a: {  	s25 =	sshrl.u32 s25, $0x3  }
0x36b: {  	s28 =	simm.s32 $0x4800;
	s25 =	sadd.s32 s1, s25  }
0x36c: {  	[tilespmem:s28], [sflag:$0x1] =	stream.linear.gather [hbm4b:s25+s3], $0x400, $0x38;
	[tilespmem:$0xD080] =	vst v63  }
0x36d: {  	s26 =	spop (v2sf)  }
0x36e: {  	s25 =	sand.u32 $0x7FFFFC00, s26  }
0x36f: {  	s25 =	sadd.s32 s18, s25  }
0x370: {  	s25 =	sshrl.u32 s25, $0x3  }
0x371: {  	s28 =	simm.s32 $0x4C00;
	s25 =	sadd.s32 s1, s25  }
0x372: {  	[tilespmem:s28], [sflag:$0x1] =	stream.linear.gather [hbm4b:s25+s3], $0x400, $0x38;
	[tilespmem:$0xD080] =	vst v63  }
0x373: {  	_ =	swait.ge [sflag:s2], $0x400  }
0x374: {  	[sflag:s2] =	ssyncset.done $0x0  }
0x375: {  	[sflag:s2] =	ssyncadd.s32 $0xFFFFFC00  }
0x376: {  	_ =	swait.ge [sflag:s2], $0x400  }
0x377: {  	[sflag:s2] =	ssyncset.done $0x0  }
0x378: {  	[sflag:s2] =	ssyncadd.s32 $0xFFFFFC00  }
0x379: {  	_ =	swait.ge [sflag:s2], $0x400  }
0x37a: {  	[sflag:s2] =	ssyncset.done $0x0  }
0x37b: {  	[sflag:s2] =	ssyncadd.s32 $0xFFFFFC00  }
0x37c: {  	_ =	swait.ge [sflag:s2], $0x400  }
0x37d: {  	[sflag:s2] =	ssyncset.done $0x0  }
0x37e: {  	[sflag:s2] =	ssyncadd.s32 $0xFFFFFC00  }
0x37f: {  	_ =	swait.ge [sflag:s2], $0x400  }
0x380: {  	[sflag:s2] =	ssyncset.done $0x0  }
0x381: {  	[sflag:s2] =	ssyncadd.s32 $0xFFFFFC00  }
0x382: {  	_ =	swait.ge [sflag:s2], $0x400  }
0x383: {  	[sflag:s2] =	ssyncset.done $0x0  }
0x384: {  	[sflag:s2] =	ssyncadd.s32 $0xFFFFFC00  }
0x385: {  	_ =	swait.ge [sflag:s2], $0x400  }
0x386: {  	[sflag:s2] =	ssyncset.done $0x0  }
0x387: {  	[sflag:s2] =	ssyncadd.s32 $0xFFFFFC00  }
0x388: {  	_ =	swait.ge [sflag:s2], $0x400  }
0x389: {  	[sflag:s2] =	ssyncset.done $0x0  }
0x38a: {  	[sflag:s2] =	ssyncadd.s32 $0xFFFFFC00  }
0x38b: {  	_ =	swait.ge [sflag:s2], $0x400  }
0x38c: {  	[sflag:s2] =	ssyncset.done $0x0  }
0x38d: {  	[sflag:s2] =	ssyncadd.s32 $0xFFFFFC00  }
0x38e: {  	_ =	swait.ge [sflag:s2], $0x400  }
0x38f: {  	[sflag:s2] =	ssyncset.done $0x0  }
0x390: {  	[sflag:s2] =	ssyncadd.s32 $0xFFFFFC00  }
0x391: {  	_ =	swait.ge [sflag:s2], $0x400  }
0x392: {  	[sflag:s2] =	ssyncset.done $0x0  }
0x393: {  	[sflag:s2] =	ssyncadd.s32 $0xFFFFFC00  }
0x394: {  	_ =	swait.ge [sflag:s2], $0x400  }
0x395: {  	[sflag:s2] =	ssyncset.done $0x0  }
0x396: {  	[sflag:s2] =	ssyncadd.s32 $0xFFFFFC00  }
0x397: {  	_ =	swait.ge [sflag:s2], $0x400  }
0x398: {  	[sflag:s2] =	ssyncset.done $0x0  }
0x399: {  	[sflag:s2] =	ssyncadd.s32 $0xFFFFFC00  }
0x39a: {  	_ =	swait.ge [sflag:s2], $0x400  }
0x39b: {  	[sflag:s2] =	ssyncset.done $0x0  }
0x39c: {  	[sflag:s2] =	ssyncadd.s32 $0xFFFFFC00  }
0x39d: {  	_ =	swait.ge [sflag:s2], $0x400  }
0x39e: {  	[sflag:s2] =	ssyncset.done $0x0  }
0x39f: {  	[sflag:s2] =	ssyncadd.s32 $0xFFFFFC00  }
0x3a0: {  	_ =	swait.ge [sflag:s2], $0x400  }
0x3a1: {  	[sflag:s2] =	ssyncset.done $0x0  }
0x3a2: {  	[sflag:s2] =	ssyncadd.s32 $0xFFFFFC00  }
0x3a3: {  	v63 =	vld [tilespmem:s5+$0x70];
	_ =	sdelay $0x4  }
0x3a4: {  	v9 =	vshll.u32 v63, $0x3  }
0x3a5: {  	(v2sf) =	vpush v9, $0x0;
	_ =	sdelay $0x3  }
0x3a6: {  	(v2sf) =	vpush v9, $0x1;
	_ =	sdelay $0x4  }
0x3a7: {  	(v2sf) =	vpush v9, $0x2;
	_ =	sdelay $0x4  }
0x3a8: {  	v5 =	vand.u32 $0x7F, v60  }
0x3a9: {  	v5 =	vor.u32 v0, v5;
	s26 =	spop (v2sf)  }
0x3aa: {  	(v2sf) =	vpush v9, $0x3;
	s25 =	sand.u32 $0x7FFFFC00, s26  }
0x3ab: {  	s25 =	sadd.s32 s19, s25  }
0x3ac: {  	s25 =	sshrl.u32 s25, $0x3  }
0x3ad: {  	s28 =	simm.s32 $0x5000;
	s26 =	spop (v2sf);
	s25 =	sadd.s32 s1, s25  }
0x3ae: {  	v5 =	vld.idx.msk [tilespmem:v5+s28+$0x0], $0xffff;
	(v2sf) =	vpush v9, $0x4;
	[tilespmem:s28], [sflag:$0x2] =	stream.linear.gather [hbm4b:s25+s3], $0x400, $0x38  }
0x3af: {  	s25 =	sand.u32 $0x7FFFFC00, s26  }
0x3b0: {  	s25 =	sadd.s32 s19, s25  }
0x3b1: {  	s25 =	sshrl.u32 s25, $0x3  }
0x3b2: {  	s28 =	simm.s32 $0x5400;
	s26 =	spop (v2sf);
	s25 =	sadd.s32 s1, s25  }
0x3b3: {  	(v2sf) =	vpush v9, $0x5;
	[tilespmem:s28], [sflag:$0x2] =	stream.linear.gather [hbm4b:s25+s3], $0x400, $0x38;
	[tilespmem:$0xD080] =	vst v63  }
0x3b4: {  	s25 =	sand.u32 $0x7FFFFC00, s26  }
0x3b5: {  	s25 =	sadd.s32 s19, s25  }
0x3b6: {  	s25 =	sshrl.u32 s25, $0x3  }
0x3b7: {  	s28 =	simm.s32 $0x5800;
	s25 =	sadd.s32 s1, s25  }
0x3b8: {  	[tilespmem:s28], [sflag:$0x2] =	stream.linear.gather [hbm4b:s25+s3], $0x400, $0x38;
	[tilespmem:$0xD080] =	vst v63  }
0x3b9: {  	s26 =	spop (v2sf)  }
0x3ba: {  	(v2sf) =	vpush v9, $0x6;
	s25 =	sand.u32 $0x7FFFFC00, s26  }
0x3bb: {  	s25 =	sadd.s32 s19, s25  }
0x3bc: {  	s25 =	sshrl.u32 s25, $0x3  }
0x3bd: {  	s28 =	simm.s32 $0x5C00;
	s26 =	spop (v2sf);
	s25 =	sadd.s32 s1, s25  }
0x3be: {  	(v2sf) =	vpush v9, $0x7;
	[tilespmem:s28], [sflag:$0x2] =	stream.linear.gather [hbm4b:s25+s3], $0x400, $0x38;
	[tilespmem:$0xD080] =	vst v63  }
0x3bf: {  	s25 =	sand.u32 $0x7FFFFC00, s26  }
0x3c0: {  	s25 =	sadd.s32 s19, s25  }
0x3c1: {  	s25 =	sshrl.u32 s25, $0x3  }
0x3c2: {  	s28 =	simm.s32 $0x6000;
	s26 =	spop (v2sf);
	s25 =	sadd.s32 s1, s25  }
0x3c3: {  	(v2sf) =	vpush v9, $0x8;
	[tilespmem:s28], [sflag:$0x2] =	stream.linear.gather [hbm4b:s25+s3], $0x400, $0x38;
	[tilespmem:$0xD080] =	vst v63  }
0x3c4: {  	s25 =	sand.u32 $0x7FFFFC00, s26  }
0x3c5: {  	s25 =	sadd.s32 s19, s25  }
0x3c6: {  	s25 =	sshrl.u32 s25, $0x3  }
0x3c7: {  	s28 =	simm.s32 $0x6400;
	s25 =	sadd.s32 s1, s25  }
0x3c8: {  	[tilespmem:s28], [sflag:$0x2] =	stream.linear.gather [hbm4b:s25+s3], $0x400, $0x38;
	[tilespmem:$0xD080] =	vst v63  }
0x3c9: {  	s26 =	spop (v2sf)  }
0x3ca: {  	(v2sf) =	vpush v9, $0x9;
	s25 =	sand.u32 $0x7FFFFC00, s26  }
0x3cb: {  	s25 =	sadd.s32 s19, s25  }
0x3cc: {  	s25 =	sshrl.u32 s25, $0x3  }
0x3cd: {  	s28 =	simm.s32 $0x6800;
	s26 =	spop (v2sf);
	s25 =	sadd.s32 s1, s25  }
0x3ce: {  	(v2sf) =	vpush v9, $0xA;
	[tilespmem:s28], [sflag:$0x2] =	stream.linear.gather [hbm4b:s25+s3], $0x400, $0x38;
	[tilespmem:$0xD080] =	vst v63  }
0x3cf: {  	s25 =	sand.u32 $0x7FFFFC00, s26  }
0x3d0: {  	s25 =	sadd.s32 s19, s25  }
0x3d1: {  	s25 =	sshrl.u32 s25, $0x3  }
0x3d2: {  	s28 =	simm.s32 $0x6C00;
	s26 =	spop (v2sf);
	s25 =	sadd.s32 s1, s25  }
0x3d3: {  	(v2sf) =	vpush v9, $0xB;
	[tilespmem:s28], [sflag:$0x2] =	stream.linear.gather [hbm4b:s25+s3], $0x400, $0x38;
	[tilespmem:$0xD080] =	vst v63  }
0x3d4: {  	s25 =	sand.u32 $0x7FFFFC00, s26  }
0x3d5: {  	s25 =	sadd.s32 s20, s25  }
0x3d6: {  	s25 =	sshrl.u32 s25, $0x3  }
0x3d7: {  	s28 =	simm.s32 $0x7000;
	s25 =	sadd.s32 s1, s25  }
0x3d8: {  	[tilespmem:s28], [sflag:$0x2] =	stream.linear.gather [hbm4b:s25+s3], $0x400, $0x38;
	[tilespmem:$0xD080] =	vst v63  }
0x3d9: {  	s26 =	spop (v2sf)  }
0x3da: {  	(v2sf) =	vpush v9, $0xC;
	s25 =	sand.u32 $0x7FFFFC00, s26  }
0x3db: {  	s25 =	sadd.s32 s20, s25  }
0x3dc: {  	s25 =	sshrl.u32 s25, $0x3  }
0x3dd: {  	s28 =	simm.s32 $0x7400;
	s26 =	spop (v2sf);
	s25 =	sadd.s32 s1, s25  }
0x3de: {  	(v2sf) =	vpush v9, $0xD;
	[tilespmem:s28], [sflag:$0x2] =	stream.linear.gather [hbm4b:s25+s3], $0x400, $0x38;
	[tilespmem:$0xD080] =	vst v63  }
0x3df: {  	s25 =	sand.u32 $0x7FFFFC00, s26  }
0x3e0: {  	s25 =	sadd.s32 s20, s25  }
0x3e1: {  	s25 =	sshrl.u32 s25, $0x3  }
0x3e2: {  	s28 =	simm.s32 $0x7800;
	s26 =	spop (v2sf);
	(v2sf) =	vpush v9, $0xE;
	s25 =	sadd.s32 s1, s25  }
0x3e3: {  	[tilespmem:s28], [sflag:$0x2] =	stream.linear.gather [hbm4b:s25+s3], $0x400, $0x38;
	[tilespmem:$0xD080] =	vst v63  }
0x3e4: {  	s25 =	sand.u32 $0x7FFFFC00, s26  }
0x3e5: {  	s25 =	sadd.s32 s20, s25  }
0x3e6: {  	s25 =	sshrl.u32 s25, $0x3  }
0x3e7: {  	s28 =	simm.s32 $0x7C00;
	s25 =	sadd.s32 s1, s25  }
0x3e8: {  	[tilespmem:s28], [sflag:$0x2] =	stream.linear.gather [hbm4b:s25+s3], $0x400, $0x38;
	[tilespmem:$0xD080] =	vst v63  }
0x3e9: {  	s26 =	spop (v2sf);
	(v2sf) =	vpush v9, $0xF  }
0x3ea: {  	s25 =	sand.u32 $0x7FFFFC00, s26  }
0x3eb: {  	s25 =	sadd.s32 s20, s25  }
0x3ec: {  	s25 =	sshrl.u32 s25, $0x3  }
0x3ed: {  	s28 =	simm.s32 $0x8000;
	s26 =	spop (v2sf);
	s25 =	sadd.s32 s1, s25  }
0x3ee: {  	[tilespmem:s28], [sflag:$0x2] =	stream.linear.gather [hbm4b:s25+s3], $0x400, $0x38;
	[tilespmem:$0xD080] =	vst v63  }
0x3ef: {  	s28 =	sand.u32 $0x7FFFFC00, s26  }
0x3f0: {  	s25 =	sadd.s32 s20, s28  }
0x3f1: {  	s26 =	spop (v2sf);
	s25 =	sshrl.u32 s25, $0x3  }
0x3f2: {  	s28 =	simm.s32 $0x8400;
	s26 =	sand.u32 $0x7FFFFC00, s26;
	s25 =	sadd.s32 s1, s25  }
0x3f3: {  	[tilespmem:s28], [sflag:$0x2] =	stream.linear.gather [hbm4b:s25+s3], $0x400, $0x38;
	[tilespmem:$0xD080] =	vst v63  }
0x3f4: {  	s25 =	sadd.s32 s20, s26  }
0x3f5: {  	s25 =	sshrl.u32 s25, $0x3  }
0x3f6: {  	s28 =	simm.s32 $0x8800;
	s25 =	sadd.s32 s1, s25  }
0x3f7: {  	[tilespmem:s28], [sflag:$0x2] =	stream.linear.gather [hbm4b:s25+s3], $0x400, $0x38;
	[tilespmem:$0xD080] =	vst v63  }
0x3f8: {  	s26 =	spop (v2sf)  }
0x3f9: {  	s25 =	sand.u32 $0x7FFFFC00, s26  }
0x3fa: {  	s25 =	sadd.s32 s20, s25  }
0x3fb: {  	s25 =	sshrl.u32 s25, $0x3  }
0x3fc: {  	s28 =	simm.s32 $0x8C00;
	s25 =	sadd.s32 s1, s25  }
0x3fd: {  	[tilespmem:s28], [sflag:$0x2] =	stream.linear.gather [hbm4b:s25+s3], $0x400, $0x38;
	[tilespmem:$0xD080] =	vst v63  }
0x3fe: {  	_ =	swait.ge [sflag:s24], $0x400  }
0x3ff: {  	[sflag:s24] =	ssyncset.done $0x0  }
0x400: {  	[sflag:s24] =	ssyncadd.s32 $0xFFFFFC00  }
0x401: {  	_ =	swait.ge [sflag:s24], $0x400  }
0x402: {  	[sflag:s24] =	ssyncset.done $0x0  }
0x403: {  	[sflag:s24] =	ssyncadd.s32 $0xFFFFFC00  }
0x404: {  	_ =	swait.ge [sflag:s24], $0x400  }
0x405: {  	[sflag:s24] =	ssyncset.done $0x0  }
0x406: {  	[sflag:s24] =	ssyncadd.s32 $0xFFFFFC00  }
0x407: {  	_ =	swait.ge [sflag:s24], $0x400  }
0x408: {  	[sflag:s24] =	ssyncset.done $0x0  }
0x409: {  	[sflag:s24] =	ssyncadd.s32 $0xFFFFFC00  }
0x40a: {  	_ =	swait.ge [sflag:s24], $0x400  }
0x40b: {  	[sflag:s24] =	ssyncset.done $0x0  }
0x40c: {  	[sflag:s24] =	ssyncadd.s32 $0xFFFFFC00  }
0x40d: {  	_ =	swait.ge [sflag:s24], $0x400  }
0x40e: {  	[sflag:s24] =	ssyncset.done $0x0  }
0x40f: {  	[sflag:s24] =	ssyncadd.s32 $0xFFFFFC00  }
0x410: {  	_ =	swait.ge [sflag:s24], $0x400  }
0x411: {  	[sflag:s24] =	ssyncset.done $0x0  }
0x412: {  	[sflag:s24] =	ssyncadd.s32 $0xFFFFFC00  }
0x413: {  	_ =	swait.ge [sflag:s24], $0x400  }
0x414: {  	[sflag:s24] =	ssyncset.done $0x0  }
0x415: {  	[sflag:s24] =	ssyncadd.s32 $0xFFFFFC00  }
0x416: {  	_ =	swait.ge [sflag:s24], $0x400  }
0x417: {  	[sflag:s24] =	ssyncset.done $0x0  }
0x418: {  	[sflag:s24] =	ssyncadd.s32 $0xFFFFFC00  }
0x419: {  	_ =	swait.ge [sflag:s24], $0x400  }
0x41a: {  	[sflag:s24] =	ssyncset.done $0x0  }
0x41b: {  	[sflag:s24] =	ssyncadd.s32 $0xFFFFFC00  }
0x41c: {  	_ =	swait.ge [sflag:s24], $0x400  }
0x41d: {  	[sflag:s24] =	ssyncset.done $0x0  }
0x41e: {  	[sflag:s24] =	ssyncadd.s32 $0xFFFFFC00  }
0x41f: {  	_ =	swait.ge [sflag:s24], $0x400  }
0x420: {  	[sflag:s24] =	ssyncset.done $0x0  }
0x421: {  	[sflag:s24] =	ssyncadd.s32 $0xFFFFFC00  }
0x422: {  	_ =	swait.ge [sflag:s24], $0x400  }
0x423: {  	[sflag:s24] =	ssyncset.done $0x0  }
0x424: {  	[sflag:s24] =	ssyncadd.s32 $0xFFFFFC00  }
0x425: {  	_ =	swait.ge [sflag:s24], $0x400  }
0x426: {  	[sflag:s24] =	ssyncset.done $0x0  }
0x427: {  	[sflag:s24] =	ssyncadd.s32 $0xFFFFFC00  }
0x428: {  	v6 =	vand.u32 $0x7F, v61;
	_ =	swait.ge [sflag:s24], $0x400  }
0x429: {  	v6 =	vor.u32 v0, v6;
	[sflag:s24] =	ssyncset.done $0x0  }
0x42a: {  	[sflag:s24] =	ssyncadd.s32 $0xFFFFFC00  }
0x42b: {  	_ =	swait.ge [sflag:s24], $0x400  }
0x42c: {  	[sflag:s24] =	ssyncset.done $0x0  }
0x42d: {  	s28 =	simm.s32 $0x9000;
	[sflag:s24] =	ssyncadd.s32 $0xFFFFFC00  }
0x42e: {  	v6 =	vld.idx.msk [tilespmem:v6+s28+$0x0], $0xffff;
	_ =	swait.ge [sflag:s0], $0x400  }
0x42f: {  	[sflag:s0] =	ssyncset.done $0x0  }
0x430: {  	[sflag:s0] =	ssyncadd.s32 $0xFFFFFC00  }
0x431: {  	_ =	swait.ge [sflag:s0], $0x400  }
0x432: {  	[sflag:s0] =	ssyncset.done $0x0  }
0x433: {  	[sflag:s0] =	ssyncadd.s32 $0xFFFFFC00  }
0x434: {  	_ =	swait.ge [sflag:s0], $0x400  }
0x435: {  	[sflag:s0] =	ssyncset.done $0x0  }
0x436: {  	[sflag:s0] =	ssyncadd.s32 $0xFFFFFC00  }
0x437: {  	_ =	swait.ge [sflag:s0], $0x400  }
0x438: {  	[sflag:s0] =	ssyncset.done $0x0  }
0x439: {  	[sflag:s0] =	ssyncadd.s32 $0xFFFFFC00  }
0x43a: {  	_ =	swait.ge [sflag:s0], $0x400  }
0x43b: {  	[sflag:s0] =	ssyncset.done $0x0  }
0x43c: {  	[sflag:s0] =	ssyncadd.s32 $0xFFFFFC00  }
0x43d: {  	_ =	swait.ge [sflag:s0], $0x400  }
0x43e: {  	[sflag:s0] =	ssyncset.done $0x0  }
0x43f: {  	[sflag:s0] =	ssyncadd.s32 $0xFFFFFC00  }
0x440: {  	_ =	swait.ge [sflag:s0], $0x400  }
0x441: {  	[sflag:s0] =	ssyncset.done $0x0  }
0x442: {  	[sflag:s0] =	ssyncadd.s32 $0xFFFFFC00  }
0x443: {  	_ =	swait.ge [sflag:s0], $0x400  }
0x444: {  	[sflag:s0] =	ssyncset.done $0x0  }
0x445: {  	[sflag:s0] =	ssyncadd.s32 $0xFFFFFC00  }
0x446: {  	_ =	swait.ge [sflag:s0], $0x400  }
0x447: {  	[sflag:s0] =	ssyncset.done $0x0  }
0x448: {  	[sflag:s0] =	ssyncadd.s32 $0xFFFFFC00  }
0x449: {  	_ =	swait.ge [sflag:s0], $0x400  }
0x44a: {  	[sflag:s0] =	ssyncset.done $0x0  }
0x44b: {  	[sflag:s0] =	ssyncadd.s32 $0xFFFFFC00  }
0x44c: {  	_ =	swait.ge [sflag:s0], $0x400  }
0x44d: {  	[sflag:s0] =	ssyncset.done $0x0  }
0x44e: {  	[sflag:s0] =	ssyncadd.s32 $0xFFFFFC00  }
0x44f: {  	_ =	swait.ge [sflag:s0], $0x400  }
0x450: {  	[sflag:s0] =	ssyncset.done $0x0  }
0x451: {  	[sflag:s0] =	ssyncadd.s32 $0xFFFFFC00  }
0x452: {  	_ =	swait.ge [sflag:s0], $0x400  }
0x453: {  	[sflag:s0] =	ssyncset.done $0x0  }
0x454: {  	[sflag:s0] =	ssyncadd.s32 $0xFFFFFC00  }
0x455: {  	_ =	swait.ge [sflag:s0], $0x400  }
0x456: {  	[sflag:s0] =	ssyncset.done $0x0  }
0x457: {  	[sflag:s0] =	ssyncadd.s32 $0xFFFFFC00  }
0x458: {  	v7 =	vand.u32 $0x7F, v62;
	_ =	swait.ge [sflag:s0], $0x400  }
0x459: {  	v7 =	vor.u32 v0, v7;
	[sflag:s0] =	ssyncset.done $0x0  }
0x45a: {  	[sflag:s0] =	ssyncadd.s32 $0xFFFFFC00  }
0x45b: {  	_ =	swait.ge [sflag:s0], $0x400  }
0x45c: {  	[sflag:s0] =	ssyncset.done $0x0  }
0x45d: {  	s22 =	simm.s32 $0x1000;
	[sflag:s0] =	ssyncadd.s32 $0xFFFFFC00  }
0x45e: {  	v7 =	vld.idx.msk [tilespmem:v7+s22+$0x0], $0xffff;
	_ =	swait.ge [sflag:s2], $0x400  }
0x45f: {  	[sflag:s2] =	ssyncset.done $0x0  }
0x460: {  	[sflag:s2] =	ssyncadd.s32 $0xFFFFFC00  }
0x461: {  	_ =	swait.ge [sflag:s2], $0x400  }
0x462: {  	[sflag:s2] =	ssyncset.done $0x0  }
0x463: {  	[sflag:s2] =	ssyncadd.s32 $0xFFFFFC00  }
0x464: {  	_ =	swait.ge [sflag:s2], $0x400  }
0x465: {  	[sflag:s2] =	ssyncset.done $0x0  }
0x466: {  	[sflag:s2] =	ssyncadd.s32 $0xFFFFFC00  }
0x467: {  	_ =	swait.ge [sflag:s2], $0x400  }
0x468: {  	[sflag:s2] =	ssyncset.done $0x0  }
0x469: {  	[sflag:s2] =	ssyncadd.s32 $0xFFFFFC00  }
0x46a: {  	_ =	swait.ge [sflag:s2], $0x400  }
0x46b: {  	[sflag:s2] =	ssyncset.done $0x0  }
0x46c: {  	[sflag:s2] =	ssyncadd.s32 $0xFFFFFC00  }
0x46d: {  	_ =	swait.ge [sflag:s2], $0x400  }
0x46e: {  	[sflag:s2] =	ssyncset.done $0x0  }
0x46f: {  	[sflag:s2] =	ssyncadd.s32 $0xFFFFFC00  }
0x470: {  	_ =	swait.ge [sflag:s2], $0x400  }
0x471: {  	[sflag:s2] =	ssyncset.done $0x0  }
0x472: {  	[sflag:s2] =	ssyncadd.s32 $0xFFFFFC00  }
0x473: {  	_ =	swait.ge [sflag:s2], $0x400  }
0x474: {  	[sflag:s2] =	ssyncset.done $0x0  }
0x475: {  	[sflag:s2] =	ssyncadd.s32 $0xFFFFFC00  }
0x476: {  	_ =	swait.ge [sflag:s2], $0x400  }
0x477: {  	[sflag:s2] =	ssyncset.done $0x0  }
0x478: {  	[sflag:s2] =	ssyncadd.s32 $0xFFFFFC00  }
0x479: {  	_ =	swait.ge [sflag:s2], $0x400  }
0x47a: {  	[sflag:s2] =	ssyncset.done $0x0  }
0x47b: {  	[sflag:s2] =	ssyncadd.s32 $0xFFFFFC00  }
0x47c: {  	_ =	swait.ge [sflag:s2], $0x400  }
0x47d: {  	[sflag:s2] =	ssyncset.done $0x0  }
0x47e: {  	[sflag:s2] =	ssyncadd.s32 $0xFFFFFC00  }
0x47f: {  	_ =	swait.ge [sflag:s2], $0x400  }
0x480: {  	[sflag:s2] =	ssyncset.done $0x0  }
0x481: {  	[sflag:s2] =	ssyncadd.s32 $0xFFFFFC00  }
0x482: {  	_ =	swait.ge [sflag:s2], $0x400  }
0x483: {  	[sflag:s2] =	ssyncset.done $0x0  }
0x484: {  	[sflag:s2] =	ssyncadd.s32 $0xFFFFFC00  }
0x485: {  	v1 =	vadd.f32 $0.0e+00, v1;
	_ =	swait.ge [sflag:s2], $0x400  }
0x486: {  	[sflag:s2] =	ssyncset.done $0x0  }
0x487: {  	v1 =	vadd.f32 v2, v1;
	[sflag:s2] =	ssyncadd.s32 $0xFFFFFC00  }
0x488: {  	v2 =	vand.u32 $0x7F, v63;
	_ =	swait.ge [sflag:s2], $0x400  }
0x489: {  	v1 =	vadd.f32 v3, v1;
	v2 =	vor.u32 v0, v2;
	[sflag:s2] =	ssyncset.done $0x0  }
0x48a: {  	[sflag:s2] =	ssyncadd.s32 $0xFFFFFC00  }
0x48b: {  	v1 =	vadd.f32 v4, v1;
	_ =	swait.ge [sflag:s2], $0x400  }
0x48c: {  	[sflag:s2] =	ssyncset.done $0x0  }
0x48d: {  	s23 =	simm.s32 $0x5000;
	v1 =	vadd.f32 v5, v1;
	[sflag:s2] =	ssyncadd.s32 $0xFFFFFC00  }
0x48e: {  	v2 =	vld.idx.msk [tilespmem:v2+s23+$0x0], $0xffff  }
0x48f: {  	v1 =	vadd.f32 v6, v1;
	_ =	sdelay $0x1  }
0x490: {  	v1 =	vadd.f32 v7, v1;
	_ =	sdelay $0x1  }
0x491: {  	v1 =	vadd.f32 v2, v1  }
0x492: {  	p0 =	sne.s32 s21, $0x1;
	s22 =	rddreg [dreg:$0x5]  }
.Ltmp0:
0x493: {  	s26 =	simm.s32 $0x4;
	s23 =	rddreg [dreg:$0x6];
	[tilespmem:$0xD000] =	vst v1;
	(pc) =	sbr.rel @p0 .LBB2_1-.Ltmp0, $4  }
0x494: {  	[hbm4b:s22+s3] =	stream.linear.scatter [tilespmem:s23], [sflag:$0x4], $0x80, $0x38;
	[tilespmem:$0xD080] =	vst v63  }
0x495: {  	_ =	swait.ge [sflag:s26], $0x80  }
0x496: {  	s28 =	simm.s32 $0x4;
	[sflag:s26] =	ssyncset.done $0x0  }
0x497: {  	s21 =	sadd.s32 $0xFFFFFFFF, s21;
	[sflag:s28] =	ssyncadd.s32 $0xFFFFFF80  }
0x498: {  	_ =	sfence.sel $0x180000  }
0x499: {  	[bflag:$0x0] =	sbarrier.arrive $0xFFFF  }
0x49a: {  	_ =	strace $0x90000047  }
0x49b: {  	s0 =	stileid.u32;
	[bflag:$0x2] =	sbarrier.arrive $0xFFFF  }
0x49c: {  	p0 =	sne.s32 s0, $0x0;
	s0 =	rddreg [dreg:$0x3]  }
0x49d: {  	s0 =	sadd.s32 @!p0 $0x100000, s0  }
0x49e: {  	[sflag:s0] =	ssyncadd.tile.s32 @!p0 $0x1;
	_ =	shalt  }
.Lfunc_end2:
_tile_overlayer_lowered:
.L_overlay_start_2:
0x49f: {  	(tag) =	ssettag $0x2  }
0x4a0: {  	s0 =	rddreg [dreg:$0x0];
	s2 =	stileid.u32  }
0x4a1: {  	s1 =	rddreg [dreg:$0x1];
	p0 =	sne.s32 s2, $0x0  }
0x4a2: {  	s3 =	rddreg [dreg:$0x2];
	[bflag:$0x3] =	sbarrier.arrive $0xFFFF;
	s2 =	simm.s32 @!p0 $0x1C04  }
0x4a3: {  	[timem:s3], [sflag:s2] =	dma.local @!p0 [hbm:s0], s1  }
0x4a4: {  	s0 =	simm.s32 @!p0 $0x4  }
0x4a5: {  	_ =	swait.ge @!p0 [sflag:s0], s1  }
0x4a6: {  	s1 =	ssub.s32 @!p0 $0x0, s1;
	[sflag:s0] =	ssyncset.done @!p0 $0x0  }
0x4a7: {  	[sflag:s0] =	ssyncadd.s32 @!p0 s1  }
0x4a8: {  	[bflag:$0x3] =	sbarrier.arrive $0xFFFF  }
0x4a9: {  	_ =	shalt  }

</sc_bundles>
